<compile_context>
chip_gen: v7x
topology: tpu7x:2x2x1
jax: 0.10.2.dev20260603
libtpu: 0.0.44.dev20260713+nightly
codegen_flags: <defaults>
</compile_context>

<pallas_src>
import functools

import jax
import jax.numpy as jnp
from jax import lax
from jax.experimental import pallas as pl
from jax.experimental.pallas import tpu as pltpu
from jax.experimental.pallas import tpu_sc as plsc


def _pre_body(x_ref, w_ref, xs_ref, xr_ref):
    xsr = jnp.dot(x_ref[...], w_ref[...], preferred_element_type=jnp.float32)
    h = xs_ref.shape[1]
    xs_ref[...] = xsr[:, :h]
    xr_ref[...] = xsr[:, h:]


def _precompute_tables(x, w_cat, hid):
    n = x.shape[0]
    return pl.pallas_call(
        _pre_body,
        out_shape=[
            jax.ShapeDtypeStruct((n, hid), jnp.float32),
            jax.ShapeDtypeStruct((n, hid), jnp.float32),
        ],
    )(x, w_cat)


def _make_sc_gather(e_total, hid, nc, ns, chunk, nbuf):
    nw = nc * ns
    ew = e_total // nw
    nchunk = ew // chunk
    assert nchunk % nbuf == 0
    nround = nchunk // nbuf
    mesh = plsc.VectorSubcoreMesh(core_axis_name="c", subcore_axis_name="s",
                                  num_cores=nc, num_subcores=ns)

    @functools.partial(
        pl.kernel,
        out_type=jax.ShapeDtypeStruct((e_total, hid), jnp.float32),
        mesh=mesh,
        scratch_types=[
            pltpu.VMEM((ew,), jnp.int32),
            pltpu.VMEM((ew,), jnp.int32),
            pltpu.VMEM((nbuf, chunk, hid), jnp.float32),
            pltpu.VMEM((nbuf, chunk, hid), jnp.float32),
            pltpu.VMEM((nbuf, chunk, hid), jnp.float32),
            pltpu.SemaphoreType.DMA((nbuf,)),
            pltpu.SemaphoreType.DMA((nbuf,)),
        ],
        compiler_params=pltpu.CompilerParams(use_tc_tiling_on_sc=False),
    )
    def sc_gather(xs_hbm, xr_hbm, si_hbm, ri_hbm, g_hbm,
                  si_v, ri_v, a_v, b_v, o_v, gsem, wsem):
        wid = lax.axis_index("s") * nc + lax.axis_index("c")
        base = wid * ew
        pltpu.sync_copy(si_hbm.at[pl.ds(base, ew)], si_v)
        pltpu.sync_copy(ri_hbm.at[pl.ds(base, ew)], ri_v)

        def start_gather(i, b):
            sl = pl.ds(i * chunk, chunk)
            pltpu.async_copy(xs_hbm.at[si_v.at[sl]], a_v.at[b], gsem.at[b])
            pltpu.async_copy(xr_hbm.at[ri_v.at[sl]], b_v.at[b], gsem.at[b])

        for b in range(nbuf):
            start_gather(b, b)

        def do_round(k, carry):
            for b in range(nbuf):
                i = k * nbuf + b
                pltpu.make_async_copy(
                    xs_hbm.at[pl.ds(0, chunk)], a_v.at[b], gsem.at[b]).wait()
                pltpu.make_async_copy(
                    xr_hbm.at[pl.ds(0, chunk)], b_v.at[b], gsem.at[b]).wait()

                @pl.when(k > 0)
                def _():
                    pltpu.make_async_copy(
                        o_v.at[b], g_hbm.at[pl.ds(base, chunk)],
                        wsem.at[b]).wait()

                def add_row(r, c2):
                    for j in range(hid // 16):
                        s16 = pl.ds(j * 16, 16)
                        o_v[b, r, s16] = a_v[b, r, s16] + b_v[b, r, s16]
                    return c2

                lax.fori_loop(0, chunk, add_row, 0, unroll=4)

                pltpu.async_copy(
                    o_v.at[b], g_hbm.at[pl.ds(base + i * chunk, chunk)],
                    wsem.at[b])

                @pl.when(i + nbuf < nchunk)
                def _():
                    start_gather(i + nbuf, b)
            return carry

        lax.fori_loop(0, nround, do_round, 0)

        for b in range(nbuf):
            pltpu.make_async_copy(
                o_v.at[b], g_hbm.at[pl.ds(base, chunk)], wsem.at[b]).wait()

    return sc_gather


def _ln(h, g, b, eps=1e-5):
    m = jnp.mean(h, axis=-1, keepdims=True)
    v = jnp.mean((h - m) * (h - m), axis=-1, keepdims=True)
    return (h - m) * lax.rsqrt(v + eps) * g + b


def _mlp_body(g_ref, ea_ref, w1e_ref, b1_ref, g1_ref, be1_ref,
              w2_ref, b2_ref, g2_ref, be2_ref, w3_ref, b3_ref, o_ref):
    h = (g_ref[...]
         + jnp.dot(ea_ref[...], w1e_ref[...], preferred_element_type=jnp.float32)
         + b1_ref[...])
    h = _ln(h, g1_ref[...], be1_ref[...])
    h = h * jax.nn.sigmoid(h)
    h = jnp.dot(h, w2_ref[...], preferred_element_type=jnp.float32) + b2_ref[...]
    h = _ln(h, g2_ref[...], be2_ref[...])
    h = h * jax.nn.sigmoid(h)
    o_ref[...] = (jnp.dot(h, w3_ref[...], preferred_element_type=jnp.float32)
                  + b3_ref[...])


def _mlp_call(g, ea, w1e, b1, g1, be1, w2, b2, g2, be2, w3, b3, block):
    e_total, hid = g.shape
    d_edge = ea.shape[1]
    out_dim = w3.shape[1]
    grid = (e_total // block,)

    def _blk(shape):
        return pl.BlockSpec(shape, lambda i: (i, 0))

    def _full(shape):
        return pl.BlockSpec(shape, lambda i: (0, 0))

    return pl.pallas_call(
        _mlp_body,
        grid=grid,
        in_specs=[
            _blk((block, hid)),
            _blk((block, d_edge)),
            _full(w1e.shape), _full(b1.shape), _full(g1.shape), _full(be1.shape),
            _full(w2.shape), _full(b2.shape), _full(g2.shape), _full(be2.shape),
            _full(w3.shape), _full(b3.shape),
        ],
        out_specs=_blk((block, out_dim)),
        out_shape=jax.ShapeDtypeStruct((e_total, out_dim), jnp.float32),
    )(g, ea, w1e, b1, g1, be1, w2, b2, g2, be2, w3, b3)


def kernel(x, edge_index, edge_attr, W1, b1, g1, be1, W2, b2, g2, be2, W3, b3):
    n, d_feat = x.shape
    e_total, d_edge = edge_attr.shape
    hid = W2.shape[0]

    try:
        info = plsc.get_sparse_core_info()
        nc, ns = info.num_cores, info.num_subcores
    except Exception:
        nc, ns = 2, 16

    w_cat = jnp.concatenate([W1[:d_feat], W1[d_feat:2 * d_feat]], axis=1)
    w1e = W1[2 * d_feat:]

    xs, xr = _precompute_tables(x, w_cat, hid)

    g = _make_sc_gather(e_total, hid, nc, ns, chunk=80, nbuf=5)(
        xs, xr, edge_index[0], edge_index[1])

    row = lambda v: v.reshape(1, -1)
    return _mlp_call(g, edge_attr, w1e, row(b1), row(g1), row(be1),
                     W2, row(b2), row(g2), row(be2), W3, row(b3), block=2000)

# --- scband reference (transcript-rebuilt; emitter-appended) ---
"""Pipeline reference for scband-edge-processor-19636590477949 (READ-ONLY COPY).

The authoritative reference and input builder live on the scoring server;
editing this copy changes nothing except your own understanding.
"""

import jax, jax.numpy as jnp
import numpy as np


def _layer_norm(h, g, b, eps=1e-5):
    m = jnp.mean(h, axis=-1, keepdims=True)
    v = jnp.var(h, axis=-1, keepdims=True)
    return (h - m) / jnp.sqrt(v + eps) * g + b


def _xavier(key, fan_in, fan_out):
    scale = (2.0 / (fan_in + fan_out)) ** 0.5
    return jax.random.normal(key, (fan_in, fan_out), dtype=jnp.float32) * scale


def setup_inputs(seed: int = 0) -> dict:
    key = jax.random.key(seed)
    ks = jax.random.split(key, 8)
    N, E, d_feat, d_edge = 10000, 320000, 128, 16
    in_dim, hid, out_dim = 2 * d_feat + d_edge, 64, 128
    x = jax.random.normal(ks[0], (N, d_feat), dtype=jnp.float32)
    edge_index = jax.random.randint(ks[1], (2, E), 0, N, dtype=jnp.int32)
    edge_attr = jax.random.normal(ks[2], (E, d_edge), dtype=jnp.float32)
    W1 = _xavier(ks[3], in_dim, hid)
    b1 = jnp.zeros((hid,), dtype=jnp.float32)
    g1 = jnp.ones((hid,), dtype=jnp.float32)
    be1 = jnp.zeros((hid,), dtype=jnp.float32)
    W2 = _xavier(ks[4], hid, hid)
    b2 = jnp.zeros((hid,), dtype=jnp.float32)
    g2 = jnp.ones((hid,), dtype=jnp.float32)
    be2 = jnp.zeros((hid,), dtype=jnp.float32)
    W3 = _xavier(ks[5], hid, out_dim)
    b3 = jnp.zeros((out_dim,), dtype=jnp.float32)
    return {"x": x, "edge_index": edge_index, "edge_attr": edge_attr,
            "W1": W1, "b1": b1, "g1": g1, "be1": be1,
            "W2": W2, "b2": b2, "g2": g2, "be2": be2,
            "W3": W3, "b3": b3}


def reference(x, edge_index, edge_attr, W1, b1, g1, be1, W2, b2, g2, be2, W3, b3):
    senders_idx = edge_index[0]
    receivers_idx = edge_index[1]
    senders_attr = jnp.take(x, senders_idx, axis=0)
    receivers_attr = jnp.take(x, receivers_idx, axis=0)
    collected = jnp.concatenate([senders_attr, receivers_attr, edge_attr], axis=1)
    h = collected @ W1 + b1
    h = _layer_norm(h, g1, be1)
    h = jax.nn.silu(h)
    h = h @ W2 + b2
    h = _layer_norm(h, g2, be2)
    h = jax.nn.silu(h)
    edge_attr_new = h @ W3 + b3
    return edge_attr_new

if __name__ == "__main__":
    import jax
    _d = setup_inputs()
    print(jax.jit(kernel)(*tuple(_d.values())))

</pallas_src>

<mosaic_0001>
#map = affine_map<(d0, d1) -> (0, 0)>
#map1 = affine_map<(d0, d1) -> (0)>
module attributes {stable_mosaic.version = 14 : i64} {
  func.func @sc_gather(%arg0: i32, %arg1: i32, %arg2: memref<10000x64xf32, #tpu.memory_space<hbm>>, %arg3: memref<10000x64xf32, #tpu.memory_space<hbm>>, %arg4: memref<320000xi32, #tpu.memory_space<hbm>>, %arg5: memref<320000xi32, #tpu.memory_space<hbm>>, %arg6: memref<320000x64xf32, #tpu.memory_space<hbm>>, %arg7: memref<10000xi32, #tpu.memory_space<vmem>>, %arg8: memref<10000xi32, #tpu.memory_space<vmem>>, %arg9: memref<5x80x64xf32, #tpu.memory_space<vmem>>, %arg10: memref<5x80x64xf32, #tpu.memory_space<vmem>>, %arg11: memref<5x80x64xf32, #tpu.memory_space<vmem>>, %arg12: memref<5x!tpu.dma_semaphore, #tpu.memory_space<semaphore_mem>>, %arg13: memref<5x!tpu.dma_semaphore, #tpu.memory_space<semaphore_mem>>) attributes {dimension_semantics = [#tpu.dimension_semantics<core_parallel>, #tpu.dimension_semantics<subcore_parallel>], iteration_bounds = array<i64: 2, 16>, scalar_prefetch = 0 : i64, scratch_operands = 7 : i64, tpu.core_type = #tpu.core_type<sc_vector_subcore>, window_params = [{transform_indices = #map}, {transform_indices = #map}, {transform_indices = #map1}, {transform_indices = #map1}, {transform_indices = #map}]} {
    %mul3A = arith.constant 2 : i32
    %mul3A_0 = arith.muli %arg1, %mul3A : i32
    %add3A = arith.addi %mul3A_0, %arg0 : i32
    %mul3A_1 = arith.constant 10000 : i32
    %mul3A_2 = arith.muli %add3A, %mul3A_1 : i32
    "tpu.region"() ({
      %run_scoped3A = tpu.sem_alloc : memref<!tpu.dma_semaphore, #tpu.memory_space<semaphore_mem>>
      %dma_start3A_216 = tpu.memref_slice %arg4[%mul3A_2] : memref<320000xi32, #tpu.memory_space<hbm>> -> memref<10000xi32, #tpu.memory_space<hbm>>
      %dma_start3A_217 = tpu.memref_slice %arg4[%mul3A_2] : memref<320000xi32, #tpu.memory_space<hbm>> -> memref<10000xi32, #tpu.memory_space<hbm>>
      tpu.enqueue_dma source(%dma_start3A_217 : memref<10000xi32, #tpu.memory_space<hbm>>) target(%arg7 : memref<10000xi32, #tpu.memory_space<vmem>>) target_semaphore(%run_scoped3A : memref<!tpu.dma_semaphore, #tpu.memory_space<semaphore_mem>>)
      %dma_wait3A_218 = tpu.memref_slice %arg4[%mul3A_2] : memref<320000xi32, #tpu.memory_space<hbm>> -> memref<10000xi32, #tpu.memory_space<hbm>>
      %dma_wait3A_219 = tpu.memref_slice %arg4[%mul3A_2] : memref<320000xi32, #tpu.memory_space<hbm>> -> memref<10000xi32, #tpu.memory_space<hbm>>
      tpu.wait_dma2 semaphore(%run_scoped3A : memref<!tpu.dma_semaphore, #tpu.memory_space<semaphore_mem>>) src(%dma_wait3A_219 : memref<10000xi32, #tpu.memory_space<hbm>>) dst(%arg7 : memref<10000xi32, #tpu.memory_space<vmem>>)
      tpu.yield
    }) : () -> ()
    "tpu.region"() ({
      %run_scoped3A = tpu.sem_alloc : memref<!tpu.dma_semaphore, #tpu.memory_space<semaphore_mem>>
      %dma_start3A_216 = tpu.memref_slice %arg5[%mul3A_2] : memref<320000xi32, #tpu.memory_space<hbm>> -> memref<10000xi32, #tpu.memory_space<hbm>>
      %dma_start3A_217 = tpu.memref_slice %arg5[%mul3A_2] : memref<320000xi32, #tpu.memory_space<hbm>> -> memref<10000xi32, #tpu.memory_space<hbm>>
      tpu.enqueue_dma source(%dma_start3A_217 : memref<10000xi32, #tpu.memory_space<hbm>>) target(%arg8 : memref<10000xi32, #tpu.memory_space<vmem>>) target_semaphore(%run_scoped3A : memref<!tpu.dma_semaphore, #tpu.memory_space<semaphore_mem>>)
      %dma_wait3A_218 = tpu.memref_slice %arg5[%mul3A_2] : memref<320000xi32, #tpu.memory_space<hbm>> -> memref<10000xi32, #tpu.memory_space<hbm>>
      %dma_wait3A_219 = tpu.memref_slice %arg5[%mul3A_2] : memref<320000xi32, #tpu.memory_space<hbm>> -> memref<10000xi32, #tpu.memory_space<hbm>>
      tpu.wait_dma2 semaphore(%run_scoped3A : memref<!tpu.dma_semaphore, #tpu.memory_space<semaphore_mem>>) src(%dma_wait3A_219 : memref<10000xi32, #tpu.memory_space<hbm>>) dst(%arg8 : memref<10000xi32, #tpu.memory_space<vmem>>)
      tpu.yield
    }) : () -> ()
    %dma_start3A = arith.constant 0 : i32
    %dma_start3A_3 = arith.constant 0 : i32
    %dma_start3A_4 = arith.constant 0 : i32
    %dma_start3A_5 = arith.constant 0 : i32
    %dma_start3A_6 = tpu.memref_slice %arg9[%dma_start3A, %dma_start3A_4, %dma_start3A_5] : memref<5x80x64xf32, #tpu.memory_space<vmem>> -> memref<1x80x64xf32, #tpu.memory_space<vmem>>
    %dma_start3A_7 = tpu.memref_squeeze %dma_start3A_6 : memref<1x80x64xf32, #tpu.memory_space<vmem>> -> memref<80x64xf32, #tpu.memory_space<vmem>>
    %dma_start3A_8 = arith.constant 0 : i32
    %dma_start3A_9 = tpu.memref_slice %arg7[%dma_start3A_8] : memref<10000xi32, #tpu.memory_space<vmem>> -> memref<80xi32, #tpu.memory_space<vmem>>
    %dma_start3A_10 = arith.constant 0 : i32
    %dma_start3A_11 = arith.constant 0 : i32
    %dma_start3A_12 = tpu.memref_slice %arg2[%dma_start3A_10, %dma_start3A_11] : memref<10000x64xf32, #tpu.memory_space<hbm>> -> memref<10000x64xf32, #tpu.memory_space<hbm>>
    %dma_start3A_13 = tpu.memref_slice %arg12[%dma_start3A_3] : memref<5x!tpu.dma_semaphore, #tpu.memory_space<semaphore_mem>> -> memref<1x!tpu.dma_semaphore, #tpu.memory_space<semaphore_mem>>
    %dma_start3A_14 = tpu.memref_squeeze %dma_start3A_13 : memref<1x!tpu.dma_semaphore, #tpu.memory_space<semaphore_mem>> -> memref<!tpu.dma_semaphore, #tpu.memory_space<semaphore_mem>>
    tpu.enqueue_indirect_dma source(%dma_start3A_12 : memref<10000x64xf32, #tpu.memory_space<hbm>>) target(%dma_start3A_7 : memref<80x64xf32, #tpu.memory_space<vmem>>) offsets(%dma_start3A_9 : memref<80xi32, #tpu.memory_space<vmem>>) semaphore(%dma_start3A_14 : memref<!tpu.dma_semaphore, #tpu.memory_space<semaphore_mem>>)
    %dma_start3A_15 = arith.constant 0 : i32
    %dma_start3A_16 = arith.constant 0 : i32
    %dma_start3A_17 = arith.constant 0 : i32
    %dma_start3A_18 = arith.constant 0 : i32
    %dma_start3A_19 = tpu.memref_slice %arg10[%dma_start3A_15, %dma_start3A_17, %dma_start3A_18] : memref<5x80x64xf32, #tpu.memory_space<vmem>> -> memref<1x80x64xf32, #tpu.memory_space<vmem>>
    %dma_start3A_20 = tpu.memref_squeeze %dma_start3A_19 : memref<1x80x64xf32, #tpu.memory_space<vmem>> -> memref<80x64xf32, #tpu.memory_space<vmem>>
    %dma_start3A_21 = arith.constant 0 : i32
    %dma_start3A_22 = tpu.memref_slice %arg8[%dma_start3A_21] : memref<10000xi32, #tpu.memory_space<vmem>> -> memref<80xi32, #tpu.memory_space<vmem>>
    %dma_start3A_23 = arith.constant 0 : i32
    %dma_start3A_24 = arith.constant 0 : i32
    %dma_start3A_25 = tpu.memref_slice %arg3[%dma_start3A_23, %dma_start3A_24] : memref<10000x64xf32, #tpu.memory_space<hbm>> -> memref<10000x64xf32, #tpu.memory_space<hbm>>
    %dma_start3A_26 = tpu.memref_slice %arg12[%dma_start3A_16] : memref<5x!tpu.dma_semaphore, #tpu.memory_space<semaphore_mem>> -> memref<1x!tpu.dma_semaphore, #tpu.memory_space<semaphore_mem>>
    %dma_start3A_27 = tpu.memref_squeeze %dma_start3A_26 : memref<1x!tpu.dma_semaphore, #tpu.memory_space<semaphore_mem>> -> memref<!tpu.dma_semaphore, #tpu.memory_space<semaphore_mem>>
    tpu.enqueue_indirect_dma source(%dma_start3A_25 : memref<10000x64xf32, #tpu.memory_space<hbm>>) target(%dma_start3A_20 : memref<80x64xf32, #tpu.memory_space<vmem>>) offsets(%dma_start3A_22 : memref<80xi32, #tpu.memory_space<vmem>>) semaphore(%dma_start3A_27 : memref<!tpu.dma_semaphore, #tpu.memory_space<semaphore_mem>>)
    %dma_start3A_28 = arith.constant 1 : i32
    %dma_start3A_29 = arith.constant 1 : i32
    %dma_start3A_30 = arith.constant 0 : i32
    %dma_start3A_31 = arith.constant 0 : i32
    %dma_start3A_32 = tpu.memref_slice %arg9[%dma_start3A_28, %dma_start3A_30, %dma_start3A_31] : memref<5x80x64xf32, #tpu.memory_space<vmem>> -> memref<1x80x64xf32, #tpu.memory_space<vmem>>
    %dma_start3A_33 = tpu.memref_squeeze %dma_start3A_32 : memref<1x80x64xf32, #tpu.memory_space<vmem>> -> memref<80x64xf32, #tpu.memory_space<vmem>>
    %dma_start3A_34 = arith.constant 80 : i32
    %dma_start3A_35 = tpu.memref_slice %arg7[%dma_start3A_34] : memref<10000xi32, #tpu.memory_space<vmem>> -> memref<80xi32, #tpu.memory_space<vmem>>
    %dma_start3A_36 = arith.constant 0 : i32
    %dma_start3A_37 = arith.constant 0 : i32
    %dma_start3A_38 = tpu.memref_slice %arg2[%dma_start3A_36, %dma_start3A_37] : memref<10000x64xf32, #tpu.memory_space<hbm>> -> memref<10000x64xf32, #tpu.memory_space<hbm>>
    %dma_start3A_39 = tpu.memref_slice %arg12[%dma_start3A_29] : memref<5x!tpu.dma_semaphore, #tpu.memory_space<semaphore_mem>> -> memref<1x!tpu.dma_semaphore, #tpu.memory_space<semaphore_mem>>
    %dma_start3A_40 = tpu.memref_squeeze %dma_start3A_39 : memref<1x!tpu.dma_semaphore, #tpu.memory_space<semaphore_mem>> -> memref<!tpu.dma_semaphore, #tpu.memory_space<semaphore_mem>>
    tpu.enqueue_indirect_dma source(%dma_start3A_38 : memref<10000x64xf32, #tpu.memory_space<hbm>>) target(%dma_start3A_33 : memref<80x64xf32, #tpu.memory_space<vmem>>) offsets(%dma_start3A_35 : memref<80xi32, #tpu.memory_space<vmem>>) semaphore(%dma_start3A_40 : memref<!tpu.dma_semaphore, #tpu.memory_space<semaphore_mem>>)
    %dma_start3A_41 = arith.constant 1 : i32
    %dma_start3A_42 = arith.constant 1 : i32
    %dma_start3A_43 = arith.constant 0 : i32
    %dma_start3A_44 = arith.constant 0 : i32
    %dma_start3A_45 = tpu.memref_slice %arg10[%dma_start3A_41, %dma_start3A_43, %dma_start3A_44] : memref<5x80x64xf32, #tpu.memory_space<vmem>> -> memref<1x80x64xf32, #tpu.memory_space<vmem>>
    %dma_start3A_46 = tpu.memref_squeeze %dma_start3A_45 : memref<1x80x64xf32, #tpu.memory_space<vmem>> -> memref<80x64xf32, #tpu.memory_space<vmem>>
    %dma_start3A_47 = arith.constant 80 : i32
    %dma_start3A_48 = tpu.memref_slice %arg8[%dma_start3A_47] : memref<10000xi32, #tpu.memory_space<vmem>> -> memref<80xi32, #tpu.memory_space<vmem>>
    %dma_start3A_49 = arith.constant 0 : i32
    %dma_start3A_50 = arith.constant 0 : i32
    %dma_start3A_51 = tpu.memref_slice %arg3[%dma_start3A_49, %dma_start3A_50] : memref<10000x64xf32, #tpu.memory_space<hbm>> -> memref<10000x64xf32, #tpu.memory_space<hbm>>
    %dma_start3A_52 = tpu.memref_slice %arg12[%dma_start3A_42] : memref<5x!tpu.dma_semaphore, #tpu.memory_space<semaphore_mem>> -> memref<1x!tpu.dma_semaphore, #tpu.memory_space<semaphore_mem>>
    %dma_start3A_53 = tpu.memref_squeeze %dma_start3A_52 : memref<1x!tpu.dma_semaphore, #tpu.memory_space<semaphore_mem>> -> memref<!tpu.dma_semaphore, #tpu.memory_space<semaphore_mem>>
    tpu.enqueue_indirect_dma source(%dma_start3A_51 : memref<10000x64xf32, #tpu.memory_space<hbm>>) target(%dma_start3A_46 : memref<80x64xf32, #tpu.memory_space<vmem>>) offsets(%dma_start3A_48 : memref<80xi32, #tpu.memory_space<vmem>>) semaphore(%dma_start3A_53 : memref<!tpu.dma_semaphore, #tpu.memory_space<semaphore_mem>>)
    %dma_start3A_54 = arith.constant 2 : i32
    %dma_start3A_55 = arith.constant 2 : i32
    %dma_start3A_56 = arith.constant 0 : i32
    %dma_start3A_57 = arith.constant 0 : i32
    %dma_start3A_58 = tpu.memref_slice %arg9[%dma_start3A_54, %dma_start3A_56, %dma_start3A_57] : memref<5x80x64xf32, #tpu.memory_space<vmem>> -> memref<1x80x64xf32, #tpu.memory_space<vmem>>
    %dma_start3A_59 = tpu.memref_squeeze %dma_start3A_58 : memref<1x80x64xf32, #tpu.memory_space<vmem>> -> memref<80x64xf32, #tpu.memory_space<vmem>>
    %dma_start3A_60 = arith.constant 160 : i32
    %dma_start3A_61 = tpu.memref_slice %arg7[%dma_start3A_60] : memref<10000xi32, #tpu.memory_space<vmem>> -> memref<80xi32, #tpu.memory_space<vmem>>
    %dma_start3A_62 = arith.constant 0 : i32
    %dma_start3A_63 = arith.constant 0 : i32
    %dma_start3A_64 = tpu.memref_slice %arg2[%dma_start3A_62, %dma_start3A_63] : memref<10000x64xf32, #tpu.memory_space<hbm>> -> memref<10000x64xf32, #tpu.memory_space<hbm>>
    %dma_start3A_65 = tpu.memref_slice %arg12[%dma_start3A_55] : memref<5x!tpu.dma_semaphore, #tpu.memory_space<semaphore_mem>> -> memref<1x!tpu.dma_semaphore, #tpu.memory_space<semaphore_mem>>
    %dma_start3A_66 = tpu.memref_squeeze %dma_start3A_65 : memref<1x!tpu.dma_semaphore, #tpu.memory_space<semaphore_mem>> -> memref<!tpu.dma_semaphore, #tpu.memory_space<semaphore_mem>>
    tpu.enqueue_indirect_dma source(%dma_start3A_64 : memref<10000x64xf32, #tpu.memory_space<hbm>>) target(%dma_start3A_59 : memref<80x64xf32, #tpu.memory_space<vmem>>) offsets(%dma_start3A_61 : memref<80xi32, #tpu.memory_space<vmem>>) semaphore(%dma_start3A_66 : memref<!tpu.dma_semaphore, #tpu.memory_space<semaphore_mem>>)
    %dma_start3A_67 = arith.constant 2 : i32
    %dma_start3A_68 = arith.constant 2 : i32
    %dma_start3A_69 = arith.constant 0 : i32
    %dma_start3A_70 = arith.constant 0 : i32
    %dma_start3A_71 = tpu.memref_slice %arg10[%dma_start3A_67, %dma_start3A_69, %dma_start3A_70] : memref<5x80x64xf32, #tpu.memory_space<vmem>> -> memref<1x80x64xf32, #tpu.memory_space<vmem>>
    %dma_start3A_72 = tpu.memref_squeeze %dma_start3A_71 : memref<1x80x64xf32, #tpu.memory_space<vmem>> -> memref<80x64xf32, #tpu.memory_space<vmem>>
    %dma_start3A_73 = arith.constant 160 : i32
    %dma_start3A_74 = tpu.memref_slice %arg8[%dma_start3A_73] : memref<10000xi32, #tpu.memory_space<vmem>> -> memref<80xi32, #tpu.memory_space<vmem>>
    %dma_start3A_75 = arith.constant 0 : i32
    %dma_start3A_76 = arith.constant 0 : i32
    %dma_start3A_77 = tpu.memref_slice %arg3[%dma_start3A_75, %dma_start3A_76] : memref<10000x64xf32, #tpu.memory_space<hbm>> -> memref<10000x64xf32, #tpu.memory_space<hbm>>
    %dma_start3A_78 = tpu.memref_slice %arg12[%dma_start3A_68] : memref<5x!tpu.dma_semaphore, #tpu.memory_space<semaphore_mem>> -> memref<1x!tpu.dma_semaphore, #tpu.memory_space<semaphore_mem>>
    %dma_start3A_79 = tpu.memref_squeeze %dma_start3A_78 : memref<1x!tpu.dma_semaphore, #tpu.memory_space<semaphore_mem>> -> memref<!tpu.dma_semaphore, #tpu.memory_space<semaphore_mem>>
    tpu.enqueue_indirect_dma source(%dma_start3A_77 : memref<10000x64xf32, #tpu.memory_space<hbm>>) target(%dma_start3A_72 : memref<80x64xf32, #tpu.memory_space<vmem>>) offsets(%dma_start3A_74 : memref<80xi32, #tpu.memory_space<vmem>>) semaphore(%dma_start3A_79 : memref<!tpu.dma_semaphore, #tpu.memory_space<semaphore_mem>>)
    %dma_start3A_80 = arith.constant 3 : i32
    %dma_start3A_81 = arith.constant 3 : i32
    %dma_start3A_82 = arith.constant 0 : i32
    %dma_start3A_83 = arith.constant 0 : i32
    %dma_start3A_84 = tpu.memref_slice %arg9[%dma_start3A_80, %dma_start3A_82, %dma_start3A_83] : memref<5x80x64xf32, #tpu.memory_space<vmem>> -> memref<1x80x64xf32, #tpu.memory_space<vmem>>
    %dma_start3A_85 = tpu.memref_squeeze %dma_start3A_84 : memref<1x80x64xf32, #tpu.memory_space<vmem>> -> memref<80x64xf32, #tpu.memory_space<vmem>>
    %dma_start3A_86 = arith.constant 240 : i32
    %dma_start3A_87 = tpu.memref_slice %arg7[%dma_start3A_86] : memref<10000xi32, #tpu.memory_space<vmem>> -> memref<80xi32, #tpu.memory_space<vmem>>
    %dma_start3A_88 = arith.constant 0 : i32
    %dma_start3A_89 = arith.constant 0 : i32
    %dma_start3A_90 = tpu.memref_slice %arg2[%dma_start3A_88, %dma_start3A_89] : memref<10000x64xf32, #tpu.memory_space<hbm>> -> memref<10000x64xf32, #tpu.memory_space<hbm>>
    %dma_start3A_91 = tpu.memref_slice %arg12[%dma_start3A_81] : memref<5x!tpu.dma_semaphore, #tpu.memory_space<semaphore_mem>> -> memref<1x!tpu.dma_semaphore, #tpu.memory_space<semaphore_mem>>
    %dma_start3A_92 = tpu.memref_squeeze %dma_start3A_91 : memref<1x!tpu.dma_semaphore, #tpu.memory_space<semaphore_mem>> -> memref<!tpu.dma_semaphore, #tpu.memory_space<semaphore_mem>>
    tpu.enqueue_indirect_dma source(%dma_start3A_90 : memref<10000x64xf32, #tpu.memory_space<hbm>>) target(%dma_start3A_85 : memref<80x64xf32, #tpu.memory_space<vmem>>) offsets(%dma_start3A_87 : memref<80xi32, #tpu.memory_space<vmem>>) semaphore(%dma_start3A_92 : memref<!tpu.dma_semaphore, #tpu.memory_space<semaphore_mem>>)
    %dma_start3A_93 = arith.constant 3 : i32
    %dma_start3A_94 = arith.constant 3 : i32
    %dma_start3A_95 = arith.constant 0 : i32
    %dma_start3A_96 = arith.constant 0 : i32
    %dma_start3A_97 = tpu.memref_slice %arg10[%dma_start3A_93, %dma_start3A_95, %dma_start3A_96] : memref<5x80x64xf32, #tpu.memory_space<vmem>> -> memref<1x80x64xf32, #tpu.memory_space<vmem>>
    %dma_start3A_98 = tpu.memref_squeeze %dma_start3A_97 : memref<1x80x64xf32, #tpu.memory_space<vmem>> -> memref<80x64xf32, #tpu.memory_space<vmem>>
    %dma_start3A_99 = arith.constant 240 : i32
    %dma_start3A_100 = tpu.memref_slice %arg8[%dma_start3A_99] : memref<10000xi32, #tpu.memory_space<vmem>> -> memref<80xi32, #tpu.memory_space<vmem>>
    %dma_start3A_101 = arith.constant 0 : i32
    %dma_start3A_102 = arith.constant 0 : i32
    %dma_start3A_103 = tpu.memref_slice %arg3[%dma_start3A_101, %dma_start3A_102] : memref<10000x64xf32, #tpu.memory_space<hbm>> -> memref<10000x64xf32, #tpu.memory_space<hbm>>
    %dma_start3A_104 = tpu.memref_slice %arg12[%dma_start3A_94] : memref<5x!tpu.dma_semaphore, #tpu.memory_space<semaphore_mem>> -> memref<1x!tpu.dma_semaphore, #tpu.memory_space<semaphore_mem>>
    %dma_start3A_105 = tpu.memref_squeeze %dma_start3A_104 : memref<1x!tpu.dma_semaphore, #tpu.memory_space<semaphore_mem>> -> memref<!tpu.dma_semaphore, #tpu.memory_space<semaphore_mem>>
    tpu.enqueue_indirect_dma source(%dma_start3A_103 : memref<10000x64xf32, #tpu.memory_space<hbm>>) target(%dma_start3A_98 : memref<80x64xf32, #tpu.memory_space<vmem>>) offsets(%dma_start3A_100 : memref<80xi32, #tpu.memory_space<vmem>>) semaphore(%dma_start3A_105 : memref<!tpu.dma_semaphore, #tpu.memory_space<semaphore_mem>>)
    %dma_start3A_106 = arith.constant 4 : i32
    %dma_start3A_107 = arith.constant 4 : i32
    %dma_start3A_108 = arith.constant 0 : i32
    %dma_start3A_109 = arith.constant 0 : i32
    %dma_start3A_110 = tpu.memref_slice %arg9[%dma_start3A_106, %dma_start3A_108, %dma_start3A_109] : memref<5x80x64xf32, #tpu.memory_space<vmem>> -> memref<1x80x64xf32, #tpu.memory_space<vmem>>
    %dma_start3A_111 = tpu.memref_squeeze %dma_start3A_110 : memref<1x80x64xf32, #tpu.memory_space<vmem>> -> memref<80x64xf32, #tpu.memory_space<vmem>>
    %dma_start3A_112 = arith.constant 320 : i32
    %dma_start3A_113 = tpu.memref_slice %arg7[%dma_start3A_112] : memref<10000xi32, #tpu.memory_space<vmem>> -> memref<80xi32, #tpu.memory_space<vmem>>
    %dma_start3A_114 = arith.constant 0 : i32
    %dma_start3A_115 = arith.constant 0 : i32
    %dma_start3A_116 = tpu.memref_slice %arg2[%dma_start3A_114, %dma_start3A_115] : memref<10000x64xf32, #tpu.memory_space<hbm>> -> memref<10000x64xf32, #tpu.memory_space<hbm>>
    %dma_start3A_117 = tpu.memref_slice %arg12[%dma_start3A_107] : memref<5x!tpu.dma_semaphore, #tpu.memory_space<semaphore_mem>> -> memref<1x!tpu.dma_semaphore, #tpu.memory_space<semaphore_mem>>
    %dma_start3A_118 = tpu.memref_squeeze %dma_start3A_117 : memref<1x!tpu.dma_semaphore, #tpu.memory_space<semaphore_mem>> -> memref<!tpu.dma_semaphore, #tpu.memory_space<semaphore_mem>>
    tpu.enqueue_indirect_dma source(%dma_start3A_116 : memref<10000x64xf32, #tpu.memory_space<hbm>>) target(%dma_start3A_111 : memref<80x64xf32, #tpu.memory_space<vmem>>) offsets(%dma_start3A_113 : memref<80xi32, #tpu.memory_space<vmem>>) semaphore(%dma_start3A_118 : memref<!tpu.dma_semaphore, #tpu.memory_space<semaphore_mem>>)
    %dma_start3A_119 = arith.constant 4 : i32
    %dma_start3A_120 = arith.constant 4 : i32
    %dma_start3A_121 = arith.constant 0 : i32
    %dma_start3A_122 = arith.constant 0 : i32
    %dma_start3A_123 = tpu.memref_slice %arg10[%dma_start3A_119, %dma_start3A_121, %dma_start3A_122] : memref<5x80x64xf32, #tpu.memory_space<vmem>> -> memref<1x80x64xf32, #tpu.memory_space<vmem>>
    %dma_start3A_124 = tpu.memref_squeeze %dma_start3A_123 : memref<1x80x64xf32, #tpu.memory_space<vmem>> -> memref<80x64xf32, #tpu.memory_space<vmem>>
    %dma_start3A_125 = arith.constant 320 : i32
    %dma_start3A_126 = tpu.memref_slice %arg8[%dma_start3A_125] : memref<10000xi32, #tpu.memory_space<vmem>> -> memref<80xi32, #tpu.memory_space<vmem>>
    %dma_start3A_127 = arith.constant 0 : i32
    %dma_start3A_128 = arith.constant 0 : i32
    %dma_start3A_129 = tpu.memref_slice %arg3[%dma_start3A_127, %dma_start3A_128] : memref<10000x64xf32, #tpu.memory_space<hbm>> -> memref<10000x64xf32, #tpu.memory_space<hbm>>
    %dma_start3A_130 = tpu.memref_slice %arg12[%dma_start3A_120] : memref<5x!tpu.dma_semaphore, #tpu.memory_space<semaphore_mem>> -> memref<1x!tpu.dma_semaphore, #tpu.memory_space<semaphore_mem>>
    %dma_start3A_131 = tpu.memref_squeeze %dma_start3A_130 : memref<1x!tpu.dma_semaphore, #tpu.memory_space<semaphore_mem>> -> memref<!tpu.dma_semaphore, #tpu.memory_space<semaphore_mem>>
    tpu.enqueue_indirect_dma source(%dma_start3A_129 : memref<10000x64xf32, #tpu.memory_space<hbm>>) target(%dma_start3A_124 : memref<80x64xf32, #tpu.memory_space<vmem>>) offsets(%dma_start3A_126 : memref<80xi32, #tpu.memory_space<vmem>>) semaphore(%dma_start3A_131 : memref<!tpu.dma_semaphore, #tpu.memory_space<semaphore_mem>>)
    %scan3A = arith.constant 0 : i32
    %scan3A_132 = arith.constant 0 : i32
    %scan3A_133 = arith.constant 25 : i32
    %scan3A_134 = arith.addi %scan3A_132, %scan3A_133 : i32
    %scan3A_135 = arith.constant 1 : i32
    scf.for %scan3A_216 = %scan3A_132 to %scan3A_134 step %scan3A_135  : i32 {
      %mul3A_217 = arith.constant 5 : i32
      %mul3A_218 = arith.muli %scan3A_216, %mul3A_217 : i32
      %add3A_219 = arith.constant 0 : i32
      %add3A_220 = arith.addi %mul3A_218, %add3A_219 : i32
      %dma_wait3A_221 = arith.constant 0 : i32
      %dma_wait3A_222 = arith.constant 0 : i32
      %dma_wait3A_223 = arith.constant 0 : i32
      %dma_wait3A_224 = arith.constant 0 : i32
      %dma_wait3A_225 = tpu.memref_slice %arg9[%dma_wait3A_221, %dma_wait3A_223, %dma_wait3A_224] : memref<5x80x64xf32, #tpu.memory_space<vmem>> -> memref<1x80x64xf32, #tpu.memory_space<vmem>>
      %dma_wait3A_226 = tpu.memref_squeeze %dma_wait3A_225 : memref<1x80x64xf32, #tpu.memory_space<vmem>> -> memref<80x64xf32, #tpu.memory_space<vmem>>
      %dma_wait3A_227 = arith.constant 0 : i32
      %dma_wait3A_228 = arith.constant 0 : i32
      %dma_wait3A_229 = tpu.memref_slice %arg2[%dma_wait3A_227, %dma_wait3A_228] : memref<10000x64xf32, #tpu.memory_space<hbm>> -> memref<80x64xf32, #tpu.memory_space<hbm>>
      %dma_wait3A_230 = tpu.memref_slice %arg12[%dma_wait3A_222] : memref<5x!tpu.dma_semaphore, #tpu.memory_space<semaphore_mem>> -> memref<1x!tpu.dma_semaphore, #tpu.memory_space<semaphore_mem>>
      %dma_wait3A_231 = tpu.memref_squeeze %dma_wait3A_230 : memref<1x!tpu.dma_semaphore, #tpu.memory_space<semaphore_mem>> -> memref<!tpu.dma_semaphore, #tpu.memory_space<semaphore_mem>>
      %dma_wait3A_232 = arith.constant 0 : i32
      %dma_wait3A_233 = arith.constant 0 : i32
      %dma_wait3A_234 = tpu.memref_slice %arg9[%dma_wait3A_221, %dma_wait3A_232, %dma_wait3A_233] : memref<5x80x64xf32, #tpu.memory_space<vmem>> -> memref<1x80x64xf32, #tpu.memory_space<vmem>>
      %dma_wait3A_235 = tpu.memref_squeeze %dma_wait3A_234 : memref<1x80x64xf32, #tpu.memory_space<vmem>> -> memref<80x64xf32, #tpu.memory_space<vmem>>
      %dma_wait3A_236 = arith.constant 0 : i32
      %dma_wait3A_237 = arith.constant 0 : i32
      %dma_wait3A_238 = tpu.memref_slice %arg2[%dma_wait3A_236, %dma_wait3A_237] : memref<10000x64xf32, #tpu.memory_space<hbm>> -> memref<80x64xf32, #tpu.memory_space<hbm>>
      tpu.wait_dma2 semaphore(%dma_wait3A_231 : memref<!tpu.dma_semaphore, #tpu.memory_space<semaphore_mem>>) src(%dma_wait3A_238 : memref<80x64xf32, #tpu.memory_space<hbm>>) dst(%dma_wait3A_235 : memref<80x64xf32, #tpu.memory_space<vmem>>)
      %dma_wait3A_239 = arith.constant 0 : i32
      %dma_wait3A_240 = arith.constant 0 : i32
      %dma_wait3A_241 = arith.constant 0 : i32
      %dma_wait3A_242 = arith.constant 0 : i32
      %dma_wait3A_243 = tpu.memref_slice %arg10[%dma_wait3A_239, %dma_wait3A_241, %dma_wait3A_242] : memref<5x80x64xf32, #tpu.memory_space<vmem>> -> memref<1x80x64xf32, #tpu.memory_space<vmem>>
      %dma_wait3A_244 = tpu.memref_squeeze %dma_wait3A_243 : memref<1x80x64xf32, #tpu.memory_space<vmem>> -> memref<80x64xf32, #tpu.memory_space<vmem>>
      %dma_wait3A_245 = arith.constant 0 : i32
      %dma_wait3A_246 = arith.constant 0 : i32
      %dma_wait3A_247 = tpu.memref_slice %arg3[%dma_wait3A_245, %dma_wait3A_246] : memref<10000x64xf32, #tpu.memory_space<hbm>> -> memref<80x64xf32, #tpu.memory_space<hbm>>
      %dma_wait3A_248 = tpu.memref_slice %arg12[%dma_wait3A_240] : memref<5x!tpu.dma_semaphore, #tpu.memory_space<semaphore_mem>> -> memref<1x!tpu.dma_semaphore, #tpu.memory_space<semaphore_mem>>
      %dma_wait3A_249 = tpu.memref_squeeze %dma_wait3A_248 : memref<1x!tpu.dma_semaphore, #tpu.memory_space<semaphore_mem>> -> memref<!tpu.dma_semaphore, #tpu.memory_space<semaphore_mem>>
      %dma_wait3A_250 = arith.constant 0 : i32
      %dma_wait3A_251 = arith.constant 0 : i32
      %dma_wait3A_252 = tpu.memref_slice %arg10[%dma_wait3A_239, %dma_wait3A_250, %dma_wait3A_251] : memref<5x80x64xf32, #tpu.memory_space<vmem>> -> memref<1x80x64xf32, #tpu.memory_space<vmem>>
      %dma_wait3A_253 = tpu.memref_squeeze %dma_wait3A_252 : memref<1x80x64xf32, #tpu.memory_space<vmem>> -> memref<80x64xf32, #tpu.memory_space<vmem>>
      %dma_wait3A_254 = arith.constant 0 : i32
      %dma_wait3A_255 = arith.constant 0 : i32
      %dma_wait3A_256 = tpu.memref_slice %arg3[%dma_wait3A_254, %dma_wait3A_255] : memref<10000x64xf32, #tpu.memory_space<hbm>> -> memref<80x64xf32, #tpu.memory_space<hbm>>
      tpu.wait_dma2 semaphore(%dma_wait3A_249 : memref<!tpu.dma_semaphore, #tpu.memory_space<semaphore_mem>>) src(%dma_wait3A_256 : memref<80x64xf32, #tpu.memory_space<hbm>>) dst(%dma_wait3A_253 : memref<80x64xf32, #tpu.memory_space<vmem>>)
      %gt3A = arith.constant 0 : i32
      %gt3A_257 = arith.cmpi sgt, %scan3A_216, %gt3A : i32
      %convert_element_type3A = arith.extui %gt3A_257 : i1 to i32
      %cond3A = arith.constant 0 : i32
      %cond3A_258 = arith.cmpi ne, %convert_element_type3A, %cond3A : i32
      scf.if %cond3A_258 {
        %dma_wait3A_598 = arith.constant 0 : i32
        %dma_wait3A_599 = arith.constant 0 : i32
        %dma_wait3A_600 = arith.constant 0 : i32
        %dma_wait3A_601 = arith.constant 0 : i32
        %dma_wait3A_602 = tpu.memref_slice %arg11[%dma_wait3A_598, %dma_wait3A_600, %dma_wait3A_601] : memref<5x80x64xf32, #tpu.memory_space<vmem>> -> memref<1x80x64xf32, #tpu.memory_space<vmem>>
        %dma_wait3A_603 = tpu.memref_squeeze %dma_wait3A_602 : memref<1x80x64xf32, #tpu.memory_space<vmem>> -> memref<80x64xf32, #tpu.memory_space<vmem>>
        %dma_wait3A_604 = arith.constant 0 : i32
        %dma_wait3A_605 = tpu.memref_slice %arg6[%mul3A_2, %dma_wait3A_604] : memref<320000x64xf32, #tpu.memory_space<hbm>> -> memref<80x64xf32, #tpu.memory_space<hbm>>
        %dma_wait3A_606 = tpu.memref_slice %arg13[%dma_wait3A_599] : memref<5x!tpu.dma_semaphore, #tpu.memory_space<semaphore_mem>> -> memref<1x!tpu.dma_semaphore, #tpu.memory_space<semaphore_mem>>
        %dma_wait3A_607 = tpu.memref_squeeze %dma_wait3A_606 : memref<1x!tpu.dma_semaphore, #tpu.memory_space<semaphore_mem>> -> memref<!tpu.dma_semaphore, #tpu.memory_space<semaphore_mem>>
        %dma_wait3A_608 = arith.constant 0 : i32
        %dma_wait3A_609 = tpu.memref_slice %arg6[%mul3A_2, %dma_wait3A_608] : memref<320000x64xf32, #tpu.memory_space<hbm>> -> memref<80x64xf32, #tpu.memory_space<hbm>>
        %dma_wait3A_610 = arith.constant 0 : i32
        %dma_wait3A_611 = arith.constant 0 : i32
        %dma_wait3A_612 = tpu.memref_slice %arg11[%dma_wait3A_598, %dma_wait3A_610, %dma_wait3A_611] : memref<5x80x64xf32, #tpu.memory_space<vmem>> -> memref<1x80x64xf32, #tpu.memory_space<vmem>>
        %dma_wait3A_613 = tpu.memref_squeeze %dma_wait3A_612 : memref<1x80x64xf32, #tpu.memory_space<vmem>> -> memref<80x64xf32, #tpu.memory_space<vmem>>
        tpu.wait_dma2 semaphore(%dma_wait3A_607 : memref<!tpu.dma_semaphore, #tpu.memory_space<semaphore_mem>>) src(%dma_wait3A_613 : memref<80x64xf32, #tpu.memory_space<vmem>>) dst(%dma_wait3A_609 : memref<80x64xf32, #tpu.memory_space<hbm>>)
      } else {
      }
      %scan3A_259 = arith.constant 0 : i32
      %scan3A_260 = arith.constant 0 : i32
      %scan3A_261 = arith.constant 80 : i32
      %scan3A_262 = arith.addi %scan3A_260, %scan3A_261 : i32
      %scan3A_263 = arith.constant 4 : i32
      scf.for %scan3A_598 = %scan3A_260 to %scan3A_262 step %scan3A_263  : i32 {
        %get3A = arith.constant 0 : i32
        %get3A_599 = arith.index_cast %get3A : i32 to index
        %get3A_600 = arith.index_cast %scan3A_598 : i32 to index
        %get3A_601 = arith.constant 0 : index
        %get3A_602 = tpu.vector_load %arg9[%get3A_599, %get3A_600, %get3A_601] {strides = array<i32>} : memref<5x80x64xf32, #tpu.memory_space<vmem>>, vector<1x1x16xf32>,
        %get3A_603 = vector.shape_cast %get3A_602 : vector<1x1x16xf32> to vector<16xf32>
        %get3A_604 = arith.constant 0 : i32
        %get3A_605 = arith.index_cast %get3A_604 : i32 to index
        %get3A_606 = arith.index_cast %scan3A_598 : i32 to index
        %get3A_607 = arith.constant 0 : index
        %get3A_608 = tpu.vector_load %arg10[%get3A_605, %get3A_606, %get3A_607] {strides = array<i32>} : memref<5x80x64xf32, #tpu.memory_space<vmem>>, vector<1x1x16xf32>,
        %get3A_609 = vector.shape_cast %get3A_608 : vector<1x1x16xf32> to vector<16xf32>
        %add3A_610 = arith.addf %get3A_603, %get3A_609 : vector<16xf32>
        %swap3A = arith.constant 0 : i32
        %swap3A_611 = arith.index_cast %swap3A : i32 to index
        %swap3A_612 = arith.index_cast %scan3A_598 : i32 to index
        %swap3A_613 = arith.constant 0 : index
        %swap3A_614 = tpu.vector_load %arg11[%swap3A_611, %swap3A_612, %swap3A_613] {strides = array<i32>} : memref<5x80x64xf32, #tpu.memory_space<vmem>>, vector<1x1x16xf32>,
        %swap3A_615 = vector.shape_cast %swap3A_614 : vector<1x1x16xf32> to vector<16xf32>
        %swap3A_616 = vector.shape_cast %add3A_610 : vector<16xf32> to vector<1x1x16xf32>
        tpu.vector_store %arg11[%swap3A_611, %swap3A_612, %swap3A_613], %swap3A_616 {strides = array<i32>} : memref<5x80x64xf32, #tpu.memory_space<vmem>>, vector<1x1x16xf32>,
        %get3A_617 = arith.constant 0 : i32
        %get3A_618 = arith.index_cast %get3A_617 : i32 to index
        %get3A_619 = arith.index_cast %scan3A_598 : i32 to index
        %get3A_620 = arith.constant 16 : index
        %get3A_621 = tpu.vector_load %arg9[%get3A_618, %get3A_619, %get3A_620] {strides = array<i32>} : memref<5x80x64xf32, #tpu.memory_space<vmem>>, vector<1x1x16xf32>,
        %get3A_622 = vector.shape_cast %get3A_621 : vector<1x1x16xf32> to vector<16xf32>
        %get3A_623 = arith.constant 0 : i32
        %get3A_624 = arith.index_cast %get3A_623 : i32 to index
        %get3A_625 = arith.index_cast %scan3A_598 : i32 to index
        %get3A_626 = arith.constant 16 : index
        %get3A_627 = tpu.vector_load %arg10[%get3A_624, %get3A_625, %get3A_626] {strides = array<i32>} : memref<5x80x64xf32, #tpu.memory_space<vmem>>, vector<1x1x16xf32>,
        %get3A_628 = vector.shape_cast %get3A_627 : vector<1x1x16xf32> to vector<16xf32>
        %add3A_629 = arith.addf %get3A_622, %get3A_628 : vector<16xf32>
        %swap3A_630 = arith.constant 0 : i32
        %swap3A_631 = arith.index_cast %swap3A_630 : i32 to index
        %swap3A_632 = arith.index_cast %scan3A_598 : i32 to index
        %swap3A_633 = arith.constant 16 : index
        %swap3A_634 = tpu.vector_load %arg11[%swap3A_631, %swap3A_632, %swap3A_633] {strides = array<i32>} : memref<5x80x64xf32, #tpu.memory_space<vmem>>, vector<1x1x16xf32>,
        %swap3A_635 = vector.shape_cast %swap3A_634 : vector<1x1x16xf32> to vector<16xf32>
        %swap3A_636 = vector.shape_cast %add3A_629 : vector<16xf32> to vector<1x1x16xf32>
        tpu.vector_store %arg11[%swap3A_631, %swap3A_632, %swap3A_633], %swap3A_636 {strides = array<i32>} : memref<5x80x64xf32, #tpu.memory_space<vmem>>, vector<1x1x16xf32>,
        %get3A_637 = arith.constant 0 : i32
        %get3A_638 = arith.index_cast %get3A_637 : i32 to index
        %get3A_639 = arith.index_cast %scan3A_598 : i32 to index
        %get3A_640 = arith.constant 32 : index
        %get3A_641 = tpu.vector_load %arg9[%get3A_638, %get3A_639, %get3A_640] {strides = array<i32>} : memref<5x80x64xf32, #tpu.memory_space<vmem>>, vector<1x1x16xf32>,
        %get3A_642 = vector.shape_cast %get3A_641 : vector<1x1x16xf32> to vector<16xf32>
        %get3A_643 = arith.constant 0 : i32
        %get3A_644 = arith.index_cast %get3A_643 : i32 to index
        %get3A_645 = arith.index_cast %scan3A_598 : i32 to index
        %get3A_646 = arith.constant 32 : index
        %get3A_647 = tpu.vector_load %arg10[%get3A_644, %get3A_645, %get3A_646] {strides = array<i32>} : memref<5x80x64xf32, #tpu.memory_space<vmem>>, vector<1x1x16xf32>,
        %get3A_648 = vector.shape_cast %get3A_647 : vector<1x1x16xf32> to vector<16xf32>
        %add3A_649 = arith.addf %get3A_642, %get3A_648 : vector<16xf32>
        %swap3A_650 = arith.constant 0 : i32
        %swap3A_651 = arith.index_cast %swap3A_650 : i32 to index
        %swap3A_652 = arith.index_cast %scan3A_598 : i32 to index
        %swap3A_653 = arith.constant 32 : index
        %swap3A_654 = tpu.vector_load %arg11[%swap3A_651, %swap3A_652, %swap3A_653] {strides = array<i32>} : memref<5x80x64xf32, #tpu.memory_space<vmem>>, vector<1x1x16xf32>,
        %swap3A_655 = vector.shape_cast %swap3A_654 : vector<1x1x16xf32> to vector<16xf32>
        %swap3A_656 = vector.shape_cast %add3A_649 : vector<16xf32> to vector<1x1x16xf32>
        tpu.vector_store %arg11[%swap3A_651, %swap3A_652, %swap3A_653], %swap3A_656 {strides = array<i32>} : memref<5x80x64xf32, #tpu.memory_space<vmem>>, vector<1x1x16xf32>,
        %get3A_657 = arith.constant 0 : i32
        %get3A_658 = arith.index_cast %get3A_657 : i32 to index
        %get3A_659 = arith.index_cast %scan3A_598 : i32 to index
        %get3A_660 = arith.constant 48 : index
        %get3A_661 = tpu.vector_load %arg9[%get3A_658, %get3A_659, %get3A_660] {strides = array<i32>} : memref<5x80x64xf32, #tpu.memory_space<vmem>>, vector<1x1x16xf32>,
        %get3A_662 = vector.shape_cast %get3A_661 : vector<1x1x16xf32> to vector<16xf32>
        %get3A_663 = arith.constant 0 : i32
        %get3A_664 = arith.index_cast %get3A_663 : i32 to index
        %get3A_665 = arith.index_cast %scan3A_598 : i32 to index
        %get3A_666 = arith.constant 48 : index
        %get3A_667 = tpu.vector_load %arg10[%get3A_664, %get3A_665, %get3A_666] {strides = array<i32>} : memref<5x80x64xf32, #tpu.memory_space<vmem>>, vector<1x1x16xf32>,
        %get3A_668 = vector.shape_cast %get3A_667 : vector<1x1x16xf32> to vector<16xf32>
        %add3A_669 = arith.addf %get3A_662, %get3A_668 : vector<16xf32>
        %swap3A_670 = arith.constant 0 : i32
        %swap3A_671 = arith.index_cast %swap3A_670 : i32 to index
        %swap3A_672 = arith.index_cast %scan3A_598 : i32 to index
        %swap3A_673 = arith.constant 48 : index
        %swap3A_674 = tpu.vector_load %arg11[%swap3A_671, %swap3A_672, %swap3A_673] {strides = array<i32>} : memref<5x80x64xf32, #tpu.memory_space<vmem>>, vector<1x1x16xf32>,
        %swap3A_675 = vector.shape_cast %swap3A_674 : vector<1x1x16xf32> to vector<16xf32>
        %swap3A_676 = vector.shape_cast %add3A_669 : vector<16xf32> to vector<1x1x16xf32>
        tpu.vector_store %arg11[%swap3A_671, %swap3A_672, %swap3A_673], %swap3A_676 {strides = array<i32>} : memref<5x80x64xf32, #tpu.memory_space<vmem>>, vector<1x1x16xf32>,
        %scan3A_677 = arith.constant 1 : i32
        %scan3A_678 = arith.addi %scan3A_598, %scan3A_677 : i32
        %get3A_679 = arith.constant 0 : i32
        %get3A_680 = arith.index_cast %get3A_679 : i32 to index
        %get3A_681 = arith.index_cast %scan3A_678 : i32 to index
        %get3A_682 = arith.constant 0 : index
        %get3A_683 = tpu.vector_load %arg9[%get3A_680, %get3A_681, %get3A_682] {strides = array<i32>} : memref<5x80x64xf32, #tpu.memory_space<vmem>>, vector<1x1x16xf32>,
        %get3A_684 = vector.shape_cast %get3A_683 : vector<1x1x16xf32> to vector<16xf32>
        %get3A_685 = arith.constant 0 : i32
        %get3A_686 = arith.index_cast %get3A_685 : i32 to index
        %get3A_687 = arith.index_cast %scan3A_678 : i32 to index
        %get3A_688 = arith.constant 0 : index
        %get3A_689 = tpu.vector_load %arg10[%get3A_686, %get3A_687, %get3A_688] {strides = array<i32>} : memref<5x80x64xf32, #tpu.memory_space<vmem>>, vector<1x1x16xf32>,
        %get3A_690 = vector.shape_cast %get3A_689 : vector<1x1x16xf32> to vector<16xf32>
        %add3A_691 = arith.addf %get3A_684, %get3A_690 : vector<16xf32>
        %swap3A_692 = arith.constant 0 : i32
        %swap3A_693 = arith.index_cast %swap3A_692 : i32 to index
        %swap3A_694 = arith.index_cast %scan3A_678 : i32 to index
        %swap3A_695 = arith.constant 0 : index
        %swap3A_696 = tpu.vector_load %arg11[%swap3A_693, %swap3A_694, %swap3A_695] {strides = array<i32>} : memref<5x80x64xf32, #tpu.memory_space<vmem>>, vector<1x1x16xf32>,
        %swap3A_697 = vector.shape_cast %swap3A_696 : vector<1x1x16xf32> to vector<16xf32>
        %swap3A_698 = vector.shape_cast %add3A_691 : vector<16xf32> to vector<1x1x16xf32>
        tpu.vector_store %arg11[%swap3A_693, %swap3A_694, %swap3A_695], %swap3A_698 {strides = array<i32>} : memref<5x80x64xf32, #tpu.memory_space<vmem>>, vector<1x1x16xf32>,
        %get3A_699 = arith.constant 0 : i32
        %get3A_700 = arith.index_cast %get3A_699 : i32 to index
        %get3A_701 = arith.index_cast %scan3A_678 : i32 to index
        %get3A_702 = arith.constant 16 : index
        %get3A_703 = tpu.vector_load %arg9[%get3A_700, %get3A_701, %get3A_702] {strides = array<i32>} : memref<5x80x64xf32, #tpu.memory_space<vmem>>, vector<1x1x16xf32>,
        %get3A_704 = vector.shape_cast %get3A_703 : vector<1x1x16xf32> to vector<16xf32>
        %get3A_705 = arith.constant 0 : i32
        %get3A_706 = arith.index_cast %get3A_705 : i32 to index
        %get3A_707 = arith.index_cast %scan3A_678 : i32 to index
        %get3A_708 = arith.constant 16 : index
        %get3A_709 = tpu.vector_load %arg10[%get3A_706, %get3A_707, %get3A_708] {strides = array<i32>} : memref<5x80x64xf32, #tpu.memory_space<vmem>>, vector<1x1x16xf32>,
        %get3A_710 = vector.shape_cast %get3A_709 : vector<1x1x16xf32> to vector<16xf32>
        %add3A_711 = arith.addf %get3A_704, %get3A_710 : vector<16xf32>
        %swap3A_712 = arith.constant 0 : i32
        %swap3A_713 = arith.index_cast %swap3A_712 : i32 to index
        %swap3A_714 = arith.index_cast %scan3A_678 : i32 to index
        %swap3A_715 = arith.constant 16 : index
        %swap3A_716 = tpu.vector_load %arg11[%swap3A_713, %swap3A_714, %swap3A_715] {strides = array<i32>} : memref<5x80x64xf32, #tpu.memory_space<vmem>>, vector<1x1x16xf32>,
        %swap3A_717 = vector.shape_cast %swap3A_716 : vector<1x1x16xf32> to vector<16xf32>
        %swap3A_718 = vector.shape_cast %add3A_711 : vector<16xf32> to vector<1x1x16xf32>
        tpu.vector_store %arg11[%swap3A_713, %swap3A_714, %swap3A_715], %swap3A_718 {strides = array<i32>} : memref<5x80x64xf32, #tpu.memory_space<vmem>>, vector<1x1x16xf32>,
        %get3A_719 = arith.constant 0 : i32
        %get3A_720 = arith.index_cast %get3A_719 : i32 to index
        %get3A_721 = arith.index_cast %scan3A_678 : i32 to index
        %get3A_722 = arith.constant 32 : index
        %get3A_723 = tpu.vector_load %arg9[%get3A_720, %get3A_721, %get3A_722] {strides = array<i32>} : memref<5x80x64xf32, #tpu.memory_space<vmem>>, vector<1x1x16xf32>,
        %get3A_724 = vector.shape_cast %get3A_723 : vector<1x1x16xf32> to vector<16xf32>
        %get3A_725 = arith.constant 0 : i32
        %get3A_726 = arith.index_cast %get3A_725 : i32 to index
        %get3A_727 = arith.index_cast %scan3A_678 : i32 to index
        %get3A_728 = arith.constant 32 : index
        %get3A_729 = tpu.vector_load %arg10[%get3A_726, %get3A_727, %get3A_728] {strides = array<i32>} : memref<5x80x64xf32, #tpu.memory_space<vmem>>, vector<1x1x16xf32>,
        %get3A_730 = vector.shape_cast %get3A_729 : vector<1x1x16xf32> to vector<16xf32>
        %add3A_731 = arith.addf %get3A_724, %get3A_730 : vector<16xf32>
        %swap3A_732 = arith.constant 0 : i32
        %swap3A_733 = arith.index_cast %swap3A_732 : i32 to index
        %swap3A_734 = arith.index_cast %scan3A_678 : i32 to index
        %swap3A_735 = arith.constant 32 : index
        %swap3A_736 = tpu.vector_load %arg11[%swap3A_733, %swap3A_734, %swap3A_735] {strides = array<i32>} : memref<5x80x64xf32, #tpu.memory_space<vmem>>, vector<1x1x16xf32>,
        %swap3A_737 = vector.shape_cast %swap3A_736 : vector<1x1x16xf32> to vector<16xf32>
        %swap3A_738 = vector.shape_cast %add3A_731 : vector<16xf32> to vector<1x1x16xf32>
        tpu.vector_store %arg11[%swap3A_733, %swap3A_734, %swap3A_735], %swap3A_738 {strides = array<i32>} : memref<5x80x64xf32, #tpu.memory_space<vmem>>, vector<1x1x16xf32>,
        %get3A_739 = arith.constant 0 : i32
        %get3A_740 = arith.index_cast %get3A_739 : i32 to index
        %get3A_741 = arith.index_cast %scan3A_678 : i32 to index
        %get3A_742 = arith.constant 48 : index
        %get3A_743 = tpu.vector_load %arg9[%get3A_740, %get3A_741, %get3A_742] {strides = array<i32>} : memref<5x80x64xf32, #tpu.memory_space<vmem>>, vector<1x1x16xf32>,
        %get3A_744 = vector.shape_cast %get3A_743 : vector<1x1x16xf32> to vector<16xf32>
        %get3A_745 = arith.constant 0 : i32
        %get3A_746 = arith.index_cast %get3A_745 : i32 to index
        %get3A_747 = arith.index_cast %scan3A_678 : i32 to index
        %get3A_748 = arith.constant 48 : index
        %get3A_749 = tpu.vector_load %arg10[%get3A_746, %get3A_747, %get3A_748] {strides = array<i32>} : memref<5x80x64xf32, #tpu.memory_space<vmem>>, vector<1x1x16xf32>,
        %get3A_750 = vector.shape_cast %get3A_749 : vector<1x1x16xf32> to vector<16xf32>
        %add3A_751 = arith.addf %get3A_744, %get3A_750 : vector<16xf32>
        %swap3A_752 = arith.constant 0 : i32
        %swap3A_753 = arith.index_cast %swap3A_752 : i32 to index
        %swap3A_754 = arith.index_cast %scan3A_678 : i32 to index
        %swap3A_755 = arith.constant 48 : index
        %swap3A_756 = tpu.vector_load %arg11[%swap3A_753, %swap3A_754, %swap3A_755] {strides = array<i32>} : memref<5x80x64xf32, #tpu.memory_space<vmem>>, vector<1x1x16xf32>,
        %swap3A_757 = vector.shape_cast %swap3A_756 : vector<1x1x16xf32> to vector<16xf32>
        %swap3A_758 = vector.shape_cast %add3A_751 : vector<16xf32> to vector<1x1x16xf32>
        tpu.vector_store %arg11[%swap3A_753, %swap3A_754, %swap3A_755], %swap3A_758 {strides = array<i32>} : memref<5x80x64xf32, #tpu.memory_space<vmem>>, vector<1x1x16xf32>,
        %scan3A_759 = arith.constant 2 : i32
        %scan3A_760 = arith.addi %scan3A_598, %scan3A_759 : i32
        %get3A_761 = arith.constant 0 : i32
        %get3A_762 = arith.index_cast %get3A_761 : i32 to index
        %get3A_763 = arith.index_cast %scan3A_760 : i32 to index
        %get3A_764 = arith.constant 0 : index
        %get3A_765 = tpu.vector_load %arg9[%get3A_762, %get3A_763, %get3A_764] {strides = array<i32>} : memref<5x80x64xf32, #tpu.memory_space<vmem>>, vector<1x1x16xf32>,
        %get3A_766 = vector.shape_cast %get3A_765 : vector<1x1x16xf32> to vector<16xf32>
        %get3A_767 = arith.constant 0 : i32
        %get3A_768 = arith.index_cast %get3A_767 : i32 to index
        %get3A_769 = arith.index_cast %scan3A_760 : i32 to index
        %get3A_770 = arith.constant 0 : index
        %get3A_771 = tpu.vector_load %arg10[%get3A_768, %get3A_769, %get3A_770] {strides = array<i32>} : memref<5x80x64xf32, #tpu.memory_space<vmem>>, vector<1x1x16xf32>,
        %get3A_772 = vector.shape_cast %get3A_771 : vector<1x1x16xf32> to vector<16xf32>
        %add3A_773 = arith.addf %get3A_766, %get3A_772 : vector<16xf32>
        %swap3A_774 = arith.constant 0 : i32
        %swap3A_775 = arith.index_cast %swap3A_774 : i32 to index
        %swap3A_776 = arith.index_cast %scan3A_760 : i32 to index
        %swap3A_777 = arith.constant 0 : index
        %swap3A_778 = tpu.vector_load %arg11[%swap3A_775, %swap3A_776, %swap3A_777] {strides = array<i32>} : memref<5x80x64xf32, #tpu.memory_space<vmem>>, vector<1x1x16xf32>,
        %swap3A_779 = vector.shape_cast %swap3A_778 : vector<1x1x16xf32> to vector<16xf32>
        %swap3A_780 = vector.shape_cast %add3A_773 : vector<16xf32> to vector<1x1x16xf32>
        tpu.vector_store %arg11[%swap3A_775, %swap3A_776, %swap3A_777], %swap3A_780 {strides = array<i32>} : memref<5x80x64xf32, #tpu.memory_space<vmem>>, vector<1x1x16xf32>,
        %get3A_781 = arith.constant 0 : i32
        %get3A_782 = arith.index_cast %get3A_781 : i32 to index
        %get3A_783 = arith.index_cast %scan3A_760 : i32 to index
        %get3A_784 = arith.constant 16 : index
        %get3A_785 = tpu.vector_load %arg9[%get3A_782, %get3A_783, %get3A_784] {strides = array<i32>} : memref<5x80x64xf32, #tpu.memory_space<vmem>>, vector<1x1x16xf32>,
        %get3A_786 = vector.shape_cast %get3A_785 : vector<1x1x16xf32> to vector<16xf32>
        %get3A_787 = arith.constant 0 : i32
        %get3A_788 = arith.index_cast %get3A_787 : i32 to index
        %get3A_789 = arith.index_cast %scan3A_760 : i32 to index
        %get3A_790 = arith.constant 16 : index
        %get3A_791 = tpu.vector_load %arg10[%get3A_788, %get3A_789, %get3A_790] {strides = array<i32>} : memref<5x80x64xf32, #tpu.memory_space<vmem>>, vector<1x1x16xf32>,
        %get3A_792 = vector.shape_cast %get3A_791 : vector<1x1x16xf32> to vector<16xf32>
        %add3A_793 = arith.addf %get3A_786, %get3A_792 : vector<16xf32>
        %swap3A_794 = arith.constant 0 : i32
        %swap3A_795 = arith.index_cast %swap3A_794 : i32 to index
        %swap3A_796 = arith.index_cast %scan3A_760 : i32 to index
        %swap3A_797 = arith.constant 16 : index
        %swap3A_798 = tpu.vector_load %arg11[%swap3A_795, %swap3A_796, %swap3A_797] {strides = array<i32>} : memref<5x80x64xf32, #tpu.memory_space<vmem>>, vector<1x1x16xf32>,
        %swap3A_799 = vector.shape_cast %swap3A_798 : vector<1x1x16xf32> to vector<16xf32>
        %swap3A_800 = vector.shape_cast %add3A_793 : vector<16xf32> to vector<1x1x16xf32>
        tpu.vector_store %arg11[%swap3A_795, %swap3A_796, %swap3A_797], %swap3A_800 {strides = array<i32>} : memref<5x80x64xf32, #tpu.memory_space<vmem>>, vector<1x1x16xf32>,
        %get3A_801 = arith.constant 0 : i32
        %get3A_802 = arith.index_cast %get3A_801 : i32 to index
        %get3A_803 = arith.index_cast %scan3A_760 : i32 to index
        %get3A_804 = arith.constant 32 : index
        %get3A_805 = tpu.vector_load %arg9[%get3A_802, %get3A_803, %get3A_804] {strides = array<i32>} : memref<5x80x64xf32, #tpu.memory_space<vmem>>, vector<1x1x16xf32>,
        %get3A_806 = vector.shape_cast %get3A_805 : vector<1x1x16xf32> to vector<16xf32>
        %get3A_807 = arith.constant 0 : i32
        %get3A_808 = arith.index_cast %get3A_807 : i32 to index
        %get3A_809 = arith.index_cast %scan3A_760 : i32 to index
        %get3A_810 = arith.constant 32 : index
        %get3A_811 = tpu.vector_load %arg10[%get3A_808, %get3A_809, %get3A_810] {strides = array<i32>} : memref<5x80x64xf32, #tpu.memory_space<vmem>>, vector<1x1x16xf32>,
        %get3A_812 = vector.shape_cast %get3A_811 : vector<1x1x16xf32> to vector<16xf32>
        %add3A_813 = arith.addf %get3A_806, %get3A_812 : vector<16xf32>
        %swap3A_814 = arith.constant 0 : i32
        %swap3A_815 = arith.index_cast %swap3A_814 : i32 to index
        %swap3A_816 = arith.index_cast %scan3A_760 : i32 to index
        %swap3A_817 = arith.constant 32 : index
        %swap3A_818 = tpu.vector_load %arg11[%swap3A_815, %swap3A_816, %swap3A_817] {strides = array<i32>} : memref<5x80x64xf32, #tpu.memory_space<vmem>>, vector<1x1x16xf32>,
        %swap3A_819 = vector.shape_cast %swap3A_818 : vector<1x1x16xf32> to vector<16xf32>
        %swap3A_820 = vector.shape_cast %add3A_813 : vector<16xf32> to vector<1x1x16xf32>
        tpu.vector_store %arg11[%swap3A_815, %swap3A_816, %swap3A_817], %swap3A_820 {strides = array<i32>} : memref<5x80x64xf32, #tpu.memory_space<vmem>>, vector<1x1x16xf32>,
        %get3A_821 = arith.constant 0 : i32
        %get3A_822 = arith.index_cast %get3A_821 : i32 to index
        %get3A_823 = arith.index_cast %scan3A_760 : i32 to index
        %get3A_824 = arith.constant 48 : index
        %get3A_825 = tpu.vector_load %arg9[%get3A_822, %get3A_823, %get3A_824] {strides = array<i32>} : memref<5x80x64xf32, #tpu.memory_space<vmem>>, vector<1x1x16xf32>,
        %get3A_826 = vector.shape_cast %get3A_825 : vector<1x1x16xf32> to vector<16xf32>
        %get3A_827 = arith.constant 0 : i32
        %get3A_828 = arith.index_cast %get3A_827 : i32 to index
        %get3A_829 = arith.index_cast %scan3A_760 : i32 to index
        %get3A_830 = arith.constant 48 : index
        %get3A_831 = tpu.vector_load %arg10[%get3A_828, %get3A_829, %get3A_830] {strides = array<i32>} : memref<5x80x64xf32, #tpu.memory_space<vmem>>, vector<1x1x16xf32>,
        %get3A_832 = vector.shape_cast %get3A_831 : vector<1x1x16xf32> to vector<16xf32>
        %add3A_833 = arith.addf %get3A_826, %get3A_832 : vector<16xf32>
        %swap3A_834 = arith.constant 0 : i32
        %swap3A_835 = arith.index_cast %swap3A_834 : i32 to index
        %swap3A_836 = arith.index_cast %scan3A_760 : i32 to index
        %swap3A_837 = arith.constant 48 : index
        %swap3A_838 = tpu.vector_load %arg11[%swap3A_835, %swap3A_836, %swap3A_837] {strides = array<i32>} : memref<5x80x64xf32, #tpu.memory_space<vmem>>, vector<1x1x16xf32>,
        %swap3A_839 = vector.shape_cast %swap3A_838 : vector<1x1x16xf32> to vector<16xf32>
        %swap3A_840 = vector.shape_cast %add3A_833 : vector<16xf32> to vector<1x1x16xf32>
        tpu.vector_store %arg11[%swap3A_835, %swap3A_836, %swap3A_837], %swap3A_840 {strides = array<i32>} : memref<5x80x64xf32, #tpu.memory_space<vmem>>, vector<1x1x16xf32>,
        %scan3A_841 = arith.constant 3 : i32
        %scan3A_842 = arith.addi %scan3A_598, %scan3A_841 : i32
        %get3A_843 = arith.constant 0 : i32
        %get3A_844 = arith.index_cast %get3A_843 : i32 to index
        %get3A_845 = arith.index_cast %scan3A_842 : i32 to index
        %get3A_846 = arith.constant 0 : index
        %get3A_847 = tpu.vector_load %arg9[%get3A_844, %get3A_845, %get3A_846] {strides = array<i32>} : memref<5x80x64xf32, #tpu.memory_space<vmem>>, vector<1x1x16xf32>,
        %get3A_848 = vector.shape_cast %get3A_847 : vector<1x1x16xf32> to vector<16xf32>
        %get3A_849 = arith.constant 0 : i32
        %get3A_850 = arith.index_cast %get3A_849 : i32 to index
        %get3A_851 = arith.index_cast %scan3A_842 : i32 to index
        %get3A_852 = arith.constant 0 : index
        %get3A_853 = tpu.vector_load %arg10[%get3A_850, %get3A_851, %get3A_852] {strides = array<i32>} : memref<5x80x64xf32, #tpu.memory_space<vmem>>, vector<1x1x16xf32>,
        %get3A_854 = vector.shape_cast %get3A_853 : vector<1x1x16xf32> to vector<16xf32>
        %add3A_855 = arith.addf %get3A_848, %get3A_854 : vector<16xf32>
        %swap3A_856 = arith.constant 0 : i32
        %swap3A_857 = arith.index_cast %swap3A_856 : i32 to index
        %swap3A_858 = arith.index_cast %scan3A_842 : i32 to index
        %swap3A_859 = arith.constant 0 : index
        %swap3A_860 = tpu.vector_load %arg11[%swap3A_857, %swap3A_858, %swap3A_859] {strides = array<i32>} : memref<5x80x64xf32, #tpu.memory_space<vmem>>, vector<1x1x16xf32>,
        %swap3A_861 = vector.shape_cast %swap3A_860 : vector<1x1x16xf32> to vector<16xf32>
        %swap3A_862 = vector.shape_cast %add3A_855 : vector<16xf32> to vector<1x1x16xf32>
        tpu.vector_store %arg11[%swap3A_857, %swap3A_858, %swap3A_859], %swap3A_862 {strides = array<i32>} : memref<5x80x64xf32, #tpu.memory_space<vmem>>, vector<1x1x16xf32>,
        %get3A_863 = arith.constant 0 : i32
        %get3A_864 = arith.index_cast %get3A_863 : i32 to index
        %get3A_865 = arith.index_cast %scan3A_842 : i32 to index
        %get3A_866 = arith.constant 16 : index
        %get3A_867 = tpu.vector_load %arg9[%get3A_864, %get3A_865, %get3A_866] {strides = array<i32>} : memref<5x80x64xf32, #tpu.memory_space<vmem>>, vector<1x1x16xf32>,
        %get3A_868 = vector.shape_cast %get3A_867 : vector<1x1x16xf32> to vector<16xf32>
        %get3A_869 = arith.constant 0 : i32
        %get3A_870 = arith.index_cast %get3A_869 : i32 to index
        %get3A_871 = arith.index_cast %scan3A_842 : i32 to index
        %get3A_872 = arith.constant 16 : index
        %get3A_873 = tpu.vector_load %arg10[%get3A_870, %get3A_871, %get3A_872] {strides = array<i32>} : memref<5x80x64xf32, #tpu.memory_space<vmem>>, vector<1x1x16xf32>,
        %get3A_874 = vector.shape_cast %get3A_873 : vector<1x1x16xf32> to vector<16xf32>
        %add3A_875 = arith.addf %get3A_868, %get3A_874 : vector<16xf32>
        %swap3A_876 = arith.constant 0 : i32
        %swap3A_877 = arith.index_cast %swap3A_876 : i32 to index
        %swap3A_878 = arith.index_cast %scan3A_842 : i32 to index
        %swap3A_879 = arith.constant 16 : index
        %swap3A_880 = tpu.vector_load %arg11[%swap3A_877, %swap3A_878, %swap3A_879] {strides = array<i32>} : memref<5x80x64xf32, #tpu.memory_space<vmem>>, vector<1x1x16xf32>,
        %swap3A_881 = vector.shape_cast %swap3A_880 : vector<1x1x16xf32> to vector<16xf32>
        %swap3A_882 = vector.shape_cast %add3A_875 : vector<16xf32> to vector<1x1x16xf32>
        tpu.vector_store %arg11[%swap3A_877, %swap3A_878, %swap3A_879], %swap3A_882 {strides = array<i32>} : memref<5x80x64xf32, #tpu.memory_space<vmem>>, vector<1x1x16xf32>,
        %get3A_883 = arith.constant 0 : i32
        %get3A_884 = arith.index_cast %get3A_883 : i32 to index
        %get3A_885 = arith.index_cast %scan3A_842 : i32 to index
        %get3A_886 = arith.constant 32 : index
        %get3A_887 = tpu.vector_load %arg9[%get3A_884, %get3A_885, %get3A_886] {strides = array<i32>} : memref<5x80x64xf32, #tpu.memory_space<vmem>>, vector<1x1x16xf32>,
        %get3A_888 = vector.shape_cast %get3A_887 : vector<1x1x16xf32> to vector<16xf32>
        %get3A_889 = arith.constant 0 : i32
        %get3A_890 = arith.index_cast %get3A_889 : i32 to index
        %get3A_891 = arith.index_cast %scan3A_842 : i32 to index
        %get3A_892 = arith.constant 32 : index
        %get3A_893 = tpu.vector_load %arg10[%get3A_890, %get3A_891, %get3A_892] {strides = array<i32>} : memref<5x80x64xf32, #tpu.memory_space<vmem>>, vector<1x1x16xf32>,
        %get3A_894 = vector.shape_cast %get3A_893 : vector<1x1x16xf32> to vector<16xf32>
        %add3A_895 = arith.addf %get3A_888, %get3A_894 : vector<16xf32>
        %swap3A_896 = arith.constant 0 : i32
        %swap3A_897 = arith.index_cast %swap3A_896 : i32 to index
        %swap3A_898 = arith.index_cast %scan3A_842 : i32 to index
        %swap3A_899 = arith.constant 32 : index
        %swap3A_900 = tpu.vector_load %arg11[%swap3A_897, %swap3A_898, %swap3A_899] {strides = array<i32>} : memref<5x80x64xf32, #tpu.memory_space<vmem>>, vector<1x1x16xf32>,
        %swap3A_901 = vector.shape_cast %swap3A_900 : vector<1x1x16xf32> to vector<16xf32>
        %swap3A_902 = vector.shape_cast %add3A_895 : vector<16xf32> to vector<1x1x16xf32>
        tpu.vector_store %arg11[%swap3A_897, %swap3A_898, %swap3A_899], %swap3A_902 {strides = array<i32>} : memref<5x80x64xf32, #tpu.memory_space<vmem>>, vector<1x1x16xf32>,
        %get3A_903 = arith.constant 0 : i32
        %get3A_904 = arith.index_cast %get3A_903 : i32 to index
        %get3A_905 = arith.index_cast %scan3A_842 : i32 to index
        %get3A_906 = arith.constant 48 : index
        %get3A_907 = tpu.vector_load %arg9[%get3A_904, %get3A_905, %get3A_906] {strides = array<i32>} : memref<5x80x64xf32, #tpu.memory_space<vmem>>, vector<1x1x16xf32>,
        %get3A_908 = vector.shape_cast %get3A_907 : vector<1x1x16xf32> to vector<16xf32>
        %get3A_909 = arith.constant 0 : i32
        %get3A_910 = arith.index_cast %get3A_909 : i32 to index
        %get3A_911 = arith.index_cast %scan3A_842 : i32 to index
        %get3A_912 = arith.constant 48 : index
        %get3A_913 = tpu.vector_load %arg10[%get3A_910, %get3A_911, %get3A_912] {strides = array<i32>} : memref<5x80x64xf32, #tpu.memory_space<vmem>>, vector<1x1x16xf32>,
        %get3A_914 = vector.shape_cast %get3A_913 : vector<1x1x16xf32> to vector<16xf32>
        %add3A_915 = arith.addf %get3A_908, %get3A_914 : vector<16xf32>
        %swap3A_916 = arith.constant 0 : i32
        %swap3A_917 = arith.index_cast %swap3A_916 : i32 to index
        %swap3A_918 = arith.index_cast %scan3A_842 : i32 to index
        %swap3A_919 = arith.constant 48 : index
        %swap3A_920 = tpu.vector_load %arg11[%swap3A_917, %swap3A_918, %swap3A_919] {strides = array<i32>} : memref<5x80x64xf32, #tpu.memory_space<vmem>>, vector<1x1x16xf32>,
        %swap3A_921 = vector.shape_cast %swap3A_920 : vector<1x1x16xf32> to vector<16xf32>
        %swap3A_922 = vector.shape_cast %add3A_915 : vector<16xf32> to vector<1x1x16xf32>
        tpu.vector_store %arg11[%swap3A_917, %swap3A_918, %swap3A_919], %swap3A_922 {strides = array<i32>} : memref<5x80x64xf32, #tpu.memory_space<vmem>>, vector<1x1x16xf32>,
      }
      %scan3A_264 = arith.constant 80 : i32
      %mul3A_265 = arith.constant 80 : i32
      %mul3A_266 = arith.muli %add3A_220, %mul3A_265 : i32
      %add3A_267 = arith.addi %mul3A_2, %mul3A_266 : i32
      %dma_start3A_268 = arith.constant 0 : i32
      %dma_start3A_269 = arith.constant 0 : i32
      %dma_start3A_270 = arith.constant 0 : i32
      %dma_start3A_271 = arith.constant 0 : i32
      %dma_start3A_272 = tpu.memref_slice %arg11[%dma_start3A_268, %dma_start3A_270, %dma_start3A_271] : memref<5x80x64xf32, #tpu.memory_space<vmem>> -> memref<1x80x64xf32, #tpu.memory_space<vmem>>
      %dma_start3A_273 = tpu.memref_squeeze %dma_start3A_272 : memref<1x80x64xf32, #tpu.memory_space<vmem>> -> memref<80x64xf32, #tpu.memory_space<vmem>>
      %dma_start3A_274 = arith.constant 0 : i32
      %dma_start3A_275 = tpu.memref_slice %arg6[%add3A_267, %dma_start3A_274] : memref<320000x64xf32, #tpu.memory_space<hbm>> -> memref<80x64xf32, #tpu.memory_space<hbm>>
      %dma_start3A_276 = tpu.memref_slice %arg13[%dma_start3A_269] : memref<5x!tpu.dma_semaphore, #tpu.memory_space<semaphore_mem>> -> memref<1x!tpu.dma_semaphore, #tpu.memory_space<semaphore_mem>>
      %dma_start3A_277 = tpu.memref_squeeze %dma_start3A_276 : memref<1x!tpu.dma_semaphore, #tpu.memory_space<semaphore_mem>> -> memref<!tpu.dma_semaphore, #tpu.memory_space<semaphore_mem>>
      %dma_start3A_278 = arith.constant 0 : i32
      %dma_start3A_279 = tpu.memref_slice %arg6[%add3A_267, %dma_start3A_278] : memref<320000x64xf32, #tpu.memory_space<hbm>> -> memref<80x64xf32, #tpu.memory_space<hbm>>
      %dma_start3A_280 = arith.constant 0 : i32
      %dma_start3A_281 = arith.constant 0 : i32
      %dma_start3A_282 = tpu.memref_slice %arg11[%dma_start3A_268, %dma_start3A_280, %dma_start3A_281] : memref<5x80x64xf32, #tpu.memory_space<vmem>> -> memref<1x80x64xf32, #tpu.memory_space<vmem>>
      %dma_start3A_283 = tpu.memref_squeeze %dma_start3A_282 : memref<1x80x64xf32, #tpu.memory_space<vmem>> -> memref<80x64xf32, #tpu.memory_space<vmem>>
      tpu.enqueue_dma source(%dma_start3A_283 : memref<80x64xf32, #tpu.memory_space<vmem>>) target(%dma_start3A_279 : memref<80x64xf32, #tpu.memory_space<hbm>>) target_semaphore(%dma_start3A_277 : memref<!tpu.dma_semaphore, #tpu.memory_space<semaphore_mem>>)
      %add3A_284 = arith.constant 5 : i32
      %add3A_285 = arith.addi %add3A_220, %add3A_284 : i32
      %lt3A = arith.constant 125 : i32
      %lt3A_286 = arith.cmpi slt, %add3A_285, %lt3A : i32
      %convert_element_type3A_287 = arith.extui %lt3A_286 : i1 to i32
      %cond3A_288 = arith.constant 0 : i32
      %cond3A_289 = arith.cmpi ne, %convert_element_type3A_287, %cond3A_288 : i32
      scf.if %cond3A_289 {
        %add3A_598 = arith.constant 5 : i32
        %add3A_599 = arith.addi %add3A_220, %add3A_598 : i32
        %mul3A_600 = arith.constant 80 : i32
        %mul3A_601 = arith.muli %add3A_599, %mul3A_600 : i32
        %dma_start3A_602 = arith.constant 0 : i32
        %dma_start3A_603 = arith.constant 0 : i32
        %dma_start3A_604 = arith.constant 0 : i32
        %dma_start3A_605 = arith.constant 0 : i32
        %dma_start3A_606 = tpu.memref_slice %arg9[%dma_start3A_602, %dma_start3A_604, %dma_start3A_605] : memref<5x80x64xf32, #tpu.memory_space<vmem>> -> memref<1x80x64xf32, #tpu.memory_space<vmem>>
        %dma_start3A_607 = tpu.memref_squeeze %dma_start3A_606 : memref<1x80x64xf32, #tpu.memory_space<vmem>> -> memref<80x64xf32, #tpu.memory_space<vmem>>
        %dma_start3A_608 = tpu.memref_slice %arg7[%mul3A_601] : memref<10000xi32, #tpu.memory_space<vmem>> -> memref<80xi32, #tpu.memory_space<vmem>>
        %dma_start3A_609 = arith.constant 0 : i32
        %dma_start3A_610 = arith.constant 0 : i32
        %dma_start3A_611 = tpu.memref_slice %arg2[%dma_start3A_609, %dma_start3A_610] : memref<10000x64xf32, #tpu.memory_space<hbm>> -> memref<10000x64xf32, #tpu.memory_space<hbm>>
        %dma_start3A_612 = tpu.memref_slice %arg12[%dma_start3A_603] : memref<5x!tpu.dma_semaphore, #tpu.memory_space<semaphore_mem>> -> memref<1x!tpu.dma_semaphore, #tpu.memory_space<semaphore_mem>>
        %dma_start3A_613 = tpu.memref_squeeze %dma_start3A_612 : memref<1x!tpu.dma_semaphore, #tpu.memory_space<semaphore_mem>> -> memref<!tpu.dma_semaphore, #tpu.memory_space<semaphore_mem>>
        tpu.enqueue_indirect_dma source(%dma_start3A_611 : memref<10000x64xf32, #tpu.memory_space<hbm>>) target(%dma_start3A_607 : memref<80x64xf32, #tpu.memory_space<vmem>>) offsets(%dma_start3A_608 : memref<80xi32, #tpu.memory_space<vmem>>) semaphore(%dma_start3A_613 : memref<!tpu.dma_semaphore, #tpu.memory_space<semaphore_mem>>)
        %dma_start3A_614 = arith.constant 0 : i32
        %dma_start3A_615 = arith.constant 0 : i32
        %dma_start3A_616 = arith.constant 0 : i32
        %dma_start3A_617 = arith.constant 0 : i32
        %dma_start3A_618 = tpu.memref_slice %arg10[%dma_start3A_614, %dma_start3A_616, %dma_start3A_617] : memref<5x80x64xf32, #tpu.memory_space<vmem>> -> memref<1x80x64xf32, #tpu.memory_space<vmem>>
        %dma_start3A_619 = tpu.memref_squeeze %dma_start3A_618 : memref<1x80x64xf32, #tpu.memory_space<vmem>> -> memref<80x64xf32, #tpu.memory_space<vmem>>
        %dma_start3A_620 = tpu.memref_slice %arg8[%mul3A_601] : memref<10000xi32, #tpu.memory_space<vmem>> -> memref<80xi32, #tpu.memory_space<vmem>>
        %dma_start3A_621 = arith.constant 0 : i32
        %dma_start3A_622 = arith.constant 0 : i32
        %dma_start3A_623 = tpu.memref_slice %arg3[%dma_start3A_621, %dma_start3A_622] : memref<10000x64xf32, #tpu.memory_space<hbm>> -> memref<10000x64xf32, #tpu.memory_space<hbm>>
        %dma_start3A_624 = tpu.memref_slice %arg12[%dma_start3A_615] : memref<5x!tpu.dma_semaphore, #tpu.memory_space<semaphore_mem>> -> memref<1x!tpu.dma_semaphore, #tpu.memory_space<semaphore_mem>>
        %dma_start3A_625 = tpu.memref_squeeze %dma_start3A_624 : memref<1x!tpu.dma_semaphore, #tpu.memory_space<semaphore_mem>> -> memref<!tpu.dma_semaphore, #tpu.memory_space<semaphore_mem>>
        tpu.enqueue_indirect_dma source(%dma_start3A_623 : memref<10000x64xf32, #tpu.memory_space<hbm>>) target(%dma_start3A_619 : memref<80x64xf32, #tpu.memory_space<vmem>>) offsets(%dma_start3A_620 : memref<80xi32, #tpu.memory_space<vmem>>) semaphore(%dma_start3A_625 : memref<!tpu.dma_semaphore, #tpu.memory_space<semaphore_mem>>)
      } else {
      }
      %mul3A_290 = arith.constant 5 : i32
      %mul3A_291 = arith.muli %scan3A_216, %mul3A_290 : i32
      %add3A_292 = arith.constant 1 : i32
      %add3A_293 = arith.addi %mul3A_291, %add3A_292 : i32
      %dma_wait3A_294 = arith.constant 1 : i32
      %dma_wait3A_295 = arith.constant 1 : i32
      %dma_wait3A_296 = arith.constant 0 : i32
      %dma_wait3A_297 = arith.constant 0 : i32
      %dma_wait3A_298 = tpu.memref_slice %arg9[%dma_wait3A_294, %dma_wait3A_296, %dma_wait3A_297] : memref<5x80x64xf32, #tpu.memory_space<vmem>> -> memref<1x80x64xf32, #tpu.memory_space<vmem>>
      %dma_wait3A_299 = tpu.memref_squeeze %dma_wait3A_298 : memref<1x80x64xf32, #tpu.memory_space<vmem>> -> memref<80x64xf32, #tpu.memory_space<vmem>>
      %dma_wait3A_300 = arith.constant 0 : i32
      %dma_wait3A_301 = arith.constant 0 : i32
      %dma_wait3A_302 = tpu.memref_slice %arg2[%dma_wait3A_300, %dma_wait3A_301] : memref<10000x64xf32, #tpu.memory_space<hbm>> -> memref<80x64xf32, #tpu.memory_space<hbm>>
      %dma_wait3A_303 = tpu.memref_slice %arg12[%dma_wait3A_295] : memref<5x!tpu.dma_semaphore, #tpu.memory_space<semaphore_mem>> -> memref<1x!tpu.dma_semaphore, #tpu.memory_space<semaphore_mem>>
      %dma_wait3A_304 = tpu.memref_squeeze %dma_wait3A_303 : memref<1x!tpu.dma_semaphore, #tpu.memory_space<semaphore_mem>> -> memref<!tpu.dma_semaphore, #tpu.memory_space<semaphore_mem>>
      %dma_wait3A_305 = arith.constant 0 : i32
      %dma_wait3A_306 = arith.constant 0 : i32
      %dma_wait3A_307 = tpu.memref_slice %arg9[%dma_wait3A_294, %dma_wait3A_305, %dma_wait3A_306] : memref<5x80x64xf32, #tpu.memory_space<vmem>> -> memref<1x80x64xf32, #tpu.memory_space<vmem>>
      %dma_wait3A_308 = tpu.memref_squeeze %dma_wait3A_307 : memref<1x80x64xf32, #tpu.memory_space<vmem>> -> memref<80x64xf32, #tpu.memory_space<vmem>>
      %dma_wait3A_309 = arith.constant 0 : i32
      %dma_wait3A_310 = arith.constant 0 : i32
      %dma_wait3A_311 = tpu.memref_slice %arg2[%dma_wait3A_309, %dma_wait3A_310] : memref<10000x64xf32, #tpu.memory_space<hbm>> -> memref<80x64xf32, #tpu.memory_space<hbm>>
      tpu.wait_dma2 semaphore(%dma_wait3A_304 : memref<!tpu.dma_semaphore, #tpu.memory_space<semaphore_mem>>) src(%dma_wait3A_311 : memref<80x64xf32, #tpu.memory_space<hbm>>) dst(%dma_wait3A_308 : memref<80x64xf32, #tpu.memory_space<vmem>>)
      %dma_wait3A_312 = arith.constant 1 : i32
      %dma_wait3A_313 = arith.constant 1 : i32
      %dma_wait3A_314 = arith.constant 0 : i32
      %dma_wait3A_315 = arith.constant 0 : i32
      %dma_wait3A_316 = tpu.memref_slice %arg10[%dma_wait3A_312, %dma_wait3A_314, %dma_wait3A_315] : memref<5x80x64xf32, #tpu.memory_space<vmem>> -> memref<1x80x64xf32, #tpu.memory_space<vmem>>
      %dma_wait3A_317 = tpu.memref_squeeze %dma_wait3A_316 : memref<1x80x64xf32, #tpu.memory_space<vmem>> -> memref<80x64xf32, #tpu.memory_space<vmem>>
      %dma_wait3A_318 = arith.constant 0 : i32
      %dma_wait3A_319 = arith.constant 0 : i32
      %dma_wait3A_320 = tpu.memref_slice %arg3[%dma_wait3A_318, %dma_wait3A_319] : memref<10000x64xf32, #tpu.memory_space<hbm>> -> memref<80x64xf32, #tpu.memory_space<hbm>>
      %dma_wait3A_321 = tpu.memref_slice %arg12[%dma_wait3A_313] : memref<5x!tpu.dma_semaphore, #tpu.memory_space<semaphore_mem>> -> memref<1x!tpu.dma_semaphore, #tpu.memory_space<semaphore_mem>>
      %dma_wait3A_322 = tpu.memref_squeeze %dma_wait3A_321 : memref<1x!tpu.dma_semaphore, #tpu.memory_space<semaphore_mem>> -> memref<!tpu.dma_semaphore, #tpu.memory_space<semaphore_mem>>
      %dma_wait3A_323 = arith.constant 0 : i32
      %dma_wait3A_324 = arith.constant 0 : i32
      %dma_wait3A_325 = tpu.memref_slice %arg10[%dma_wait3A_312, %dma_wait3A_323, %dma_wait3A_324] : memref<5x80x64xf32, #tpu.memory_space<vmem>> -> memref<1x80x64xf32, #tpu.memory_space<vmem>>
      %dma_wait3A_326 = tpu.memref_squeeze %dma_wait3A_325 : memref<1x80x64xf32, #tpu.memory_space<vmem>> -> memref<80x64xf32, #tpu.memory_space<vmem>>
      %dma_wait3A_327 = arith.constant 0 : i32
      %dma_wait3A_328 = arith.constant 0 : i32
      %dma_wait3A_329 = tpu.memref_slice %arg3[%dma_wait3A_327, %dma_wait3A_328] : memref<10000x64xf32, #tpu.memory_space<hbm>> -> memref<80x64xf32, #tpu.memory_space<hbm>>
      tpu.wait_dma2 semaphore(%dma_wait3A_322 : memref<!tpu.dma_semaphore, #tpu.memory_space<semaphore_mem>>) src(%dma_wait3A_329 : memref<80x64xf32, #tpu.memory_space<hbm>>) dst(%dma_wait3A_326 : memref<80x64xf32, #tpu.memory_space<vmem>>)
      %gt3A_330 = arith.constant 0 : i32
      %gt3A_331 = arith.cmpi sgt, %scan3A_216, %gt3A_330 : i32
      %convert_element_type3A_332 = arith.extui %gt3A_331 : i1 to i32
      %cond3A_333 = arith.constant 0 : i32
      %cond3A_334 = arith.cmpi ne, %convert_element_type3A_332, %cond3A_333 : i32
      scf.if %cond3A_334 {
        %dma_wait3A_598 = arith.constant 1 : i32
        %dma_wait3A_599 = arith.constant 1 : i32
        %dma_wait3A_600 = arith.constant 0 : i32
        %dma_wait3A_601 = arith.constant 0 : i32
        %dma_wait3A_602 = tpu.memref_slice %arg11[%dma_wait3A_598, %dma_wait3A_600, %dma_wait3A_601] : memref<5x80x64xf32, #tpu.memory_space<vmem>> -> memref<1x80x64xf32, #tpu.memory_space<vmem>>
        %dma_wait3A_603 = tpu.memref_squeeze %dma_wait3A_602 : memref<1x80x64xf32, #tpu.memory_space<vmem>> -> memref<80x64xf32, #tpu.memory_space<vmem>>
        %dma_wait3A_604 = arith.constant 0 : i32
        %dma_wait3A_605 = tpu.memref_slice %arg6[%mul3A_2, %dma_wait3A_604] : memref<320000x64xf32, #tpu.memory_space<hbm>> -> memref<80x64xf32, #tpu.memory_space<hbm>>
        %dma_wait3A_606 = tpu.memref_slice %arg13[%dma_wait3A_599] : memref<5x!tpu.dma_semaphore, #tpu.memory_space<semaphore_mem>> -> memref<1x!tpu.dma_semaphore, #tpu.memory_space<semaphore_mem>>
        %dma_wait3A_607 = tpu.memref_squeeze %dma_wait3A_606 : memref<1x!tpu.dma_semaphore, #tpu.memory_space<semaphore_mem>> -> memref<!tpu.dma_semaphore, #tpu.memory_space<semaphore_mem>>
        %dma_wait3A_608 = arith.constant 0 : i32
        %dma_wait3A_609 = tpu.memref_slice %arg6[%mul3A_2, %dma_wait3A_608] : memref<320000x64xf32, #tpu.memory_space<hbm>> -> memref<80x64xf32, #tpu.memory_space<hbm>>
        %dma_wait3A_610 = arith.constant 0 : i32
        %dma_wait3A_611 = arith.constant 0 : i32
        %dma_wait3A_612 = tpu.memref_slice %arg11[%dma_wait3A_598, %dma_wait3A_610, %dma_wait3A_611] : memref<5x80x64xf32, #tpu.memory_space<vmem>> -> memref<1x80x64xf32, #tpu.memory_space<vmem>>
        %dma_wait3A_613 = tpu.memref_squeeze %dma_wait3A_612 : memref<1x80x64xf32, #tpu.memory_space<vmem>> -> memref<80x64xf32, #tpu.memory_space<vmem>>
        tpu.wait_dma2 semaphore(%dma_wait3A_607 : memref<!tpu.dma_semaphore, #tpu.memory_space<semaphore_mem>>) src(%dma_wait3A_613 : memref<80x64xf32, #tpu.memory_space<vmem>>) dst(%dma_wait3A_609 : memref<80x64xf32, #tpu.memory_space<hbm>>)
      } else {
      }
      %scan3A_335 = arith.constant 0 : i32
      %scan3A_336 = arith.constant 0 : i32
      %scan3A_337 = arith.constant 80 : i32
      %scan3A_338 = arith.addi %scan3A_336, %scan3A_337 : i32
      %scan3A_339 = arith.constant 4 : i32
      scf.for %scan3A_598 = %scan3A_336 to %scan3A_338 step %scan3A_339  : i32 {
        %get3A = arith.constant 1 : i32
        %get3A_599 = arith.index_cast %get3A : i32 to index
        %get3A_600 = arith.index_cast %scan3A_598 : i32 to index
        %get3A_601 = arith.constant 0 : index
        %get3A_602 = tpu.vector_load %arg9[%get3A_599, %get3A_600, %get3A_601] {strides = array<i32>} : memref<5x80x64xf32, #tpu.memory_space<vmem>>, vector<1x1x16xf32>,
        %get3A_603 = vector.shape_cast %get3A_602 : vector<1x1x16xf32> to vector<16xf32>
        %get3A_604 = arith.constant 1 : i32
        %get3A_605 = arith.index_cast %get3A_604 : i32 to index
        %get3A_606 = arith.index_cast %scan3A_598 : i32 to index
        %get3A_607 = arith.constant 0 : index
        %get3A_608 = tpu.vector_load %arg10[%get3A_605, %get3A_606, %get3A_607] {strides = array<i32>} : memref<5x80x64xf32, #tpu.memory_space<vmem>>, vector<1x1x16xf32>,
        %get3A_609 = vector.shape_cast %get3A_608 : vector<1x1x16xf32> to vector<16xf32>
        %add3A_610 = arith.addf %get3A_603, %get3A_609 : vector<16xf32>
        %swap3A = arith.constant 1 : i32
        %swap3A_611 = arith.index_cast %swap3A : i32 to index
        %swap3A_612 = arith.index_cast %scan3A_598 : i32 to index
        %swap3A_613 = arith.constant 0 : index
        %swap3A_614 = tpu.vector_load %arg11[%swap3A_611, %swap3A_612, %swap3A_613] {strides = array<i32>} : memref<5x80x64xf32, #tpu.memory_space<vmem>>, vector<1x1x16xf32>,
        %swap3A_615 = vector.shape_cast %swap3A_614 : vector<1x1x16xf32> to vector<16xf32>
        %swap3A_616 = vector.shape_cast %add3A_610 : vector<16xf32> to vector<1x1x16xf32>
        tpu.vector_store %arg11[%swap3A_611, %swap3A_612, %swap3A_613], %swap3A_616 {strides = array<i32>} : memref<5x80x64xf32, #tpu.memory_space<vmem>>, vector<1x1x16xf32>,
        %get3A_617 = arith.constant 1 : i32
        %get3A_618 = arith.index_cast %get3A_617 : i32 to index
        %get3A_619 = arith.index_cast %scan3A_598 : i32 to index
        %get3A_620 = arith.constant 16 : index
        %get3A_621 = tpu.vector_load %arg9[%get3A_618, %get3A_619, %get3A_620] {strides = array<i32>} : memref<5x80x64xf32, #tpu.memory_space<vmem>>, vector<1x1x16xf32>,
        %get3A_622 = vector.shape_cast %get3A_621 : vector<1x1x16xf32> to vector<16xf32>
        %get3A_623 = arith.constant 1 : i32
        %get3A_624 = arith.index_cast %get3A_623 : i32 to index
        %get3A_625 = arith.index_cast %scan3A_598 : i32 to index
        %get3A_626 = arith.constant 16 : index
        %get3A_627 = tpu.vector_load %arg10[%get3A_624, %get3A_625, %get3A_626] {strides = array<i32>} : memref<5x80x64xf32, #tpu.memory_space<vmem>>, vector<1x1x16xf32>,
        %get3A_628 = vector.shape_cast %get3A_627 : vector<1x1x16xf32> to vector<16xf32>
        %add3A_629 = arith.addf %get3A_622, %get3A_628 : vector<16xf32>
        %swap3A_630 = arith.constant 1 : i32
        %swap3A_631 = arith.index_cast %swap3A_630 : i32 to index
        %swap3A_632 = arith.index_cast %scan3A_598 : i32 to index
        %swap3A_633 = arith.constant 16 : index
        %swap3A_634 = tpu.vector_load %arg11[%swap3A_631, %swap3A_632, %swap3A_633] {strides = array<i32>} : memref<5x80x64xf32, #tpu.memory_space<vmem>>, vector<1x1x16xf32>,
        %swap3A_635 = vector.shape_cast %swap3A_634 : vector<1x1x16xf32> to vector<16xf32>
        %swap3A_636 = vector.shape_cast %add3A_629 : vector<16xf32> to vector<1x1x16xf32>
        tpu.vector_store %arg11[%swap3A_631, %swap3A_632, %swap3A_633], %swap3A_636 {strides = array<i32>} : memref<5x80x64xf32, #tpu.memory_space<vmem>>, vector<1x1x16xf32>,
        %get3A_637 = arith.constant 1 : i32
        %get3A_638 = arith.index_cast %get3A_637 : i32 to index
        %get3A_639 = arith.index_cast %scan3A_598 : i32 to index
        %get3A_640 = arith.constant 32 : index
        %get3A_641 = tpu.vector_load %arg9[%get3A_638, %get3A_639, %get3A_640] {strides = array<i32>} : memref<5x80x64xf32, #tpu.memory_space<vmem>>, vector<1x1x16xf32>,
        %get3A_642 = vector.shape_cast %get3A_641 : vector<1x1x16xf32> to vector<16xf32>
        %get3A_643 = arith.constant 1 : i32
        %get3A_644 = arith.index_cast %get3A_643 : i32 to index
        %get3A_645 = arith.index_cast %scan3A_598 : i32 to index
        %get3A_646 = arith.constant 32 : index
        %get3A_647 = tpu.vector_load %arg10[%get3A_644, %get3A_645, %get3A_646] {strides = array<i32>} : memref<5x80x64xf32, #tpu.memory_space<vmem>>, vector<1x1x16xf32>,
        %get3A_648 = vector.shape_cast %get3A_647 : vector<1x1x16xf32> to vector<16xf32>
        %add3A_649 = arith.addf %get3A_642, %get3A_648 : vector<16xf32>
        %swap3A_650 = arith.constant 1 : i32
        %swap3A_651 = arith.index_cast %swap3A_650 : i32 to index
        %swap3A_652 = arith.index_cast %scan3A_598 : i32 to index
        %swap3A_653 = arith.constant 32 : index
        %swap3A_654 = tpu.vector_load %arg11[%swap3A_651, %swap3A_652, %swap3A_653] {strides = array<i32>} : memref<5x80x64xf32, #tpu.memory_space<vmem>>, vector<1x1x16xf32>,
        %swap3A_655 = vector.shape_cast %swap3A_654 : vector<1x1x16xf32> to vector<16xf32>
        %swap3A_656 = vector.shape_cast %add3A_649 : vector<16xf32> to vector<1x1x16xf32>
        tpu.vector_store %arg11[%swap3A_651, %swap3A_652, %swap3A_653], %swap3A_656 {strides = array<i32>} : memref<5x80x64xf32, #tpu.memory_space<vmem>>, vector<1x1x16xf32>,
        %get3A_657 = arith.constant 1 : i32
        %get3A_658 = arith.index_cast %get3A_657 : i32 to index
        %get3A_659 = arith.index_cast %scan3A_598 : i32 to index
        %get3A_660 = arith.constant 48 : index
        %get3A_661 = tpu.vector_load %arg9[%get3A_658, %get3A_659, %get3A_660] {strides = array<i32>} : memref<5x80x64xf32, #tpu.memory_space<vmem>>, vector<1x1x16xf32>,
        %get3A_662 = vector.shape_cast %get3A_661 : vector<1x1x16xf32> to vector<16xf32>
        %get3A_663 = arith.constant 1 : i32
        %get3A_664 = arith.index_cast %get3A_663 : i32 to index
        %get3A_665 = arith.index_cast %scan3A_598 : i32 to index
        %get3A_666 = arith.constant 48 : index
        %get3A_667 = tpu.vector_load %arg10[%get3A_664, %get3A_665, %get3A_666] {strides = array<i32>} : memref<5x80x64xf32, #tpu.memory_space<vmem>>, vector<1x1x16xf32>,
        %get3A_668 = vector.shape_cast %get3A_667 : vector<1x1x16xf32> to vector<16xf32>
        %add3A_669 = arith.addf %get3A_662, %get3A_668 : vector<16xf32>
        %swap3A_670 = arith.constant 1 : i32
        %swap3A_671 = arith.index_cast %swap3A_670 : i32 to index
        %swap3A_672 = arith.index_cast %scan3A_598 : i32 to index
        %swap3A_673 = arith.constant 48 : index
        %swap3A_674 = tpu.vector_load %arg11[%swap3A_671, %swap3A_672, %swap3A_673] {strides = array<i32>} : memref<5x80x64xf32, #tpu.memory_space<vmem>>, vector<1x1x16xf32>,
        %swap3A_675 = vector.shape_cast %swap3A_674 : vector<1x1x16xf32> to vector<16xf32>
        %swap3A_676 = vector.shape_cast %add3A_669 : vector<16xf32> to vector<1x1x16xf32>
        tpu.vector_store %arg11[%swap3A_671, %swap3A_672, %swap3A_673], %swap3A_676 {strides = array<i32>} : memref<5x80x64xf32, #tpu.memory_space<vmem>>, vector<1x1x16xf32>,
        %scan3A_677 = arith.constant 1 : i32
        %scan3A_678 = arith.addi %scan3A_598, %scan3A_677 : i32
        %get3A_679 = arith.constant 1 : i32
        %get3A_680 = arith.index_cast %get3A_679 : i32 to index
        %get3A_681 = arith.index_cast %scan3A_678 : i32 to index
        %get3A_682 = arith.constant 0 : index
        %get3A_683 = tpu.vector_load %arg9[%get3A_680, %get3A_681, %get3A_682] {strides = array<i32>} : memref<5x80x64xf32, #tpu.memory_space<vmem>>, vector<1x1x16xf32>,
        %get3A_684 = vector.shape_cast %get3A_683 : vector<1x1x16xf32> to vector<16xf32>
        %get3A_685 = arith.constant 1 : i32
        %get3A_686 = arith.index_cast %get3A_685 : i32 to index
        %get3A_687 = arith.index_cast %scan3A_678 : i32 to index
        %get3A_688 = arith.constant 0 : index
        %get3A_689 = tpu.vector_load %arg10[%get3A_686, %get3A_687, %get3A_688] {strides = array<i32>} : memref<5x80x64xf32, #tpu.memory_space<vmem>>, vector<1x1x16xf32>,
        %get3A_690 = vector.shape_cast %get3A_689 : vector<1x1x16xf32> to vector<16xf32>
        %add3A_691 = arith.addf %get3A_684, %get3A_690 : vector<16xf32>
        %swap3A_692 = arith.constant 1 : i32
        %swap3A_693 = arith.index_cast %swap3A_692 : i32 to index
        %swap3A_694 = arith.index_cast %scan3A_678 : i32 to index
        %swap3A_695 = arith.constant 0 : index
        %swap3A_696 = tpu.vector_load %arg11[%swap3A_693, %swap3A_694, %swap3A_695] {strides = array<i32>} : memref<5x80x64xf32, #tpu.memory_space<vmem>>, vector<1x1x16xf32>,
        %swap3A_697 = vector.shape_cast %swap3A_696 : vector<1x1x16xf32> to vector<16xf32>
        %swap3A_698 = vector.shape_cast %add3A_691 : vector<16xf32> to vector<1x1x16xf32>
        tpu.vector_store %arg11[%swap3A_693, %swap3A_694, %swap3A_695], %swap3A_698 {strides = array<i32>} : memref<5x80x64xf32, #tpu.memory_space<vmem>>, vector<1x1x16xf32>,
        %get3A_699 = arith.constant 1 : i32
        %get3A_700 = arith.index_cast %get3A_699 : i32 to index
        %get3A_701 = arith.index_cast %scan3A_678 : i32 to index
        %get3A_702 = arith.constant 16 : index
        %get3A_703 = tpu.vector_load %arg9[%get3A_700, %get3A_701, %get3A_702] {strides = array<i32>} : memref<5x80x64xf32, #tpu.memory_space<vmem>>, vector<1x1x16xf32>,
        %get3A_704 = vector.shape_cast %get3A_703 : vector<1x1x16xf32> to vector<16xf32>
        %get3A_705 = arith.constant 1 : i32
        %get3A_706 = arith.index_cast %get3A_705 : i32 to index
        %get3A_707 = arith.index_cast %scan3A_678 : i32 to index
        %get3A_708 = arith.constant 16 : index
        %get3A_709 = tpu.vector_load %arg10[%get3A_706, %get3A_707, %get3A_708] {strides = array<i32>} : memref<5x80x64xf32, #tpu.memory_space<vmem>>, vector<1x1x16xf32>,
        %get3A_710 = vector.shape_cast %get3A_709 : vector<1x1x16xf32> to vector<16xf32>
        %add3A_711 = arith.addf %get3A_704, %get3A_710 : vector<16xf32>
        %swap3A_712 = arith.constant 1 : i32
        %swap3A_713 = arith.index_cast %swap3A_712 : i32 to index
        %swap3A_714 = arith.index_cast %scan3A_678 : i32 to index
        %swap3A_715 = arith.constant 16 : index
        %swap3A_716 = tpu.vector_load %arg11[%swap3A_713, %swap3A_714, %swap3A_715] {strides = array<i32>} : memref<5x80x64xf32, #tpu.memory_space<vmem>>, vector<1x1x16xf32>,
        %swap3A_717 = vector.shape_cast %swap3A_716 : vector<1x1x16xf32> to vector<16xf32>
        %swap3A_718 = vector.shape_cast %add3A_711 : vector<16xf32> to vector<1x1x16xf32>
        tpu.vector_store %arg11[%swap3A_713, %swap3A_714, %swap3A_715], %swap3A_718 {strides = array<i32>} : memref<5x80x64xf32, #tpu.memory_space<vmem>>, vector<1x1x16xf32>,
        %get3A_719 = arith.constant 1 : i32
        %get3A_720 = arith.index_cast %get3A_719 : i32 to index
        %get3A_721 = arith.index_cast %scan3A_678 : i32 to index
        %get3A_722 = arith.constant 32 : index
        %get3A_723 = tpu.vector_load %arg9[%get3A_720, %get3A_721, %get3A_722] {strides = array<i32>} : memref<5x80x64xf32, #tpu.memory_space<vmem>>, vector<1x1x16xf32>,
        %get3A_724 = vector.shape_cast %get3A_723 : vector<1x1x16xf32> to vector<16xf32>
        %get3A_725 = arith.constant 1 : i32
        %get3A_726 = arith.index_cast %get3A_725 : i32 to index
        %get3A_727 = arith.index_cast %scan3A_678 : i32 to index
        %get3A_728 = arith.constant 32 : index
        %get3A_729 = tpu.vector_load %arg10[%get3A_726, %get3A_727, %get3A_728] {strides = array<i32>} : memref<5x80x64xf32, #tpu.memory_space<vmem>>, vector<1x1x16xf32>,
        %get3A_730 = vector.shape_cast %get3A_729 : vector<1x1x16xf32> to vector<16xf32>
        %add3A_731 = arith.addf %get3A_724, %get3A_730 : vector<16xf32>
        %swap3A_732 = arith.constant 1 : i32
        %swap3A_733 = arith.index_cast %swap3A_732 : i32 to index
        %swap3A_734 = arith.index_cast %scan3A_678 : i32 to index
        %swap3A_735 = arith.constant 32 : index
        %swap3A_736 = tpu.vector_load %arg11[%swap3A_733, %swap3A_734, %swap3A_735] {strides = array<i32>} : memref<5x80x64xf32, #tpu.memory_space<vmem>>, vector<1x1x16xf32>,
        %swap3A_737 = vector.shape_cast %swap3A_736 : vector<1x1x16xf32> to vector<16xf32>
        %swap3A_738 = vector.shape_cast %add3A_731 : vector<16xf32> to vector<1x1x16xf32>
        tpu.vector_store %arg11[%swap3A_733, %swap3A_734, %swap3A_735], %swap3A_738 {strides = array<i32>} : memref<5x80x64xf32, #tpu.memory_space<vmem>>, vector<1x1x16xf32>,
        %get3A_739 = arith.constant 1 : i32
        %get3A_740 = arith.index_cast %get3A_739 : i32 to index
        %get3A_741 = arith.index_cast %scan3A_678 : i32 to index
        %get3A_742 = arith.constant 48 : index
        %get3A_743 = tpu.vector_load %arg9[%get3A_740, %get3A_741, %get3A_742] {strides = array<i32>} : memref<5x80x64xf32, #tpu.memory_space<vmem>>, vector<1x1x16xf32>,
        %get3A_744 = vector.shape_cast %get3A_743 : vector<1x1x16xf32> to vector<16xf32>
        %get3A_745 = arith.constant 1 : i32
        %get3A_746 = arith.index_cast %get3A_745 : i32 to index
        %get3A_747 = arith.index_cast %scan3A_678 : i32 to index
        %get3A_748 = arith.constant 48 : index
        %get3A_749 = tpu.vector_load %arg10[%get3A_746, %get3A_747, %get3A_748] {strides = array<i32>} : memref<5x80x64xf32, #tpu.memory_space<vmem>>, vector<1x1x16xf32>,
        %get3A_750 = vector.shape_cast %get3A_749 : vector<1x1x16xf32> to vector<16xf32>
        %add3A_751 = arith.addf %get3A_744, %get3A_750 : vector<16xf32>
        %swap3A_752 = arith.constant 1 : i32
        %swap3A_753 = arith.index_cast %swap3A_752 : i32 to index
        %swap3A_754 = arith.index_cast %scan3A_678 : i32 to index
        %swap3A_755 = arith.constant 48 : index
        %swap3A_756 = tpu.vector_load %arg11[%swap3A_753, %swap3A_754, %swap3A_755] {strides = array<i32>} : memref<5x80x64xf32, #tpu.memory_space<vmem>>, vector<1x1x16xf32>,
        %swap3A_757 = vector.shape_cast %swap3A_756 : vector<1x1x16xf32> to vector<16xf32>
        %swap3A_758 = vector.shape_cast %add3A_751 : vector<16xf32> to vector<1x1x16xf32>
        tpu.vector_store %arg11[%swap3A_753, %swap3A_754, %swap3A_755], %swap3A_758 {strides = array<i32>} : memref<5x80x64xf32, #tpu.memory_space<vmem>>, vector<1x1x16xf32>,
        %scan3A_759 = arith.constant 2 : i32
        %scan3A_760 = arith.addi %scan3A_598, %scan3A_759 : i32
        %get3A_761 = arith.constant 1 : i32
        %get3A_762 = arith.index_cast %get3A_761 : i32 to index
        %get3A_763 = arith.index_cast %scan3A_760 : i32 to index
        %get3A_764 = arith.constant 0 : index
        %get3A_765 = tpu.vector_load %arg9[%get3A_762, %get3A_763, %get3A_764] {strides = array<i32>} : memref<5x80x64xf32, #tpu.memory_space<vmem>>, vector<1x1x16xf32>,
        %get3A_766 = vector.shape_cast %get3A_765 : vector<1x1x16xf32> to vector<16xf32>
        %get3A_767 = arith.constant 1 : i32
        %get3A_768 = arith.index_cast %get3A_767 : i32 to index
        %get3A_769 = arith.index_cast %scan3A_760 : i32 to index
        %get3A_770 = arith.constant 0 : index
        %get3A_771 = tpu.vector_load %arg10[%get3A_768, %get3A_769, %get3A_770] {strides = array<i32>} : memref<5x80x64xf32, #tpu.memory_space<vmem>>, vector<1x1x16xf32>,
        %get3A_772 = vector.shape_cast %get3A_771 : vector<1x1x16xf32> to vector<16xf32>
        %add3A_773 = arith.addf %get3A_766, %get3A_772 : vector<16xf32>
        %swap3A_774 = arith.constant 1 : i32
        %swap3A_775 = arith.index_cast %swap3A_774 : i32 to index
        %swap3A_776 = arith.index_cast %scan3A_760 : i32 to index
        %swap3A_777 = arith.constant 0 : index
        %swap3A_778 = tpu.vector_load %arg11[%swap3A_775, %swap3A_776, %swap3A_777] {strides = array<i32>} : memref<5x80x64xf32, #tpu.memory_space<vmem>>, vector<1x1x16xf32>,
        %swap3A_779 = vector.shape_cast %swap3A_778 : vector<1x1x16xf32> to vector<16xf32>
        %swap3A_780 = vector.shape_cast %add3A_773 : vector<16xf32> to vector<1x1x16xf32>
        tpu.vector_store %arg11[%swap3A_775, %swap3A_776, %swap3A_777], %swap3A_780 {strides = array<i32>} : memref<5x80x64xf32, #tpu.memory_space<vmem>>, vector<1x1x16xf32>,
        %get3A_781 = arith.constant 1 : i32
        %get3A_782 = arith.index_cast %get3A_781 : i32 to index
        %get3A_783 = arith.index_cast %scan3A_760 : i32 to index
        %get3A_784 = arith.constant 16 : index
        %get3A_785 = tpu.vector_load %arg9[%get3A_782, %get3A_783, %get3A_784] {strides = array<i32>} : memref<5x80x64xf32, #tpu.memory_space<vmem>>, vector<1x1x16xf32>,
        %get3A_786 = vector.shape_cast %get3A_785 : vector<1x1x16xf32> to vector<16xf32>
        %get3A_787 = arith.constant 1 : i32
        %get3A_788 = arith.index_cast %get3A_787 : i32 to index
        %get3A_789 = arith.index_cast %scan3A_760 : i32 to index
        %get3A_790 = arith.constant 16 : index
        %get3A_791 = tpu.vector_load %arg10[%get3A_788, %get3A_789, %get3A_790] {strides = array<i32>} : memref<5x80x64xf32, #tpu.memory_space<vmem>>, vector<1x1x16xf32>,
        %get3A_792 = vector.shape_cast %get3A_791 : vector<1x1x16xf32> to vector<16xf32>
        %add3A_793 = arith.addf %get3A_786, %get3A_792 : vector<16xf32>
        %swap3A_794 = arith.constant 1 : i32
        %swap3A_795 = arith.index_cast %swap3A_794 : i32 to index
        %swap3A_796 = arith.index_cast %scan3A_760 : i32 to index
        %swap3A_797 = arith.constant 16 : index
        %swap3A_798 = tpu.vector_load %arg11[%swap3A_795, %swap3A_796, %swap3A_797] {strides = array<i32>} : memref<5x80x64xf32, #tpu.memory_space<vmem>>, vector<1x1x16xf32>,
        %swap3A_799 = vector.shape_cast %swap3A_798 : vector<1x1x16xf32> to vector<16xf32>
        %swap3A_800 = vector.shape_cast %add3A_793 : vector<16xf32> to vector<1x1x16xf32>
        tpu.vector_store %arg11[%swap3A_795, %swap3A_796, %swap3A_797], %swap3A_800 {strides = array<i32>} : memref<5x80x64xf32, #tpu.memory_space<vmem>>, vector<1x1x16xf32>,
        %get3A_801 = arith.constant 1 : i32
        %get3A_802 = arith.index_cast %get3A_801 : i32 to index
        %get3A_803 = arith.index_cast %scan3A_760 : i32 to index
        %get3A_804 = arith.constant 32 : index
        %get3A_805 = tpu.vector_load %arg9[%get3A_802, %get3A_803, %get3A_804] {strides = array<i32>} : memref<5x80x64xf32, #tpu.memory_space<vmem>>, vector<1x1x16xf32>,
        %get3A_806 = vector.shape_cast %get3A_805 : vector<1x1x16xf32> to vector<16xf32>
        %get3A_807 = arith.constant 1 : i32
        %get3A_808 = arith.index_cast %get3A_807 : i32 to index
        %get3A_809 = arith.index_cast %scan3A_760 : i32 to index
        %get3A_810 = arith.constant 32 : index
        %get3A_811 = tpu.vector_load %arg10[%get3A_808, %get3A_809, %get3A_810] {strides = array<i32>} : memref<5x80x64xf32, #tpu.memory_space<vmem>>, vector<1x1x16xf32>,
        %get3A_812 = vector.shape_cast %get3A_811 : vector<1x1x16xf32> to vector<16xf32>
        %add3A_813 = arith.addf %get3A_806, %get3A_812 : vector<16xf32>
        %swap3A_814 = arith.constant 1 : i32
        %swap3A_815 = arith.index_cast %swap3A_814 : i32 to index
        %swap3A_816 = arith.index_cast %scan3A_760 : i32 to index
        %swap3A_817 = arith.constant 32 : index
        %swap3A_818 = tpu.vector_load %arg11[%swap3A_815, %swap3A_816, %swap3A_817] {strides = array<i32>} : memref<5x80x64xf32, #tpu.memory_space<vmem>>, vector<1x1x16xf32>,
        %swap3A_819 = vector.shape_cast %swap3A_818 : vector<1x1x16xf32> to vector<16xf32>
        %swap3A_820 = vector.shape_cast %add3A_813 : vector<16xf32> to vector<1x1x16xf32>
        tpu.vector_store %arg11[%swap3A_815, %swap3A_816, %swap3A_817], %swap3A_820 {strides = array<i32>} : memref<5x80x64xf32, #tpu.memory_space<vmem>>, vector<1x1x16xf32>,
        %get3A_821 = arith.constant 1 : i32
        %get3A_822 = arith.index_cast %get3A_821 : i32 to index
        %get3A_823 = arith.index_cast %scan3A_760 : i32 to index
        %get3A_824 = arith.constant 48 : index
        %get3A_825 = tpu.vector_load %arg9[%get3A_822, %get3A_823, %get3A_824] {strides = array<i32>} : memref<5x80x64xf32, #tpu.memory_space<vmem>>, vector<1x1x16xf32>,
        %get3A_826 = vector.shape_cast %get3A_825 : vector<1x1x16xf32> to vector<16xf32>
        %get3A_827 = arith.constant 1 : i32
        %get3A_828 = arith.index_cast %get3A_827 : i32 to index
        %get3A_829 = arith.index_cast %scan3A_760 : i32 to index
        %get3A_830 = arith.constant 48 : index
        %get3A_831 = tpu.vector_load %arg10[%get3A_828, %get3A_829, %get3A_830] {strides = array<i32>} : memref<5x80x64xf32, #tpu.memory_space<vmem>>, vector<1x1x16xf32>,
        %get3A_832 = vector.shape_cast %get3A_831 : vector<1x1x16xf32> to vector<16xf32>
        %add3A_833 = arith.addf %get3A_826, %get3A_832 : vector<16xf32>
        %swap3A_834 = arith.constant 1 : i32
        %swap3A_835 = arith.index_cast %swap3A_834 : i32 to index
        %swap3A_836 = arith.index_cast %scan3A_760 : i32 to index
        %swap3A_837 = arith.constant 48 : index
        %swap3A_838 = tpu.vector_load %arg11[%swap3A_835, %swap3A_836, %swap3A_837] {strides = array<i32>} : memref<5x80x64xf32, #tpu.memory_space<vmem>>, vector<1x1x16xf32>,
        %swap3A_839 = vector.shape_cast %swap3A_838 : vector<1x1x16xf32> to vector<16xf32>
        %swap3A_840 = vector.shape_cast %add3A_833 : vector<16xf32> to vector<1x1x16xf32>
        tpu.vector_store %arg11[%swap3A_835, %swap3A_836, %swap3A_837], %swap3A_840 {strides = array<i32>} : memref<5x80x64xf32, #tpu.memory_space<vmem>>, vector<1x1x16xf32>,
        %scan3A_841 = arith.constant 3 : i32
        %scan3A_842 = arith.addi %scan3A_598, %scan3A_841 : i32
        %get3A_843 = arith.constant 1 : i32
        %get3A_844 = arith.index_cast %get3A_843 : i32 to index
        %get3A_845 = arith.index_cast %scan3A_842 : i32 to index
        %get3A_846 = arith.constant 0 : index
        %get3A_847 = tpu.vector_load %arg9[%get3A_844, %get3A_845, %get3A_846] {strides = array<i32>} : memref<5x80x64xf32, #tpu.memory_space<vmem>>, vector<1x1x16xf32>,
        %get3A_848 = vector.shape_cast %get3A_847 : vector<1x1x16xf32> to vector<16xf32>
        %get3A_849 = arith.constant 1 : i32
        %get3A_850 = arith.index_cast %get3A_849 : i32 to index
        %get3A_851 = arith.index_cast %scan3A_842 : i32 to index
        %get3A_852 = arith.constant 0 : index
        %get3A_853 = tpu.vector_load %arg10[%get3A_850, %get3A_851, %get3A_852] {strides = array<i32>} : memref<5x80x64xf32, #tpu.memory_space<vmem>>, vector<1x1x16xf32>,
        %get3A_854 = vector.shape_cast %get3A_853 : vector<1x1x16xf32> to vector<16xf32>
        %add3A_855 = arith.addf %get3A_848, %get3A_854 : vector<16xf32>
        %swap3A_856 = arith.constant 1 : i32
        %swap3A_857 = arith.index_cast %swap3A_856 : i32 to index
        %swap3A_858 = arith.index_cast %scan3A_842 : i32 to index
        %swap3A_859 = arith.constant 0 : index
        %swap3A_860 = tpu.vector_load %arg11[%swap3A_857, %swap3A_858, %swap3A_859] {strides = array<i32>} : memref<5x80x64xf32, #tpu.memory_space<vmem>>, vector<1x1x16xf32>,
        %swap3A_861 = vector.shape_cast %swap3A_860 : vector<1x1x16xf32> to vector<16xf32>
        %swap3A_862 = vector.shape_cast %add3A_855 : vector<16xf32> to vector<1x1x16xf32>
        tpu.vector_store %arg11[%swap3A_857, %swap3A_858, %swap3A_859], %swap3A_862 {strides = array<i32>} : memref<5x80x64xf32, #tpu.memory_space<vmem>>, vector<1x1x16xf32>,
        %get3A_863 = arith.constant 1 : i32
        %get3A_864 = arith.index_cast %get3A_863 : i32 to index
        %get3A_865 = arith.index_cast %scan3A_842 : i32 to index
        %get3A_866 = arith.constant 16 : index
        %get3A_867 = tpu.vector_load %arg9[%get3A_864, %get3A_865, %get3A_866] {strides = array<i32>} : memref<5x80x64xf32, #tpu.memory_space<vmem>>, vector<1x1x16xf32>,
        %get3A_868 = vector.shape_cast %get3A_867 : vector<1x1x16xf32> to vector<16xf32>
        %get3A_869 = arith.constant 1 : i32
        %get3A_870 = arith.index_cast %get3A_869 : i32 to index
        %get3A_871 = arith.index_cast %scan3A_842 : i32 to index
        %get3A_872 = arith.constant 16 : index
        %get3A_873 = tpu.vector_load %arg10[%get3A_870, %get3A_871, %get3A_872] {strides = array<i32>} : memref<5x80x64xf32, #tpu.memory_space<vmem>>, vector<1x1x16xf32>,
        %get3A_874 = vector.shape_cast %get3A_873 : vector<1x1x16xf32> to vector<16xf32>
        %add3A_875 = arith.addf %get3A_868, %get3A_874 : vector<16xf32>
        %swap3A_876 = arith.constant 1 : i32
        %swap3A_877 = arith.index_cast %swap3A_876 : i32 to index
        %swap3A_878 = arith.index_cast %scan3A_842 : i32 to index
        %swap3A_879 = arith.constant 16 : index
        %swap3A_880 = tpu.vector_load %arg11[%swap3A_877, %swap3A_878, %swap3A_879] {strides = array<i32>} : memref<5x80x64xf32, #tpu.memory_space<vmem>>, vector<1x1x16xf32>,
        %swap3A_881 = vector.shape_cast %swap3A_880 : vector<1x1x16xf32> to vector<16xf32>
        %swap3A_882 = vector.shape_cast %add3A_875 : vector<16xf32> to vector<1x1x16xf32>
        tpu.vector_store %arg11[%swap3A_877, %swap3A_878, %swap3A_879], %swap3A_882 {strides = array<i32>} : memref<5x80x64xf32, #tpu.memory_space<vmem>>, vector<1x1x16xf32>,
        %get3A_883 = arith.constant 1 : i32
        %get3A_884 = arith.index_cast %get3A_883 : i32 to index
        %get3A_885 = arith.index_cast %scan3A_842 : i32 to index
        %get3A_886 = arith.constant 32 : index
        %get3A_887 = tpu.vector_load %arg9[%get3A_884, %get3A_885, %get3A_886] {strides = array<i32>} : memref<5x80x64xf32, #tpu.memory_space<vmem>>, vector<1x1x16xf32>,
        %get3A_888 = vector.shape_cast %get3A_887 : vector<1x1x16xf32> to vector<16xf32>
        %get3A_889 = arith.constant 1 : i32
        %get3A_890 = arith.index_cast %get3A_889 : i32 to index
        %get3A_891 = arith.index_cast %scan3A_842 : i32 to index
        %get3A_892 = arith.constant 32 : index
        %get3A_893 = tpu.vector_load %arg10[%get3A_890, %get3A_891, %get3A_892] {strides = array<i32>} : memref<5x80x64xf32, #tpu.memory_space<vmem>>, vector<1x1x16xf32>,
        %get3A_894 = vector.shape_cast %get3A_893 : vector<1x1x16xf32> to vector<16xf32>
        %add3A_895 = arith.addf %get3A_888, %get3A_894 : vector<16xf32>
        %swap3A_896 = arith.constant 1 : i32
        %swap3A_897 = arith.index_cast %swap3A_896 : i32 to index
        %swap3A_898 = arith.index_cast %scan3A_842 : i32 to index
        %swap3A_899 = arith.constant 32 : index
        %swap3A_900 = tpu.vector_load %arg11[%swap3A_897, %swap3A_898, %swap3A_899] {strides = array<i32>} : memref<5x80x64xf32, #tpu.memory_space<vmem>>, vector<1x1x16xf32>,
        %swap3A_901 = vector.shape_cast %swap3A_900 : vector<1x1x16xf32> to vector<16xf32>
        %swap3A_902 = vector.shape_cast %add3A_895 : vector<16xf32> to vector<1x1x16xf32>
        tpu.vector_store %arg11[%swap3A_897, %swap3A_898, %swap3A_899], %swap3A_902 {strides = array<i32>} : memref<5x80x64xf32, #tpu.memory_space<vmem>>, vector<1x1x16xf32>,
        %get3A_903 = arith.constant 1 : i32
        %get3A_904 = arith.index_cast %get3A_903 : i32 to index
        %get3A_905 = arith.index_cast %scan3A_842 : i32 to index
        %get3A_906 = arith.constant 48 : index
        %get3A_907 = tpu.vector_load %arg9[%get3A_904, %get3A_905, %get3A_906] {strides = array<i32>} : memref<5x80x64xf32, #tpu.memory_space<vmem>>, vector<1x1x16xf32>,
        %get3A_908 = vector.shape_cast %get3A_907 : vector<1x1x16xf32> to vector<16xf32>
        %get3A_909 = arith.constant 1 : i32
        %get3A_910 = arith.index_cast %get3A_909 : i32 to index
        %get3A_911 = arith.index_cast %scan3A_842 : i32 to index
        %get3A_912 = arith.constant 48 : index
        %get3A_913 = tpu.vector_load %arg10[%get3A_910, %get3A_911, %get3A_912] {strides = array<i32>} : memref<5x80x64xf32, #tpu.memory_space<vmem>>, vector<1x1x16xf32>,
        %get3A_914 = vector.shape_cast %get3A_913 : vector<1x1x16xf32> to vector<16xf32>
        %add3A_915 = arith.addf %get3A_908, %get3A_914 : vector<16xf32>
        %swap3A_916 = arith.constant 1 : i32
        %swap3A_917 = arith.index_cast %swap3A_916 : i32 to index
        %swap3A_918 = arith.index_cast %scan3A_842 : i32 to index
        %swap3A_919 = arith.constant 48 : index
        %swap3A_920 = tpu.vector_load %arg11[%swap3A_917, %swap3A_918, %swap3A_919] {strides = array<i32>} : memref<5x80x64xf32, #tpu.memory_space<vmem>>, vector<1x1x16xf32>,
        %swap3A_921 = vector.shape_cast %swap3A_920 : vector<1x1x16xf32> to vector<16xf32>
        %swap3A_922 = vector.shape_cast %add3A_915 : vector<16xf32> to vector<1x1x16xf32>
        tpu.vector_store %arg11[%swap3A_917, %swap3A_918, %swap3A_919], %swap3A_922 {strides = array<i32>} : memref<5x80x64xf32, #tpu.memory_space<vmem>>, vector<1x1x16xf32>,
      }
      %scan3A_340 = arith.constant 80 : i32
      %mul3A_341 = arith.constant 80 : i32
      %mul3A_342 = arith.muli %add3A_293, %mul3A_341 : i32
      %add3A_343 = arith.addi %mul3A_2, %mul3A_342 : i32
      %dma_start3A_344 = arith.constant 1 : i32
      %dma_start3A_345 = arith.constant 1 : i32
      %dma_start3A_346 = arith.constant 0 : i32
      %dma_start3A_347 = arith.constant 0 : i32
      %dma_start3A_348 = tpu.memref_slice %arg11[%dma_start3A_344, %dma_start3A_346, %dma_start3A_347] : memref<5x80x64xf32, #tpu.memory_space<vmem>> -> memref<1x80x64xf32, #tpu.memory_space<vmem>>
      %dma_start3A_349 = tpu.memref_squeeze %dma_start3A_348 : memref<1x80x64xf32, #tpu.memory_space<vmem>> -> memref<80x64xf32, #tpu.memory_space<vmem>>
      %dma_start3A_350 = arith.constant 0 : i32
      %dma_start3A_351 = tpu.memref_slice %arg6[%add3A_343, %dma_start3A_350] : memref<320000x64xf32, #tpu.memory_space<hbm>> -> memref<80x64xf32, #tpu.memory_space<hbm>>
      %dma_start3A_352 = tpu.memref_slice %arg13[%dma_start3A_345] : memref<5x!tpu.dma_semaphore, #tpu.memory_space<semaphore_mem>> -> memref<1x!tpu.dma_semaphore, #tpu.memory_space<semaphore_mem>>
      %dma_start3A_353 = tpu.memref_squeeze %dma_start3A_352 : memref<1x!tpu.dma_semaphore, #tpu.memory_space<semaphore_mem>> -> memref<!tpu.dma_semaphore, #tpu.memory_space<semaphore_mem>>
      %dma_start3A_354 = arith.constant 0 : i32
      %dma_start3A_355 = tpu.memref_slice %arg6[%add3A_343, %dma_start3A_354] : memref<320000x64xf32, #tpu.memory_space<hbm>> -> memref<80x64xf32, #tpu.memory_space<hbm>>
      %dma_start3A_356 = arith.constant 0 : i32
      %dma_start3A_357 = arith.constant 0 : i32
      %dma_start3A_358 = tpu.memref_slice %arg11[%dma_start3A_344, %dma_start3A_356, %dma_start3A_357] : memref<5x80x64xf32, #tpu.memory_space<vmem>> -> memref<1x80x64xf32, #tpu.memory_space<vmem>>
      %dma_start3A_359 = tpu.memref_squeeze %dma_start3A_358 : memref<1x80x64xf32, #tpu.memory_space<vmem>> -> memref<80x64xf32, #tpu.memory_space<vmem>>
      tpu.enqueue_dma source(%dma_start3A_359 : memref<80x64xf32, #tpu.memory_space<vmem>>) target(%dma_start3A_355 : memref<80x64xf32, #tpu.memory_space<hbm>>) target_semaphore(%dma_start3A_353 : memref<!tpu.dma_semaphore, #tpu.memory_space<semaphore_mem>>)
      %add3A_360 = arith.constant 5 : i32
      %add3A_361 = arith.addi %add3A_293, %add3A_360 : i32
      %lt3A_362 = arith.constant 125 : i32
      %lt3A_363 = arith.cmpi slt, %add3A_361, %lt3A_362 : i32
      %convert_element_type3A_364 = arith.extui %lt3A_363 : i1 to i32
      %cond3A_365 = arith.constant 0 : i32
      %cond3A_366 = arith.cmpi ne, %convert_element_type3A_364, %cond3A_365 : i32
      scf.if %cond3A_366 {
        %add3A_598 = arith.constant 5 : i32
        %add3A_599 = arith.addi %add3A_293, %add3A_598 : i32
        %mul3A_600 = arith.constant 80 : i32
        %mul3A_601 = arith.muli %add3A_599, %mul3A_600 : i32
        %dma_start3A_602 = arith.constant 1 : i32
        %dma_start3A_603 = arith.constant 1 : i32
        %dma_start3A_604 = arith.constant 0 : i32
        %dma_start3A_605 = arith.constant 0 : i32
        %dma_start3A_606 = tpu.memref_slice %arg9[%dma_start3A_602, %dma_start3A_604, %dma_start3A_605] : memref<5x80x64xf32, #tpu.memory_space<vmem>> -> memref<1x80x64xf32, #tpu.memory_space<vmem>>
        %dma_start3A_607 = tpu.memref_squeeze %dma_start3A_606 : memref<1x80x64xf32, #tpu.memory_space<vmem>> -> memref<80x64xf32, #tpu.memory_space<vmem>>
        %dma_start3A_608 = tpu.memref_slice %arg7[%mul3A_601] : memref<10000xi32, #tpu.memory_space<vmem>> -> memref<80xi32, #tpu.memory_space<vmem>>
        %dma_start3A_609 = arith.constant 0 : i32
        %dma_start3A_610 = arith.constant 0 : i32
        %dma_start3A_611 = tpu.memref_slice %arg2[%dma_start3A_609, %dma_start3A_610] : memref<10000x64xf32, #tpu.memory_space<hbm>> -> memref<10000x64xf32, #tpu.memory_space<hbm>>
        %dma_start3A_612 = tpu.memref_slice %arg12[%dma_start3A_603] : memref<5x!tpu.dma_semaphore, #tpu.memory_space<semaphore_mem>> -> memref<1x!tpu.dma_semaphore, #tpu.memory_space<semaphore_mem>>
        %dma_start3A_613 = tpu.memref_squeeze %dma_start3A_612 : memref<1x!tpu.dma_semaphore, #tpu.memory_space<semaphore_mem>> -> memref<!tpu.dma_semaphore, #tpu.memory_space<semaphore_mem>>
        tpu.enqueue_indirect_dma source(%dma_start3A_611 : memref<10000x64xf32, #tpu.memory_space<hbm>>) target(%dma_start3A_607 : memref<80x64xf32, #tpu.memory_space<vmem>>) offsets(%dma_start3A_608 : memref<80xi32, #tpu.memory_space<vmem>>) semaphore(%dma_start3A_613 : memref<!tpu.dma_semaphore, #tpu.memory_space<semaphore_mem>>)
        %dma_start3A_614 = arith.constant 1 : i32
        %dma_start3A_615 = arith.constant 1 : i32
        %dma_start3A_616 = arith.constant 0 : i32
        %dma_start3A_617 = arith.constant 0 : i32
        %dma_start3A_618 = tpu.memref_slice %arg10[%dma_start3A_614, %dma_start3A_616, %dma_start3A_617] : memref<5x80x64xf32, #tpu.memory_space<vmem>> -> memref<1x80x64xf32, #tpu.memory_space<vmem>>
        %dma_start3A_619 = tpu.memref_squeeze %dma_start3A_618 : memref<1x80x64xf32, #tpu.memory_space<vmem>> -> memref<80x64xf32, #tpu.memory_space<vmem>>
        %dma_start3A_620 = tpu.memref_slice %arg8[%mul3A_601] : memref<10000xi32, #tpu.memory_space<vmem>> -> memref<80xi32, #tpu.memory_space<vmem>>
        %dma_start3A_621 = arith.constant 0 : i32
        %dma_start3A_622 = arith.constant 0 : i32
        %dma_start3A_623 = tpu.memref_slice %arg3[%dma_start3A_621, %dma_start3A_622] : memref<10000x64xf32, #tpu.memory_space<hbm>> -> memref<10000x64xf32, #tpu.memory_space<hbm>>
        %dma_start3A_624 = tpu.memref_slice %arg12[%dma_start3A_615] : memref<5x!tpu.dma_semaphore, #tpu.memory_space<semaphore_mem>> -> memref<1x!tpu.dma_semaphore, #tpu.memory_space<semaphore_mem>>
        %dma_start3A_625 = tpu.memref_squeeze %dma_start3A_624 : memref<1x!tpu.dma_semaphore, #tpu.memory_space<semaphore_mem>> -> memref<!tpu.dma_semaphore, #tpu.memory_space<semaphore_mem>>
        tpu.enqueue_indirect_dma source(%dma_start3A_623 : memref<10000x64xf32, #tpu.memory_space<hbm>>) target(%dma_start3A_619 : memref<80x64xf32, #tpu.memory_space<vmem>>) offsets(%dma_start3A_620 : memref<80xi32, #tpu.memory_space<vmem>>) semaphore(%dma_start3A_625 : memref<!tpu.dma_semaphore, #tpu.memory_space<semaphore_mem>>)
      } else {
      }
      %mul3A_367 = arith.constant 5 : i32
      %mul3A_368 = arith.muli %scan3A_216, %mul3A_367 : i32
      %add3A_369 = arith.constant 2 : i32
      %add3A_370 = arith.addi %mul3A_368, %add3A_369 : i32
      %dma_wait3A_371 = arith.constant 2 : i32
      %dma_wait3A_372 = arith.constant 2 : i32
      %dma_wait3A_373 = arith.constant 0 : i32
      %dma_wait3A_374 = arith.constant 0 : i32
      %dma_wait3A_375 = tpu.memref_slice %arg9[%dma_wait3A_371, %dma_wait3A_373, %dma_wait3A_374] : memref<5x80x64xf32, #tpu.memory_space<vmem>> -> memref<1x80x64xf32, #tpu.memory_space<vmem>>
      %dma_wait3A_376 = tpu.memref_squeeze %dma_wait3A_375 : memref<1x80x64xf32, #tpu.memory_space<vmem>> -> memref<80x64xf32, #tpu.memory_space<vmem>>
      %dma_wait3A_377 = arith.constant 0 : i32
      %dma_wait3A_378 = arith.constant 0 : i32
      %dma_wait3A_379 = tpu.memref_slice %arg2[%dma_wait3A_377, %dma_wait3A_378] : memref<10000x64xf32, #tpu.memory_space<hbm>> -> memref<80x64xf32, #tpu.memory_space<hbm>>
      %dma_wait3A_380 = tpu.memref_slice %arg12[%dma_wait3A_372] : memref<5x!tpu.dma_semaphore, #tpu.memory_space<semaphore_mem>> -> memref<1x!tpu.dma_semaphore, #tpu.memory_space<semaphore_mem>>
      %dma_wait3A_381 = tpu.memref_squeeze %dma_wait3A_380 : memref<1x!tpu.dma_semaphore, #tpu.memory_space<semaphore_mem>> -> memref<!tpu.dma_semaphore, #tpu.memory_space<semaphore_mem>>
      %dma_wait3A_382 = arith.constant 0 : i32
      %dma_wait3A_383 = arith.constant 0 : i32
      %dma_wait3A_384 = tpu.memref_slice %arg9[%dma_wait3A_371, %dma_wait3A_382, %dma_wait3A_383] : memref<5x80x64xf32, #tpu.memory_space<vmem>> -> memref<1x80x64xf32, #tpu.memory_space<vmem>>
      %dma_wait3A_385 = tpu.memref_squeeze %dma_wait3A_384 : memref<1x80x64xf32, #tpu.memory_space<vmem>> -> memref<80x64xf32, #tpu.memory_space<vmem>>
      %dma_wait3A_386 = arith.constant 0 : i32
      %dma_wait3A_387 = arith.constant 0 : i32
      %dma_wait3A_388 = tpu.memref_slice %arg2[%dma_wait3A_386, %dma_wait3A_387] : memref<10000x64xf32, #tpu.memory_space<hbm>> -> memref<80x64xf32, #tpu.memory_space<hbm>>
      tpu.wait_dma2 semaphore(%dma_wait3A_381 : memref<!tpu.dma_semaphore, #tpu.memory_space<semaphore_mem>>) src(%dma_wait3A_388 : memref<80x64xf32, #tpu.memory_space<hbm>>) dst(%dma_wait3A_385 : memref<80x64xf32, #tpu.memory_space<vmem>>)
      %dma_wait3A_389 = arith.constant 2 : i32
      %dma_wait3A_390 = arith.constant 2 : i32
      %dma_wait3A_391 = arith.constant 0 : i32
      %dma_wait3A_392 = arith.constant 0 : i32
      %dma_wait3A_393 = tpu.memref_slice %arg10[%dma_wait3A_389, %dma_wait3A_391, %dma_wait3A_392] : memref<5x80x64xf32, #tpu.memory_space<vmem>> -> memref<1x80x64xf32, #tpu.memory_space<vmem>>
      %dma_wait3A_394 = tpu.memref_squeeze %dma_wait3A_393 : memref<1x80x64xf32, #tpu.memory_space<vmem>> -> memref<80x64xf32, #tpu.memory_space<vmem>>
      %dma_wait3A_395 = arith.constant 0 : i32
      %dma_wait3A_396 = arith.constant 0 : i32
      %dma_wait3A_397 = tpu.memref_slice %arg3[%dma_wait3A_395, %dma_wait3A_396] : memref<10000x64xf32, #tpu.memory_space<hbm>> -> memref<80x64xf32, #tpu.memory_space<hbm>>
      %dma_wait3A_398 = tpu.memref_slice %arg12[%dma_wait3A_390] : memref<5x!tpu.dma_semaphore, #tpu.memory_space<semaphore_mem>> -> memref<1x!tpu.dma_semaphore, #tpu.memory_space<semaphore_mem>>
      %dma_wait3A_399 = tpu.memref_squeeze %dma_wait3A_398 : memref<1x!tpu.dma_semaphore, #tpu.memory_space<semaphore_mem>> -> memref<!tpu.dma_semaphore, #tpu.memory_space<semaphore_mem>>
      %dma_wait3A_400 = arith.constant 0 : i32
      %dma_wait3A_401 = arith.constant 0 : i32
      %dma_wait3A_402 = tpu.memref_slice %arg10[%dma_wait3A_389, %dma_wait3A_400, %dma_wait3A_401] : memref<5x80x64xf32, #tpu.memory_space<vmem>> -> memref<1x80x64xf32, #tpu.memory_space<vmem>>
      %dma_wait3A_403 = tpu.memref_squeeze %dma_wait3A_402 : memref<1x80x64xf32, #tpu.memory_space<vmem>> -> memref<80x64xf32, #tpu.memory_space<vmem>>
      %dma_wait3A_404 = arith.constant 0 : i32
      %dma_wait3A_405 = arith.constant 0 : i32
      %dma_wait3A_406 = tpu.memref_slice %arg3[%dma_wait3A_404, %dma_wait3A_405] : memref<10000x64xf32, #tpu.memory_space<hbm>> -> memref<80x64xf32, #tpu.memory_space<hbm>>
      tpu.wait_dma2 semaphore(%dma_wait3A_399 : memref<!tpu.dma_semaphore, #tpu.memory_space<semaphore_mem>>) src(%dma_wait3A_406 : memref<80x64xf32, #tpu.memory_space<hbm>>) dst(%dma_wait3A_403 : memref<80x64xf32, #tpu.memory_space<vmem>>)
      %gt3A_407 = arith.constant 0 : i32
      %gt3A_408 = arith.cmpi sgt, %scan3A_216, %gt3A_407 : i32
      %convert_element_type3A_409 = arith.extui %gt3A_408 : i1 to i32
      %cond3A_410 = arith.constant 0 : i32
      %cond3A_411 = arith.cmpi ne, %convert_element_type3A_409, %cond3A_410 : i32
      scf.if %cond3A_411 {
        %dma_wait3A_598 = arith.constant 2 : i32
        %dma_wait3A_599 = arith.constant 2 : i32
        %dma_wait3A_600 = arith.constant 0 : i32
        %dma_wait3A_601 = arith.constant 0 : i32
        %dma_wait3A_602 = tpu.memref_slice %arg11[%dma_wait3A_598, %dma_wait3A_600, %dma_wait3A_601] : memref<5x80x64xf32, #tpu.memory_space<vmem>> -> memref<1x80x64xf32, #tpu.memory_space<vmem>>
        %dma_wait3A_603 = tpu.memref_squeeze %dma_wait3A_602 : memref<1x80x64xf32, #tpu.memory_space<vmem>> -> memref<80x64xf32, #tpu.memory_space<vmem>>
        %dma_wait3A_604 = arith.constant 0 : i32
        %dma_wait3A_605 = tpu.memref_slice %arg6[%mul3A_2, %dma_wait3A_604] : memref<320000x64xf32, #tpu.memory_space<hbm>> -> memref<80x64xf32, #tpu.memory_space<hbm>>
        %dma_wait3A_606 = tpu.memref_slice %arg13[%dma_wait3A_599] : memref<5x!tpu.dma_semaphore, #tpu.memory_space<semaphore_mem>> -> memref<1x!tpu.dma_semaphore, #tpu.memory_space<semaphore_mem>>
        %dma_wait3A_607 = tpu.memref_squeeze %dma_wait3A_606 : memref<1x!tpu.dma_semaphore, #tpu.memory_space<semaphore_mem>> -> memref<!tpu.dma_semaphore, #tpu.memory_space<semaphore_mem>>
        %dma_wait3A_608 = arith.constant 0 : i32
        %dma_wait3A_609 = tpu.memref_slice %arg6[%mul3A_2, %dma_wait3A_608] : memref<320000x64xf32, #tpu.memory_space<hbm>> -> memref<80x64xf32, #tpu.memory_space<hbm>>
        %dma_wait3A_610 = arith.constant 0 : i32
        %dma_wait3A_611 = arith.constant 0 : i32
        %dma_wait3A_612 = tpu.memref_slice %arg11[%dma_wait3A_598, %dma_wait3A_610, %dma_wait3A_611] : memref<5x80x64xf32, #tpu.memory_space<vmem>> -> memref<1x80x64xf32, #tpu.memory_space<vmem>>
        %dma_wait3A_613 = tpu.memref_squeeze %dma_wait3A_612 : memref<1x80x64xf32, #tpu.memory_space<vmem>> -> memref<80x64xf32, #tpu.memory_space<vmem>>
        tpu.wait_dma2 semaphore(%dma_wait3A_607 : memref<!tpu.dma_semaphore, #tpu.memory_space<semaphore_mem>>) src(%dma_wait3A_613 : memref<80x64xf32, #tpu.memory_space<vmem>>) dst(%dma_wait3A_609 : memref<80x64xf32, #tpu.memory_space<hbm>>)
      } else {
      }
      %scan3A_412 = arith.constant 0 : i32
      %scan3A_413 = arith.constant 0 : i32
      %scan3A_414 = arith.constant 80 : i32
      %scan3A_415 = arith.addi %scan3A_413, %scan3A_414 : i32
      %scan3A_416 = arith.constant 4 : i32
      scf.for %scan3A_598 = %scan3A_413 to %scan3A_415 step %scan3A_416  : i32 {
        %get3A = arith.constant 2 : i32
        %get3A_599 = arith.index_cast %get3A : i32 to index
        %get3A_600 = arith.index_cast %scan3A_598 : i32 to index
        %get3A_601 = arith.constant 0 : index
        %get3A_602 = tpu.vector_load %arg9[%get3A_599, %get3A_600, %get3A_601] {strides = array<i32>} : memref<5x80x64xf32, #tpu.memory_space<vmem>>, vector<1x1x16xf32>,
        %get3A_603 = vector.shape_cast %get3A_602 : vector<1x1x16xf32> to vector<16xf32>
        %get3A_604 = arith.constant 2 : i32
        %get3A_605 = arith.index_cast %get3A_604 : i32 to index
        %get3A_606 = arith.index_cast %scan3A_598 : i32 to index
        %get3A_607 = arith.constant 0 : index
        %get3A_608 = tpu.vector_load %arg10[%get3A_605, %get3A_606, %get3A_607] {strides = array<i32>} : memref<5x80x64xf32, #tpu.memory_space<vmem>>, vector<1x1x16xf32>,
        %get3A_609 = vector.shape_cast %get3A_608 : vector<1x1x16xf32> to vector<16xf32>
        %add3A_610 = arith.addf %get3A_603, %get3A_609 : vector<16xf32>
        %swap3A = arith.constant 2 : i32
        %swap3A_611 = arith.index_cast %swap3A : i32 to index
        %swap3A_612 = arith.index_cast %scan3A_598 : i32 to index
        %swap3A_613 = arith.constant 0 : index
        %swap3A_614 = tpu.vector_load %arg11[%swap3A_611, %swap3A_612, %swap3A_613] {strides = array<i32>} : memref<5x80x64xf32, #tpu.memory_space<vmem>>, vector<1x1x16xf32>,
        %swap3A_615 = vector.shape_cast %swap3A_614 : vector<1x1x16xf32> to vector<16xf32>
        %swap3A_616 = vector.shape_cast %add3A_610 : vector<16xf32> to vector<1x1x16xf32>
        tpu.vector_store %arg11[%swap3A_611, %swap3A_612, %swap3A_613], %swap3A_616 {strides = array<i32>} : memref<5x80x64xf32, #tpu.memory_space<vmem>>, vector<1x1x16xf32>,
        %get3A_617 = arith.constant 2 : i32
        %get3A_618 = arith.index_cast %get3A_617 : i32 to index
        %get3A_619 = arith.index_cast %scan3A_598 : i32 to index
        %get3A_620 = arith.constant 16 : index
        %get3A_621 = tpu.vector_load %arg9[%get3A_618, %get3A_619, %get3A_620] {strides = array<i32>} : memref<5x80x64xf32, #tpu.memory_space<vmem>>, vector<1x1x16xf32>,
        %get3A_622 = vector.shape_cast %get3A_621 : vector<1x1x16xf32> to vector<16xf32>
        %get3A_623 = arith.constant 2 : i32
        %get3A_624 = arith.index_cast %get3A_623 : i32 to index
        %get3A_625 = arith.index_cast %scan3A_598 : i32 to index
        %get3A_626 = arith.constant 16 : index
        %get3A_627 = tpu.vector_load %arg10[%get3A_624, %get3A_625, %get3A_626] {strides = array<i32>} : memref<5x80x64xf32, #tpu.memory_space<vmem>>, vector<1x1x16xf32>,
        %get3A_628 = vector.shape_cast %get3A_627 : vector<1x1x16xf32> to vector<16xf32>
        %add3A_629 = arith.addf %get3A_622, %get3A_628 : vector<16xf32>
        %swap3A_630 = arith.constant 2 : i32
        %swap3A_631 = arith.index_cast %swap3A_630 : i32 to index
        %swap3A_632 = arith.index_cast %scan3A_598 : i32 to index
        %swap3A_633 = arith.constant 16 : index
        %swap3A_634 = tpu.vector_load %arg11[%swap3A_631, %swap3A_632, %swap3A_633] {strides = array<i32>} : memref<5x80x64xf32, #tpu.memory_space<vmem>>, vector<1x1x16xf32>,
        %swap3A_635 = vector.shape_cast %swap3A_634 : vector<1x1x16xf32> to vector<16xf32>
        %swap3A_636 = vector.shape_cast %add3A_629 : vector<16xf32> to vector<1x1x16xf32>
        tpu.vector_store %arg11[%swap3A_631, %swap3A_632, %swap3A_633], %swap3A_636 {strides = array<i32>} : memref<5x80x64xf32, #tpu.memory_space<vmem>>, vector<1x1x16xf32>,
        %get3A_637 = arith.constant 2 : i32
        %get3A_638 = arith.index_cast %get3A_637 : i32 to index
        %get3A_639 = arith.index_cast %scan3A_598 : i32 to index
        %get3A_640 = arith.constant 32 : index
        %get3A_641 = tpu.vector_load %arg9[%get3A_638, %get3A_639, %get3A_640] {strides = array<i32>} : memref<5x80x64xf32, #tpu.memory_space<vmem>>, vector<1x1x16xf32>,
        %get3A_642 = vector.shape_cast %get3A_641 : vector<1x1x16xf32> to vector<16xf32>
        %get3A_643 = arith.constant 2 : i32
        %get3A_644 = arith.index_cast %get3A_643 : i32 to index
        %get3A_645 = arith.index_cast %scan3A_598 : i32 to index
        %get3A_646 = arith.constant 32 : index
        %get3A_647 = tpu.vector_load %arg10[%get3A_644, %get3A_645, %get3A_646] {strides = array<i32>} : memref<5x80x64xf32, #tpu.memory_space<vmem>>, vector<1x1x16xf32>,
        %get3A_648 = vector.shape_cast %get3A_647 : vector<1x1x16xf32> to vector<16xf32>
        %add3A_649 = arith.addf %get3A_642, %get3A_648 : vector<16xf32>
        %swap3A_650 = arith.constant 2 : i32
        %swap3A_651 = arith.index_cast %swap3A_650 : i32 to index
        %swap3A_652 = arith.index_cast %scan3A_598 : i32 to index
        %swap3A_653 = arith.constant 32 : index
        %swap3A_654 = tpu.vector_load %arg11[%swap3A_651, %swap3A_652, %swap3A_653] {strides = array<i32>} : memref<5x80x64xf32, #tpu.memory_space<vmem>>, vector<1x1x16xf32>,
        %swap3A_655 = vector.shape_cast %swap3A_654 : vector<1x1x16xf32> to vector<16xf32>
        %swap3A_656 = vector.shape_cast %add3A_649 : vector<16xf32> to vector<1x1x16xf32>
        tpu.vector_store %arg11[%swap3A_651, %swap3A_652, %swap3A_653], %swap3A_656 {strides = array<i32>} : memref<5x80x64xf32, #tpu.memory_space<vmem>>, vector<1x1x16xf32>,
        %get3A_657 = arith.constant 2 : i32
        %get3A_658 = arith.index_cast %get3A_657 : i32 to index
        %get3A_659 = arith.index_cast %scan3A_598 : i32 to index
        %get3A_660 = arith.constant 48 : index
        %get3A_661 = tpu.vector_load %arg9[%get3A_658, %get3A_659, %get3A_660] {strides = array<i32>} : memref<5x80x64xf32, #tpu.memory_space<vmem>>, vector<1x1x16xf32>,
        %get3A_662 = vector.shape_cast %get3A_661 : vector<1x1x16xf32> to vector<16xf32>
        %get3A_663 = arith.constant 2 : i32
        %get3A_664 = arith.index_cast %get3A_663 : i32 to index
        %get3A_665 = arith.index_cast %scan3A_598 : i32 to index
        %get3A_666 = arith.constant 48 : index
        %get3A_667 = tpu.vector_load %arg10[%get3A_664, %get3A_665, %get3A_666] {strides = array<i32>} : memref<5x80x64xf32, #tpu.memory_space<vmem>>, vector<1x1x16xf32>,
        %get3A_668 = vector.shape_cast %get3A_667 : vector<1x1x16xf32> to vector<16xf32>
        %add3A_669 = arith.addf %get3A_662, %get3A_668 : vector<16xf32>
        %swap3A_670 = arith.constant 2 : i32
        %swap3A_671 = arith.index_cast %swap3A_670 : i32 to index
        %swap3A_672 = arith.index_cast %scan3A_598 : i32 to index
        %swap3A_673 = arith.constant 48 : index
        %swap3A_674 = tpu.vector_load %arg11[%swap3A_671, %swap3A_672, %swap3A_673] {strides = array<i32>} : memref<5x80x64xf32, #tpu.memory_space<vmem>>, vector<1x1x16xf32>,
        %swap3A_675 = vector.shape_cast %swap3A_674 : vector<1x1x16xf32> to vector<16xf32>
        %swap3A_676 = vector.shape_cast %add3A_669 : vector<16xf32> to vector<1x1x16xf32>
        tpu.vector_store %arg11[%swap3A_671, %swap3A_672, %swap3A_673], %swap3A_676 {strides = array<i32>} : memref<5x80x64xf32, #tpu.memory_space<vmem>>, vector<1x1x16xf32>,
        %scan3A_677 = arith.constant 1 : i32
        %scan3A_678 = arith.addi %scan3A_598, %scan3A_677 : i32
        %get3A_679 = arith.constant 2 : i32
        %get3A_680 = arith.index_cast %get3A_679 : i32 to index
        %get3A_681 = arith.index_cast %scan3A_678 : i32 to index
        %get3A_682 = arith.constant 0 : index
        %get3A_683 = tpu.vector_load %arg9[%get3A_680, %get3A_681, %get3A_682] {strides = array<i32>} : memref<5x80x64xf32, #tpu.memory_space<vmem>>, vector<1x1x16xf32>,
        %get3A_684 = vector.shape_cast %get3A_683 : vector<1x1x16xf32> to vector<16xf32>
        %get3A_685 = arith.constant 2 : i32
        %get3A_686 = arith.index_cast %get3A_685 : i32 to index
        %get3A_687 = arith.index_cast %scan3A_678 : i32 to index
        %get3A_688 = arith.constant 0 : index
        %get3A_689 = tpu.vector_load %arg10[%get3A_686, %get3A_687, %get3A_688] {strides = array<i32>} : memref<5x80x64xf32, #tpu.memory_space<vmem>>, vector<1x1x16xf32>,
        %get3A_690 = vector.shape_cast %get3A_689 : vector<1x1x16xf32> to vector<16xf32>
        %add3A_691 = arith.addf %get3A_684, %get3A_690 : vector<16xf32>
        %swap3A_692 = arith.constant 2 : i32
        %swap3A_693 = arith.index_cast %swap3A_692 : i32 to index
        %swap3A_694 = arith.index_cast %scan3A_678 : i32 to index
        %swap3A_695 = arith.constant 0 : index
        %swap3A_696 = tpu.vector_load %arg11[%swap3A_693, %swap3A_694, %swap3A_695] {strides = array<i32>} : memref<5x80x64xf32, #tpu.memory_space<vmem>>, vector<1x1x16xf32>,
        %swap3A_697 = vector.shape_cast %swap3A_696 : vector<1x1x16xf32> to vector<16xf32>
        %swap3A_698 = vector.shape_cast %add3A_691 : vector<16xf32> to vector<1x1x16xf32>
        tpu.vector_store %arg11[%swap3A_693, %swap3A_694, %swap3A_695], %swap3A_698 {strides = array<i32>} : memref<5x80x64xf32, #tpu.memory_space<vmem>>, vector<1x1x16xf32>,
        %get3A_699 = arith.constant 2 : i32
        %get3A_700 = arith.index_cast %get3A_699 : i32 to index
        %get3A_701 = arith.index_cast %scan3A_678 : i32 to index
        %get3A_702 = arith.constant 16 : index
        %get3A_703 = tpu.vector_load %arg9[%get3A_700, %get3A_701, %get3A_702] {strides = array<i32>} : memref<5x80x64xf32, #tpu.memory_space<vmem>>, vector<1x1x16xf32>,
        %get3A_704 = vector.shape_cast %get3A_703 : vector<1x1x16xf32> to vector<16xf32>
        %get3A_705 = arith.constant 2 : i32
        %get3A_706 = arith.index_cast %get3A_705 : i32 to index
        %get3A_707 = arith.index_cast %scan3A_678 : i32 to index
        %get3A_708 = arith.constant 16 : index
        %get3A_709 = tpu.vector_load %arg10[%get3A_706, %get3A_707, %get3A_708] {strides = array<i32>} : memref<5x80x64xf32, #tpu.memory_space<vmem>>, vector<1x1x16xf32>,
        %get3A_710 = vector.shape_cast %get3A_709 : vector<1x1x16xf32> to vector<16xf32>
        %add3A_711 = arith.addf %get3A_704, %get3A_710 : vector<16xf32>
        %swap3A_712 = arith.constant 2 : i32
        %swap3A_713 = arith.index_cast %swap3A_712 : i32 to index
        %swap3A_714 = arith.index_cast %scan3A_678 : i32 to index
        %swap3A_715 = arith.constant 16 : index
        %swap3A_716 = tpu.vector_load %arg11[%swap3A_713, %swap3A_714, %swap3A_715] {strides = array<i32>} : memref<5x80x64xf32, #tpu.memory_space<vmem>>, vector<1x1x16xf32>,
        %swap3A_717 = vector.shape_cast %swap3A_716 : vector<1x1x16xf32> to vector<16xf32>
        %swap3A_718 = vector.shape_cast %add3A_711 : vector<16xf32> to vector<1x1x16xf32>
        tpu.vector_store %arg11[%swap3A_713, %swap3A_714, %swap3A_715], %swap3A_718 {strides = array<i32>} : memref<5x80x64xf32, #tpu.memory_space<vmem>>, vector<1x1x16xf32>,
        %get3A_719 = arith.constant 2 : i32
        %get3A_720 = arith.index_cast %get3A_719 : i32 to index
        %get3A_721 = arith.index_cast %scan3A_678 : i32 to index
        %get3A_722 = arith.constant 32 : index
        %get3A_723 = tpu.vector_load %arg9[%get3A_720, %get3A_721, %get3A_722] {strides = array<i32>} : memref<5x80x64xf32, #tpu.memory_space<vmem>>, vector<1x1x16xf32>,
        %get3A_724 = vector.shape_cast %get3A_723 : vector<1x1x16xf32> to vector<16xf32>
        %get3A_725 = arith.constant 2 : i32
        %get3A_726 = arith.index_cast %get3A_725 : i32 to index
        %get3A_727 = arith.index_cast %scan3A_678 : i32 to index
        %get3A_728 = arith.constant 32 : index
        %get3A_729 = tpu.vector_load %arg10[%get3A_726, %get3A_727, %get3A_728] {strides = array<i32>} : memref<5x80x64xf32, #tpu.memory_space<vmem>>, vector<1x1x16xf32>,
        %get3A_730 = vector.shape_cast %get3A_729 : vector<1x1x16xf32> to vector<16xf32>
        %add3A_731 = arith.addf %get3A_724, %get3A_730 : vector<16xf32>
        %swap3A_732 = arith.constant 2 : i32
        %swap3A_733 = arith.index_cast %swap3A_732 : i32 to index
        %swap3A_734 = arith.index_cast %scan3A_678 : i32 to index
        %swap3A_735 = arith.constant 32 : index
        %swap3A_736 = tpu.vector_load %arg11[%swap3A_733, %swap3A_734, %swap3A_735] {strides = array<i32>} : memref<5x80x64xf32, #tpu.memory_space<vmem>>, vector<1x1x16xf32>,
        %swap3A_737 = vector.shape_cast %swap3A_736 : vector<1x1x16xf32> to vector<16xf32>
        %swap3A_738 = vector.shape_cast %add3A_731 : vector<16xf32> to vector<1x1x16xf32>
        tpu.vector_store %arg11[%swap3A_733, %swap3A_734, %swap3A_735], %swap3A_738 {strides = array<i32>} : memref<5x80x64xf32, #tpu.memory_space<vmem>>, vector<1x1x16xf32>,
        %get3A_739 = arith.constant 2 : i32
        %get3A_740 = arith.index_cast %get3A_739 : i32 to index
        %get3A_741 = arith.index_cast %scan3A_678 : i32 to index
        %get3A_742 = arith.constant 48 : index
        %get3A_743 = tpu.vector_load %arg9[%get3A_740, %get3A_741, %get3A_742] {strides = array<i32>} : memref<5x80x64xf32, #tpu.memory_space<vmem>>, vector<1x1x16xf32>,
        %get3A_744 = vector.shape_cast %get3A_743 : vector<1x1x16xf32> to vector<16xf32>
        %get3A_745 = arith.constant 2 : i32
        %get3A_746 = arith.index_cast %get3A_745 : i32 to index
        %get3A_747 = arith.index_cast %scan3A_678 : i32 to index
        %get3A_748 = arith.constant 48 : index
        %get3A_749 = tpu.vector_load %arg10[%get3A_746, %get3A_747, %get3A_748] {strides = array<i32>} : memref<5x80x64xf32, #tpu.memory_space<vmem>>, vector<1x1x16xf32>,
        %get3A_750 = vector.shape_cast %get3A_749 : vector<1x1x16xf32> to vector<16xf32>
        %add3A_751 = arith.addf %get3A_744, %get3A_750 : vector<16xf32>
        %swap3A_752 = arith.constant 2 : i32
        %swap3A_753 = arith.index_cast %swap3A_752 : i32 to index
        %swap3A_754 = arith.index_cast %scan3A_678 : i32 to index
        %swap3A_755 = arith.constant 48 : index
        %swap3A_756 = tpu.vector_load %arg11[%swap3A_753, %swap3A_754, %swap3A_755] {strides = array<i32>} : memref<5x80x64xf32, #tpu.memory_space<vmem>>, vector<1x1x16xf32>,
        %swap3A_757 = vector.shape_cast %swap3A_756 : vector<1x1x16xf32> to vector<16xf32>
        %swap3A_758 = vector.shape_cast %add3A_751 : vector<16xf32> to vector<1x1x16xf32>
        tpu.vector_store %arg11[%swap3A_753, %swap3A_754, %swap3A_755], %swap3A_758 {strides = array<i32>} : memref<5x80x64xf32, #tpu.memory_space<vmem>>, vector<1x1x16xf32>,
        %scan3A_759 = arith.constant 2 : i32
        %scan3A_760 = arith.addi %scan3A_598, %scan3A_759 : i32
        %get3A_761 = arith.constant 2 : i32
        %get3A_762 = arith.index_cast %get3A_761 : i32 to index
        %get3A_763 = arith.index_cast %scan3A_760 : i32 to index
        %get3A_764 = arith.constant 0 : index
        %get3A_765 = tpu.vector_load %arg9[%get3A_762, %get3A_763, %get3A_764] {strides = array<i32>} : memref<5x80x64xf32, #tpu.memory_space<vmem>>, vector<1x1x16xf32>,
        %get3A_766 = vector.shape_cast %get3A_765 : vector<1x1x16xf32> to vector<16xf32>
        %get3A_767 = arith.constant 2 : i32
        %get3A_768 = arith.index_cast %get3A_767 : i32 to index
        %get3A_769 = arith.index_cast %scan3A_760 : i32 to index
        %get3A_770 = arith.constant 0 : index
        %get3A_771 = tpu.vector_load %arg10[%get3A_768, %get3A_769, %get3A_770] {strides = array<i32>} : memref<5x80x64xf32, #tpu.memory_space<vmem>>, vector<1x1x16xf32>,
        %get3A_772 = vector.shape_cast %get3A_771 : vector<1x1x16xf32> to vector<16xf32>
        %add3A_773 = arith.addf %get3A_766, %get3A_772 : vector<16xf32>
        %swap3A_774 = arith.constant 2 : i32
        %swap3A_775 = arith.index_cast %swap3A_774 : i32 to index
        %swap3A_776 = arith.index_cast %scan3A_760 : i32 to index
        %swap3A_777 = arith.constant 0 : index
        %swap3A_778 = tpu.vector_load %arg11[%swap3A_775, %swap3A_776, %swap3A_777] {strides = array<i32>} : memref<5x80x64xf32, #tpu.memory_space<vmem>>, vector<1x1x16xf32>,
        %swap3A_779 = vector.shape_cast %swap3A_778 : vector<1x1x16xf32> to vector<16xf32>
        %swap3A_780 = vector.shape_cast %add3A_773 : vector<16xf32> to vector<1x1x16xf32>
        tpu.vector_store %arg11[%swap3A_775, %swap3A_776, %swap3A_777], %swap3A_780 {strides = array<i32>} : memref<5x80x64xf32, #tpu.memory_space<vmem>>, vector<1x1x16xf32>,
        %get3A_781 = arith.constant 2 : i32
        %get3A_782 = arith.index_cast %get3A_781 : i32 to index
        %get3A_783 = arith.index_cast %scan3A_760 : i32 to index
        %get3A_784 = arith.constant 16 : index
        %get3A_785 = tpu.vector_load %arg9[%get3A_782, %get3A_783, %get3A_784] {strides = array<i32>} : memref<5x80x64xf32, #tpu.memory_space<vmem>>, vector<1x1x16xf32>,
        %get3A_786 = vector.shape_cast %get3A_785 : vector<1x1x16xf32> to vector<16xf32>
        %get3A_787 = arith.constant 2 : i32
        %get3A_788 = arith.index_cast %get3A_787 : i32 to index
        %get3A_789 = arith.index_cast %scan3A_760 : i32 to index
        %get3A_790 = arith.constant 16 : index
        %get3A_791 = tpu.vector_load %arg10[%get3A_788, %get3A_789, %get3A_790] {strides = array<i32>} : memref<5x80x64xf32, #tpu.memory_space<vmem>>, vector<1x1x16xf32>,
        %get3A_792 = vector.shape_cast %get3A_791 : vector<1x1x16xf32> to vector<16xf32>
        %add3A_793 = arith.addf %get3A_786, %get3A_792 : vector<16xf32>
        %swap3A_794 = arith.constant 2 : i32
        %swap3A_795 = arith.index_cast %swap3A_794 : i32 to index
        %swap3A_796 = arith.index_cast %scan3A_760 : i32 to index
        %swap3A_797 = arith.constant 16 : index
        %swap3A_798 = tpu.vector_load %arg11[%swap3A_795, %swap3A_796, %swap3A_797] {strides = array<i32>} : memref<5x80x64xf32, #tpu.memory_space<vmem>>, vector<1x1x16xf32>,
        %swap3A_799 = vector.shape_cast %swap3A_798 : vector<1x1x16xf32> to vector<16xf32>
        %swap3A_800 = vector.shape_cast %add3A_793 : vector<16xf32> to vector<1x1x16xf32>
        tpu.vector_store %arg11[%swap3A_795, %swap3A_796, %swap3A_797], %swap3A_800 {strides = array<i32>} : memref<5x80x64xf32, #tpu.memory_space<vmem>>, vector<1x1x16xf32>,
        %get3A_801 = arith.constant 2 : i32
        %get3A_802 = arith.index_cast %get3A_801 : i32 to index
        %get3A_803 = arith.index_cast %scan3A_760 : i32 to index
        %get3A_804 = arith.constant 32 : index
        %get3A_805 = tpu.vector_load %arg9[%get3A_802, %get3A_803, %get3A_804] {strides = array<i32>} : memref<5x80x64xf32, #tpu.memory_space<vmem>>, vector<1x1x16xf32>,
        %get3A_806 = vector.shape_cast %get3A_805 : vector<1x1x16xf32> to vector<16xf32>
        %get3A_807 = arith.constant 2 : i32
        %get3A_808 = arith.index_cast %get3A_807 : i32 to index
        %get3A_809 = arith.index_cast %scan3A_760 : i32 to index
        %get3A_810 = arith.constant 32 : index
        %get3A_811 = tpu.vector_load %arg10[%get3A_808, %get3A_809, %get3A_810] {strides = array<i32>} : memref<5x80x64xf32, #tpu.memory_space<vmem>>, vector<1x1x16xf32>,
        %get3A_812 = vector.shape_cast %get3A_811 : vector<1x1x16xf32> to vector<16xf32>
        %add3A_813 = arith.addf %get3A_806, %get3A_812 : vector<16xf32>
        %swap3A_814 = arith.constant 2 : i32
        %swap3A_815 = arith.index_cast %swap3A_814 : i32 to index
        %swap3A_816 = arith.index_cast %scan3A_760 : i32 to index
        %swap3A_817 = arith.constant 32 : index
        %swap3A_818 = tpu.vector_load %arg11[%swap3A_815, %swap3A_816, %swap3A_817] {strides = array<i32>} : memref<5x80x64xf32, #tpu.memory_space<vmem>>, vector<1x1x16xf32>,
        %swap3A_819 = vector.shape_cast %swap3A_818 : vector<1x1x16xf32> to vector<16xf32>
        %swap3A_820 = vector.shape_cast %add3A_813 : vector<16xf32> to vector<1x1x16xf32>
        tpu.vector_store %arg11[%swap3A_815, %swap3A_816, %swap3A_817], %swap3A_820 {strides = array<i32>} : memref<5x80x64xf32, #tpu.memory_space<vmem>>, vector<1x1x16xf32>,
        %get3A_821 = arith.constant 2 : i32
        %get3A_822 = arith.index_cast %get3A_821 : i32 to index
        %get3A_823 = arith.index_cast %scan3A_760 : i32 to index
        %get3A_824 = arith.constant 48 : index
        %get3A_825 = tpu.vector_load %arg9[%get3A_822, %get3A_823, %get3A_824] {strides = array<i32>} : memref<5x80x64xf32, #tpu.memory_space<vmem>>, vector<1x1x16xf32>,
        %get3A_826 = vector.shape_cast %get3A_825 : vector<1x1x16xf32> to vector<16xf32>
        %get3A_827 = arith.constant 2 : i32
        %get3A_828 = arith.index_cast %get3A_827 : i32 to index
        %get3A_829 = arith.index_cast %scan3A_760 : i32 to index
        %get3A_830 = arith.constant 48 : index
        %get3A_831 = tpu.vector_load %arg10[%get3A_828, %get3A_829, %get3A_830] {strides = array<i32>} : memref<5x80x64xf32, #tpu.memory_space<vmem>>, vector<1x1x16xf32>,
        %get3A_832 = vector.shape_cast %get3A_831 : vector<1x1x16xf32> to vector<16xf32>
        %add3A_833 = arith.addf %get3A_826, %get3A_832 : vector<16xf32>
        %swap3A_834 = arith.constant 2 : i32
        %swap3A_835 = arith.index_cast %swap3A_834 : i32 to index
        %swap3A_836 = arith.index_cast %scan3A_760 : i32 to index
        %swap3A_837 = arith.constant 48 : index
        %swap3A_838 = tpu.vector_load %arg11[%swap3A_835, %swap3A_836, %swap3A_837] {strides = array<i32>} : memref<5x80x64xf32, #tpu.memory_space<vmem>>, vector<1x1x16xf32>,
        %swap3A_839 = vector.shape_cast %swap3A_838 : vector<1x1x16xf32> to vector<16xf32>
        %swap3A_840 = vector.shape_cast %add3A_833 : vector<16xf32> to vector<1x1x16xf32>
        tpu.vector_store %arg11[%swap3A_835, %swap3A_836, %swap3A_837], %swap3A_840 {strides = array<i32>} : memref<5x80x64xf32, #tpu.memory_space<vmem>>, vector<1x1x16xf32>,
        %scan3A_841 = arith.constant 3 : i32
        %scan3A_842 = arith.addi %scan3A_598, %scan3A_841 : i32
        %get3A_843 = arith.constant 2 : i32
        %get3A_844 = arith.index_cast %get3A_843 : i32 to index
        %get3A_845 = arith.index_cast %scan3A_842 : i32 to index
        %get3A_846 = arith.constant 0 : index
        %get3A_847 = tpu.vector_load %arg9[%get3A_844, %get3A_845, %get3A_846] {strides = array<i32>} : memref<5x80x64xf32, #tpu.memory_space<vmem>>, vector<1x1x16xf32>,
        %get3A_848 = vector.shape_cast %get3A_847 : vector<1x1x16xf32> to vector<16xf32>
        %get3A_849 = arith.constant 2 : i32
        %get3A_850 = arith.index_cast %get3A_849 : i32 to index
        %get3A_851 = arith.index_cast %scan3A_842 : i32 to index
        %get3A_852 = arith.constant 0 : index
        %get3A_853 = tpu.vector_load %arg10[%get3A_850, %get3A_851, %get3A_852] {strides = array<i32>} : memref<5x80x64xf32, #tpu.memory_space<vmem>>, vector<1x1x16xf32>,
        %get3A_854 = vector.shape_cast %get3A_853 : vector<1x1x16xf32> to vector<16xf32>
        %add3A_855 = arith.addf %get3A_848, %get3A_854 : vector<16xf32>
        %swap3A_856 = arith.constant 2 : i32
        %swap3A_857 = arith.index_cast %swap3A_856 : i32 to index
        %swap3A_858 = arith.index_cast %scan3A_842 : i32 to index
        %swap3A_859 = arith.constant 0 : index
        %swap3A_860 = tpu.vector_load %arg11[%swap3A_857, %swap3A_858, %swap3A_859] {strides = array<i32>} : memref<5x80x64xf32, #tpu.memory_space<vmem>>, vector<1x1x16xf32>,
        %swap3A_861 = vector.shape_cast %swap3A_860 : vector<1x1x16xf32> to vector<16xf32>
        %swap3A_862 = vector.shape_cast %add3A_855 : vector<16xf32> to vector<1x1x16xf32>
        tpu.vector_store %arg11[%swap3A_857, %swap3A_858, %swap3A_859], %swap3A_862 {strides = array<i32>} : memref<5x80x64xf32, #tpu.memory_space<vmem>>, vector<1x1x16xf32>,
        %get3A_863 = arith.constant 2 : i32
        %get3A_864 = arith.index_cast %get3A_863 : i32 to index
        %get3A_865 = arith.index_cast %scan3A_842 : i32 to index
        %get3A_866 = arith.constant 16 : index
        %get3A_867 = tpu.vector_load %arg9[%get3A_864, %get3A_865, %get3A_866] {strides = array<i32>} : memref<5x80x64xf32, #tpu.memory_space<vmem>>, vector<1x1x16xf32>,
        %get3A_868 = vector.shape_cast %get3A_867 : vector<1x1x16xf32> to vector<16xf32>
        %get3A_869 = arith.constant 2 : i32
        %get3A_870 = arith.index_cast %get3A_869 : i32 to index
        %get3A_871 = arith.index_cast %scan3A_842 : i32 to index
        %get3A_872 = arith.constant 16 : index
        %get3A_873 = tpu.vector_load %arg10[%get3A_870, %get3A_871, %get3A_872] {strides = array<i32>} : memref<5x80x64xf32, #tpu.memory_space<vmem>>, vector<1x1x16xf32>,
        %get3A_874 = vector.shape_cast %get3A_873 : vector<1x1x16xf32> to vector<16xf32>
        %add3A_875 = arith.addf %get3A_868, %get3A_874 : vector<16xf32>
        %swap3A_876 = arith.constant 2 : i32
        %swap3A_877 = arith.index_cast %swap3A_876 : i32 to index
        %swap3A_878 = arith.index_cast %scan3A_842 : i32 to index
        %swap3A_879 = arith.constant 16 : index
        %swap3A_880 = tpu.vector_load %arg11[%swap3A_877, %swap3A_878, %swap3A_879] {strides = array<i32>} : memref<5x80x64xf32, #tpu.memory_space<vmem>>, vector<1x1x16xf32>,
        %swap3A_881 = vector.shape_cast %swap3A_880 : vector<1x1x16xf32> to vector<16xf32>
        %swap3A_882 = vector.shape_cast %add3A_875 : vector<16xf32> to vector<1x1x16xf32>
        tpu.vector_store %arg11[%swap3A_877, %swap3A_878, %swap3A_879], %swap3A_882 {strides = array<i32>} : memref<5x80x64xf32, #tpu.memory_space<vmem>>, vector<1x1x16xf32>,
        %get3A_883 = arith.constant 2 : i32
        %get3A_884 = arith.index_cast %get3A_883 : i32 to index
        %get3A_885 = arith.index_cast %scan3A_842 : i32 to index
        %get3A_886 = arith.constant 32 : index
        %get3A_887 = tpu.vector_load %arg9[%get3A_884, %get3A_885, %get3A_886] {strides = array<i32>} : memref<5x80x64xf32, #tpu.memory_space<vmem>>, vector<1x1x16xf32>,
        %get3A_888 = vector.shape_cast %get3A_887 : vector<1x1x16xf32> to vector<16xf32>
        %get3A_889 = arith.constant 2 : i32
        %get3A_890 = arith.index_cast %get3A_889 : i32 to index
        %get3A_891 = arith.index_cast %scan3A_842 : i32 to index
        %get3A_892 = arith.constant 32 : index
        %get3A_893 = tpu.vector_load %arg10[%get3A_890, %get3A_891, %get3A_892] {strides = array<i32>} : memref<5x80x64xf32, #tpu.memory_space<vmem>>, vector<1x1x16xf32>,
        %get3A_894 = vector.shape_cast %get3A_893 : vector<1x1x16xf32> to vector<16xf32>
        %add3A_895 = arith.addf %get3A_888, %get3A_894 : vector<16xf32>
        %swap3A_896 = arith.constant 2 : i32
        %swap3A_897 = arith.index_cast %swap3A_896 : i32 to index
        %swap3A_898 = arith.index_cast %scan3A_842 : i32 to index
        %swap3A_899 = arith.constant 32 : index
        %swap3A_900 = tpu.vector_load %arg11[%swap3A_897, %swap3A_898, %swap3A_899] {strides = array<i32>} : memref<5x80x64xf32, #tpu.memory_space<vmem>>, vector<1x1x16xf32>,
        %swap3A_901 = vector.shape_cast %swap3A_900 : vector<1x1x16xf32> to vector<16xf32>
        %swap3A_902 = vector.shape_cast %add3A_895 : vector<16xf32> to vector<1x1x16xf32>
        tpu.vector_store %arg11[%swap3A_897, %swap3A_898, %swap3A_899], %swap3A_902 {strides = array<i32>} : memref<5x80x64xf32, #tpu.memory_space<vmem>>, vector<1x1x16xf32>,
        %get3A_903 = arith.constant 2 : i32
        %get3A_904 = arith.index_cast %get3A_903 : i32 to index
        %get3A_905 = arith.index_cast %scan3A_842 : i32 to index
        %get3A_906 = arith.constant 48 : index
        %get3A_907 = tpu.vector_load %arg9[%get3A_904, %get3A_905, %get3A_906] {strides = array<i32>} : memref<5x80x64xf32, #tpu.memory_space<vmem>>, vector<1x1x16xf32>,
        %get3A_908 = vector.shape_cast %get3A_907 : vector<1x1x16xf32> to vector<16xf32>
        %get3A_909 = arith.constant 2 : i32
        %get3A_910 = arith.index_cast %get3A_909 : i32 to index
        %get3A_911 = arith.index_cast %scan3A_842 : i32 to index
        %get3A_912 = arith.constant 48 : index
        %get3A_913 = tpu.vector_load %arg10[%get3A_910, %get3A_911, %get3A_912] {strides = array<i32>} : memref<5x80x64xf32, #tpu.memory_space<vmem>>, vector<1x1x16xf32>,
        %get3A_914 = vector.shape_cast %get3A_913 : vector<1x1x16xf32> to vector<16xf32>
        %add3A_915 = arith.addf %get3A_908, %get3A_914 : vector<16xf32>
        %swap3A_916 = arith.constant 2 : i32
        %swap3A_917 = arith.index_cast %swap3A_916 : i32 to index
        %swap3A_918 = arith.index_cast %scan3A_842 : i32 to index
        %swap3A_919 = arith.constant 48 : index
        %swap3A_920 = tpu.vector_load %arg11[%swap3A_917, %swap3A_918, %swap3A_919] {strides = array<i32>} : memref<5x80x64xf32, #tpu.memory_space<vmem>>, vector<1x1x16xf32>,
        %swap3A_921 = vector.shape_cast %swap3A_920 : vector<1x1x16xf32> to vector<16xf32>
        %swap3A_922 = vector.shape_cast %add3A_915 : vector<16xf32> to vector<1x1x16xf32>
        tpu.vector_store %arg11[%swap3A_917, %swap3A_918, %swap3A_919], %swap3A_922 {strides = array<i32>} : memref<5x80x64xf32, #tpu.memory_space<vmem>>, vector<1x1x16xf32>,
      }
      %scan3A_417 = arith.constant 80 : i32
      %mul3A_418 = arith.constant 80 : i32
      %mul3A_419 = arith.muli %add3A_370, %mul3A_418 : i32
      %add3A_420 = arith.addi %mul3A_2, %mul3A_419 : i32
      %dma_start3A_421 = arith.constant 2 : i32
      %dma_start3A_422 = arith.constant 2 : i32
      %dma_start3A_423 = arith.constant 0 : i32
      %dma_start3A_424 = arith.constant 0 : i32
      %dma_start3A_425 = tpu.memref_slice %arg11[%dma_start3A_421, %dma_start3A_423, %dma_start3A_424] : memref<5x80x64xf32, #tpu.memory_space<vmem>> -> memref<1x80x64xf32, #tpu.memory_space<vmem>>
      %dma_start3A_426 = tpu.memref_squeeze %dma_start3A_425 : memref<1x80x64xf32, #tpu.memory_space<vmem>> -> memref<80x64xf32, #tpu.memory_space<vmem>>
      %dma_start3A_427 = arith.constant 0 : i32
      %dma_start3A_428 = tpu.memref_slice %arg6[%add3A_420, %dma_start3A_427] : memref<320000x64xf32, #tpu.memory_space<hbm>> -> memref<80x64xf32, #tpu.memory_space<hbm>>
      %dma_start3A_429 = tpu.memref_slice %arg13[%dma_start3A_422] : memref<5x!tpu.dma_semaphore, #tpu.memory_space<semaphore_mem>> -> memref<1x!tpu.dma_semaphore, #tpu.memory_space<semaphore_mem>>
      %dma_start3A_430 = tpu.memref_squeeze %dma_start3A_429 : memref<1x!tpu.dma_semaphore, #tpu.memory_space<semaphore_mem>> -> memref<!tpu.dma_semaphore, #tpu.memory_space<semaphore_mem>>
      %dma_start3A_431 = arith.constant 0 : i32
      %dma_start3A_432 = tpu.memref_slice %arg6[%add3A_420, %dma_start3A_431] : memref<320000x64xf32, #tpu.memory_space<hbm>> -> memref<80x64xf32, #tpu.memory_space<hbm>>
      %dma_start3A_433 = arith.constant 0 : i32
      %dma_start3A_434 = arith.constant 0 : i32
      %dma_start3A_435 = tpu.memref_slice %arg11[%dma_start3A_421, %dma_start3A_433, %dma_start3A_434] : memref<5x80x64xf32, #tpu.memory_space<vmem>> -> memref<1x80x64xf32, #tpu.memory_space<vmem>>
      %dma_start3A_436 = tpu.memref_squeeze %dma_start3A_435 : memref<1x80x64xf32, #tpu.memory_space<vmem>> -> memref<80x64xf32, #tpu.memory_space<vmem>>
      tpu.enqueue_dma source(%dma_start3A_436 : memref<80x64xf32, #tpu.memory_space<vmem>>) target(%dma_start3A_432 : memref<80x64xf32, #tpu.memory_space<hbm>>) target_semaphore(%dma_start3A_430 : memref<!tpu.dma_semaphore, #tpu.memory_space<semaphore_mem>>)
      %add3A_437 = arith.constant 5 : i32
      %add3A_438 = arith.addi %add3A_370, %add3A_437 : i32
      %lt3A_439 = arith.constant 125 : i32
      %lt3A_440 = arith.cmpi slt, %add3A_438, %lt3A_439 : i32
      %convert_element_type3A_441 = arith.extui %lt3A_440 : i1 to i32
      %cond3A_442 = arith.constant 0 : i32
      %cond3A_443 = arith.cmpi ne, %convert_element_type3A_441, %cond3A_442 : i32
      scf.if %cond3A_443 {
        %add3A_598 = arith.constant 5 : i32
        %add3A_599 = arith.addi %add3A_370, %add3A_598 : i32
        %mul3A_600 = arith.constant 80 : i32
        %mul3A_601 = arith.muli %add3A_599, %mul3A_600 : i32
        %dma_start3A_602 = arith.constant 2 : i32
        %dma_start3A_603 = arith.constant 2 : i32
        %dma_start3A_604 = arith.constant 0 : i32
        %dma_start3A_605 = arith.constant 0 : i32
        %dma_start3A_606 = tpu.memref_slice %arg9[%dma_start3A_602, %dma_start3A_604, %dma_start3A_605] : memref<5x80x64xf32, #tpu.memory_space<vmem>> -> memref<1x80x64xf32, #tpu.memory_space<vmem>>
        %dma_start3A_607 = tpu.memref_squeeze %dma_start3A_606 : memref<1x80x64xf32, #tpu.memory_space<vmem>> -> memref<80x64xf32, #tpu.memory_space<vmem>>
        %dma_start3A_608 = tpu.memref_slice %arg7[%mul3A_601] : memref<10000xi32, #tpu.memory_space<vmem>> -> memref<80xi32, #tpu.memory_space<vmem>>
        %dma_start3A_609 = arith.constant 0 : i32
        %dma_start3A_610 = arith.constant 0 : i32
        %dma_start3A_611 = tpu.memref_slice %arg2[%dma_start3A_609, %dma_start3A_610] : memref<10000x64xf32, #tpu.memory_space<hbm>> -> memref<10000x64xf32, #tpu.memory_space<hbm>>
        %dma_start3A_612 = tpu.memref_slice %arg12[%dma_start3A_603] : memref<5x!tpu.dma_semaphore, #tpu.memory_space<semaphore_mem>> -> memref<1x!tpu.dma_semaphore, #tpu.memory_space<semaphore_mem>>
        %dma_start3A_613 = tpu.memref_squeeze %dma_start3A_612 : memref<1x!tpu.dma_semaphore, #tpu.memory_space<semaphore_mem>> -> memref<!tpu.dma_semaphore, #tpu.memory_space<semaphore_mem>>
        tpu.enqueue_indirect_dma source(%dma_start3A_611 : memref<10000x64xf32, #tpu.memory_space<hbm>>) target(%dma_start3A_607 : memref<80x64xf32, #tpu.memory_space<vmem>>) offsets(%dma_start3A_608 : memref<80xi32, #tpu.memory_space<vmem>>) semaphore(%dma_start3A_613 : memref<!tpu.dma_semaphore, #tpu.memory_space<semaphore_mem>>)
        %dma_start3A_614 = arith.constant 2 : i32
        %dma_start3A_615 = arith.constant 2 : i32
        %dma_start3A_616 = arith.constant 0 : i32
        %dma_start3A_617 = arith.constant 0 : i32
        %dma_start3A_618 = tpu.memref_slice %arg10[%dma_start3A_614, %dma_start3A_616, %dma_start3A_617] : memref<5x80x64xf32, #tpu.memory_space<vmem>> -> memref<1x80x64xf32, #tpu.memory_space<vmem>>
        %dma_start3A_619 = tpu.memref_squeeze %dma_start3A_618 : memref<1x80x64xf32, #tpu.memory_space<vmem>> -> memref<80x64xf32, #tpu.memory_space<vmem>>
        %dma_start3A_620 = tpu.memref_slice %arg8[%mul3A_601] : memref<10000xi32, #tpu.memory_space<vmem>> -> memref<80xi32, #tpu.memory_space<vmem>>
        %dma_start3A_621 = arith.constant 0 : i32
        %dma_start3A_622 = arith.constant 0 : i32
        %dma_start3A_623 = tpu.memref_slice %arg3[%dma_start3A_621, %dma_start3A_622] : memref<10000x64xf32, #tpu.memory_space<hbm>> -> memref<10000x64xf32, #tpu.memory_space<hbm>>
        %dma_start3A_624 = tpu.memref_slice %arg12[%dma_start3A_615] : memref<5x!tpu.dma_semaphore, #tpu.memory_space<semaphore_mem>> -> memref<1x!tpu.dma_semaphore, #tpu.memory_space<semaphore_mem>>
        %dma_start3A_625 = tpu.memref_squeeze %dma_start3A_624 : memref<1x!tpu.dma_semaphore, #tpu.memory_space<semaphore_mem>> -> memref<!tpu.dma_semaphore, #tpu.memory_space<semaphore_mem>>
        tpu.enqueue_indirect_dma source(%dma_start3A_623 : memref<10000x64xf32, #tpu.memory_space<hbm>>) target(%dma_start3A_619 : memref<80x64xf32, #tpu.memory_space<vmem>>) offsets(%dma_start3A_620 : memref<80xi32, #tpu.memory_space<vmem>>) semaphore(%dma_start3A_625 : memref<!tpu.dma_semaphore, #tpu.memory_space<semaphore_mem>>)
      } else {
      }
      %mul3A_444 = arith.constant 5 : i32
      %mul3A_445 = arith.muli %scan3A_216, %mul3A_444 : i32
      %add3A_446 = arith.constant 3 : i32
      %add3A_447 = arith.addi %mul3A_445, %add3A_446 : i32
      %dma_wait3A_448 = arith.constant 3 : i32
      %dma_wait3A_449 = arith.constant 3 : i32
      %dma_wait3A_450 = arith.constant 0 : i32
      %dma_wait3A_451 = arith.constant 0 : i32
      %dma_wait3A_452 = tpu.memref_slice %arg9[%dma_wait3A_448, %dma_wait3A_450, %dma_wait3A_451] : memref<5x80x64xf32, #tpu.memory_space<vmem>> -> memref<1x80x64xf32, #tpu.memory_space<vmem>>
      %dma_wait3A_453 = tpu.memref_squeeze %dma_wait3A_452 : memref<1x80x64xf32, #tpu.memory_space<vmem>> -> memref<80x64xf32, #tpu.memory_space<vmem>>
      %dma_wait3A_454 = arith.constant 0 : i32
      %dma_wait3A_455 = arith.constant 0 : i32
      %dma_wait3A_456 = tpu.memref_slice %arg2[%dma_wait3A_454, %dma_wait3A_455] : memref<10000x64xf32, #tpu.memory_space<hbm>> -> memref<80x64xf32, #tpu.memory_space<hbm>>
      %dma_wait3A_457 = tpu.memref_slice %arg12[%dma_wait3A_449] : memref<5x!tpu.dma_semaphore, #tpu.memory_space<semaphore_mem>> -> memref<1x!tpu.dma_semaphore, #tpu.memory_space<semaphore_mem>>
      %dma_wait3A_458 = tpu.memref_squeeze %dma_wait3A_457 : memref<1x!tpu.dma_semaphore, #tpu.memory_space<semaphore_mem>> -> memref<!tpu.dma_semaphore, #tpu.memory_space<semaphore_mem>>
      %dma_wait3A_459 = arith.constant 0 : i32
      %dma_wait3A_460 = arith.constant 0 : i32
      %dma_wait3A_461 = tpu.memref_slice %arg9[%dma_wait3A_448, %dma_wait3A_459, %dma_wait3A_460] : memref<5x80x64xf32, #tpu.memory_space<vmem>> -> memref<1x80x64xf32, #tpu.memory_space<vmem>>
      %dma_wait3A_462 = tpu.memref_squeeze %dma_wait3A_461 : memref<1x80x64xf32, #tpu.memory_space<vmem>> -> memref<80x64xf32, #tpu.memory_space<vmem>>
      %dma_wait3A_463 = arith.constant 0 : i32
      %dma_wait3A_464 = arith.constant 0 : i32
      %dma_wait3A_465 = tpu.memref_slice %arg2[%dma_wait3A_463, %dma_wait3A_464] : memref<10000x64xf32, #tpu.memory_space<hbm>> -> memref<80x64xf32, #tpu.memory_space<hbm>>
      tpu.wait_dma2 semaphore(%dma_wait3A_458 : memref<!tpu.dma_semaphore, #tpu.memory_space<semaphore_mem>>) src(%dma_wait3A_465 : memref<80x64xf32, #tpu.memory_space<hbm>>) dst(%dma_wait3A_462 : memref<80x64xf32, #tpu.memory_space<vmem>>)
      %dma_wait3A_466 = arith.constant 3 : i32
      %dma_wait3A_467 = arith.constant 3 : i32
      %dma_wait3A_468 = arith.constant 0 : i32
      %dma_wait3A_469 = arith.constant 0 : i32
      %dma_wait3A_470 = tpu.memref_slice %arg10[%dma_wait3A_466, %dma_wait3A_468, %dma_wait3A_469] : memref<5x80x64xf32, #tpu.memory_space<vmem>> -> memref<1x80x64xf32, #tpu.memory_space<vmem>>
      %dma_wait3A_471 = tpu.memref_squeeze %dma_wait3A_470 : memref<1x80x64xf32, #tpu.memory_space<vmem>> -> memref<80x64xf32, #tpu.memory_space<vmem>>
      %dma_wait3A_472 = arith.constant 0 : i32
      %dma_wait3A_473 = arith.constant 0 : i32
      %dma_wait3A_474 = tpu.memref_slice %arg3[%dma_wait3A_472, %dma_wait3A_473] : memref<10000x64xf32, #tpu.memory_space<hbm>> -> memref<80x64xf32, #tpu.memory_space<hbm>>
      %dma_wait3A_475 = tpu.memref_slice %arg12[%dma_wait3A_467] : memref<5x!tpu.dma_semaphore, #tpu.memory_space<semaphore_mem>> -> memref<1x!tpu.dma_semaphore, #tpu.memory_space<semaphore_mem>>
      %dma_wait3A_476 = tpu.memref_squeeze %dma_wait3A_475 : memref<1x!tpu.dma_semaphore, #tpu.memory_space<semaphore_mem>> -> memref<!tpu.dma_semaphore, #tpu.memory_space<semaphore_mem>>
      %dma_wait3A_477 = arith.constant 0 : i32
      %dma_wait3A_478 = arith.constant 0 : i32
      %dma_wait3A_479 = tpu.memref_slice %arg10[%dma_wait3A_466, %dma_wait3A_477, %dma_wait3A_478] : memref<5x80x64xf32, #tpu.memory_space<vmem>> -> memref<1x80x64xf32, #tpu.memory_space<vmem>>
      %dma_wait3A_480 = tpu.memref_squeeze %dma_wait3A_479 : memref<1x80x64xf32, #tpu.memory_space<vmem>> -> memref<80x64xf32, #tpu.memory_space<vmem>>
      %dma_wait3A_481 = arith.constant 0 : i32
      %dma_wait3A_482 = arith.constant 0 : i32
      %dma_wait3A_483 = tpu.memref_slice %arg3[%dma_wait3A_481, %dma_wait3A_482] : memref<10000x64xf32, #tpu.memory_space<hbm>> -> memref<80x64xf32, #tpu.memory_space<hbm>>
      tpu.wait_dma2 semaphore(%dma_wait3A_476 : memref<!tpu.dma_semaphore, #tpu.memory_space<semaphore_mem>>) src(%dma_wait3A_483 : memref<80x64xf32, #tpu.memory_space<hbm>>) dst(%dma_wait3A_480 : memref<80x64xf32, #tpu.memory_space<vmem>>)
      %gt3A_484 = arith.constant 0 : i32
      %gt3A_485 = arith.cmpi sgt, %scan3A_216, %gt3A_484 : i32
      %convert_element_type3A_486 = arith.extui %gt3A_485 : i1 to i32
      %cond3A_487 = arith.constant 0 : i32
      %cond3A_488 = arith.cmpi ne, %convert_element_type3A_486, %cond3A_487 : i32
      scf.if %cond3A_488 {
        %dma_wait3A_598 = arith.constant 3 : i32
        %dma_wait3A_599 = arith.constant 3 : i32
        %dma_wait3A_600 = arith.constant 0 : i32
        %dma_wait3A_601 = arith.constant 0 : i32
        %dma_wait3A_602 = tpu.memref_slice %arg11[%dma_wait3A_598, %dma_wait3A_600, %dma_wait3A_601] : memref<5x80x64xf32, #tpu.memory_space<vmem>> -> memref<1x80x64xf32, #tpu.memory_space<vmem>>
        %dma_wait3A_603 = tpu.memref_squeeze %dma_wait3A_602 : memref<1x80x64xf32, #tpu.memory_space<vmem>> -> memref<80x64xf32, #tpu.memory_space<vmem>>
        %dma_wait3A_604 = arith.constant 0 : i32
        %dma_wait3A_605 = tpu.memref_slice %arg6[%mul3A_2, %dma_wait3A_604] : memref<320000x64xf32, #tpu.memory_space<hbm>> -> memref<80x64xf32, #tpu.memory_space<hbm>>
        %dma_wait3A_606 = tpu.memref_slice %arg13[%dma_wait3A_599] : memref<5x!tpu.dma_semaphore, #tpu.memory_space<semaphore_mem>> -> memref<1x!tpu.dma_semaphore, #tpu.memory_space<semaphore_mem>>
        %dma_wait3A_607 = tpu.memref_squeeze %dma_wait3A_606 : memref<1x!tpu.dma_semaphore, #tpu.memory_space<semaphore_mem>> -> memref<!tpu.dma_semaphore, #tpu.memory_space<semaphore_mem>>
        %dma_wait3A_608 = arith.constant 0 : i32
        %dma_wait3A_609 = tpu.memref_slice %arg6[%mul3A_2, %dma_wait3A_608] : memref<320000x64xf32, #tpu.memory_space<hbm>> -> memref<80x64xf32, #tpu.memory_space<hbm>>
        %dma_wait3A_610 = arith.constant 0 : i32
        %dma_wait3A_611 = arith.constant 0 : i32
        %dma_wait3A_612 = tpu.memref_slice %arg11[%dma_wait3A_598, %dma_wait3A_610, %dma_wait3A_611] : memref<5x80x64xf32, #tpu.memory_space<vmem>> -> memref<1x80x64xf32, #tpu.memory_space<vmem>>
        %dma_wait3A_613 = tpu.memref_squeeze %dma_wait3A_612 : memref<1x80x64xf32, #tpu.memory_space<vmem>> -> memref<80x64xf32, #tpu.memory_space<vmem>>
        tpu.wait_dma2 semaphore(%dma_wait3A_607 : memref<!tpu.dma_semaphore, #tpu.memory_space<semaphore_mem>>) src(%dma_wait3A_613 : memref<80x64xf32, #tpu.memory_space<vmem>>) dst(%dma_wait3A_609 : memref<80x64xf32, #tpu.memory_space<hbm>>)
      } else {
      }
      %scan3A_489 = arith.constant 0 : i32
      %scan3A_490 = arith.constant 0 : i32
      %scan3A_491 = arith.constant 80 : i32
      %scan3A_492 = arith.addi %scan3A_490, %scan3A_491 : i32
      %scan3A_493 = arith.constant 4 : i32
      scf.for %scan3A_598 = %scan3A_490 to %scan3A_492 step %scan3A_493  : i32 {
        %get3A = arith.constant 3 : i32
        %get3A_599 = arith.index_cast %get3A : i32 to index
        %get3A_600 = arith.index_cast %scan3A_598 : i32 to index
        %get3A_601 = arith.constant 0 : index
        %get3A_602 = tpu.vector_load %arg9[%get3A_599, %get3A_600, %get3A_601] {strides = array<i32>} : memref<5x80x64xf32, #tpu.memory_space<vmem>>, vector<1x1x16xf32>,
        %get3A_603 = vector.shape_cast %get3A_602 : vector<1x1x16xf32> to vector<16xf32>
        %get3A_604 = arith.constant 3 : i32
        %get3A_605 = arith.index_cast %get3A_604 : i32 to index
        %get3A_606 = arith.index_cast %scan3A_598 : i32 to index
        %get3A_607 = arith.constant 0 : index
        %get3A_608 = tpu.vector_load %arg10[%get3A_605, %get3A_606, %get3A_607] {strides = array<i32>} : memref<5x80x64xf32, #tpu.memory_space<vmem>>, vector<1x1x16xf32>,
        %get3A_609 = vector.shape_cast %get3A_608 : vector<1x1x16xf32> to vector<16xf32>
        %add3A_610 = arith.addf %get3A_603, %get3A_609 : vector<16xf32>
        %swap3A = arith.constant 3 : i32
        %swap3A_611 = arith.index_cast %swap3A : i32 to index
        %swap3A_612 = arith.index_cast %scan3A_598 : i32 to index
        %swap3A_613 = arith.constant 0 : index
        %swap3A_614 = tpu.vector_load %arg11[%swap3A_611, %swap3A_612, %swap3A_613] {strides = array<i32>} : memref<5x80x64xf32, #tpu.memory_space<vmem>>, vector<1x1x16xf32>,
        %swap3A_615 = vector.shape_cast %swap3A_614 : vector<1x1x16xf32> to vector<16xf32>
        %swap3A_616 = vector.shape_cast %add3A_610 : vector<16xf32> to vector<1x1x16xf32>
        tpu.vector_store %arg11[%swap3A_611, %swap3A_612, %swap3A_613], %swap3A_616 {strides = array<i32>} : memref<5x80x64xf32, #tpu.memory_space<vmem>>, vector<1x1x16xf32>,
        %get3A_617 = arith.constant 3 : i32
        %get3A_618 = arith.index_cast %get3A_617 : i32 to index
        %get3A_619 = arith.index_cast %scan3A_598 : i32 to index
        %get3A_620 = arith.constant 16 : index
        %get3A_621 = tpu.vector_load %arg9[%get3A_618, %get3A_619, %get3A_620] {strides = array<i32>} : memref<5x80x64xf32, #tpu.memory_space<vmem>>, vector<1x1x16xf32>,
        %get3A_622 = vector.shape_cast %get3A_621 : vector<1x1x16xf32> to vector<16xf32>
        %get3A_623 = arith.constant 3 : i32
        %get3A_624 = arith.index_cast %get3A_623 : i32 to index
        %get3A_625 = arith.index_cast %scan3A_598 : i32 to index
        %get3A_626 = arith.constant 16 : index
        %get3A_627 = tpu.vector_load %arg10[%get3A_624, %get3A_625, %get3A_626] {strides = array<i32>} : memref<5x80x64xf32, #tpu.memory_space<vmem>>, vector<1x1x16xf32>,
        %get3A_628 = vector.shape_cast %get3A_627 : vector<1x1x16xf32> to vector<16xf32>
        %add3A_629 = arith.addf %get3A_622, %get3A_628 : vector<16xf32>
        %swap3A_630 = arith.constant 3 : i32
        %swap3A_631 = arith.index_cast %swap3A_630 : i32 to index
        %swap3A_632 = arith.index_cast %scan3A_598 : i32 to index
        %swap3A_633 = arith.constant 16 : index
        %swap3A_634 = tpu.vector_load %arg11[%swap3A_631, %swap3A_632, %swap3A_633] {strides = array<i32>} : memref<5x80x64xf32, #tpu.memory_space<vmem>>, vector<1x1x16xf32>,
        %swap3A_635 = vector.shape_cast %swap3A_634 : vector<1x1x16xf32> to vector<16xf32>
        %swap3A_636 = vector.shape_cast %add3A_629 : vector<16xf32> to vector<1x1x16xf32>
        tpu.vector_store %arg11[%swap3A_631, %swap3A_632, %swap3A_633], %swap3A_636 {strides = array<i32>} : memref<5x80x64xf32, #tpu.memory_space<vmem>>, vector<1x1x16xf32>,
        %get3A_637 = arith.constant 3 : i32
        %get3A_638 = arith.index_cast %get3A_637 : i32 to index
        %get3A_639 = arith.index_cast %scan3A_598 : i32 to index
        %get3A_640 = arith.constant 32 : index
        %get3A_641 = tpu.vector_load %arg9[%get3A_638, %get3A_639, %get3A_640] {strides = array<i32>} : memref<5x80x64xf32, #tpu.memory_space<vmem>>, vector<1x1x16xf32>,
        %get3A_642 = vector.shape_cast %get3A_641 : vector<1x1x16xf32> to vector<16xf32>
        %get3A_643 = arith.constant 3 : i32
        %get3A_644 = arith.index_cast %get3A_643 : i32 to index
        %get3A_645 = arith.index_cast %scan3A_598 : i32 to index
        %get3A_646 = arith.constant 32 : index
        %get3A_647 = tpu.vector_load %arg10[%get3A_644, %get3A_645, %get3A_646] {strides = array<i32>} : memref<5x80x64xf32, #tpu.memory_space<vmem>>, vector<1x1x16xf32>,
        %get3A_648 = vector.shape_cast %get3A_647 : vector<1x1x16xf32> to vector<16xf32>
        %add3A_649 = arith.addf %get3A_642, %get3A_648 : vector<16xf32>
        %swap3A_650 = arith.constant 3 : i32
        %swap3A_651 = arith.index_cast %swap3A_650 : i32 to index
        %swap3A_652 = arith.index_cast %scan3A_598 : i32 to index
        %swap3A_653 = arith.constant 32 : index
        %swap3A_654 = tpu.vector_load %arg11[%swap3A_651, %swap3A_652, %swap3A_653] {strides = array<i32>} : memref<5x80x64xf32, #tpu.memory_space<vmem>>, vector<1x1x16xf32>,
        %swap3A_655 = vector.shape_cast %swap3A_654 : vector<1x1x16xf32> to vector<16xf32>
        %swap3A_656 = vector.shape_cast %add3A_649 : vector<16xf32> to vector<1x1x16xf32>
        tpu.vector_store %arg11[%swap3A_651, %swap3A_652, %swap3A_653], %swap3A_656 {strides = array<i32>} : memref<5x80x64xf32, #tpu.memory_space<vmem>>, vector<1x1x16xf32>,
        %get3A_657 = arith.constant 3 : i32
        %get3A_658 = arith.index_cast %get3A_657 : i32 to index
        %get3A_659 = arith.index_cast %scan3A_598 : i32 to index
        %get3A_660 = arith.constant 48 : index
        %get3A_661 = tpu.vector_load %arg9[%get3A_658, %get3A_659, %get3A_660] {strides = array<i32>} : memref<5x80x64xf32, #tpu.memory_space<vmem>>, vector<1x1x16xf32>,
        %get3A_662 = vector.shape_cast %get3A_661 : vector<1x1x16xf32> to vector<16xf32>
        %get3A_663 = arith.constant 3 : i32
        %get3A_664 = arith.index_cast %get3A_663 : i32 to index
        %get3A_665 = arith.index_cast %scan3A_598 : i32 to index
        %get3A_666 = arith.constant 48 : index
        %get3A_667 = tpu.vector_load %arg10[%get3A_664, %get3A_665, %get3A_666] {strides = array<i32>} : memref<5x80x64xf32, #tpu.memory_space<vmem>>, vector<1x1x16xf32>,
        %get3A_668 = vector.shape_cast %get3A_667 : vector<1x1x16xf32> to vector<16xf32>
        %add3A_669 = arith.addf %get3A_662, %get3A_668 : vector<16xf32>
        %swap3A_670 = arith.constant 3 : i32
        %swap3A_671 = arith.index_cast %swap3A_670 : i32 to index
        %swap3A_672 = arith.index_cast %scan3A_598 : i32 to index
        %swap3A_673 = arith.constant 48 : index
        %swap3A_674 = tpu.vector_load %arg11[%swap3A_671, %swap3A_672, %swap3A_673] {strides = array<i32>} : memref<5x80x64xf32, #tpu.memory_space<vmem>>, vector<1x1x16xf32>,
        %swap3A_675 = vector.shape_cast %swap3A_674 : vector<1x1x16xf32> to vector<16xf32>
        %swap3A_676 = vector.shape_cast %add3A_669 : vector<16xf32> to vector<1x1x16xf32>
        tpu.vector_store %arg11[%swap3A_671, %swap3A_672, %swap3A_673], %swap3A_676 {strides = array<i32>} : memref<5x80x64xf32, #tpu.memory_space<vmem>>, vector<1x1x16xf32>,
        %scan3A_677 = arith.constant 1 : i32
        %scan3A_678 = arith.addi %scan3A_598, %scan3A_677 : i32
        %get3A_679 = arith.constant 3 : i32
        %get3A_680 = arith.index_cast %get3A_679 : i32 to index
        %get3A_681 = arith.index_cast %scan3A_678 : i32 to index
        %get3A_682 = arith.constant 0 : index
        %get3A_683 = tpu.vector_load %arg9[%get3A_680, %get3A_681, %get3A_682] {strides = array<i32>} : memref<5x80x64xf32, #tpu.memory_space<vmem>>, vector<1x1x16xf32>,
        %get3A_684 = vector.shape_cast %get3A_683 : vector<1x1x16xf32> to vector<16xf32>
        %get3A_685 = arith.constant 3 : i32
        %get3A_686 = arith.index_cast %get3A_685 : i32 to index
        %get3A_687 = arith.index_cast %scan3A_678 : i32 to index
        %get3A_688 = arith.constant 0 : index
        %get3A_689 = tpu.vector_load %arg10[%get3A_686, %get3A_687, %get3A_688] {strides = array<i32>} : memref<5x80x64xf32, #tpu.memory_space<vmem>>, vector<1x1x16xf32>,
        %get3A_690 = vector.shape_cast %get3A_689 : vector<1x1x16xf32> to vector<16xf32>
        %add3A_691 = arith.addf %get3A_684, %get3A_690 : vector<16xf32>
        %swap3A_692 = arith.constant 3 : i32
        %swap3A_693 = arith.index_cast %swap3A_692 : i32 to index
        %swap3A_694 = arith.index_cast %scan3A_678 : i32 to index
        %swap3A_695 = arith.constant 0 : index
        %swap3A_696 = tpu.vector_load %arg11[%swap3A_693, %swap3A_694, %swap3A_695] {strides = array<i32>} : memref<5x80x64xf32, #tpu.memory_space<vmem>>, vector<1x1x16xf32>,
        %swap3A_697 = vector.shape_cast %swap3A_696 : vector<1x1x16xf32> to vector<16xf32>
        %swap3A_698 = vector.shape_cast %add3A_691 : vector<16xf32> to vector<1x1x16xf32>
        tpu.vector_store %arg11[%swap3A_693, %swap3A_694, %swap3A_695], %swap3A_698 {strides = array<i32>} : memref<5x80x64xf32, #tpu.memory_space<vmem>>, vector<1x1x16xf32>,
        %get3A_699 = arith.constant 3 : i32
        %get3A_700 = arith.index_cast %get3A_699 : i32 to index
        %get3A_701 = arith.index_cast %scan3A_678 : i32 to index
        %get3A_702 = arith.constant 16 : index
        %get3A_703 = tpu.vector_load %arg9[%get3A_700, %get3A_701, %get3A_702] {strides = array<i32>} : memref<5x80x64xf32, #tpu.memory_space<vmem>>, vector<1x1x16xf32>,
        %get3A_704 = vector.shape_cast %get3A_703 : vector<1x1x16xf32> to vector<16xf32>
        %get3A_705 = arith.constant 3 : i32
        %get3A_706 = arith.index_cast %get3A_705 : i32 to index
        %get3A_707 = arith.index_cast %scan3A_678 : i32 to index
        %get3A_708 = arith.constant 16 : index
        %get3A_709 = tpu.vector_load %arg10[%get3A_706, %get3A_707, %get3A_708] {strides = array<i32>} : memref<5x80x64xf32, #tpu.memory_space<vmem>>, vector<1x1x16xf32>,
        %get3A_710 = vector.shape_cast %get3A_709 : vector<1x1x16xf32> to vector<16xf32>
        %add3A_711 = arith.addf %get3A_704, %get3A_710 : vector<16xf32>
        %swap3A_712 = arith.constant 3 : i32
        %swap3A_713 = arith.index_cast %swap3A_712 : i32 to index
        %swap3A_714 = arith.index_cast %scan3A_678 : i32 to index
        %swap3A_715 = arith.constant 16 : index
        %swap3A_716 = tpu.vector_load %arg11[%swap3A_713, %swap3A_714, %swap3A_715] {strides = array<i32>} : memref<5x80x64xf32, #tpu.memory_space<vmem>>, vector<1x1x16xf32>,
        %swap3A_717 = vector.shape_cast %swap3A_716 : vector<1x1x16xf32> to vector<16xf32>
        %swap3A_718 = vector.shape_cast %add3A_711 : vector<16xf32> to vector<1x1x16xf32>
        tpu.vector_store %arg11[%swap3A_713, %swap3A_714, %swap3A_715], %swap3A_718 {strides = array<i32>} : memref<5x80x64xf32, #tpu.memory_space<vmem>>, vector<1x1x16xf32>,
        %get3A_719 = arith.constant 3 : i32
        %get3A_720 = arith.index_cast %get3A_719 : i32 to index
        %get3A_721 = arith.index_cast %scan3A_678 : i32 to index
        %get3A_722 = arith.constant 32 : index
        %get3A_723 = tpu.vector_load %arg9[%get3A_720, %get3A_721, %get3A_722] {strides = array<i32>} : memref<5x80x64xf32, #tpu.memory_space<vmem>>, vector<1x1x16xf32>,
        %get3A_724 = vector.shape_cast %get3A_723 : vector<1x1x16xf32> to vector<16xf32>
        %get3A_725 = arith.constant 3 : i32
        %get3A_726 = arith.index_cast %get3A_725 : i32 to index
        %get3A_727 = arith.index_cast %scan3A_678 : i32 to index
        %get3A_728 = arith.constant 32 : index
        %get3A_729 = tpu.vector_load %arg10[%get3A_726, %get3A_727, %get3A_728] {strides = array<i32>} : memref<5x80x64xf32, #tpu.memory_space<vmem>>, vector<1x1x16xf32>,
        %get3A_730 = vector.shape_cast %get3A_729 : vector<1x1x16xf32> to vector<16xf32>
        %add3A_731 = arith.addf %get3A_724, %get3A_730 : vector<16xf32>
        %swap3A_732 = arith.constant 3 : i32
        %swap3A_733 = arith.index_cast %swap3A_732 : i32 to index
        %swap3A_734 = arith.index_cast %scan3A_678 : i32 to index
        %swap3A_735 = arith.constant 32 : index
        %swap3A_736 = tpu.vector_load %arg11[%swap3A_733, %swap3A_734, %swap3A_735] {strides = array<i32>} : memref<5x80x64xf32, #tpu.memory_space<vmem>>, vector<1x1x16xf32>,
        %swap3A_737 = vector.shape_cast %swap3A_736 : vector<1x1x16xf32> to vector<16xf32>
        %swap3A_738 = vector.shape_cast %add3A_731 : vector<16xf32> to vector<1x1x16xf32>
        tpu.vector_store %arg11[%swap3A_733, %swap3A_734, %swap3A_735], %swap3A_738 {strides = array<i32>} : memref<5x80x64xf32, #tpu.memory_space<vmem>>, vector<1x1x16xf32>,
        %get3A_739 = arith.constant 3 : i32
        %get3A_740 = arith.index_cast %get3A_739 : i32 to index
        %get3A_741 = arith.index_cast %scan3A_678 : i32 to index
        %get3A_742 = arith.constant 48 : index
        %get3A_743 = tpu.vector_load %arg9[%get3A_740, %get3A_741, %get3A_742] {strides = array<i32>} : memref<5x80x64xf32, #tpu.memory_space<vmem>>, vector<1x1x16xf32>,
        %get3A_744 = vector.shape_cast %get3A_743 : vector<1x1x16xf32> to vector<16xf32>
        %get3A_745 = arith.constant 3 : i32
        %get3A_746 = arith.index_cast %get3A_745 : i32 to index
        %get3A_747 = arith.index_cast %scan3A_678 : i32 to index
        %get3A_748 = arith.constant 48 : index
        %get3A_749 = tpu.vector_load %arg10[%get3A_746, %get3A_747, %get3A_748] {strides = array<i32>} : memref<5x80x64xf32, #tpu.memory_space<vmem>>, vector<1x1x16xf32>,
        %get3A_750 = vector.shape_cast %get3A_749 : vector<1x1x16xf32> to vector<16xf32>
        %add3A_751 = arith.addf %get3A_744, %get3A_750 : vector<16xf32>
        %swap3A_752 = arith.constant 3 : i32
        %swap3A_753 = arith.index_cast %swap3A_752 : i32 to index
        %swap3A_754 = arith.index_cast %scan3A_678 : i32 to index
        %swap3A_755 = arith.constant 48 : index
        %swap3A_756 = tpu.vector_load %arg11[%swap3A_753, %swap3A_754, %swap3A_755] {strides = array<i32>} : memref<5x80x64xf32, #tpu.memory_space<vmem>>, vector<1x1x16xf32>,
        %swap3A_757 = vector.shape_cast %swap3A_756 : vector<1x1x16xf32> to vector<16xf32>
        %swap3A_758 = vector.shape_cast %add3A_751 : vector<16xf32> to vector<1x1x16xf32>
        tpu.vector_store %arg11[%swap3A_753, %swap3A_754, %swap3A_755], %swap3A_758 {strides = array<i32>} : memref<5x80x64xf32, #tpu.memory_space<vmem>>, vector<1x1x16xf32>,
        %scan3A_759 = arith.constant 2 : i32
        %scan3A_760 = arith.addi %scan3A_598, %scan3A_759 : i32
        %get3A_761 = arith.constant 3 : i32
        %get3A_762 = arith.index_cast %get3A_761 : i32 to index
        %get3A_763 = arith.index_cast %scan3A_760 : i32 to index
        %get3A_764 = arith.constant 0 : index
        %get3A_765 = tpu.vector_load %arg9[%get3A_762, %get3A_763, %get3A_764] {strides = array<i32>} : memref<5x80x64xf32, #tpu.memory_space<vmem>>, vector<1x1x16xf32>,
        %get3A_766 = vector.shape_cast %get3A_765 : vector<1x1x16xf32> to vector<16xf32>
        %get3A_767 = arith.constant 3 : i32
        %get3A_768 = arith.index_cast %get3A_767 : i32 to index
        %get3A_769 = arith.index_cast %scan3A_760 : i32 to index
        %get3A_770 = arith.constant 0 : index
        %get3A_771 = tpu.vector_load %arg10[%get3A_768, %get3A_769, %get3A_770] {strides = array<i32>} : memref<5x80x64xf32, #tpu.memory_space<vmem>>, vector<1x1x16xf32>,
        %get3A_772 = vector.shape_cast %get3A_771 : vector<1x1x16xf32> to vector<16xf32>
        %add3A_773 = arith.addf %get3A_766, %get3A_772 : vector<16xf32>
        %swap3A_774 = arith.constant 3 : i32
        %swap3A_775 = arith.index_cast %swap3A_774 : i32 to index
        %swap3A_776 = arith.index_cast %scan3A_760 : i32 to index
        %swap3A_777 = arith.constant 0 : index
        %swap3A_778 = tpu.vector_load %arg11[%swap3A_775, %swap3A_776, %swap3A_777] {strides = array<i32>} : memref<5x80x64xf32, #tpu.memory_space<vmem>>, vector<1x1x16xf32>,
        %swap3A_779 = vector.shape_cast %swap3A_778 : vector<1x1x16xf32> to vector<16xf32>
        %swap3A_780 = vector.shape_cast %add3A_773 : vector<16xf32> to vector<1x1x16xf32>
        tpu.vector_store %arg11[%swap3A_775, %swap3A_776, %swap3A_777], %swap3A_780 {strides = array<i32>} : memref<5x80x64xf32, #tpu.memory_space<vmem>>, vector<1x1x16xf32>,
        %get3A_781 = arith.constant 3 : i32
        %get3A_782 = arith.index_cast %get3A_781 : i32 to index
        %get3A_783 = arith.index_cast %scan3A_760 : i32 to index
        %get3A_784 = arith.constant 16 : index
        %get3A_785 = tpu.vector_load %arg9[%get3A_782, %get3A_783, %get3A_784] {strides = array<i32>} : memref<5x80x64xf32, #tpu.memory_space<vmem>>, vector<1x1x16xf32>,
        %get3A_786 = vector.shape_cast %get3A_785 : vector<1x1x16xf32> to vector<16xf32>
        %get3A_787 = arith.constant 3 : i32
        %get3A_788 = arith.index_cast %get3A_787 : i32 to index
        %get3A_789 = arith.index_cast %scan3A_760 : i32 to index
        %get3A_790 = arith.constant 16 : index
        %get3A_791 = tpu.vector_load %arg10[%get3A_788, %get3A_789, %get3A_790] {strides = array<i32>} : memref<5x80x64xf32, #tpu.memory_space<vmem>>, vector<1x1x16xf32>,
        %get3A_792 = vector.shape_cast %get3A_791 : vector<1x1x16xf32> to vector<16xf32>
        %add3A_793 = arith.addf %get3A_786, %get3A_792 : vector<16xf32>
        %swap3A_794 = arith.constant 3 : i32
        %swap3A_795 = arith.index_cast %swap3A_794 : i32 to index
        %swap3A_796 = arith.index_cast %scan3A_760 : i32 to index
        %swap3A_797 = arith.constant 16 : index
        %swap3A_798 = tpu.vector_load %arg11[%swap3A_795, %swap3A_796, %swap3A_797] {strides = array<i32>} : memref<5x80x64xf32, #tpu.memory_space<vmem>>, vector<1x1x16xf32>,
        %swap3A_799 = vector.shape_cast %swap3A_798 : vector<1x1x16xf32> to vector<16xf32>
        %swap3A_800 = vector.shape_cast %add3A_793 : vector<16xf32> to vector<1x1x16xf32>
        tpu.vector_store %arg11[%swap3A_795, %swap3A_796, %swap3A_797], %swap3A_800 {strides = array<i32>} : memref<5x80x64xf32, #tpu.memory_space<vmem>>, vector<1x1x16xf32>,
        %get3A_801 = arith.constant 3 : i32
        %get3A_802 = arith.index_cast %get3A_801 : i32 to index
        %get3A_803 = arith.index_cast %scan3A_760 : i32 to index
        %get3A_804 = arith.constant 32 : index
        %get3A_805 = tpu.vector_load %arg9[%get3A_802, %get3A_803, %get3A_804] {strides = array<i32>} : memref<5x80x64xf32, #tpu.memory_space<vmem>>, vector<1x1x16xf32>,
        %get3A_806 = vector.shape_cast %get3A_805 : vector<1x1x16xf32> to vector<16xf32>
        %get3A_807 = arith.constant 3 : i32
        %get3A_808 = arith.index_cast %get3A_807 : i32 to index
        %get3A_809 = arith.index_cast %scan3A_760 : i32 to index
        %get3A_810 = arith.constant 32 : index
        %get3A_811 = tpu.vector_load %arg10[%get3A_808, %get3A_809, %get3A_810] {strides = array<i32>} : memref<5x80x64xf32, #tpu.memory_space<vmem>>, vector<1x1x16xf32>,
        %get3A_812 = vector.shape_cast %get3A_811 : vector<1x1x16xf32> to vector<16xf32>
        %add3A_813 = arith.addf %get3A_806, %get3A_812 : vector<16xf32>
        %swap3A_814 = arith.constant 3 : i32
        %swap3A_815 = arith.index_cast %swap3A_814 : i32 to index
        %swap3A_816 = arith.index_cast %scan3A_760 : i32 to index
        %swap3A_817 = arith.constant 32 : index
        %swap3A_818 = tpu.vector_load %arg11[%swap3A_815, %swap3A_816, %swap3A_817] {strides = array<i32>} : memref<5x80x64xf32, #tpu.memory_space<vmem>>, vector<1x1x16xf32>,
        %swap3A_819 = vector.shape_cast %swap3A_818 : vector<1x1x16xf32> to vector<16xf32>
        %swap3A_820 = vector.shape_cast %add3A_813 : vector<16xf32> to vector<1x1x16xf32>
        tpu.vector_store %arg11[%swap3A_815, %swap3A_816, %swap3A_817], %swap3A_820 {strides = array<i32>} : memref<5x80x64xf32, #tpu.memory_space<vmem>>, vector<1x1x16xf32>,
        %get3A_821 = arith.constant 3 : i32
        %get3A_822 = arith.index_cast %get3A_821 : i32 to index
        %get3A_823 = arith.index_cast %scan3A_760 : i32 to index
        %get3A_824 = arith.constant 48 : index
        %get3A_825 = tpu.vector_load %arg9[%get3A_822, %get3A_823, %get3A_824] {strides = array<i32>} : memref<5x80x64xf32, #tpu.memory_space<vmem>>, vector<1x1x16xf32>,
        %get3A_826 = vector.shape_cast %get3A_825 : vector<1x1x16xf32> to vector<16xf32>
        %get3A_827 = arith.constant 3 : i32
        %get3A_828 = arith.index_cast %get3A_827 : i32 to index
        %get3A_829 = arith.index_cast %scan3A_760 : i32 to index
        %get3A_830 = arith.constant 48 : index
        %get3A_831 = tpu.vector_load %arg10[%get3A_828, %get3A_829, %get3A_830] {strides = array<i32>} : memref<5x80x64xf32, #tpu.memory_space<vmem>>, vector<1x1x16xf32>,
        %get3A_832 = vector.shape_cast %get3A_831 : vector<1x1x16xf32> to vector<16xf32>
        %add3A_833 = arith.addf %get3A_826, %get3A_832 : vector<16xf32>
        %swap3A_834 = arith.constant 3 : i32
        %swap3A_835 = arith.index_cast %swap3A_834 : i32 to index
        %swap3A_836 = arith.index_cast %scan3A_760 : i32 to index
        %swap3A_837 = arith.constant 48 : index
        %swap3A_838 = tpu.vector_load %arg11[%swap3A_835, %swap3A_836, %swap3A_837] {strides = array<i32>} : memref<5x80x64xf32, #tpu.memory_space<vmem>>, vector<1x1x16xf32>,
        %swap3A_839 = vector.shape_cast %swap3A_838 : vector<1x1x16xf32> to vector<16xf32>
        %swap3A_840 = vector.shape_cast %add3A_833 : vector<16xf32> to vector<1x1x16xf32>
        tpu.vector_store %arg11[%swap3A_835, %swap3A_836, %swap3A_837], %swap3A_840 {strides = array<i32>} : memref<5x80x64xf32, #tpu.memory_space<vmem>>, vector<1x1x16xf32>,
        %scan3A_841 = arith.constant 3 : i32
        %scan3A_842 = arith.addi %scan3A_598, %scan3A_841 : i32
        %get3A_843 = arith.constant 3 : i32
        %get3A_844 = arith.index_cast %get3A_843 : i32 to index
        %get3A_845 = arith.index_cast %scan3A_842 : i32 to index
        %get3A_846 = arith.constant 0 : index
        %get3A_847 = tpu.vector_load %arg9[%get3A_844, %get3A_845, %get3A_846] {strides = array<i32>} : memref<5x80x64xf32, #tpu.memory_space<vmem>>, vector<1x1x16xf32>,
        %get3A_848 = vector.shape_cast %get3A_847 : vector<1x1x16xf32> to vector<16xf32>
        %get3A_849 = arith.constant 3 : i32
        %get3A_850 = arith.index_cast %get3A_849 : i32 to index
        %get3A_851 = arith.index_cast %scan3A_842 : i32 to index
        %get3A_852 = arith.constant 0 : index
        %get3A_853 = tpu.vector_load %arg10[%get3A_850, %get3A_851, %get3A_852] {strides = array<i32>} : memref<5x80x64xf32, #tpu.memory_space<vmem>>, vector<1x1x16xf32>,
        %get3A_854 = vector.shape_cast %get3A_853 : vector<1x1x16xf32> to vector<16xf32>
        %add3A_855 = arith.addf %get3A_848, %get3A_854 : vector<16xf32>
        %swap3A_856 = arith.constant 3 : i32
        %swap3A_857 = arith.index_cast %swap3A_856 : i32 to index
        %swap3A_858 = arith.index_cast %scan3A_842 : i32 to index
        %swap3A_859 = arith.constant 0 : index
        %swap3A_860 = tpu.vector_load %arg11[%swap3A_857, %swap3A_858, %swap3A_859] {strides = array<i32>} : memref<5x80x64xf32, #tpu.memory_space<vmem>>, vector<1x1x16xf32>,
        %swap3A_861 = vector.shape_cast %swap3A_860 : vector<1x1x16xf32> to vector<16xf32>
        %swap3A_862 = vector.shape_cast %add3A_855 : vector<16xf32> to vector<1x1x16xf32>
        tpu.vector_store %arg11[%swap3A_857, %swap3A_858, %swap3A_859], %swap3A_862 {strides = array<i32>} : memref<5x80x64xf32, #tpu.memory_space<vmem>>, vector<1x1x16xf32>,
        %get3A_863 = arith.constant 3 : i32
        %get3A_864 = arith.index_cast %get3A_863 : i32 to index
        %get3A_865 = arith.index_cast %scan3A_842 : i32 to index
        %get3A_866 = arith.constant 16 : index
        %get3A_867 = tpu.vector_load %arg9[%get3A_864, %get3A_865, %get3A_866] {strides = array<i32>} : memref<5x80x64xf32, #tpu.memory_space<vmem>>, vector<1x1x16xf32>,
        %get3A_868 = vector.shape_cast %get3A_867 : vector<1x1x16xf32> to vector<16xf32>
        %get3A_869 = arith.constant 3 : i32
        %get3A_870 = arith.index_cast %get3A_869 : i32 to index
        %get3A_871 = arith.index_cast %scan3A_842 : i32 to index
        %get3A_872 = arith.constant 16 : index
        %get3A_873 = tpu.vector_load %arg10[%get3A_870, %get3A_871, %get3A_872] {strides = array<i32>} : memref<5x80x64xf32, #tpu.memory_space<vmem>>, vector<1x1x16xf32>,
        %get3A_874 = vector.shape_cast %get3A_873 : vector<1x1x16xf32> to vector<16xf32>
        %add3A_875 = arith.addf %get3A_868, %get3A_874 : vector<16xf32>
        %swap3A_876 = arith.constant 3 : i32
        %swap3A_877 = arith.index_cast %swap3A_876 : i32 to index
        %swap3A_878 = arith.index_cast %scan3A_842 : i32 to index
        %swap3A_879 = arith.constant 16 : index
        %swap3A_880 = tpu.vector_load %arg11[%swap3A_877, %swap3A_878, %swap3A_879] {strides = array<i32>} : memref<5x80x64xf32, #tpu.memory_space<vmem>>, vector<1x1x16xf32>,
        %swap3A_881 = vector.shape_cast %swap3A_880 : vector<1x1x16xf32> to vector<16xf32>
        %swap3A_882 = vector.shape_cast %add3A_875 : vector<16xf32> to vector<1x1x16xf32>
        tpu.vector_store %arg11[%swap3A_877, %swap3A_878, %swap3A_879], %swap3A_882 {strides = array<i32>} : memref<5x80x64xf32, #tpu.memory_space<vmem>>, vector<1x1x16xf32>,
        %get3A_883 = arith.constant 3 : i32
        %get3A_884 = arith.index_cast %get3A_883 : i32 to index
        %get3A_885 = arith.index_cast %scan3A_842 : i32 to index
        %get3A_886 = arith.constant 32 : index
        %get3A_887 = tpu.vector_load %arg9[%get3A_884, %get3A_885, %get3A_886] {strides = array<i32>} : memref<5x80x64xf32, #tpu.memory_space<vmem>>, vector<1x1x16xf32>,
        %get3A_888 = vector.shape_cast %get3A_887 : vector<1x1x16xf32> to vector<16xf32>
        %get3A_889 = arith.constant 3 : i32
        %get3A_890 = arith.index_cast %get3A_889 : i32 to index
        %get3A_891 = arith.index_cast %scan3A_842 : i32 to index
        %get3A_892 = arith.constant 32 : index
        %get3A_893 = tpu.vector_load %arg10[%get3A_890, %get3A_891, %get3A_892] {strides = array<i32>} : memref<5x80x64xf32, #tpu.memory_space<vmem>>, vector<1x1x16xf32>,
        %get3A_894 = vector.shape_cast %get3A_893 : vector<1x1x16xf32> to vector<16xf32>
        %add3A_895 = arith.addf %get3A_888, %get3A_894 : vector<16xf32>
        %swap3A_896 = arith.constant 3 : i32
        %swap3A_897 = arith.index_cast %swap3A_896 : i32 to index
        %swap3A_898 = arith.index_cast %scan3A_842 : i32 to index
        %swap3A_899 = arith.constant 32 : index
        %swap3A_900 = tpu.vector_load %arg11[%swap3A_897, %swap3A_898, %swap3A_899] {strides = array<i32>} : memref<5x80x64xf32, #tpu.memory_space<vmem>>, vector<1x1x16xf32>,
        %swap3A_901 = vector.shape_cast %swap3A_900 : vector<1x1x16xf32> to vector<16xf32>
        %swap3A_902 = vector.shape_cast %add3A_895 : vector<16xf32> to vector<1x1x16xf32>
        tpu.vector_store %arg11[%swap3A_897, %swap3A_898, %swap3A_899], %swap3A_902 {strides = array<i32>} : memref<5x80x64xf32, #tpu.memory_space<vmem>>, vector<1x1x16xf32>,
        %get3A_903 = arith.constant 3 : i32
        %get3A_904 = arith.index_cast %get3A_903 : i32 to index
        %get3A_905 = arith.index_cast %scan3A_842 : i32 to index
        %get3A_906 = arith.constant 48 : index
        %get3A_907 = tpu.vector_load %arg9[%get3A_904, %get3A_905, %get3A_906] {strides = array<i32>} : memref<5x80x64xf32, #tpu.memory_space<vmem>>, vector<1x1x16xf32>,
        %get3A_908 = vector.shape_cast %get3A_907 : vector<1x1x16xf32> to vector<16xf32>
        %get3A_909 = arith.constant 3 : i32
        %get3A_910 = arith.index_cast %get3A_909 : i32 to index
        %get3A_911 = arith.index_cast %scan3A_842 : i32 to index
        %get3A_912 = arith.constant 48 : index
        %get3A_913 = tpu.vector_load %arg10[%get3A_910, %get3A_911, %get3A_912] {strides = array<i32>} : memref<5x80x64xf32, #tpu.memory_space<vmem>>, vector<1x1x16xf32>,
        %get3A_914 = vector.shape_cast %get3A_913 : vector<1x1x16xf32> to vector<16xf32>
        %add3A_915 = arith.addf %get3A_908, %get3A_914 : vector<16xf32>
        %swap3A_916 = arith.constant 3 : i32
        %swap3A_917 = arith.index_cast %swap3A_916 : i32 to index
        %swap3A_918 = arith.index_cast %scan3A_842 : i32 to index
        %swap3A_919 = arith.constant 48 : index
        %swap3A_920 = tpu.vector_load %arg11[%swap3A_917, %swap3A_918, %swap3A_919] {strides = array<i32>} : memref<5x80x64xf32, #tpu.memory_space<vmem>>, vector<1x1x16xf32>,
        %swap3A_921 = vector.shape_cast %swap3A_920 : vector<1x1x16xf32> to vector<16xf32>
        %swap3A_922 = vector.shape_cast %add3A_915 : vector<16xf32> to vector<1x1x16xf32>
        tpu.vector_store %arg11[%swap3A_917, %swap3A_918, %swap3A_919], %swap3A_922 {strides = array<i32>} : memref<5x80x64xf32, #tpu.memory_space<vmem>>, vector<1x1x16xf32>,
      }
      %scan3A_494 = arith.constant 80 : i32
      %mul3A_495 = arith.constant 80 : i32
      %mul3A_496 = arith.muli %add3A_447, %mul3A_495 : i32
      %add3A_497 = arith.addi %mul3A_2, %mul3A_496 : i32
      %dma_start3A_498 = arith.constant 3 : i32
      %dma_start3A_499 = arith.constant 3 : i32
      %dma_start3A_500 = arith.constant 0 : i32
      %dma_start3A_501 = arith.constant 0 : i32
      %dma_start3A_502 = tpu.memref_slice %arg11[%dma_start3A_498, %dma_start3A_500, %dma_start3A_501] : memref<5x80x64xf32, #tpu.memory_space<vmem>> -> memref<1x80x64xf32, #tpu.memory_space<vmem>>
      %dma_start3A_503 = tpu.memref_squeeze %dma_start3A_502 : memref<1x80x64xf32, #tpu.memory_space<vmem>> -> memref<80x64xf32, #tpu.memory_space<vmem>>
      %dma_start3A_504 = arith.constant 0 : i32
      %dma_start3A_505 = tpu.memref_slice %arg6[%add3A_497, %dma_start3A_504] : memref<320000x64xf32, #tpu.memory_space<hbm>> -> memref<80x64xf32, #tpu.memory_space<hbm>>
      %dma_start3A_506 = tpu.memref_slice %arg13[%dma_start3A_499] : memref<5x!tpu.dma_semaphore, #tpu.memory_space<semaphore_mem>> -> memref<1x!tpu.dma_semaphore, #tpu.memory_space<semaphore_mem>>
      %dma_start3A_507 = tpu.memref_squeeze %dma_start3A_506 : memref<1x!tpu.dma_semaphore, #tpu.memory_space<semaphore_mem>> -> memref<!tpu.dma_semaphore, #tpu.memory_space<semaphore_mem>>
      %dma_start3A_508 = arith.constant 0 : i32
      %dma_start3A_509 = tpu.memref_slice %arg6[%add3A_497, %dma_start3A_508] : memref<320000x64xf32, #tpu.memory_space<hbm>> -> memref<80x64xf32, #tpu.memory_space<hbm>>
      %dma_start3A_510 = arith.constant 0 : i32
      %dma_start3A_511 = arith.constant 0 : i32
      %dma_start3A_512 = tpu.memref_slice %arg11[%dma_start3A_498, %dma_start3A_510, %dma_start3A_511] : memref<5x80x64xf32, #tpu.memory_space<vmem>> -> memref<1x80x64xf32, #tpu.memory_space<vmem>>
      %dma_start3A_513 = tpu.memref_squeeze %dma_start3A_512 : memref<1x80x64xf32, #tpu.memory_space<vmem>> -> memref<80x64xf32, #tpu.memory_space<vmem>>
      tpu.enqueue_dma source(%dma_start3A_513 : memref<80x64xf32, #tpu.memory_space<vmem>>) target(%dma_start3A_509 : memref<80x64xf32, #tpu.memory_space<hbm>>) target_semaphore(%dma_start3A_507 : memref<!tpu.dma_semaphore, #tpu.memory_space<semaphore_mem>>)
      %add3A_514 = arith.constant 5 : i32
      %add3A_515 = arith.addi %add3A_447, %add3A_514 : i32
      %lt3A_516 = arith.constant 125 : i32
      %lt3A_517 = arith.cmpi slt, %add3A_515, %lt3A_516 : i32
      %convert_element_type3A_518 = arith.extui %lt3A_517 : i1 to i32
      %cond3A_519 = arith.constant 0 : i32
      %cond3A_520 = arith.cmpi ne, %convert_element_type3A_518, %cond3A_519 : i32
      scf.if %cond3A_520 {
        %add3A_598 = arith.constant 5 : i32
        %add3A_599 = arith.addi %add3A_447, %add3A_598 : i32
        %mul3A_600 = arith.constant 80 : i32
        %mul3A_601 = arith.muli %add3A_599, %mul3A_600 : i32
        %dma_start3A_602 = arith.constant 3 : i32
        %dma_start3A_603 = arith.constant 3 : i32
        %dma_start3A_604 = arith.constant 0 : i32
        %dma_start3A_605 = arith.constant 0 : i32
        %dma_start3A_606 = tpu.memref_slice %arg9[%dma_start3A_602, %dma_start3A_604, %dma_start3A_605] : memref<5x80x64xf32, #tpu.memory_space<vmem>> -> memref<1x80x64xf32, #tpu.memory_space<vmem>>
        %dma_start3A_607 = tpu.memref_squeeze %dma_start3A_606 : memref<1x80x64xf32, #tpu.memory_space<vmem>> -> memref<80x64xf32, #tpu.memory_space<vmem>>
        %dma_start3A_608 = tpu.memref_slice %arg7[%mul3A_601] : memref<10000xi32, #tpu.memory_space<vmem>> -> memref<80xi32, #tpu.memory_space<vmem>>
        %dma_start3A_609 = arith.constant 0 : i32
        %dma_start3A_610 = arith.constant 0 : i32
        %dma_start3A_611 = tpu.memref_slice %arg2[%dma_start3A_609, %dma_start3A_610] : memref<10000x64xf32, #tpu.memory_space<hbm>> -> memref<10000x64xf32, #tpu.memory_space<hbm>>
        %dma_start3A_612 = tpu.memref_slice %arg12[%dma_start3A_603] : memref<5x!tpu.dma_semaphore, #tpu.memory_space<semaphore_mem>> -> memref<1x!tpu.dma_semaphore, #tpu.memory_space<semaphore_mem>>
        %dma_start3A_613 = tpu.memref_squeeze %dma_start3A_612 : memref<1x!tpu.dma_semaphore, #tpu.memory_space<semaphore_mem>> -> memref<!tpu.dma_semaphore, #tpu.memory_space<semaphore_mem>>
        tpu.enqueue_indirect_dma source(%dma_start3A_611 : memref<10000x64xf32, #tpu.memory_space<hbm>>) target(%dma_start3A_607 : memref<80x64xf32, #tpu.memory_space<vmem>>) offsets(%dma_start3A_608 : memref<80xi32, #tpu.memory_space<vmem>>) semaphore(%dma_start3A_613 : memref<!tpu.dma_semaphore, #tpu.memory_space<semaphore_mem>>)
        %dma_start3A_614 = arith.constant 3 : i32
        %dma_start3A_615 = arith.constant 3 : i32
        %dma_start3A_616 = arith.constant 0 : i32
        %dma_start3A_617 = arith.constant 0 : i32
        %dma_start3A_618 = tpu.memref_slice %arg10[%dma_start3A_614, %dma_start3A_616, %dma_start3A_617] : memref<5x80x64xf32, #tpu.memory_space<vmem>> -> memref<1x80x64xf32, #tpu.memory_space<vmem>>
        %dma_start3A_619 = tpu.memref_squeeze %dma_start3A_618 : memref<1x80x64xf32, #tpu.memory_space<vmem>> -> memref<80x64xf32, #tpu.memory_space<vmem>>
        %dma_start3A_620 = tpu.memref_slice %arg8[%mul3A_601] : memref<10000xi32, #tpu.memory_space<vmem>> -> memref<80xi32, #tpu.memory_space<vmem>>
        %dma_start3A_621 = arith.constant 0 : i32
        %dma_start3A_622 = arith.constant 0 : i32
        %dma_start3A_623 = tpu.memref_slice %arg3[%dma_start3A_621, %dma_start3A_622] : memref<10000x64xf32, #tpu.memory_space<hbm>> -> memref<10000x64xf32, #tpu.memory_space<hbm>>
        %dma_start3A_624 = tpu.memref_slice %arg12[%dma_start3A_615] : memref<5x!tpu.dma_semaphore, #tpu.memory_space<semaphore_mem>> -> memref<1x!tpu.dma_semaphore, #tpu.memory_space<semaphore_mem>>
        %dma_start3A_625 = tpu.memref_squeeze %dma_start3A_624 : memref<1x!tpu.dma_semaphore, #tpu.memory_space<semaphore_mem>> -> memref<!tpu.dma_semaphore, #tpu.memory_space<semaphore_mem>>
        tpu.enqueue_indirect_dma source(%dma_start3A_623 : memref<10000x64xf32, #tpu.memory_space<hbm>>) target(%dma_start3A_619 : memref<80x64xf32, #tpu.memory_space<vmem>>) offsets(%dma_start3A_620 : memref<80xi32, #tpu.memory_space<vmem>>) semaphore(%dma_start3A_625 : memref<!tpu.dma_semaphore, #tpu.memory_space<semaphore_mem>>)
      } else {
      }
      %mul3A_521 = arith.constant 5 : i32
      %mul3A_522 = arith.muli %scan3A_216, %mul3A_521 : i32
      %add3A_523 = arith.constant 4 : i32
      %add3A_524 = arith.addi %mul3A_522, %add3A_523 : i32
      %dma_wait3A_525 = arith.constant 4 : i32
      %dma_wait3A_526 = arith.constant 4 : i32
      %dma_wait3A_527 = arith.constant 0 : i32
      %dma_wait3A_528 = arith.constant 0 : i32
      %dma_wait3A_529 = tpu.memref_slice %arg9[%dma_wait3A_525, %dma_wait3A_527, %dma_wait3A_528] : memref<5x80x64xf32, #tpu.memory_space<vmem>> -> memref<1x80x64xf32, #tpu.memory_space<vmem>>
      %dma_wait3A_530 = tpu.memref_squeeze %dma_wait3A_529 : memref<1x80x64xf32, #tpu.memory_space<vmem>> -> memref<80x64xf32, #tpu.memory_space<vmem>>
      %dma_wait3A_531 = arith.constant 0 : i32
      %dma_wait3A_532 = arith.constant 0 : i32
      %dma_wait3A_533 = tpu.memref_slice %arg2[%dma_wait3A_531, %dma_wait3A_532] : memref<10000x64xf32, #tpu.memory_space<hbm>> -> memref<80x64xf32, #tpu.memory_space<hbm>>
      %dma_wait3A_534 = tpu.memref_slice %arg12[%dma_wait3A_526] : memref<5x!tpu.dma_semaphore, #tpu.memory_space<semaphore_mem>> -> memref<1x!tpu.dma_semaphore, #tpu.memory_space<semaphore_mem>>
      %dma_wait3A_535 = tpu.memref_squeeze %dma_wait3A_534 : memref<1x!tpu.dma_semaphore, #tpu.memory_space<semaphore_mem>> -> memref<!tpu.dma_semaphore, #tpu.memory_space<semaphore_mem>>
      %dma_wait3A_536 = arith.constant 0 : i32
      %dma_wait3A_537 = arith.constant 0 : i32
      %dma_wait3A_538 = tpu.memref_slice %arg9[%dma_wait3A_525, %dma_wait3A_536, %dma_wait3A_537] : memref<5x80x64xf32, #tpu.memory_space<vmem>> -> memref<1x80x64xf32, #tpu.memory_space<vmem>>
      %dma_wait3A_539 = tpu.memref_squeeze %dma_wait3A_538 : memref<1x80x64xf32, #tpu.memory_space<vmem>> -> memref<80x64xf32, #tpu.memory_space<vmem>>
      %dma_wait3A_540 = arith.constant 0 : i32
      %dma_wait3A_541 = arith.constant 0 : i32
      %dma_wait3A_542 = tpu.memref_slice %arg2[%dma_wait3A_540, %dma_wait3A_541] : memref<10000x64xf32, #tpu.memory_space<hbm>> -> memref<80x64xf32, #tpu.memory_space<hbm>>
      tpu.wait_dma2 semaphore(%dma_wait3A_535 : memref<!tpu.dma_semaphore, #tpu.memory_space<semaphore_mem>>) src(%dma_wait3A_542 : memref<80x64xf32, #tpu.memory_space<hbm>>) dst(%dma_wait3A_539 : memref<80x64xf32, #tpu.memory_space<vmem>>)
      %dma_wait3A_543 = arith.constant 4 : i32
      %dma_wait3A_544 = arith.constant 4 : i32
      %dma_wait3A_545 = arith.constant 0 : i32
      %dma_wait3A_546 = arith.constant 0 : i32
      %dma_wait3A_547 = tpu.memref_slice %arg10[%dma_wait3A_543, %dma_wait3A_545, %dma_wait3A_546] : memref<5x80x64xf32, #tpu.memory_space<vmem>> -> memref<1x80x64xf32, #tpu.memory_space<vmem>>
      %dma_wait3A_548 = tpu.memref_squeeze %dma_wait3A_547 : memref<1x80x64xf32, #tpu.memory_space<vmem>> -> memref<80x64xf32, #tpu.memory_space<vmem>>
      %dma_wait3A_549 = arith.constant 0 : i32
      %dma_wait3A_550 = arith.constant 0 : i32
      %dma_wait3A_551 = tpu.memref_slice %arg3[%dma_wait3A_549, %dma_wait3A_550] : memref<10000x64xf32, #tpu.memory_space<hbm>> -> memref<80x64xf32, #tpu.memory_space<hbm>>
      %dma_wait3A_552 = tpu.memref_slice %arg12[%dma_wait3A_544] : memref<5x!tpu.dma_semaphore, #tpu.memory_space<semaphore_mem>> -> memref<1x!tpu.dma_semaphore, #tpu.memory_space<semaphore_mem>>
      %dma_wait3A_553 = tpu.memref_squeeze %dma_wait3A_552 : memref<1x!tpu.dma_semaphore, #tpu.memory_space<semaphore_mem>> -> memref<!tpu.dma_semaphore, #tpu.memory_space<semaphore_mem>>
      %dma_wait3A_554 = arith.constant 0 : i32
      %dma_wait3A_555 = arith.constant 0 : i32
      %dma_wait3A_556 = tpu.memref_slice %arg10[%dma_wait3A_543, %dma_wait3A_554, %dma_wait3A_555] : memref<5x80x64xf32, #tpu.memory_space<vmem>> -> memref<1x80x64xf32, #tpu.memory_space<vmem>>
      %dma_wait3A_557 = tpu.memref_squeeze %dma_wait3A_556 : memref<1x80x64xf32, #tpu.memory_space<vmem>> -> memref<80x64xf32, #tpu.memory_space<vmem>>
      %dma_wait3A_558 = arith.constant 0 : i32
      %dma_wait3A_559 = arith.constant 0 : i32
      %dma_wait3A_560 = tpu.memref_slice %arg3[%dma_wait3A_558, %dma_wait3A_559] : memref<10000x64xf32, #tpu.memory_space<hbm>> -> memref<80x64xf32, #tpu.memory_space<hbm>>
      tpu.wait_dma2 semaphore(%dma_wait3A_553 : memref<!tpu.dma_semaphore, #tpu.memory_space<semaphore_mem>>) src(%dma_wait3A_560 : memref<80x64xf32, #tpu.memory_space<hbm>>) dst(%dma_wait3A_557 : memref<80x64xf32, #tpu.memory_space<vmem>>)
      %gt3A_561 = arith.constant 0 : i32
      %gt3A_562 = arith.cmpi sgt, %scan3A_216, %gt3A_561 : i32
      %convert_element_type3A_563 = arith.extui %gt3A_562 : i1 to i32
      %cond3A_564 = arith.constant 0 : i32
      %cond3A_565 = arith.cmpi ne, %convert_element_type3A_563, %cond3A_564 : i32
      scf.if %cond3A_565 {
        %dma_wait3A_598 = arith.constant 4 : i32
        %dma_wait3A_599 = arith.constant 4 : i32
        %dma_wait3A_600 = arith.constant 0 : i32
        %dma_wait3A_601 = arith.constant 0 : i32
        %dma_wait3A_602 = tpu.memref_slice %arg11[%dma_wait3A_598, %dma_wait3A_600, %dma_wait3A_601] : memref<5x80x64xf32, #tpu.memory_space<vmem>> -> memref<1x80x64xf32, #tpu.memory_space<vmem>>
        %dma_wait3A_603 = tpu.memref_squeeze %dma_wait3A_602 : memref<1x80x64xf32, #tpu.memory_space<vmem>> -> memref<80x64xf32, #tpu.memory_space<vmem>>
        %dma_wait3A_604 = arith.constant 0 : i32
        %dma_wait3A_605 = tpu.memref_slice %arg6[%mul3A_2, %dma_wait3A_604] : memref<320000x64xf32, #tpu.memory_space<hbm>> -> memref<80x64xf32, #tpu.memory_space<hbm>>
        %dma_wait3A_606 = tpu.memref_slice %arg13[%dma_wait3A_599] : memref<5x!tpu.dma_semaphore, #tpu.memory_space<semaphore_mem>> -> memref<1x!tpu.dma_semaphore, #tpu.memory_space<semaphore_mem>>
        %dma_wait3A_607 = tpu.memref_squeeze %dma_wait3A_606 : memref<1x!tpu.dma_semaphore, #tpu.memory_space<semaphore_mem>> -> memref<!tpu.dma_semaphore, #tpu.memory_space<semaphore_mem>>
        %dma_wait3A_608 = arith.constant 0 : i32
        %dma_wait3A_609 = tpu.memref_slice %arg6[%mul3A_2, %dma_wait3A_608] : memref<320000x64xf32, #tpu.memory_space<hbm>> -> memref<80x64xf32, #tpu.memory_space<hbm>>
        %dma_wait3A_610 = arith.constant 0 : i32
        %dma_wait3A_611 = arith.constant 0 : i32
        %dma_wait3A_612 = tpu.memref_slice %arg11[%dma_wait3A_598, %dma_wait3A_610, %dma_wait3A_611] : memref<5x80x64xf32, #tpu.memory_space<vmem>> -> memref<1x80x64xf32, #tpu.memory_space<vmem>>
        %dma_wait3A_613 = tpu.memref_squeeze %dma_wait3A_612 : memref<1x80x64xf32, #tpu.memory_space<vmem>> -> memref<80x64xf32, #tpu.memory_space<vmem>>
        tpu.wait_dma2 semaphore(%dma_wait3A_607 : memref<!tpu.dma_semaphore, #tpu.memory_space<semaphore_mem>>) src(%dma_wait3A_613 : memref<80x64xf32, #tpu.memory_space<vmem>>) dst(%dma_wait3A_609 : memref<80x64xf32, #tpu.memory_space<hbm>>)
      } else {
      }
      %scan3A_566 = arith.constant 0 : i32
      %scan3A_567 = arith.constant 0 : i32
      %scan3A_568 = arith.constant 80 : i32
      %scan3A_569 = arith.addi %scan3A_567, %scan3A_568 : i32
      %scan3A_570 = arith.constant 4 : i32
      scf.for %scan3A_598 = %scan3A_567 to %scan3A_569 step %scan3A_570  : i32 {
        %get3A = arith.constant 4 : i32
        %get3A_599 = arith.index_cast %get3A : i32 to index
        %get3A_600 = arith.index_cast %scan3A_598 : i32 to index
        %get3A_601 = arith.constant 0 : index
        %get3A_602 = tpu.vector_load %arg9[%get3A_599, %get3A_600, %get3A_601] {strides = array<i32>} : memref<5x80x64xf32, #tpu.memory_space<vmem>>, vector<1x1x16xf32>,
        %get3A_603 = vector.shape_cast %get3A_602 : vector<1x1x16xf32> to vector<16xf32>
        %get3A_604 = arith.constant 4 : i32
        %get3A_605 = arith.index_cast %get3A_604 : i32 to index
        %get3A_606 = arith.index_cast %scan3A_598 : i32 to index
        %get3A_607 = arith.constant 0 : index
        %get3A_608 = tpu.vector_load %arg10[%get3A_605, %get3A_606, %get3A_607] {strides = array<i32>} : memref<5x80x64xf32, #tpu.memory_space<vmem>>, vector<1x1x16xf32>,
        %get3A_609 = vector.shape_cast %get3A_608 : vector<1x1x16xf32> to vector<16xf32>
        %add3A_610 = arith.addf %get3A_603, %get3A_609 : vector<16xf32>
        %swap3A = arith.constant 4 : i32
        %swap3A_611 = arith.index_cast %swap3A : i32 to index
        %swap3A_612 = arith.index_cast %scan3A_598 : i32 to index
        %swap3A_613 = arith.constant 0 : index
        %swap3A_614 = tpu.vector_load %arg11[%swap3A_611, %swap3A_612, %swap3A_613] {strides = array<i32>} : memref<5x80x64xf32, #tpu.memory_space<vmem>>, vector<1x1x16xf32>,
        %swap3A_615 = vector.shape_cast %swap3A_614 : vector<1x1x16xf32> to vector<16xf32>
        %swap3A_616 = vector.shape_cast %add3A_610 : vector<16xf32> to vector<1x1x16xf32>
        tpu.vector_store %arg11[%swap3A_611, %swap3A_612, %swap3A_613], %swap3A_616 {strides = array<i32>} : memref<5x80x64xf32, #tpu.memory_space<vmem>>, vector<1x1x16xf32>,
        %get3A_617 = arith.constant 4 : i32
        %get3A_618 = arith.index_cast %get3A_617 : i32 to index
        %get3A_619 = arith.index_cast %scan3A_598 : i32 to index
        %get3A_620 = arith.constant 16 : index
        %get3A_621 = tpu.vector_load %arg9[%get3A_618, %get3A_619, %get3A_620] {strides = array<i32>} : memref<5x80x64xf32, #tpu.memory_space<vmem>>, vector<1x1x16xf32>,
        %get3A_622 = vector.shape_cast %get3A_621 : vector<1x1x16xf32> to vector<16xf32>
        %get3A_623 = arith.constant 4 : i32
        %get3A_624 = arith.index_cast %get3A_623 : i32 to index
        %get3A_625 = arith.index_cast %scan3A_598 : i32 to index
        %get3A_626 = arith.constant 16 : index
        %get3A_627 = tpu.vector_load %arg10[%get3A_624, %get3A_625, %get3A_626] {strides = array<i32>} : memref<5x80x64xf32, #tpu.memory_space<vmem>>, vector<1x1x16xf32>,
        %get3A_628 = vector.shape_cast %get3A_627 : vector<1x1x16xf32> to vector<16xf32>
        %add3A_629 = arith.addf %get3A_622, %get3A_628 : vector<16xf32>
        %swap3A_630 = arith.constant 4 : i32
        %swap3A_631 = arith.index_cast %swap3A_630 : i32 to index
        %swap3A_632 = arith.index_cast %scan3A_598 : i32 to index
        %swap3A_633 = arith.constant 16 : index
        %swap3A_634 = tpu.vector_load %arg11[%swap3A_631, %swap3A_632, %swap3A_633] {strides = array<i32>} : memref<5x80x64xf32, #tpu.memory_space<vmem>>, vector<1x1x16xf32>,
        %swap3A_635 = vector.shape_cast %swap3A_634 : vector<1x1x16xf32> to vector<16xf32>
        %swap3A_636 = vector.shape_cast %add3A_629 : vector<16xf32> to vector<1x1x16xf32>
        tpu.vector_store %arg11[%swap3A_631, %swap3A_632, %swap3A_633], %swap3A_636 {strides = array<i32>} : memref<5x80x64xf32, #tpu.memory_space<vmem>>, vector<1x1x16xf32>,
        %get3A_637 = arith.constant 4 : i32
        %get3A_638 = arith.index_cast %get3A_637 : i32 to index
        %get3A_639 = arith.index_cast %scan3A_598 : i32 to index
        %get3A_640 = arith.constant 32 : index
        %get3A_641 = tpu.vector_load %arg9[%get3A_638, %get3A_639, %get3A_640] {strides = array<i32>} : memref<5x80x64xf32, #tpu.memory_space<vmem>>, vector<1x1x16xf32>,
        %get3A_642 = vector.shape_cast %get3A_641 : vector<1x1x16xf32> to vector<16xf32>
        %get3A_643 = arith.constant 4 : i32
        %get3A_644 = arith.index_cast %get3A_643 : i32 to index
        %get3A_645 = arith.index_cast %scan3A_598 : i32 to index
        %get3A_646 = arith.constant 32 : index
        %get3A_647 = tpu.vector_load %arg10[%get3A_644, %get3A_645, %get3A_646] {strides = array<i32>} : memref<5x80x64xf32, #tpu.memory_space<vmem>>, vector<1x1x16xf32>,
        %get3A_648 = vector.shape_cast %get3A_647 : vector<1x1x16xf32> to vector<16xf32>
        %add3A_649 = arith.addf %get3A_642, %get3A_648 : vector<16xf32>
        %swap3A_650 = arith.constant 4 : i32
        %swap3A_651 = arith.index_cast %swap3A_650 : i32 to index
        %swap3A_652 = arith.index_cast %scan3A_598 : i32 to index
        %swap3A_653 = arith.constant 32 : index
        %swap3A_654 = tpu.vector_load %arg11[%swap3A_651, %swap3A_652, %swap3A_653] {strides = array<i32>} : memref<5x80x64xf32, #tpu.memory_space<vmem>>, vector<1x1x16xf32>,
        %swap3A_655 = vector.shape_cast %swap3A_654 : vector<1x1x16xf32> to vector<16xf32>
        %swap3A_656 = vector.shape_cast %add3A_649 : vector<16xf32> to vector<1x1x16xf32>
        tpu.vector_store %arg11[%swap3A_651, %swap3A_652, %swap3A_653], %swap3A_656 {strides = array<i32>} : memref<5x80x64xf32, #tpu.memory_space<vmem>>, vector<1x1x16xf32>,
        %get3A_657 = arith.constant 4 : i32
        %get3A_658 = arith.index_cast %get3A_657 : i32 to index
        %get3A_659 = arith.index_cast %scan3A_598 : i32 to index
        %get3A_660 = arith.constant 48 : index
        %get3A_661 = tpu.vector_load %arg9[%get3A_658, %get3A_659, %get3A_660] {strides = array<i32>} : memref<5x80x64xf32, #tpu.memory_space<vmem>>, vector<1x1x16xf32>,
        %get3A_662 = vector.shape_cast %get3A_661 : vector<1x1x16xf32> to vector<16xf32>
        %get3A_663 = arith.constant 4 : i32
        %get3A_664 = arith.index_cast %get3A_663 : i32 to index
        %get3A_665 = arith.index_cast %scan3A_598 : i32 to index
        %get3A_666 = arith.constant 48 : index
        %get3A_667 = tpu.vector_load %arg10[%get3A_664, %get3A_665, %get3A_666] {strides = array<i32>} : memref<5x80x64xf32, #tpu.memory_space<vmem>>, vector<1x1x16xf32>,
        %get3A_668 = vector.shape_cast %get3A_667 : vector<1x1x16xf32> to vector<16xf32>
        %add3A_669 = arith.addf %get3A_662, %get3A_668 : vector<16xf32>
        %swap3A_670 = arith.constant 4 : i32
        %swap3A_671 = arith.index_cast %swap3A_670 : i32 to index
        %swap3A_672 = arith.index_cast %scan3A_598 : i32 to index
        %swap3A_673 = arith.constant 48 : index
        %swap3A_674 = tpu.vector_load %arg11[%swap3A_671, %swap3A_672, %swap3A_673] {strides = array<i32>} : memref<5x80x64xf32, #tpu.memory_space<vmem>>, vector<1x1x16xf32>,
        %swap3A_675 = vector.shape_cast %swap3A_674 : vector<1x1x16xf32> to vector<16xf32>
        %swap3A_676 = vector.shape_cast %add3A_669 : vector<16xf32> to vector<1x1x16xf32>
        tpu.vector_store %arg11[%swap3A_671, %swap3A_672, %swap3A_673], %swap3A_676 {strides = array<i32>} : memref<5x80x64xf32, #tpu.memory_space<vmem>>, vector<1x1x16xf32>,
        %scan3A_677 = arith.constant 1 : i32
        %scan3A_678 = arith.addi %scan3A_598, %scan3A_677 : i32
        %get3A_679 = arith.constant 4 : i32
        %get3A_680 = arith.index_cast %get3A_679 : i32 to index
        %get3A_681 = arith.index_cast %scan3A_678 : i32 to index
        %get3A_682 = arith.constant 0 : index
        %get3A_683 = tpu.vector_load %arg9[%get3A_680, %get3A_681, %get3A_682] {strides = array<i32>} : memref<5x80x64xf32, #tpu.memory_space<vmem>>, vector<1x1x16xf32>,
        %get3A_684 = vector.shape_cast %get3A_683 : vector<1x1x16xf32> to vector<16xf32>
        %get3A_685 = arith.constant 4 : i32
        %get3A_686 = arith.index_cast %get3A_685 : i32 to index
        %get3A_687 = arith.index_cast %scan3A_678 : i32 to index
        %get3A_688 = arith.constant 0 : index
        %get3A_689 = tpu.vector_load %arg10[%get3A_686, %get3A_687, %get3A_688] {strides = array<i32>} : memref<5x80x64xf32, #tpu.memory_space<vmem>>, vector<1x1x16xf32>,
        %get3A_690 = vector.shape_cast %get3A_689 : vector<1x1x16xf32> to vector<16xf32>
        %add3A_691 = arith.addf %get3A_684, %get3A_690 : vector<16xf32>
        %swap3A_692 = arith.constant 4 : i32
        %swap3A_693 = arith.index_cast %swap3A_692 : i32 to index
        %swap3A_694 = arith.index_cast %scan3A_678 : i32 to index
        %swap3A_695 = arith.constant 0 : index
        %swap3A_696 = tpu.vector_load %arg11[%swap3A_693, %swap3A_694, %swap3A_695] {strides = array<i32>} : memref<5x80x64xf32, #tpu.memory_space<vmem>>, vector<1x1x16xf32>,
        %swap3A_697 = vector.shape_cast %swap3A_696 : vector<1x1x16xf32> to vector<16xf32>
        %swap3A_698 = vector.shape_cast %add3A_691 : vector<16xf32> to vector<1x1x16xf32>
        tpu.vector_store %arg11[%swap3A_693, %swap3A_694, %swap3A_695], %swap3A_698 {strides = array<i32>} : memref<5x80x64xf32, #tpu.memory_space<vmem>>, vector<1x1x16xf32>,
        %get3A_699 = arith.constant 4 : i32
        %get3A_700 = arith.index_cast %get3A_699 : i32 to index
        %get3A_701 = arith.index_cast %scan3A_678 : i32 to index
        %get3A_702 = arith.constant 16 : index
        %get3A_703 = tpu.vector_load %arg9[%get3A_700, %get3A_701, %get3A_702] {strides = array<i32>} : memref<5x80x64xf32, #tpu.memory_space<vmem>>, vector<1x1x16xf32>,
        %get3A_704 = vector.shape_cast %get3A_703 : vector<1x1x16xf32> to vector<16xf32>
        %get3A_705 = arith.constant 4 : i32
        %get3A_706 = arith.index_cast %get3A_705 : i32 to index
        %get3A_707 = arith.index_cast %scan3A_678 : i32 to index
        %get3A_708 = arith.constant 16 : index
        %get3A_709 = tpu.vector_load %arg10[%get3A_706, %get3A_707, %get3A_708] {strides = array<i32>} : memref<5x80x64xf32, #tpu.memory_space<vmem>>, vector<1x1x16xf32>,
        %get3A_710 = vector.shape_cast %get3A_709 : vector<1x1x16xf32> to vector<16xf32>
        %add3A_711 = arith.addf %get3A_704, %get3A_710 : vector<16xf32>
        %swap3A_712 = arith.constant 4 : i32
        %swap3A_713 = arith.index_cast %swap3A_712 : i32 to index
        %swap3A_714 = arith.index_cast %scan3A_678 : i32 to index
        %swap3A_715 = arith.constant 16 : index
        %swap3A_716 = tpu.vector_load %arg11[%swap3A_713, %swap3A_714, %swap3A_715] {strides = array<i32>} : memref<5x80x64xf32, #tpu.memory_space<vmem>>, vector<1x1x16xf32>,
        %swap3A_717 = vector.shape_cast %swap3A_716 : vector<1x1x16xf32> to vector<16xf32>
        %swap3A_718 = vector.shape_cast %add3A_711 : vector<16xf32> to vector<1x1x16xf32>
        tpu.vector_store %arg11[%swap3A_713, %swap3A_714, %swap3A_715], %swap3A_718 {strides = array<i32>} : memref<5x80x64xf32, #tpu.memory_space<vmem>>, vector<1x1x16xf32>,
        %get3A_719 = arith.constant 4 : i32
        %get3A_720 = arith.index_cast %get3A_719 : i32 to index
        %get3A_721 = arith.index_cast %scan3A_678 : i32 to index
        %get3A_722 = arith.constant 32 : index
        %get3A_723 = tpu.vector_load %arg9[%get3A_720, %get3A_721, %get3A_722] {strides = array<i32>} : memref<5x80x64xf32, #tpu.memory_space<vmem>>, vector<1x1x16xf32>,
        %get3A_724 = vector.shape_cast %get3A_723 : vector<1x1x16xf32> to vector<16xf32>
        %get3A_725 = arith.constant 4 : i32
        %get3A_726 = arith.index_cast %get3A_725 : i32 to index
        %get3A_727 = arith.index_cast %scan3A_678 : i32 to index
        %get3A_728 = arith.constant 32 : index
        %get3A_729 = tpu.vector_load %arg10[%get3A_726, %get3A_727, %get3A_728] {strides = array<i32>} : memref<5x80x64xf32, #tpu.memory_space<vmem>>, vector<1x1x16xf32>,
        %get3A_730 = vector.shape_cast %get3A_729 : vector<1x1x16xf32> to vector<16xf32>
        %add3A_731 = arith.addf %get3A_724, %get3A_730 : vector<16xf32>
        %swap3A_732 = arith.constant 4 : i32
        %swap3A_733 = arith.index_cast %swap3A_732 : i32 to index
        %swap3A_734 = arith.index_cast %scan3A_678 : i32 to index
        %swap3A_735 = arith.constant 32 : index
        %swap3A_736 = tpu.vector_load %arg11[%swap3A_733, %swap3A_734, %swap3A_735] {strides = array<i32>} : memref<5x80x64xf32, #tpu.memory_space<vmem>>, vector<1x1x16xf32>,
        %swap3A_737 = vector.shape_cast %swap3A_736 : vector<1x1x16xf32> to vector<16xf32>
        %swap3A_738 = vector.shape_cast %add3A_731 : vector<16xf32> to vector<1x1x16xf32>
        tpu.vector_store %arg11[%swap3A_733, %swap3A_734, %swap3A_735], %swap3A_738 {strides = array<i32>} : memref<5x80x64xf32, #tpu.memory_space<vmem>>, vector<1x1x16xf32>,
        %get3A_739 = arith.constant 4 : i32
        %get3A_740 = arith.index_cast %get3A_739 : i32 to index
        %get3A_741 = arith.index_cast %scan3A_678 : i32 to index
        %get3A_742 = arith.constant 48 : index
        %get3A_743 = tpu.vector_load %arg9[%get3A_740, %get3A_741, %get3A_742] {strides = array<i32>} : memref<5x80x64xf32, #tpu.memory_space<vmem>>, vector<1x1x16xf32>,
        %get3A_744 = vector.shape_cast %get3A_743 : vector<1x1x16xf32> to vector<16xf32>
        %get3A_745 = arith.constant 4 : i32
        %get3A_746 = arith.index_cast %get3A_745 : i32 to index
        %get3A_747 = arith.index_cast %scan3A_678 : i32 to index
        %get3A_748 = arith.constant 48 : index
        %get3A_749 = tpu.vector_load %arg10[%get3A_746, %get3A_747, %get3A_748] {strides = array<i32>} : memref<5x80x64xf32, #tpu.memory_space<vmem>>, vector<1x1x16xf32>,
        %get3A_750 = vector.shape_cast %get3A_749 : vector<1x1x16xf32> to vector<16xf32>
        %add3A_751 = arith.addf %get3A_744, %get3A_750 : vector<16xf32>
        %swap3A_752 = arith.constant 4 : i32
        %swap3A_753 = arith.index_cast %swap3A_752 : i32 to index
        %swap3A_754 = arith.index_cast %scan3A_678 : i32 to index
        %swap3A_755 = arith.constant 48 : index
        %swap3A_756 = tpu.vector_load %arg11[%swap3A_753, %swap3A_754, %swap3A_755] {strides = array<i32>} : memref<5x80x64xf32, #tpu.memory_space<vmem>>, vector<1x1x16xf32>,
        %swap3A_757 = vector.shape_cast %swap3A_756 : vector<1x1x16xf32> to vector<16xf32>
        %swap3A_758 = vector.shape_cast %add3A_751 : vector<16xf32> to vector<1x1x16xf32>
        tpu.vector_store %arg11[%swap3A_753, %swap3A_754, %swap3A_755], %swap3A_758 {strides = array<i32>} : memref<5x80x64xf32, #tpu.memory_space<vmem>>, vector<1x1x16xf32>,
        %scan3A_759 = arith.constant 2 : i32
        %scan3A_760 = arith.addi %scan3A_598, %scan3A_759 : i32
        %get3A_761 = arith.constant 4 : i32
        %get3A_762 = arith.index_cast %get3A_761 : i32 to index
        %get3A_763 = arith.index_cast %scan3A_760 : i32 to index
        %get3A_764 = arith.constant 0 : index
        %get3A_765 = tpu.vector_load %arg9[%get3A_762, %get3A_763, %get3A_764] {strides = array<i32>} : memref<5x80x64xf32, #tpu.memory_space<vmem>>, vector<1x1x16xf32>,
        %get3A_766 = vector.shape_cast %get3A_765 : vector<1x1x16xf32> to vector<16xf32>
        %get3A_767 = arith.constant 4 : i32
        %get3A_768 = arith.index_cast %get3A_767 : i32 to index
        %get3A_769 = arith.index_cast %scan3A_760 : i32 to index
        %get3A_770 = arith.constant 0 : index
        %get3A_771 = tpu.vector_load %arg10[%get3A_768, %get3A_769, %get3A_770] {strides = array<i32>} : memref<5x80x64xf32, #tpu.memory_space<vmem>>, vector<1x1x16xf32>,
        %get3A_772 = vector.shape_cast %get3A_771 : vector<1x1x16xf32> to vector<16xf32>
        %add3A_773 = arith.addf %get3A_766, %get3A_772 : vector<16xf32>
        %swap3A_774 = arith.constant 4 : i32
        %swap3A_775 = arith.index_cast %swap3A_774 : i32 to index
        %swap3A_776 = arith.index_cast %scan3A_760 : i32 to index
        %swap3A_777 = arith.constant 0 : index
        %swap3A_778 = tpu.vector_load %arg11[%swap3A_775, %swap3A_776, %swap3A_777] {strides = array<i32>} : memref<5x80x64xf32, #tpu.memory_space<vmem>>, vector<1x1x16xf32>,
        %swap3A_779 = vector.shape_cast %swap3A_778 : vector<1x1x16xf32> to vector<16xf32>
        %swap3A_780 = vector.shape_cast %add3A_773 : vector<16xf32> to vector<1x1x16xf32>
        tpu.vector_store %arg11[%swap3A_775, %swap3A_776, %swap3A_777], %swap3A_780 {strides = array<i32>} : memref<5x80x64xf32, #tpu.memory_space<vmem>>, vector<1x1x16xf32>,
        %get3A_781 = arith.constant 4 : i32
        %get3A_782 = arith.index_cast %get3A_781 : i32 to index
        %get3A_783 = arith.index_cast %scan3A_760 : i32 to index
        %get3A_784 = arith.constant 16 : index
        %get3A_785 = tpu.vector_load %arg9[%get3A_782, %get3A_783, %get3A_784] {strides = array<i32>} : memref<5x80x64xf32, #tpu.memory_space<vmem>>, vector<1x1x16xf32>,
        %get3A_786 = vector.shape_cast %get3A_785 : vector<1x1x16xf32> to vector<16xf32>
        %get3A_787 = arith.constant 4 : i32
        %get3A_788 = arith.index_cast %get3A_787 : i32 to index
        %get3A_789 = arith.index_cast %scan3A_760 : i32 to index
        %get3A_790 = arith.constant 16 : index
        %get3A_791 = tpu.vector_load %arg10[%get3A_788, %get3A_789, %get3A_790] {strides = array<i32>} : memref<5x80x64xf32, #tpu.memory_space<vmem>>, vector<1x1x16xf32>,
        %get3A_792 = vector.shape_cast %get3A_791 : vector<1x1x16xf32> to vector<16xf32>
        %add3A_793 = arith.addf %get3A_786, %get3A_792 : vector<16xf32>
        %swap3A_794 = arith.constant 4 : i32
        %swap3A_795 = arith.index_cast %swap3A_794 : i32 to index
        %swap3A_796 = arith.index_cast %scan3A_760 : i32 to index
        %swap3A_797 = arith.constant 16 : index
        %swap3A_798 = tpu.vector_load %arg11[%swap3A_795, %swap3A_796, %swap3A_797] {strides = array<i32>} : memref<5x80x64xf32, #tpu.memory_space<vmem>>, vector<1x1x16xf32>,
        %swap3A_799 = vector.shape_cast %swap3A_798 : vector<1x1x16xf32> to vector<16xf32>
        %swap3A_800 = vector.shape_cast %add3A_793 : vector<16xf32> to vector<1x1x16xf32>
        tpu.vector_store %arg11[%swap3A_795, %swap3A_796, %swap3A_797], %swap3A_800 {strides = array<i32>} : memref<5x80x64xf32, #tpu.memory_space<vmem>>, vector<1x1x16xf32>,
        %get3A_801 = arith.constant 4 : i32
        %get3A_802 = arith.index_cast %get3A_801 : i32 to index
        %get3A_803 = arith.index_cast %scan3A_760 : i32 to index
        %get3A_804 = arith.constant 32 : index
        %get3A_805 = tpu.vector_load %arg9[%get3A_802, %get3A_803, %get3A_804] {strides = array<i32>} : memref<5x80x64xf32, #tpu.memory_space<vmem>>, vector<1x1x16xf32>,
        %get3A_806 = vector.shape_cast %get3A_805 : vector<1x1x16xf32> to vector<16xf32>
        %get3A_807 = arith.constant 4 : i32
        %get3A_808 = arith.index_cast %get3A_807 : i32 to index
        %get3A_809 = arith.index_cast %scan3A_760 : i32 to index
        %get3A_810 = arith.constant 32 : index
        %get3A_811 = tpu.vector_load %arg10[%get3A_808, %get3A_809, %get3A_810] {strides = array<i32>} : memref<5x80x64xf32, #tpu.memory_space<vmem>>, vector<1x1x16xf32>,
        %get3A_812 = vector.shape_cast %get3A_811 : vector<1x1x16xf32> to vector<16xf32>
        %add3A_813 = arith.addf %get3A_806, %get3A_812 : vector<16xf32>
        %swap3A_814 = arith.constant 4 : i32
        %swap3A_815 = arith.index_cast %swap3A_814 : i32 to index
        %swap3A_816 = arith.index_cast %scan3A_760 : i32 to index
        %swap3A_817 = arith.constant 32 : index
        %swap3A_818 = tpu.vector_load %arg11[%swap3A_815, %swap3A_816, %swap3A_817] {strides = array<i32>} : memref<5x80x64xf32, #tpu.memory_space<vmem>>, vector<1x1x16xf32>,
        %swap3A_819 = vector.shape_cast %swap3A_818 : vector<1x1x16xf32> to vector<16xf32>
        %swap3A_820 = vector.shape_cast %add3A_813 : vector<16xf32> to vector<1x1x16xf32>
        tpu.vector_store %arg11[%swap3A_815, %swap3A_816, %swap3A_817], %swap3A_820 {strides = array<i32>} : memref<5x80x64xf32, #tpu.memory_space<vmem>>, vector<1x1x16xf32>,
        %get3A_821 = arith.constant 4 : i32
        %get3A_822 = arith.index_cast %get3A_821 : i32 to index
        %get3A_823 = arith.index_cast %scan3A_760 : i32 to index
        %get3A_824 = arith.constant 48 : index
        %get3A_825 = tpu.vector_load %arg9[%get3A_822, %get3A_823, %get3A_824] {strides = array<i32>} : memref<5x80x64xf32, #tpu.memory_space<vmem>>, vector<1x1x16xf32>,
        %get3A_826 = vector.shape_cast %get3A_825 : vector<1x1x16xf32> to vector<16xf32>
        %get3A_827 = arith.constant 4 : i32
        %get3A_828 = arith.index_cast %get3A_827 : i32 to index
        %get3A_829 = arith.index_cast %scan3A_760 : i32 to index
        %get3A_830 = arith.constant 48 : index
        %get3A_831 = tpu.vector_load %arg10[%get3A_828, %get3A_829, %get3A_830] {strides = array<i32>} : memref<5x80x64xf32, #tpu.memory_space<vmem>>, vector<1x1x16xf32>,
        %get3A_832 = vector.shape_cast %get3A_831 : vector<1x1x16xf32> to vector<16xf32>
        %add3A_833 = arith.addf %get3A_826, %get3A_832 : vector<16xf32>
        %swap3A_834 = arith.constant 4 : i32
        %swap3A_835 = arith.index_cast %swap3A_834 : i32 to index
        %swap3A_836 = arith.index_cast %scan3A_760 : i32 to index
        %swap3A_837 = arith.constant 48 : index
        %swap3A_838 = tpu.vector_load %arg11[%swap3A_835, %swap3A_836, %swap3A_837] {strides = array<i32>} : memref<5x80x64xf32, #tpu.memory_space<vmem>>, vector<1x1x16xf32>,
        %swap3A_839 = vector.shape_cast %swap3A_838 : vector<1x1x16xf32> to vector<16xf32>
        %swap3A_840 = vector.shape_cast %add3A_833 : vector<16xf32> to vector<1x1x16xf32>
        tpu.vector_store %arg11[%swap3A_835, %swap3A_836, %swap3A_837], %swap3A_840 {strides = array<i32>} : memref<5x80x64xf32, #tpu.memory_space<vmem>>, vector<1x1x16xf32>,
        %scan3A_841 = arith.constant 3 : i32
        %scan3A_842 = arith.addi %scan3A_598, %scan3A_841 : i32
        %get3A_843 = arith.constant 4 : i32
        %get3A_844 = arith.index_cast %get3A_843 : i32 to index
        %get3A_845 = arith.index_cast %scan3A_842 : i32 to index
        %get3A_846 = arith.constant 0 : index
        %get3A_847 = tpu.vector_load %arg9[%get3A_844, %get3A_845, %get3A_846] {strides = array<i32>} : memref<5x80x64xf32, #tpu.memory_space<vmem>>, vector<1x1x16xf32>,
        %get3A_848 = vector.shape_cast %get3A_847 : vector<1x1x16xf32> to vector<16xf32>
        %get3A_849 = arith.constant 4 : i32
        %get3A_850 = arith.index_cast %get3A_849 : i32 to index
        %get3A_851 = arith.index_cast %scan3A_842 : i32 to index
        %get3A_852 = arith.constant 0 : index
        %get3A_853 = tpu.vector_load %arg10[%get3A_850, %get3A_851, %get3A_852] {strides = array<i32>} : memref<5x80x64xf32, #tpu.memory_space<vmem>>, vector<1x1x16xf32>,
        %get3A_854 = vector.shape_cast %get3A_853 : vector<1x1x16xf32> to vector<16xf32>
        %add3A_855 = arith.addf %get3A_848, %get3A_854 : vector<16xf32>
        %swap3A_856 = arith.constant 4 : i32
        %swap3A_857 = arith.index_cast %swap3A_856 : i32 to index
        %swap3A_858 = arith.index_cast %scan3A_842 : i32 to index
        %swap3A_859 = arith.constant 0 : index
        %swap3A_860 = tpu.vector_load %arg11[%swap3A_857, %swap3A_858, %swap3A_859] {strides = array<i32>} : memref<5x80x64xf32, #tpu.memory_space<vmem>>, vector<1x1x16xf32>,
        %swap3A_861 = vector.shape_cast %swap3A_860 : vector<1x1x16xf32> to vector<16xf32>
        %swap3A_862 = vector.shape_cast %add3A_855 : vector<16xf32> to vector<1x1x16xf32>
        tpu.vector_store %arg11[%swap3A_857, %swap3A_858, %swap3A_859], %swap3A_862 {strides = array<i32>} : memref<5x80x64xf32, #tpu.memory_space<vmem>>, vector<1x1x16xf32>,
        %get3A_863 = arith.constant 4 : i32
        %get3A_864 = arith.index_cast %get3A_863 : i32 to index
        %get3A_865 = arith.index_cast %scan3A_842 : i32 to index
        %get3A_866 = arith.constant 16 : index
        %get3A_867 = tpu.vector_load %arg9[%get3A_864, %get3A_865, %get3A_866] {strides = array<i32>} : memref<5x80x64xf32, #tpu.memory_space<vmem>>, vector<1x1x16xf32>,
        %get3A_868 = vector.shape_cast %get3A_867 : vector<1x1x16xf32> to vector<16xf32>
        %get3A_869 = arith.constant 4 : i32
        %get3A_870 = arith.index_cast %get3A_869 : i32 to index
        %get3A_871 = arith.index_cast %scan3A_842 : i32 to index
        %get3A_872 = arith.constant 16 : index
        %get3A_873 = tpu.vector_load %arg10[%get3A_870, %get3A_871, %get3A_872] {strides = array<i32>} : memref<5x80x64xf32, #tpu.memory_space<vmem>>, vector<1x1x16xf32>,
        %get3A_874 = vector.shape_cast %get3A_873 : vector<1x1x16xf32> to vector<16xf32>
        %add3A_875 = arith.addf %get3A_868, %get3A_874 : vector<16xf32>
        %swap3A_876 = arith.constant 4 : i32
        %swap3A_877 = arith.index_cast %swap3A_876 : i32 to index
        %swap3A_878 = arith.index_cast %scan3A_842 : i32 to index
        %swap3A_879 = arith.constant 16 : index
        %swap3A_880 = tpu.vector_load %arg11[%swap3A_877, %swap3A_878, %swap3A_879] {strides = array<i32>} : memref<5x80x64xf32, #tpu.memory_space<vmem>>, vector<1x1x16xf32>,
        %swap3A_881 = vector.shape_cast %swap3A_880 : vector<1x1x16xf32> to vector<16xf32>
        %swap3A_882 = vector.shape_cast %add3A_875 : vector<16xf32> to vector<1x1x16xf32>
        tpu.vector_store %arg11[%swap3A_877, %swap3A_878, %swap3A_879], %swap3A_882 {strides = array<i32>} : memref<5x80x64xf32, #tpu.memory_space<vmem>>, vector<1x1x16xf32>,
        %get3A_883 = arith.constant 4 : i32
        %get3A_884 = arith.index_cast %get3A_883 : i32 to index
        %get3A_885 = arith.index_cast %scan3A_842 : i32 to index
        %get3A_886 = arith.constant 32 : index
        %get3A_887 = tpu.vector_load %arg9[%get3A_884, %get3A_885, %get3A_886] {strides = array<i32>} : memref<5x80x64xf32, #tpu.memory_space<vmem>>, vector<1x1x16xf32>,
        %get3A_888 = vector.shape_cast %get3A_887 : vector<1x1x16xf32> to vector<16xf32>
        %get3A_889 = arith.constant 4 : i32
        %get3A_890 = arith.index_cast %get3A_889 : i32 to index
        %get3A_891 = arith.index_cast %scan3A_842 : i32 to index
        %get3A_892 = arith.constant 32 : index
        %get3A_893 = tpu.vector_load %arg10[%get3A_890, %get3A_891, %get3A_892] {strides = array<i32>} : memref<5x80x64xf32, #tpu.memory_space<vmem>>, vector<1x1x16xf32>,
        %get3A_894 = vector.shape_cast %get3A_893 : vector<1x1x16xf32> to vector<16xf32>
        %add3A_895 = arith.addf %get3A_888, %get3A_894 : vector<16xf32>
        %swap3A_896 = arith.constant 4 : i32
        %swap3A_897 = arith.index_cast %swap3A_896 : i32 to index
        %swap3A_898 = arith.index_cast %scan3A_842 : i32 to index
        %swap3A_899 = arith.constant 32 : index
        %swap3A_900 = tpu.vector_load %arg11[%swap3A_897, %swap3A_898, %swap3A_899] {strides = array<i32>} : memref<5x80x64xf32, #tpu.memory_space<vmem>>, vector<1x1x16xf32>,
        %swap3A_901 = vector.shape_cast %swap3A_900 : vector<1x1x16xf32> to vector<16xf32>
        %swap3A_902 = vector.shape_cast %add3A_895 : vector<16xf32> to vector<1x1x16xf32>
        tpu.vector_store %arg11[%swap3A_897, %swap3A_898, %swap3A_899], %swap3A_902 {strides = array<i32>} : memref<5x80x64xf32, #tpu.memory_space<vmem>>, vector<1x1x16xf32>,
        %get3A_903 = arith.constant 4 : i32
        %get3A_904 = arith.index_cast %get3A_903 : i32 to index
        %get3A_905 = arith.index_cast %scan3A_842 : i32 to index
        %get3A_906 = arith.constant 48 : index
        %get3A_907 = tpu.vector_load %arg9[%get3A_904, %get3A_905, %get3A_906] {strides = array<i32>} : memref<5x80x64xf32, #tpu.memory_space<vmem>>, vector<1x1x16xf32>,
        %get3A_908 = vector.shape_cast %get3A_907 : vector<1x1x16xf32> to vector<16xf32>
        %get3A_909 = arith.constant 4 : i32
        %get3A_910 = arith.index_cast %get3A_909 : i32 to index
        %get3A_911 = arith.index_cast %scan3A_842 : i32 to index
        %get3A_912 = arith.constant 48 : index
        %get3A_913 = tpu.vector_load %arg10[%get3A_910, %get3A_911, %get3A_912] {strides = array<i32>} : memref<5x80x64xf32, #tpu.memory_space<vmem>>, vector<1x1x16xf32>,
        %get3A_914 = vector.shape_cast %get3A_913 : vector<1x1x16xf32> to vector<16xf32>
        %add3A_915 = arith.addf %get3A_908, %get3A_914 : vector<16xf32>
        %swap3A_916 = arith.constant 4 : i32
        %swap3A_917 = arith.index_cast %swap3A_916 : i32 to index
        %swap3A_918 = arith.index_cast %scan3A_842 : i32 to index
        %swap3A_919 = arith.constant 48 : index
        %swap3A_920 = tpu.vector_load %arg11[%swap3A_917, %swap3A_918, %swap3A_919] {strides = array<i32>} : memref<5x80x64xf32, #tpu.memory_space<vmem>>, vector<1x1x16xf32>,
        %swap3A_921 = vector.shape_cast %swap3A_920 : vector<1x1x16xf32> to vector<16xf32>
        %swap3A_922 = vector.shape_cast %add3A_915 : vector<16xf32> to vector<1x1x16xf32>
        tpu.vector_store %arg11[%swap3A_917, %swap3A_918, %swap3A_919], %swap3A_922 {strides = array<i32>} : memref<5x80x64xf32, #tpu.memory_space<vmem>>, vector<1x1x16xf32>,
      }
      %scan3A_571 = arith.constant 80 : i32
      %mul3A_572 = arith.constant 80 : i32
      %mul3A_573 = arith.muli %add3A_524, %mul3A_572 : i32
      %add3A_574 = arith.addi %mul3A_2, %mul3A_573 : i32
      %dma_start3A_575 = arith.constant 4 : i32
      %dma_start3A_576 = arith.constant 4 : i32
      %dma_start3A_577 = arith.constant 0 : i32
      %dma_start3A_578 = arith.constant 0 : i32
      %dma_start3A_579 = tpu.memref_slice %arg11[%dma_start3A_575, %dma_start3A_577, %dma_start3A_578] : memref<5x80x64xf32, #tpu.memory_space<vmem>> -> memref<1x80x64xf32, #tpu.memory_space<vmem>>
      %dma_start3A_580 = tpu.memref_squeeze %dma_start3A_579 : memref<1x80x64xf32, #tpu.memory_space<vmem>> -> memref<80x64xf32, #tpu.memory_space<vmem>>
      %dma_start3A_581 = arith.constant 0 : i32
      %dma_start3A_582 = tpu.memref_slice %arg6[%add3A_574, %dma_start3A_581] : memref<320000x64xf32, #tpu.memory_space<hbm>> -> memref<80x64xf32, #tpu.memory_space<hbm>>
      %dma_start3A_583 = tpu.memref_slice %arg13[%dma_start3A_576] : memref<5x!tpu.dma_semaphore, #tpu.memory_space<semaphore_mem>> -> memref<1x!tpu.dma_semaphore, #tpu.memory_space<semaphore_mem>>
      %dma_start3A_584 = tpu.memref_squeeze %dma_start3A_583 : memref<1x!tpu.dma_semaphore, #tpu.memory_space<semaphore_mem>> -> memref<!tpu.dma_semaphore, #tpu.memory_space<semaphore_mem>>
      %dma_start3A_585 = arith.constant 0 : i32
      %dma_start3A_586 = tpu.memref_slice %arg6[%add3A_574, %dma_start3A_585] : memref<320000x64xf32, #tpu.memory_space<hbm>> -> memref<80x64xf32, #tpu.memory_space<hbm>>
      %dma_start3A_587 = arith.constant 0 : i32
      %dma_start3A_588 = arith.constant 0 : i32
      %dma_start3A_589 = tpu.memref_slice %arg11[%dma_start3A_575, %dma_start3A_587, %dma_start3A_588] : memref<5x80x64xf32, #tpu.memory_space<vmem>> -> memref<1x80x64xf32, #tpu.memory_space<vmem>>
      %dma_start3A_590 = tpu.memref_squeeze %dma_start3A_589 : memref<1x80x64xf32, #tpu.memory_space<vmem>> -> memref<80x64xf32, #tpu.memory_space<vmem>>
      tpu.enqueue_dma source(%dma_start3A_590 : memref<80x64xf32, #tpu.memory_space<vmem>>) target(%dma_start3A_586 : memref<80x64xf32, #tpu.memory_space<hbm>>) target_semaphore(%dma_start3A_584 : memref<!tpu.dma_semaphore, #tpu.memory_space<semaphore_mem>>)
      %add3A_591 = arith.constant 5 : i32
      %add3A_592 = arith.addi %add3A_524, %add3A_591 : i32
      %lt3A_593 = arith.constant 125 : i32
      %lt3A_594 = arith.cmpi slt, %add3A_592, %lt3A_593 : i32
      %convert_element_type3A_595 = arith.extui %lt3A_594 : i1 to i32
      %cond3A_596 = arith.constant 0 : i32
      %cond3A_597 = arith.cmpi ne, %convert_element_type3A_595, %cond3A_596 : i32
      scf.if %cond3A_597 {
        %add3A_598 = arith.constant 5 : i32
        %add3A_599 = arith.addi %add3A_524, %add3A_598 : i32
        %mul3A_600 = arith.constant 80 : i32
        %mul3A_601 = arith.muli %add3A_599, %mul3A_600 : i32
        %dma_start3A_602 = arith.constant 4 : i32
        %dma_start3A_603 = arith.constant 4 : i32
        %dma_start3A_604 = arith.constant 0 : i32
        %dma_start3A_605 = arith.constant 0 : i32
        %dma_start3A_606 = tpu.memref_slice %arg9[%dma_start3A_602, %dma_start3A_604, %dma_start3A_605] : memref<5x80x64xf32, #tpu.memory_space<vmem>> -> memref<1x80x64xf32, #tpu.memory_space<vmem>>
        %dma_start3A_607 = tpu.memref_squeeze %dma_start3A_606 : memref<1x80x64xf32, #tpu.memory_space<vmem>> -> memref<80x64xf32, #tpu.memory_space<vmem>>
        %dma_start3A_608 = tpu.memref_slice %arg7[%mul3A_601] : memref<10000xi32, #tpu.memory_space<vmem>> -> memref<80xi32, #tpu.memory_space<vmem>>
        %dma_start3A_609 = arith.constant 0 : i32
        %dma_start3A_610 = arith.constant 0 : i32
        %dma_start3A_611 = tpu.memref_slice %arg2[%dma_start3A_609, %dma_start3A_610] : memref<10000x64xf32, #tpu.memory_space<hbm>> -> memref<10000x64xf32, #tpu.memory_space<hbm>>
        %dma_start3A_612 = tpu.memref_slice %arg12[%dma_start3A_603] : memref<5x!tpu.dma_semaphore, #tpu.memory_space<semaphore_mem>> -> memref<1x!tpu.dma_semaphore, #tpu.memory_space<semaphore_mem>>
        %dma_start3A_613 = tpu.memref_squeeze %dma_start3A_612 : memref<1x!tpu.dma_semaphore, #tpu.memory_space<semaphore_mem>> -> memref<!tpu.dma_semaphore, #tpu.memory_space<semaphore_mem>>
        tpu.enqueue_indirect_dma source(%dma_start3A_611 : memref<10000x64xf32, #tpu.memory_space<hbm>>) target(%dma_start3A_607 : memref<80x64xf32, #tpu.memory_space<vmem>>) offsets(%dma_start3A_608 : memref<80xi32, #tpu.memory_space<vmem>>) semaphore(%dma_start3A_613 : memref<!tpu.dma_semaphore, #tpu.memory_space<semaphore_mem>>)
        %dma_start3A_614 = arith.constant 4 : i32
        %dma_start3A_615 = arith.constant 4 : i32
        %dma_start3A_616 = arith.constant 0 : i32
        %dma_start3A_617 = arith.constant 0 : i32
        %dma_start3A_618 = tpu.memref_slice %arg10[%dma_start3A_614, %dma_start3A_616, %dma_start3A_617] : memref<5x80x64xf32, #tpu.memory_space<vmem>> -> memref<1x80x64xf32, #tpu.memory_space<vmem>>
        %dma_start3A_619 = tpu.memref_squeeze %dma_start3A_618 : memref<1x80x64xf32, #tpu.memory_space<vmem>> -> memref<80x64xf32, #tpu.memory_space<vmem>>
        %dma_start3A_620 = tpu.memref_slice %arg8[%mul3A_601] : memref<10000xi32, #tpu.memory_space<vmem>> -> memref<80xi32, #tpu.memory_space<vmem>>
        %dma_start3A_621 = arith.constant 0 : i32
        %dma_start3A_622 = arith.constant 0 : i32
        %dma_start3A_623 = tpu.memref_slice %arg3[%dma_start3A_621, %dma_start3A_622] : memref<10000x64xf32, #tpu.memory_space<hbm>> -> memref<10000x64xf32, #tpu.memory_space<hbm>>
        %dma_start3A_624 = tpu.memref_slice %arg12[%dma_start3A_615] : memref<5x!tpu.dma_semaphore, #tpu.memory_space<semaphore_mem>> -> memref<1x!tpu.dma_semaphore, #tpu.memory_space<semaphore_mem>>
        %dma_start3A_625 = tpu.memref_squeeze %dma_start3A_624 : memref<1x!tpu.dma_semaphore, #tpu.memory_space<semaphore_mem>> -> memref<!tpu.dma_semaphore, #tpu.memory_space<semaphore_mem>>
        tpu.enqueue_indirect_dma source(%dma_start3A_623 : memref<10000x64xf32, #tpu.memory_space<hbm>>) target(%dma_start3A_619 : memref<80x64xf32, #tpu.memory_space<vmem>>) offsets(%dma_start3A_620 : memref<80xi32, #tpu.memory_space<vmem>>) semaphore(%dma_start3A_625 : memref<!tpu.dma_semaphore, #tpu.memory_space<semaphore_mem>>)
      } else {
      }
    }
    %scan3A_136 = arith.constant 25 : i32
    %dma_wait3A = arith.constant 0 : i32
    %dma_wait3A_137 = arith.constant 0 : i32
    %dma_wait3A_138 = arith.constant 0 : i32
    %dma_wait3A_139 = arith.constant 0 : i32
    %dma_wait3A_140 = tpu.memref_slice %arg11[%dma_wait3A, %dma_wait3A_138, %dma_wait3A_139] : memref<5x80x64xf32, #tpu.memory_space<vmem>> -> memref<1x80x64xf32, #tpu.memory_space<vmem>>
    %dma_wait3A_141 = tpu.memref_squeeze %dma_wait3A_140 : memref<1x80x64xf32, #tpu.memory_space<vmem>> -> memref<80x64xf32, #tpu.memory_space<vmem>>
    %dma_wait3A_142 = arith.constant 0 : i32
    %dma_wait3A_143 = tpu.memref_slice %arg6[%mul3A_2, %dma_wait3A_142] : memref<320000x64xf32, #tpu.memory_space<hbm>> -> memref<80x64xf32, #tpu.memory_space<hbm>>
    %dma_wait3A_144 = tpu.memref_slice %arg13[%dma_wait3A_137] : memref<5x!tpu.dma_semaphore, #tpu.memory_space<semaphore_mem>> -> memref<1x!tpu.dma_semaphore, #tpu.memory_space<semaphore_mem>>
    %dma_wait3A_145 = tpu.memref_squeeze %dma_wait3A_144 : memref<1x!tpu.dma_semaphore, #tpu.memory_space<semaphore_mem>> -> memref<!tpu.dma_semaphore, #tpu.memory_space<semaphore_mem>>
    %dma_wait3A_146 = arith.constant 0 : i32
    %dma_wait3A_147 = tpu.memref_slice %arg6[%mul3A_2, %dma_wait3A_146] : memref<320000x64xf32, #tpu.memory_space<hbm>> -> memref<80x64xf32, #tpu.memory_space<hbm>>
    %dma_wait3A_148 = arith.constant 0 : i32
    %dma_wait3A_149 = arith.constant 0 : i32
    %dma_wait3A_150 = tpu.memref_slice %arg11[%dma_wait3A, %dma_wait3A_148, %dma_wait3A_149] : memref<5x80x64xf32, #tpu.memory_space<vmem>> -> memref<1x80x64xf32, #tpu.memory_space<vmem>>
    %dma_wait3A_151 = tpu.memref_squeeze %dma_wait3A_150 : memref<1x80x64xf32, #tpu.memory_space<vmem>> -> memref<80x64xf32, #tpu.memory_space<vmem>>
    tpu.wait_dma2 semaphore(%dma_wait3A_145 : memref<!tpu.dma_semaphore, #tpu.memory_space<semaphore_mem>>) src(%dma_wait3A_151 : memref<80x64xf32, #tpu.memory_space<vmem>>) dst(%dma_wait3A_147 : memref<80x64xf32, #tpu.memory_space<hbm>>)
    %dma_wait3A_152 = arith.constant 1 : i32
    %dma_wait3A_153 = arith.constant 1 : i32
    %dma_wait3A_154 = arith.constant 0 : i32
    %dma_wait3A_155 = arith.constant 0 : i32
    %dma_wait3A_156 = tpu.memref_slice %arg11[%dma_wait3A_152, %dma_wait3A_154, %dma_wait3A_155] : memref<5x80x64xf32, #tpu.memory_space<vmem>> -> memref<1x80x64xf32, #tpu.memory_space<vmem>>
    %dma_wait3A_157 = tpu.memref_squeeze %dma_wait3A_156 : memref<1x80x64xf32, #tpu.memory_space<vmem>> -> memref<80x64xf32, #tpu.memory_space<vmem>>
    %dma_wait3A_158 = arith.constant 0 : i32
    %dma_wait3A_159 = tpu.memref_slice %arg6[%mul3A_2, %dma_wait3A_158] : memref<320000x64xf32, #tpu.memory_space<hbm>> -> memref<80x64xf32, #tpu.memory_space<hbm>>
    %dma_wait3A_160 = tpu.memref_slice %arg13[%dma_wait3A_153] : memref<5x!tpu.dma_semaphore, #tpu.memory_space<semaphore_mem>> -> memref<1x!tpu.dma_semaphore, #tpu.memory_space<semaphore_mem>>
    %dma_wait3A_161 = tpu.memref_squeeze %dma_wait3A_160 : memref<1x!tpu.dma_semaphore, #tpu.memory_space<semaphore_mem>> -> memref<!tpu.dma_semaphore, #tpu.memory_space<semaphore_mem>>
    %dma_wait3A_162 = arith.constant 0 : i32
    %dma_wait3A_163 = tpu.memref_slice %arg6[%mul3A_2, %dma_wait3A_162] : memref<320000x64xf32, #tpu.memory_space<hbm>> -> memref<80x64xf32, #tpu.memory_space<hbm>>
    %dma_wait3A_164 = arith.constant 0 : i32
    %dma_wait3A_165 = arith.constant 0 : i32
    %dma_wait3A_166 = tpu.memref_slice %arg11[%dma_wait3A_152, %dma_wait3A_164, %dma_wait3A_165] : memref<5x80x64xf32, #tpu.memory_space<vmem>> -> memref<1x80x64xf32, #tpu.memory_space<vmem>>
    %dma_wait3A_167 = tpu.memref_squeeze %dma_wait3A_166 : memref<1x80x64xf32, #tpu.memory_space<vmem>> -> memref<80x64xf32, #tpu.memory_space<vmem>>
    tpu.wait_dma2 semaphore(%dma_wait3A_161 : memref<!tpu.dma_semaphore, #tpu.memory_space<semaphore_mem>>) src(%dma_wait3A_167 : memref<80x64xf32, #tpu.memory_space<vmem>>) dst(%dma_wait3A_163 : memref<80x64xf32, #tpu.memory_space<hbm>>)
    %dma_wait3A_168 = arith.constant 2 : i32
    %dma_wait3A_169 = arith.constant 2 : i32
    %dma_wait3A_170 = arith.constant 0 : i32
    %dma_wait3A_171 = arith.constant 0 : i32
    %dma_wait3A_172 = tpu.memref_slice %arg11[%dma_wait3A_168, %dma_wait3A_170, %dma_wait3A_171] : memref<5x80x64xf32, #tpu.memory_space<vmem>> -> memref<1x80x64xf32, #tpu.memory_space<vmem>>
    %dma_wait3A_173 = tpu.memref_squeeze %dma_wait3A_172 : memref<1x80x64xf32, #tpu.memory_space<vmem>> -> memref<80x64xf32, #tpu.memory_space<vmem>>
    %dma_wait3A_174 = arith.constant 0 : i32
    %dma_wait3A_175 = tpu.memref_slice %arg6[%mul3A_2, %dma_wait3A_174] : memref<320000x64xf32, #tpu.memory_space<hbm>> -> memref<80x64xf32, #tpu.memory_space<hbm>>
    %dma_wait3A_176 = tpu.memref_slice %arg13[%dma_wait3A_169] : memref<5x!tpu.dma_semaphore, #tpu.memory_space<semaphore_mem>> -> memref<1x!tpu.dma_semaphore, #tpu.memory_space<semaphore_mem>>
    %dma_wait3A_177 = tpu.memref_squeeze %dma_wait3A_176 : memref<1x!tpu.dma_semaphore, #tpu.memory_space<semaphore_mem>> -> memref<!tpu.dma_semaphore, #tpu.memory_space<semaphore_mem>>
    %dma_wait3A_178 = arith.constant 0 : i32
    %dma_wait3A_179 = tpu.memref_slice %arg6[%mul3A_2, %dma_wait3A_178] : memref<320000x64xf32, #tpu.memory_space<hbm>> -> memref<80x64xf32, #tpu.memory_space<hbm>>
    %dma_wait3A_180 = arith.constant 0 : i32
    %dma_wait3A_181 = arith.constant 0 : i32
    %dma_wait3A_182 = tpu.memref_slice %arg11[%dma_wait3A_168, %dma_wait3A_180, %dma_wait3A_181] : memref<5x80x64xf32, #tpu.memory_space<vmem>> -> memref<1x80x64xf32, #tpu.memory_space<vmem>>
    %dma_wait3A_183 = tpu.memref_squeeze %dma_wait3A_182 : memref<1x80x64xf32, #tpu.memory_space<vmem>> -> memref<80x64xf32, #tpu.memory_space<vmem>>
    tpu.wait_dma2 semaphore(%dma_wait3A_177 : memref<!tpu.dma_semaphore, #tpu.memory_space<semaphore_mem>>) src(%dma_wait3A_183 : memref<80x64xf32, #tpu.memory_space<vmem>>) dst(%dma_wait3A_179 : memref<80x64xf32, #tpu.memory_space<hbm>>)
    %dma_wait3A_184 = arith.constant 3 : i32
    %dma_wait3A_185 = arith.constant 3 : i32
    %dma_wait3A_186 = arith.constant 0 : i32
    %dma_wait3A_187 = arith.constant 0 : i32
    %dma_wait3A_188 = tpu.memref_slice %arg11[%dma_wait3A_184, %dma_wait3A_186, %dma_wait3A_187] : memref<5x80x64xf32, #tpu.memory_space<vmem>> -> memref<1x80x64xf32, #tpu.memory_space<vmem>>
    %dma_wait3A_189 = tpu.memref_squeeze %dma_wait3A_188 : memref<1x80x64xf32, #tpu.memory_space<vmem>> -> memref<80x64xf32, #tpu.memory_space<vmem>>
    %dma_wait3A_190 = arith.constant 0 : i32
    %dma_wait3A_191 = tpu.memref_slice %arg6[%mul3A_2, %dma_wait3A_190] : memref<320000x64xf32, #tpu.memory_space<hbm>> -> memref<80x64xf32, #tpu.memory_space<hbm>>
    %dma_wait3A_192 = tpu.memref_slice %arg13[%dma_wait3A_185] : memref<5x!tpu.dma_semaphore, #tpu.memory_space<semaphore_mem>> -> memref<1x!tpu.dma_semaphore, #tpu.memory_space<semaphore_mem>>
    %dma_wait3A_193 = tpu.memref_squeeze %dma_wait3A_192 : memref<1x!tpu.dma_semaphore, #tpu.memory_space<semaphore_mem>> -> memref<!tpu.dma_semaphore, #tpu.memory_space<semaphore_mem>>
    %dma_wait3A_194 = arith.constant 0 : i32
    %dma_wait3A_195 = tpu.memref_slice %arg6[%mul3A_2, %dma_wait3A_194] : memref<320000x64xf32, #tpu.memory_space<hbm>> -> memref<80x64xf32, #tpu.memory_space<hbm>>
    %dma_wait3A_196 = arith.constant 0 : i32
    %dma_wait3A_197 = arith.constant 0 : i32
    %dma_wait3A_198 = tpu.memref_slice %arg11[%dma_wait3A_184, %dma_wait3A_196, %dma_wait3A_197] : memref<5x80x64xf32, #tpu.memory_space<vmem>> -> memref<1x80x64xf32, #tpu.memory_space<vmem>>
    %dma_wait3A_199 = tpu.memref_squeeze %dma_wait3A_198 : memref<1x80x64xf32, #tpu.memory_space<vmem>> -> memref<80x64xf32, #tpu.memory_space<vmem>>
    tpu.wait_dma2 semaphore(%dma_wait3A_193 : memref<!tpu.dma_semaphore, #tpu.memory_space<semaphore_mem>>) src(%dma_wait3A_199 : memref<80x64xf32, #tpu.memory_space<vmem>>) dst(%dma_wait3A_195 : memref<80x64xf32, #tpu.memory_space<hbm>>)
    %dma_wait3A_200 = arith.constant 4 : i32
    %dma_wait3A_201 = arith.constant 4 : i32
    %dma_wait3A_202 = arith.constant 0 : i32
    %dma_wait3A_203 = arith.constant 0 : i32
    %dma_wait3A_204 = tpu.memref_slice %arg11[%dma_wait3A_200, %dma_wait3A_202, %dma_wait3A_203] : memref<5x80x64xf32, #tpu.memory_space<vmem>> -> memref<1x80x64xf32, #tpu.memory_space<vmem>>
    %dma_wait3A_205 = tpu.memref_squeeze %dma_wait3A_204 : memref<1x80x64xf32, #tpu.memory_space<vmem>> -> memref<80x64xf32, #tpu.memory_space<vmem>>
    %dma_wait3A_206 = arith.constant 0 : i32
    %dma_wait3A_207 = tpu.memref_slice %arg6[%mul3A_2, %dma_wait3A_206] : memref<320000x64xf32, #tpu.memory_space<hbm>> -> memref<80x64xf32, #tpu.memory_space<hbm>>
    %dma_wait3A_208 = tpu.memref_slice %arg13[%dma_wait3A_201] : memref<5x!tpu.dma_semaphore, #tpu.memory_space<semaphore_mem>> -> memref<1x!tpu.dma_semaphore, #tpu.memory_space<semaphore_mem>>
    %dma_wait3A_209 = tpu.memref_squeeze %dma_wait3A_208 : memref<1x!tpu.dma_semaphore, #tpu.memory_space<semaphore_mem>> -> memref<!tpu.dma_semaphore, #tpu.memory_space<semaphore_mem>>
    %dma_wait3A_210 = arith.constant 0 : i32
    %dma_wait3A_211 = tpu.memref_slice %arg6[%mul3A_2, %dma_wait3A_210] : memref<320000x64xf32, #tpu.memory_space<hbm>> -> memref<80x64xf32, #tpu.memory_space<hbm>>
    %dma_wait3A_212 = arith.constant 0 : i32
    %dma_wait3A_213 = arith.constant 0 : i32
    %dma_wait3A_214 = tpu.memref_slice %arg11[%dma_wait3A_200, %dma_wait3A_212, %dma_wait3A_213] : memref<5x80x64xf32, #tpu.memory_space<vmem>> -> memref<1x80x64xf32, #tpu.memory_space<vmem>>
    %dma_wait3A_215 = tpu.memref_squeeze %dma_wait3A_214 : memref<1x80x64xf32, #tpu.memory_space<vmem>> -> memref<80x64xf32, #tpu.memory_space<vmem>>
    tpu.wait_dma2 semaphore(%dma_wait3A_209 : memref<!tpu.dma_semaphore, #tpu.memory_space<semaphore_mem>>) src(%dma_wait3A_215 : memref<80x64xf32, #tpu.memory_space<vmem>>) dst(%dma_wait3A_211 : memref<80x64xf32, #tpu.memory_space<hbm>>)
    return
  }
}

module attributes {stable_mosaic.version = 14 : i64} {
  func.func @_pre_body(%arg0: memref<10000x128xf32, #tpu.memory_space<vmem>>, %arg1: memref<128x128xf32, #tpu.memory_space<vmem>>, %arg2: memref<10000x64xf32, #tpu.memory_space<vmem>>, %arg3: memref<10000x64xf32, #tpu.memory_space<vmem>>) attributes {dimension_semantics = [], scalar_prefetch = 0 : i64, scratch_operands = 0 : i64, tpu.core_type = #tpu.core_type<tc>} {
    %get3A = arith.constant 0 : index
    %get3A_0 = arith.constant 0 : index
    %get3A_1 = vector.load %arg0[%get3A, %get3A_0] : memref<10000x128xf32, #tpu.memory_space<vmem>>, vector<10000x128xf32>
    %get3A_2 = arith.constant 0 : index
    %get3A_3 = arith.constant 0 : index
    %get3A_4 = vector.load %arg1[%get3A_2, %get3A_3] : memref<128x128xf32, #tpu.memory_space<vmem>>, vector<128x128xf32>
    %dot_general3A = arith.constant dense<0.000000e+00> : vector<10000x128xf32>
    %dot_general3A_5 = tpu.matmul %get3A_1, %get3A_4, %dot_general3A {dimension_numbers = #tpu.dot_dimension_numbers<[1], [0], [0], [1], [0, 0, 1, 1], [], []>, transpose_lhs_hint = false} : vector<10000x128xf32>, vector<128x128xf32>, vector<10000x128xf32> -> vector<10000x128xf32>
    %slice3A = vector.extract_strided_slice %dot_general3A_5 {offsets = [0, 0], sizes = [10000, 64], strides = [1, 1]} : vector<10000x128xf32> to vector<10000x64xf32>
    %swap3A = arith.constant 0 : index
    %swap3A_6 = arith.constant 0 : index
    %swap3A_7 = vector.load %arg2[%swap3A, %swap3A_6] : memref<10000x64xf32, #tpu.memory_space<vmem>>, vector<10000x64xf32>
    tpu.vector_store %arg2[%swap3A, %swap3A_6], %slice3A {strides = array<i32>} : memref<10000x64xf32, #tpu.memory_space<vmem>>, vector<10000x64xf32>,
    %slice3A_8 = vector.extract_strided_slice %dot_general3A_5 {offsets = [0, 64], sizes = [10000, 64], strides = [1, 1]} : vector<10000x128xf32> to vector<10000x64xf32>
    %swap3A_9 = arith.constant 0 : index
    %swap3A_10 = arith.constant 0 : index
    %swap3A_11 = vector.load %arg3[%swap3A_9, %swap3A_10] : memref<10000x64xf32, #tpu.memory_space<vmem>>, vector<10000x64xf32>
    tpu.vector_store %arg3[%swap3A_9, %swap3A_10], %slice3A_8 {strides = array<i32>} : memref<10000x64xf32, #tpu.memory_space<vmem>>, vector<10000x64xf32>,
    return
  }
}

module attributes {stable_mosaic.version = 14 : i64} {
  func.func @_mlp_body(%arg0: i32, %arg1: memref<2000x64xf32, #tpu.memory_space<vmem>>, %arg2: memref<2000x16xf32, #tpu.memory_space<vmem>>, %arg3: memref<16x64xf32, #tpu.memory_space<vmem>>, %arg4: memref<1x64xf32, #tpu.memory_space<vmem>>, %arg5: memref<1x64xf32, #tpu.memory_space<vmem>>, %arg6: memref<1x64xf32, #tpu.memory_space<vmem>>, %arg7: memref<64x64xf32, #tpu.memory_space<vmem>>, %arg8: memref<1x64xf32, #tpu.memory_space<vmem>>, %arg9: memref<1x64xf32, #tpu.memory_space<vmem>>, %arg10: memref<1x64xf32, #tpu.memory_space<vmem>>, %arg11: memref<64x128xf32, #tpu.memory_space<vmem>>, %arg12: memref<1x128xf32, #tpu.memory_space<vmem>>, %arg13: memref<2000x128xf32, #tpu.memory_space<vmem>>) attributes {dimension_semantics = [#tpu.dimension_semantics<arbitrary>], iteration_bounds = array<i64: 160>, scalar_prefetch = 0 : i64, scratch_operands = 0 : i64, tpu.core_type = #tpu.core_type<tc>, window_params = [{transform_indices = @transform_0, window_bounds = array<i64: 2000, 64>}, {transform_indices = @transform_1, window_bounds = array<i64: 2000, 16>}, {pipeline_mode = #tpu.pipeline_mode<synchronous>, transform_indices = @transform_2, window_bounds = array<i64: 16, 64>}, {pipeline_mode = #tpu.pipeline_mode<synchronous>, transform_indices = @transform_3, window_bounds = array<i64: 1, 64>}, {pipeline_mode = #tpu.pipeline_mode<synchronous>, transform_indices = @transform_4, window_bounds = array<i64: 1, 64>}, {pipeline_mode = #tpu.pipeline_mode<synchronous>, transform_indices = @transform_5, window_bounds = array<i64: 1, 64>}, {pipeline_mode = #tpu.pipeline_mode<synchronous>, transform_indices = @transform_6, window_bounds = array<i64: 64, 64>}, {pipeline_mode = #tpu.pipeline_mode<synchronous>, transform_indices = @transform_7, window_bounds = array<i64: 1, 64>}, {pipeline_mode = #tpu.pipeline_mode<synchronous>, transform_indices = @transform_8, window_bounds = array<i64: 1, 64>}, {pipeline_mode = #tpu.pipeline_mode<synchronous>, transform_indices = @transform_9, window_bounds = array<i64: 1, 64>}, {pipeline_mode = #tpu.pipeline_mode<synchronous>, transform_indices = @transform_10, window_bounds = array<i64: 64, 128>}, {pipeline_mode = #tpu.pipeline_mode<synchronous>, transform_indices = @transform_11, window_bounds = array<i64: 1, 128>}, {transform_indices = @transform_12, window_bounds = array<i64: 2000, 128>}]} {
    %get3A = arith.constant 0 : index
    %get3A_0 = arith.constant 0 : index
    %get3A_1 = vector.load %arg1[%get3A, %get3A_0] : memref<2000x64xf32, #tpu.memory_space<vmem>>, vector<2000x64xf32>
    %get3A_2 = arith.constant 0 : index
    %get3A_3 = arith.constant 0 : index
    %get3A_4 = vector.load %arg2[%get3A_2, %get3A_3] : memref<2000x16xf32, #tpu.memory_space<vmem>>, vector<2000x16xf32>
    %get3A_5 = arith.constant 0 : index
    %get3A_6 = arith.constant 0 : index
    %get3A_7 = vector.load %arg3[%get3A_5, %get3A_6] : memref<16x64xf32, #tpu.memory_space<vmem>>, vector<16x64xf32>
    %dot_general3A = arith.constant dense<0.000000e+00> : vector<2000x64xf32>
    %dot_general3A_8 = tpu.matmul %get3A_4, %get3A_7, %dot_general3A {dimension_numbers = #tpu.dot_dimension_numbers<[1], [0], [0], [1], [0, 0, 1, 1], [], []>, transpose_lhs_hint = false} : vector<2000x16xf32>, vector<16x64xf32>, vector<2000x64xf32> -> vector<2000x64xf32>
    %add3A = arith.addf %get3A_1, %dot_general3A_8 : vector<2000x64xf32>
    %get3A_9 = arith.constant 0 : index
    %get3A_10 = arith.constant 0 : index
    %get3A_11 = vector.load %arg4[%get3A_9, %get3A_10] : memref<1x64xf32, #tpu.memory_space<vmem>>, vector<1x64xf32>
    %add3A_12 = vector.broadcast %get3A_11 : vector<1x64xf32> to vector<2000x64xf32>
    %add3A_13 = arith.addf %add3A, %add3A_12 : vector<2000x64xf32>
    %get3A_14 = arith.constant 0 : index
    %get3A_15 = arith.constant 0 : index
    %get3A_16 = vector.load %arg5[%get3A_14, %get3A_15] : memref<1x64xf32, #tpu.memory_space<vmem>>, vector<1x64xf32>
    %get3A_17 = arith.constant 0 : index
    %get3A_18 = arith.constant 0 : index
    %get3A_19 = vector.load %arg6[%get3A_17, %get3A_18] : memref<1x64xf32, #tpu.memory_space<vmem>>, vector<1x64xf32>
    %reduce_sum3A = arith.constant dense<0.000000e+00> : vector<2000xf32>
    %reduce_sum3A_20 = vector.multi_reduction <add>, %add3A_13, %reduce_sum3A [1] : vector<2000x64xf32> to vector<2000xf32>
    %broadcast_in_dim3A = vector.shape_cast %reduce_sum3A_20 : vector<2000xf32> to vector<2000x1xf32>
    %div3A = arith.constant 6.400000e+01 : f32
    %div3A_21 = vector.broadcast %div3A : f32 to vector<2000x1xf32>
    %div3A_22 = arith.divf %broadcast_in_dim3A, %div3A_21 : vector<2000x1xf32>
    %sub3A = vector.broadcast %div3A_22 : vector<2000x1xf32> to vector<2000x64xf32>
    %sub3A_23 = arith.subf %add3A_13, %sub3A : vector<2000x64xf32>
    %sub3A_24 = vector.broadcast %div3A_22 : vector<2000x1xf32> to vector<2000x64xf32>
    %sub3A_25 = arith.subf %add3A_13, %sub3A_24 : vector<2000x64xf32>
    %mul3A = arith.mulf %sub3A_23, %sub3A_25 : vector<2000x64xf32>
    %reduce_sum3A_26 = arith.constant dense<0.000000e+00> : vector<2000xf32>
    %reduce_sum3A_27 = vector.multi_reduction <add>, %mul3A, %reduce_sum3A_26 [1] : vector<2000x64xf32> to vector<2000xf32>
    %broadcast_in_dim3A_28 = vector.shape_cast %reduce_sum3A_27 : vector<2000xf32> to vector<2000x1xf32>
    %div3A_29 = arith.constant 6.400000e+01 : f32
    %div3A_30 = vector.broadcast %div3A_29 : f32 to vector<2000x1xf32>
    %div3A_31 = arith.divf %broadcast_in_dim3A_28, %div3A_30 : vector<2000x1xf32>
    %sub3A_32 = vector.broadcast %div3A_22 : vector<2000x1xf32> to vector<2000x64xf32>
    %sub3A_33 = arith.subf %add3A_13, %sub3A_32 : vector<2000x64xf32>
    %add3A_34 = arith.constant 9.99999974E-6 : f32
    %add3A_35 = vector.broadcast %add3A_34 : f32 to vector<2000x1xf32>
    %add3A_36 = arith.addf %div3A_31, %add3A_35 : vector<2000x1xf32>
    %rsqrt3A = math.rsqrt %add3A_36 : vector<2000x1xf32>
    %mul3A_37 = vector.broadcast %rsqrt3A : vector<2000x1xf32> to vector<2000x64xf32>
    %mul3A_38 = arith.mulf %sub3A_33, %mul3A_37 : vector<2000x64xf32>
    %mul3A_39 = vector.broadcast %get3A_16 : vector<1x64xf32> to vector<2000x64xf32>
    %mul3A_40 = arith.mulf %mul3A_38, %mul3A_39 : vector<2000x64xf32>
    %add3A_41 = vector.broadcast %get3A_19 : vector<1x64xf32> to vector<2000x64xf32>
    %add3A_42 = arith.addf %mul3A_40, %add3A_41 : vector<2000x64xf32>
    %logistic3A = arith.negf %add3A_42 : vector<2000x64xf32>
    %logistic3A_43 = math.exp %logistic3A : vector<2000x64xf32>
    %logistic3A_44 = arith.constant 1.000000e+00 : f32
    %logistic3A_45 = vector.broadcast %logistic3A_44 : f32 to vector<2000x64xf32>
    %logistic3A_46 = arith.addf %logistic3A_45, %logistic3A_43 : vector<2000x64xf32>
    %logistic3A_47 = arith.divf %logistic3A_45, %logistic3A_46 : vector<2000x64xf32>
    %mul3A_48 = arith.mulf %add3A_42, %logistic3A_47 : vector<2000x64xf32>
    %get3A_49 = arith.constant 0 : index
    %get3A_50 = arith.constant 0 : index
    %get3A_51 = vector.load %arg7[%get3A_49, %get3A_50] : memref<64x64xf32, #tpu.memory_space<vmem>>, vector<64x64xf32>
    %dot_general3A_52 = arith.constant dense<0.000000e+00> : vector<2000x64xf32>
    %dot_general3A_53 = tpu.matmul %mul3A_48, %get3A_51, %dot_general3A_52 {dimension_numbers = #tpu.dot_dimension_numbers<[1], [0], [0], [1], [0, 0, 1, 1], [], []>, transpose_lhs_hint = false} : vector<2000x64xf32>, vector<64x64xf32>, vector<2000x64xf32> -> vector<2000x64xf32>
    %get3A_54 = arith.constant 0 : index
    %get3A_55 = arith.constant 0 : index
    %get3A_56 = vector.load %arg8[%get3A_54, %get3A_55] : memref<1x64xf32, #tpu.memory_space<vmem>>, vector<1x64xf32>
    %add3A_57 = vector.broadcast %get3A_56 : vector<1x64xf32> to vector<2000x64xf32>
    %add3A_58 = arith.addf %dot_general3A_53, %add3A_57 : vector<2000x64xf32>
    %get3A_59 = arith.constant 0 : index
    %get3A_60 = arith.constant 0 : index
    %get3A_61 = vector.load %arg9[%get3A_59, %get3A_60] : memref<1x64xf32, #tpu.memory_space<vmem>>, vector<1x64xf32>
    %get3A_62 = arith.constant 0 : index
    %get3A_63 = arith.constant 0 : index
    %get3A_64 = vector.load %arg10[%get3A_62, %get3A_63] : memref<1x64xf32, #tpu.memory_space<vmem>>, vector<1x64xf32>
    %reduce_sum3A_65 = arith.constant dense<0.000000e+00> : vector<2000xf32>
    %reduce_sum3A_66 = vector.multi_reduction <add>, %add3A_58, %reduce_sum3A_65 [1] : vector<2000x64xf32> to vector<2000xf32>
    %broadcast_in_dim3A_67 = vector.shape_cast %reduce_sum3A_66 : vector<2000xf32> to vector<2000x1xf32>
    %div3A_68 = arith.constant 6.400000e+01 : f32
    %div3A_69 = vector.broadcast %div3A_68 : f32 to vector<2000x1xf32>
    %div3A_70 = arith.divf %broadcast_in_dim3A_67, %div3A_69 : vector<2000x1xf32>
    %sub3A_71 = vector.broadcast %div3A_70 : vector<2000x1xf32> to vector<2000x64xf32>
    %sub3A_72 = arith.subf %add3A_58, %sub3A_71 : vector<2000x64xf32>
    %sub3A_73 = vector.broadcast %div3A_70 : vector<2000x1xf32> to vector<2000x64xf32>
    %sub3A_74 = arith.subf %add3A_58, %sub3A_73 : vector<2000x64xf32>
    %mul3A_75 = arith.mulf %sub3A_72, %sub3A_74 : vector<2000x64xf32>
    %reduce_sum3A_76 = arith.constant dense<0.000000e+00> : vector<2000xf32>
    %reduce_sum3A_77 = vector.multi_reduction <add>, %mul3A_75, %reduce_sum3A_76 [1] : vector<2000x64xf32> to vector<2000xf32>
    %broadcast_in_dim3A_78 = vector.shape_cast %reduce_sum3A_77 : vector<2000xf32> to vector<2000x1xf32>
    %div3A_79 = arith.constant 6.400000e+01 : f32
    %div3A_80 = vector.broadcast %div3A_79 : f32 to vector<2000x1xf32>
    %div3A_81 = arith.divf %broadcast_in_dim3A_78, %div3A_80 : vector<2000x1xf32>
    %sub3A_82 = vector.broadcast %div3A_70 : vector<2000x1xf32> to vector<2000x64xf32>
    %sub3A_83 = arith.subf %add3A_58, %sub3A_82 : vector<2000x64xf32>
    %add3A_84 = arith.constant 9.99999974E-6 : f32
    %add3A_85 = vector.broadcast %add3A_84 : f32 to vector<2000x1xf32>
    %add3A_86 = arith.addf %div3A_81, %add3A_85 : vector<2000x1xf32>
    %rsqrt3A_87 = math.rsqrt %add3A_86 : vector<2000x1xf32>
    %mul3A_88 = vector.broadcast %rsqrt3A_87 : vector<2000x1xf32> to vector<2000x64xf32>
    %mul3A_89 = arith.mulf %sub3A_83, %mul3A_88 : vector<2000x64xf32>
    %mul3A_90 = vector.broadcast %get3A_61 : vector<1x64xf32> to vector<2000x64xf32>
    %mul3A_91 = arith.mulf %mul3A_89, %mul3A_90 : vector<2000x64xf32>
    %add3A_92 = vector.broadcast %get3A_64 : vector<1x64xf32> to vector<2000x64xf32>
    %add3A_93 = arith.addf %mul3A_91, %add3A_92 : vector<2000x64xf32>
    %logistic3A_94 = arith.negf %add3A_93 : vector<2000x64xf32>
    %logistic3A_95 = math.exp %logistic3A_94 : vector<2000x64xf32>
    %logistic3A_96 = arith.constant 1.000000e+00 : f32
    %logistic3A_97 = vector.broadcast %logistic3A_96 : f32 to vector<2000x64xf32>
    %logistic3A_98 = arith.addf %logistic3A_97, %logistic3A_95 : vector<2000x64xf32>
    %logistic3A_99 = arith.divf %logistic3A_97, %logistic3A_98 : vector<2000x64xf32>
    %mul3A_100 = arith.mulf %add3A_93, %logistic3A_99 : vector<2000x64xf32>
    %get3A_101 = arith.constant 0 : index
    %get3A_102 = arith.constant 0 : index
    %get3A_103 = vector.load %arg11[%get3A_101, %get3A_102] : memref<64x128xf32, #tpu.memory_space<vmem>>, vector<64x128xf32>
    %dot_general3A_104 = arith.constant dense<0.000000e+00> : vector<2000x128xf32>
    %dot_general3A_105 = tpu.matmul %mul3A_100, %get3A_103, %dot_general3A_104 {dimension_numbers = #tpu.dot_dimension_numbers<[1], [0], [0], [1], [0, 0, 1, 1], [], []>, transpose_lhs_hint = false} : vector<2000x64xf32>, vector<64x128xf32>, vector<2000x128xf32> -> vector<2000x128xf32>
    %get3A_106 = arith.constant 0 : index
    %get3A_107 = arith.constant 0 : index
    %get3A_108 = vector.load %arg12[%get3A_106, %get3A_107] : memref<1x128xf32, #tpu.memory_space<vmem>>, vector<1x128xf32>
    %add3A_109 = vector.broadcast %get3A_108 : vector<1x128xf32> to vector<2000x128xf32>
    %add3A_110 = arith.addf %dot_general3A_105, %add3A_109 : vector<2000x128xf32>
    %swap3A = arith.constant 0 : index
    %swap3A_111 = arith.constant 0 : index
    %swap3A_112 = vector.load %arg13[%swap3A, %swap3A_111] : memref<2000x128xf32, #tpu.memory_space<vmem>>, vector<2000x128xf32>
    tpu.vector_store %arg13[%swap3A, %swap3A_111], %add3A_110 {strides = array<i32>} : memref<2000x128xf32, #tpu.memory_space<vmem>>, vector<2000x128xf32>,
    return
  }
  func.func @transform_0(%arg0: i32) -> (i32, i32) {
    %c0_i32 = arith.constant 0 : i32
    %c0_i32_0 = arith.constant 0 : i32
    return %arg0, %c0_i32 : i32, i32
  }
  func.func @transform_1(%arg0: i32) -> (i32, i32) {
    %c0_i32 = arith.constant 0 : i32
    %c0_i32_0 = arith.constant 0 : i32
    return %arg0, %c0_i32 : i32, i32
  }
  func.func @transform_2(%arg0: i32) -> (i32, i32) {
    %c0_i32 = arith.constant 0 : i32
    %c0_i32_0 = arith.constant 0 : i32
    %c0_i32_1 = arith.constant 0 : i32
    return %c0_i32, %c0_i32_0 : i32, i32
  }
  func.func @transform_3(%arg0: i32) -> (i32, i32) {
    %c0_i32 = arith.constant 0 : i32
    %c0_i32_0 = arith.constant 0 : i32
    %c0_i32_1 = arith.constant 0 : i32
    return %c0_i32, %c0_i32_0 : i32, i32
  }
  func.func @transform_4(%arg0: i32) -> (i32, i32) {
    %c0_i32 = arith.constant 0 : i32
    %c0_i32_0 = arith.constant 0 : i32
    %c0_i32_1 = arith.constant 0 : i32
    return %c0_i32, %c0_i32_0 : i32, i32
  }
  func.func @transform_5(%arg0: i32) -> (i32, i32) {
    %c0_i32 = arith.constant 0 : i32
    %c0_i32_0 = arith.constant 0 : i32
    %c0_i32_1 = arith.constant 0 : i32
    return %c0_i32, %c0_i32_0 : i32, i32
  }
  func.func @transform_6(%arg0: i32) -> (i32, i32) {
    %c0_i32 = arith.constant 0 : i32
    %c0_i32_0 = arith.constant 0 : i32
    %c0_i32_1 = arith.constant 0 : i32
    return %c0_i32, %c0_i32_0 : i32, i32
  }
  func.func @transform_7(%arg0: i32) -> (i32, i32) {
    %c0_i32 = arith.constant 0 : i32
    %c0_i32_0 = arith.constant 0 : i32
    %c0_i32_1 = arith.constant 0 : i32
    return %c0_i32, %c0_i32_0 : i32, i32
  }
  func.func @transform_8(%arg0: i32) -> (i32, i32) {
    %c0_i32 = arith.constant 0 : i32
    %c0_i32_0 = arith.constant 0 : i32
    %c0_i32_1 = arith.constant 0 : i32
    return %c0_i32, %c0_i32_0 : i32, i32
  }
  func.func @transform_9(%arg0: i32) -> (i32, i32) {
    %c0_i32 = arith.constant 0 : i32
    %c0_i32_0 = arith.constant 0 : i32
    %c0_i32_1 = arith.constant 0 : i32
    return %c0_i32, %c0_i32_0 : i32, i32
  }
  func.func @transform_10(%arg0: i32) -> (i32, i32) {
    %c0_i32 = arith.constant 0 : i32
    %c0_i32_0 = arith.constant 0 : i32
    %c0_i32_1 = arith.constant 0 : i32
    return %c0_i32, %c0_i32_0 : i32, i32
  }
  func.func @transform_11(%arg0: i32) -> (i32, i32) {
    %c0_i32 = arith.constant 0 : i32
    %c0_i32_0 = arith.constant 0 : i32
    %c0_i32_1 = arith.constant 0 : i32
    return %c0_i32, %c0_i32_0 : i32, i32
  }
  func.func @transform_12(%arg0: i32) -> (i32, i32) {
    %c0_i32 = arith.constant 0 : i32
    %c0_i32_0 = arith.constant 0 : i32
    return %arg0, %c0_i32 : i32, i32
  }
}

</mosaic_0001>

<sc_bundles>
// kernel: kernel.5.cloned.1.call-start
scs
__scs_entry_jumppad:
0x0: {  	(pc) =	sbr.rel $0x88, $3  }
0x1: {  	(tag) =	ssettag $0x0;
	lr =	simm.s32 $0x1  }
0x2: {  	[smem:$0x3F94] =	sst lr;
	_ =	strace $0xD0000000  }
0x3: {  	_ = 	snop  }
0x4: {  	_ = 	snop  }
0x5: {  	_ = 	snop  }
0x6: {  	_ = 	snop  }
0x7: {  	_ = 	snop  }
__scs_overlays_trampoline_lowered:
0x8: {  	[smem:$0x3FA3] =	sst s0  }
0x9: {  	[smem:$0x3FA4] =	sst s1  }
0xa: {  	[smem:$0x3FA5] =	sst s2  }
0xb: {  	[smem:$0x3FA6] =	sst s3  }
0xc: {  	[smem:$0x3FA7] =	sst s4  }
0xd: {  	[smem:$0x3FA8] =	sst s5  }
0xe: {  	[smem:$0x3FA9] =	sst s6  }
0xf: {  	[smem:$0x3FAA] =	sst s7  }
0x10: {  	[smem:$0x3FAB] =	sst s8  }
0x11: {  	[smem:$0x3FAC] =	sst s9;
	s0 =	simm.s32 @!p0 $0x0  }
0x12: {  	s1 =	sld [smem:$0x3F92];
	s0 =	simm.s32 @p0 $0x1  }
0x13: {  	[smem:$0x3FAD] =	sst s0;
	s0 =	simm.s32 @!p1 $0x0  }
0x14: {  	s2 =	sld [smem:$0x3F91];
	s0 =	simm.s32 @p1 $0x1  }
0x15: {  	[smem:$0x3FAE] =	sst s0;
	s0 =	simm.s32 @!p2 $0x0  }
0x16: {  	s3 =	sld [smem:$0x3FDB];
	s0 =	simm.s32 @p2 $0x1  }
0x17: {  	s4 =	simm.s32 $0x1BF5;
	[smem:$0x3FB0] =	sst s0  }
0x18: {  	s0 =	sld [smem:$0x3F93];
	_ =	swait.ge [sflag:s4], $0x0  }
0x19: {  	s7 =	sld [smem:$0x3F94]  }
0x1a: {  	s8 =	sadd.s32 $0xFFFFE003, lr  }
0x1b: {  	s9 =	sadd.s32 $0xFFFFFEF7, lr;
	s5 =	simm.s32 $0xFFFFFFFF;
	p2 =	slt.u32 s8, $0xFFFFF086  }
0x1c: {  	p1 =	slt.u32 s9, $0xF7A;
	s5 =	simm.s32 @!p2 $0x0  }
0x1d: {  	s5 =	simm.s32 @p1 $0x1;
	p0 =	seq.s32 s7, s2  }
0x1e: {  	s7 =	smul.u32 @!p0 $0xF7A, s2;
	p2 =	seq.s32 @!p0 s5, $0x0  }
0x1f: {  	s9 =	smul.u32 $0xF7A, s1;
	s8 =	simm.s32 @!p0 $0x1BF5;
	p2 =	por !p2, p0  }
0x20: {  	[sflag:s8] =	ssyncset.s32 @!p0 $0xFFFFF086;
	s6 =	sadd.s32 @!p0 s3, s7;
	s7 =	simm.s32 @!p0 $0x108  }
0x21: {  	s3 =	sadd.s32 s3, s9;
	s6 =	sadd.s32 @!p0 $0x88, s6;
	s7 =	simm.s32 @p2 $0x1082  }
0x22: {  	[simem:s7], [sflag:s8] =	dma.local @!p0 [hbm:s6], $0xF7A  }
0x23: {  	s9 =	sor.u32 $0xD0000000, s2;
	s6 =	simm.s32 $0x108;
	_ =	swait.ge @!p0 [sflag:s8], $0x0  }
0x24: {  	s3 =	sadd.s32 $0x88, s3;
	s6 =	simm.s32 @!p1 $0x1082;
	[sflag:s4] =	ssyncset.s32 $0xFFFFF086  }
0x25: {  	[simem:s6], [sflag:s4] =	dma.local [hbm:s3], $0xF7A  }
0x26: {  	[smem:$0x3F94] =	sst s1;
	(tag) =	ssettag s2;
	_ =	strace s9  }
0x27: {  	s1 =	sld [smem:$0x3FA4]  }
0x28: {  	s2 =	sld [smem:$0x3FA5]  }
0x29: {  	s4 =	sld [smem:$0x3FA7]  }
0x2a: {  	p0 =	seq.s32 s5, $0x0;
	s5 =	sld [smem:$0x3FA8]  }
0x2b: {  	s6 =	sld [smem:$0x3FA9]  }
0x2c: {  	s7 =	sld [smem:$0x3FAA]  }
0x2d: {  	s3 =	simm.s32 $0x108;
	s8 =	sld [smem:$0x3FAB]  }
0x2e: {  	s3 =	simm.s32 @!p0 $0x1082;
	s9 =	sld [smem:$0x3FAC]  }
0x2f: {  	lr =	sadd.s32 s0, s3;
	s0 =	sld [smem:$0x3FA3]  }
0x30: {  	s3 =	sld [smem:$0x3FA6]  }
0x31: {  	[smem:$0x3FAF] =	sst s10  }
0x32: {  	s10 =	sld [smem:$0x3FAD];
	_ =	sdelay $0x3  }
0x33: {  	p0 =	seq.s32 s10, $0x1;
	s10 =	sld [smem:$0x3FAF];
	_ =	sdelay $0x3  }
0x34: {  	[smem:$0x3FAF] =	sst s10  }
0x35: {  	s10 =	sld [smem:$0x3FAE];
	_ =	sdelay $0x3  }
0x36: {  	p1 =	seq.s32 s10, $0x1;
	s10 =	sld [smem:$0x3FAF];
	_ =	sdelay $0x3  }
0x37: {  	[smem:$0x3FAF] =	sst s10  }
0x38: {  	s10 =	sld [smem:$0x3FB0]  }
0x39: {  	_ = 	snop;
	(pc) =	sbr.ind lr, $3  }
0x3a: {  	_ = 	snop  }
0x3b: {  	_ = 	snop  }
0x3c: {  	p2 =	seq.s32 s10, $0x1;
	s10 =	sld [smem:$0x3FAF]  }
0x3d: {  	_ =	shalt  }
0x3e: {  	_ =	shalt  }
0x3f: {  	_ =	shalt  }
0x40: {  	_ =	shalt  }
0x41: {  	_ =	shalt  }
0x42: {  	_ =	shalt  }
0x43: {  	_ =	shalt  }
0x44: {  	_ =	shalt  }
0x45: {  	_ =	shalt  }
0x46: {  	_ =	shalt  }
0x47: {  	_ =	shalt  }
0x48: {  	_ =	shalt  }
0x49: {  	_ =	shalt  }
0x4a: {  	_ =	shalt  }
0x4b: {  	_ =	shalt  }
0x4c: {  	_ =	shalt  }
0x4d: {  	_ =	shalt  }
0x4e: {  	_ =	shalt  }
0x4f: {  	_ =	shalt  }
0x50: {  	_ =	shalt  }
0x51: {  	_ =	shalt  }
0x52: {  	_ =	shalt  }
0x53: {  	_ =	shalt  }
0x54: {  	_ =	shalt  }
0x55: {  	_ =	shalt  }
0x56: {  	_ =	shalt  }
0x57: {  	_ =	shalt  }
0x58: {  	_ =	shalt  }
0x59: {  	_ =	shalt  }
0x5a: {  	_ =	shalt  }
0x5b: {  	_ =	shalt  }
0x5c: {  	_ =	shalt  }
0x5d: {  	_ =	shalt  }
0x5e: {  	_ =	shalt  }
0x5f: {  	_ =	shalt  }
0x60: {  	_ =	shalt  }
0x61: {  	_ =	shalt  }
0x62: {  	_ =	shalt  }
0x63: {  	_ =	shalt  }
0x64: {  	_ =	shalt  }
0x65: {  	_ =	shalt  }
0x66: {  	_ =	shalt  }
0x67: {  	_ =	shalt  }
0x68: {  	_ =	shalt  }
0x69: {  	_ =	shalt  }
0x6a: {  	_ =	shalt  }
0x6b: {  	_ =	shalt  }
0x6c: {  	_ =	shalt  }
0x6d: {  	_ =	shalt  }
0x6e: {  	_ =	shalt  }
0x6f: {  	_ =	shalt  }
0x70: {  	_ =	shalt  }
0x71: {  	_ =	shalt  }
0x72: {  	_ =	shalt  }
0x73: {  	_ =	shalt  }
0x74: {  	_ =	shalt  }
0x75: {  	_ =	shalt  }
0x76: {  	_ =	shalt  }
0x77: {  	_ =	shalt  }
0x78: {  	_ =	shalt  }
0x79: {  	_ =	shalt  }
0x7a: {  	_ =	shalt  }
0x7b: {  	_ =	shalt  }
0x7c: {  	_ =	shalt  }
0x7d: {  	_ =	shalt  }
0x7e: {  	_ =	shalt  }
0x7f: {  	_ =	shalt  }
0x80: {  	_ =	shalt  }
0x81: {  	_ =	shalt  }
0x82: {  	_ =	shalt  }
0x83: {  	_ =	shalt  }
0x84: {  	_ =	shalt  }
0x85: {  	_ =	shalt  }
0x86: {  	_ =	shalt  }
0x87: {  	_ =	shalt  }
.Lfunc_end0:
.L_simem_size_0:
called_computation_lowered:
.L_overlay_start_0:
0x88: {  	s2 =	sld [smem:$0x3FD9]  }
0x89: {  	s3 =	sld [smem:$0x3FFE];
	_ =	sdelay $0x1  }
0x8a: {  	s1 =	srdreg.scid  }
0x8b: {  	s0 =	sand.u32 $0x1, s1  }
0x8c: {  	s17 =	sshll.u32 s0, $0xA;
	s2 =	sadd.s32 s3, s2  }
0x8d: {  	s2 =	sadd.s32 s2, s17  }
0x8e: {  	[smem:$0x3FBB] =	sst s2  }
0x8f: {  	_ = 	snop  }
0x90: {  	s2 =	sld [smem:$0x3FD0];
	(tm) =	ssettm $0x1  }
0x91: {  	s18 =	sld [smem:$0x3FFB];
	_ =	sdelay $0x3  }
0x92: {  	_ =	strace s18  }
0x93: {  	s3 =	sld [smem:$0x3FFC];
	_ =	sdelay $0x3  }
0x94: {  	_ =	strace s3  }
0x95: {  	s3 =	sld [smem:$0x3FFD];
	_ =	sdelay $0x3  }
0x96: {  	_ =	strace s3  }
0x97: {  	_ =	strace $0x8FFFFFFF  }
0x98: {  	s19 =	sld [smem:$0x3FDB];
	_ =	sdelay $0x1  }
0x99: {  	s4 =	simm.s32 $_scs_section_size  }
0x9a: {  	s5 =	simm.s32 $_size__tile_overlayer_lowered;
	s6 =	simm.s32 $_tile_overlayer_lowered  }
0x9b: {  	s22 =	simm.s32 $0x1BFF;
	s21 =	sshll.u32 s6, $0x1;
	s3 =	sadd.s32 s4, s19  }
0x9c: {  	s7 =	simm.s32 $0x0;
	s20 =	sshll.u32 s5, $0x1;
	s5 =	sadd.s32 s21, s3  }
0x9d: {  	[timem:s7], [sflag:s22] =	dma.local [hbm:s5], s20  }
0x9e: {  	_ =	swait.ge [sflag:s22], s20  }
0x9f: {  	s4 =	ssub.s32 $0x0, s20;
	[sflag:s22] =	ssyncset.done $0x0  }
0xa0: {  	[sflag:s22] =	ssyncadd.s32 s4;
	_ =	sdelay $0x1  }
0xa1: {  	s23 =	simm.s32 $0x1B8B  }
0xa2: {  	_ =	swait.ge [sflag:s23], $0x1  }
0xa3: {  	[sflag:s23] =	ssyncset.done $0x0  }
0xa4: {  	s25 =	simm.s32 $0x1B8E;
	s24 =	sld [smem:$0x3FFE];
	[sflag:s23] =	ssyncadd.s32 $0xFFFFFFFF  }
0xa5: {  	s26 =	simm.s32 $execute0_lowered;
	[smem:$0x3FD2] =	sst s25  }
0xa6: {  	s5 =	sshll.u32 s26, $0x1;
	_ =	strace $0x80000046;
	[dreg:$0x1] =	wrdreg $0xFFFFFFFF  }
0xa7: {  	s28 =	simm.s32 $_size_execute0_lowered;
	s3 =	sadd.s32 s3, s5;
	[dreg:$0x0] =	wrdreg $0x0  }
0xa8: {  	s5 =	sshll.u32 s28, $0x1;
	[dreg:$0x2] =	wrdreg s3  }
0xa9: {  	[dreg:$0x3] =	wrdreg s5  }
0xaa: {  	[dreg:$0x4] =	wrdreg $0xC0  }
0xab: {  	_ =	task [dreg:s7], $0x5FFFF  }
0xac: {  	[dreg:$0x1] =	wrdreg $0xFFFFFFFF  }
0xad: {  	[dreg:$0x0] =	wrdreg $0x60  }
0xae: {  	[dreg:$0x2] =	wrdreg s24  }
0xaf: {  	[dreg:$0x3] =	wrdreg s2  }
0xb0: {  	[dreg:$0x4] =	wrdreg $0x9  }
0xb1: {  	_ =	task.clear_ibuf [dreg:s7], $0x5FFFF;
	_ =	strace $0x90000046  }
0xb2: {  	s29 =	simm.s32 $0x9;
	_ =	strace $0x80000048  }
0xb3: {  	_ =	swait.ge [sflag:s29], $0x1  }
0xb4: {  	[sflag:s29] =	ssyncadd.s32 $0xFFFFFFFF  }
0xb5: {  	_ =	strace $0x90000048  }
0xb6: {  	_ =	sfence  }
0xb7: {  	s30 =	sld [smem:$0x0];
	_ =	sdelay $0x2  }
0xb8: {  	s31 =	sshll.u32 s1, $0xD;
	s1 =	sshrl.u32 s1, $0x2  }
0xb9: {  	s3 =	sand.u32 $0x4000, s31;
	s1 =	sadd.s32 s1, s30  }
0xba: {  	s0 =	sor.u32 s3, s0;
	s1 =	sshll.u32 s1, $0x11  }
0xbb: {  	s0 =	sor.u32 s1, s0  }
0xbc: {  	s0 =	sadd.s32 $0x8F2B, s0  }
0xbd: {  	[sflag:s0] =	ssyncadd.remote.s32 $0x1  }
0xbe: {  	_ =	sfence.sel $0xFFFF  }
0xbf: {  	[dreg:$0x0] =	wrdreg $0xFFFFFFFF;
	(pc) =	sbr.abs _section_cstart, $3  }
0xc0: {  	[dreg:$0x1] =	wrdreg $0xFFFFFFFF  }
0xc1: {  	_ =	task.clear_ibuf [dreg:s7], $0x2FFFF;
	_ =	strace $0x9FFFFFFF  }
0xc2: {  	(tm) =	ssettm $0x7FFFFFFF  }
0xc3: {  	_ =	shalt  }
tec
execute0_lowered:
.L_overlay_start_1:
0x0: {  	(tag) =	ssettag $0x1  }
0x1: {  	s0 =	srdreg.scid  }
0x2: {  	s2 =	stileid.u32;
	s1 =	rddreg [dreg:$0x0];
	s16 =	simm.s32 $0x50  }
0x3: {  	s17 =	simm.s32 $0x10220;
	s18 =	simm.s32 $0x1;
	s19 =	simm.s32 $0x11620  }
0x4: {  	s20 =	simm.s32 $0x2;
	s21 =	simm.s32 $0x12A20;
	s22 =	simm.s32 $0x3  }
0x5: {  	s23 =	simm.s32 $0x13E20;
	s24 =	simm.s32 $0x4;
	s25 =	simm.s32 $0x15220  }
0x6: {  	s26 =	simm.s32 $0x5;
	s28 =	simm.s32 $0x16620;
	s0 =	sand.u32 $0x1, s0  }
0x7: {  	s3 =	sshll.u32 s2, $0x1;
	s2 =	rddreg [dreg:$0x1];
	s5 =	sadd.s32 $0x16800, s1  }
0x8: {  	s4 =	sor.u32 s0, s3;
	s3 =	simm.s32 $0x0;
	s0 =	ssub.s32 $0x2, s0  }
0x9: {  	s4 =	smul.u32 $0x2710, s4;
	[smem:$0x7FF] =	sst s3;
	s8 =	sshrl.u32 s0, $0x1  }
0xa: {  	_ =	strace $0x80000047;
	s0 =	ssub.s32 s0, s8;
	s8 =	simm.s32 $0x0  }
.Ltmp0:
0xb: {  	s6 =	sshrl.u32 s4, $0x3;
	s9 =	sadd.s32 $0x50, s4;
	(pc) =	sbr.rel .LBB2_1-.Ltmp0, $4  }
0xc: {  	s10 =	sadd.s32 $0xA0, s4;
	s0 =	smax.u32 s0, $0x1;
	s7 =	sadd.s32 s6, s1  }
0xd: {  	s11 =	sadd.s32 $0xF0, s4;
	[dreg:$0x5] =	wrdreg s0;
	s30 =	sadd.s32 $0xCA00, s7  }
0xe: {  	s12 =	sadd.s32 $0x140, s4;
	s31 =	sadd.s32 $0x2C00, s7;
	[dreg:$0x3] =	wrdreg s30  }
0xf: {  	s6 =	sadd.s32 $0x2A200, s1;
	s1 =	simm.s32 $0x9E20;
	[dreg:$0x4] =	wrdreg s31  }
.LBB2_14:
0x10: {  	s0 =	simm.s32 $0x6  }
0x11: {  	_ =	swait.ge [sflag:s0], $0x1400  }
0x12: {  	[sflag:s0] =	ssyncset.done $0x0  }
0x13: {  	s15 =	simm.s32 $0x7;
	[sflag:s0] =	ssyncadd.s32 $0xFFFFEC00  }
0x14: {  	_ =	swait.ge [sflag:s15], $0x1400  }
0x15: {  	[sflag:s15] =	ssyncset.done $0x0  }
0x16: {  	s29 =	simm.s32 $0x8;
	[sflag:s15] =	ssyncadd.s32 $0xFFFFEC00  }
0x17: {  	_ =	swait.ge [sflag:s29], $0x1400  }
0x18: {  	[sflag:s29] =	ssyncset.done $0x0  }
0x19: {  	s30 =	simm.s32 $0x9;
	[sflag:s29] =	ssyncadd.s32 $0xFFFFEC00  }
0x1a: {  	_ =	swait.ge [sflag:s30], $0x1400  }
0x1b: {  	[sflag:s30] =	ssyncset.done $0x0  }
0x1c: {  	s7 =	simm.s32 $0xA;
	[sflag:s30] =	ssyncadd.s32 $0xFFFFEC00  }
0x1d: {  	_ =	swait.ge [sflag:s7], $0x1400  }
0x1e: {  	s8 =	rddreg [dreg:$0x6]  }
0x1f: {  	s31 =	rddreg [dreg:$0x5];
	s8 =	sadd.s32 $0x1, s8  }
0x20: {  	p0 =	sne.s32 s8, s31  }
.Ltmp1:
0x21: {  	_ = 	snop;
	(pc) =	sbr.rel @!p0 .LBB2_15-.Ltmp1, $3  }
0x22: {  	_ =	sdelay $0x1  }
0x23: {  	[sflag:s7] =	ssyncset.done $0x0  }
0x24: {  	[sflag:s7] =	ssyncadd.s32 $0xFFFFEC00  }
.LBB2_1:
0x25: {  	[dreg:$0x6] =	wrdreg s8  }
0x26: {  	s0 =	rddreg [dreg:$0x3];
	s7 =	simm.s32 $0xB  }
0x27: {  	[tilespmem:s3], [sflag:$0xB] =	stream.linear.gather [hbm4b:s0+s3], $0x2710, $0x38;
	[tilespmem:$0x17A20] =	vst v63  }
0x28: {  	_ =	swait.ge [sflag:s7], $0x2710  }
0x29: {  	[sflag:s7] =	ssyncset.done $0x0  }
0x2a: {  	s31 =	simm.s32 $0x2710;
	s30 =	rddreg [dreg:$0x4];
	[sflag:s7] =	ssyncadd.s32 $0xFFFFD8F0  }
0x2b: {  	[tilespmem:s31], [sflag:$0xB] =	stream.linear.gather [hbm4b:s30+s3], $0x2710, $0x38;
	[tilespmem:$0x17A20] =	vst v63  }
0x2c: {  	_ =	swait.ge [sflag:s7], $0x2710  }
0x2d: {  	[sflag:s7] =	ssyncset.done $0x0  }
0x2e: {  	[sflag:s7] =	ssyncadd.s32 $0xFFFFD8F0;
	s7 =	simm.s32 $0x4E20  }
0x2f: {  	[tilespmem:s7], [sflag:$0x1] =	stream.indirect.gather [hbm4b:s5+s16], $0x40, s3, s16, $0xb8;
	[tilespmem:$0x17A20] =	vst v63  }
0x30: {  	s13 =	simm.s32 $0xB220  }
0x31: {  	[tilespmem:s13], [sflag:$0x1] =	stream.indirect.gather [hbm4b:s6+s16], $0x40, s31, s16, $0xb8;
	[tilespmem:$0x17A20] =	vst v63  }
0x32: {  	s14 =	simm.s32 $0x6220  }
0x33: {  	[tilespmem:s14], [sflag:$0x2] =	stream.indirect.gather [hbm4b:s5+s16], $0x40, s16, s16, $0xb8;
	[tilespmem:$0x17A20] =	vst v63  }
0x34: {  	s15 =	simm.s32 $0x2760;
	s29 =	simm.s32 $0xC620  }
0x35: {  	[tilespmem:s29], [sflag:$0x2] =	stream.indirect.gather [hbm4b:s6+s16], $0x40, s15, s16, $0xb8;
	[tilespmem:$0x17A20] =	vst v63  }
0x36: {  	s30 =	simm.s32 $0xA0;
	s31 =	simm.s32 $0x7620  }
0x37: {  	[tilespmem:s31], [sflag:$0x3] =	stream.indirect.gather [hbm4b:s5+s16], $0x40, s30, s16, $0xb8;
	[tilespmem:$0x17A20] =	vst v63  }
0x38: {  	s8 =	simm.s32 $0xDA20;
	s7 =	simm.s32 $0x27B0  }
0x39: {  	[tilespmem:s8], [sflag:$0x3] =	stream.indirect.gather [hbm4b:s6+s16], $0x40, s7, s16, $0xb8;
	[tilespmem:$0x17A20] =	vst v63  }
0x3a: {  	s13 =	simm.s32 $0xF0;
	s14 =	simm.s32 $0x8A20  }
0x3b: {  	[tilespmem:s14], [sflag:$0x4] =	stream.indirect.gather [hbm4b:s5+s16], $0x40, s13, s16, $0xb8;
	[tilespmem:$0x17A20] =	vst v63  }
0x3c: {  	s15 =	simm.s32 $0x2800;
	s29 =	simm.s32 $0xEE20  }
0x3d: {  	[tilespmem:s29], [sflag:$0x4] =	stream.indirect.gather [hbm4b:s6+s16], $0x40, s15, s16, $0xb8;
	[tilespmem:$0x17A20] =	vst v63  }
0x3e: {  	s30 =	simm.s32 $0x140  }
0x3f: {  	[tilespmem:s1], [sflag:$0x5] =	stream.indirect.gather [hbm4b:s5+s16], $0x40, s30, s16, $0xb8;
	[tilespmem:$0x17A20] =	vst v63  }
0x40: {  	s31 =	simm.s32 $0x2850;
	s8 =	simm.s32 $0x0  }
0x41: {  	[tilespmem:s17], [sflag:$0x5] =	stream.indirect.gather [hbm4b:s6+s16], $0x40, s31, s16, $0xb8;
	[tilespmem:$0x17A20] =	vst v63  }
.LBB2_2:
0x42: {  	_ =	swait.ge [sflag:s18], $0x1400  }
0x43: {  	[sflag:s18] =	ssyncset.done $0x0  }
0x44: {  	[sflag:s18] =	ssyncadd.s32 $0xFFFFEC00  }
0x45: {  	_ =	swait.ge [sflag:s18], $0x1400  }
0x46: {  	p0 =	seq.s32 s8, $0x0;
	[sflag:s18] =	ssyncset.done $0x0  }
0x47: {  	s0 =	simm.s32 @!p0 $0x6;
	[sflag:s18] =	ssyncadd.s32 $0xFFFFEC00  }
0x48: {  	_ =	swait.ge @!p0 [sflag:s0], $0x1400  }
0x49: {  	[sflag:s0] =	ssyncset.done @!p0 $0x0  }
0x4a: {  	s13 =	simm.s32 $0x4EA0;
	[sflag:s0] =	ssyncadd.s32 @!p0 $0xFFFFEC00  }
0x4b: {  	s30 =	simm.s32 $0xB2A0;
	v0 =	vld [tilespmem:s13+$0xFFFFFF80]  }
0x4c: {  	v1 =	vld [tilespmem:s30+$0xFFFFFF80];
	_ =	sdelay $0x4  }
0x4d: {  	v0 =	vadd.f32 v1, v0  }
0x4e: {  	s29 =	simm.s32 $0x116A0  }
0x4f: {  	[tilespmem:s29+$0xFFFFFF80] =	vst v0  }
0x50: {  	v0 =	vld [tilespmem:s30+$0xFFFFFF90]  }
0x51: {  	v1 =	vld [tilespmem:s13+$0xFFFFFF90];
	_ =	sdelay $0x4  }
0x52: {  	v0 =	vadd.f32 v0, v1;
	_ =	sdelay $0x1  }
0x53: {  	[tilespmem:s29+$0xFFFFFF90] =	vst v0  }
0x54: {  	v0 =	vld [tilespmem:s13+$0xFFFFFFA0]  }
0x55: {  	v1 =	vld [tilespmem:s30+$0xFFFFFFA0];
	_ =	sdelay $0x4  }
0x56: {  	v0 =	vadd.f32 v1, v0;
	_ =	sdelay $0x1  }
0x57: {  	[tilespmem:s29+$0xFFFFFFA0] =	vst v0  }
0x58: {  	v0 =	vld [tilespmem:s13+$0xFFFFFFB0]  }
0x59: {  	v1 =	vld [tilespmem:s30+$0xFFFFFFB0];
	_ =	sdelay $0x4  }
0x5a: {  	v0 =	vadd.f32 v1, v0;
	_ =	sdelay $0x1  }
0x5b: {  	[tilespmem:s29+$0xFFFFFFB0] =	vst v0  }
0x5c: {  	v0 =	vld [tilespmem:s13+$0xFFFFFFC0]  }
0x5d: {  	v1 =	vld [tilespmem:s30+$0xFFFFFFC0];
	_ =	sdelay $0x4  }
0x5e: {  	v0 =	vadd.f32 v1, v0;
	_ =	sdelay $0x1  }
0x5f: {  	[tilespmem:s29+$0xFFFFFFC0] =	vst v0  }
0x60: {  	v0 =	vld [tilespmem:s13+$0xFFFFFFD0]  }
0x61: {  	v1 =	vld [tilespmem:s30+$0xFFFFFFD0];
	_ =	sdelay $0x4  }
0x62: {  	v0 =	vadd.f32 v1, v0;
	_ =	sdelay $0x1  }
0x63: {  	[tilespmem:s29+$0xFFFFFFD0] =	vst v0  }
0x64: {  	v0 =	vld [tilespmem:s13+$0xFFFFFFE0]  }
0x65: {  	v1 =	vld [tilespmem:s30+$0xFFFFFFE0];
	_ =	sdelay $0x4  }
0x66: {  	v0 =	vadd.f32 v1, v0;
	_ =	sdelay $0x1  }
0x67: {  	[tilespmem:s29+$0xFFFFFFE0] =	vst v0  }
0x68: {  	v0 =	vld [tilespmem:s13+$0xFFFFFFF0]  }
0x69: {  	v1 =	vld [tilespmem:s30+$0xFFFFFFF0];
	_ =	sdelay $0x4  }
0x6a: {  	v0 =	vadd.f32 v1, v0;
	_ =	sdelay $0x1  }
0x6b: {  	[tilespmem:s29+$0xFFFFFFF0] =	vst v0  }
0x6c: {  	v0 =	vld [tilespmem:s13+$0x0]  }
0x6d: {  	v1 =	vld [tilespmem:s30+$0x0];
	_ =	sdelay $0x4  }
0x6e: {  	v0 =	vadd.f32 v1, v0;
	_ =	sdelay $0x1  }
0x6f: {  	[tilespmem:s29+$0x0] =	vst v0  }
0x70: {  	v0 =	vld [tilespmem:s13+$0x10]  }
0x71: {  	v1 =	vld [tilespmem:s30+$0x10];
	_ =	sdelay $0x4  }
0x72: {  	v0 =	vadd.f32 v1, v0;
	_ =	sdelay $0x1  }
0x73: {  	[tilespmem:s29+$0x10] =	vst v0  }
0x74: {  	v0 =	vld [tilespmem:s13+$0x20]  }
0x75: {  	v1 =	vld [tilespmem:s30+$0x20];
	_ =	sdelay $0x4  }
0x76: {  	v0 =	vadd.f32 v1, v0;
	_ =	sdelay $0x1  }
0x77: {  	[tilespmem:s29+$0x20] =	vst v0  }
0x78: {  	v0 =	vld [tilespmem:s13+$0x30]  }
0x79: {  	v1 =	vld [tilespmem:s30+$0x30];
	_ =	sdelay $0x4  }
0x7a: {  	v0 =	vadd.f32 v1, v0;
	_ =	sdelay $0x1  }
0x7b: {  	[tilespmem:s29+$0x30] =	vst v0  }
0x7c: {  	v0 =	vld [tilespmem:s13+$0x40]  }
0x7d: {  	v1 =	vld [tilespmem:s30+$0x40];
	_ =	sdelay $0x4  }
0x7e: {  	v0 =	vadd.f32 v1, v0;
	_ =	sdelay $0x1  }
0x7f: {  	[tilespmem:s29+$0x40] =	vst v0  }
0x80: {  	v0 =	vld [tilespmem:s13+$0x50]  }
0x81: {  	v1 =	vld [tilespmem:s30+$0x50];
	_ =	sdelay $0x4  }
0x82: {  	v0 =	vadd.f32 v1, v0;
	_ =	sdelay $0x1  }
0x83: {  	[tilespmem:s29+$0x50] =	vst v0  }
0x84: {  	s31 =	simm.s32 $0x0;
	v0 =	vld [tilespmem:s13+$0x60]  }
0x85: {  	s14 =	simm.s32 $0x117A0;
	s15 =	simm.s32 $0xB2A0;
	s0 =	simm.s32 $0x4EA0;
	v1 =	vld [tilespmem:s30+$0x60]  }
.LBB2_3:
0x86: {  	s31 =	sadd.s32 $0x4, s31;
	s13 =	sadd.s32 $0x100, s13;
	s30 =	sadd.s32 $0x100, s30  }
0x87: {  	p1 =	slt.u32 s31, $0x4C;
	_ =	sdelay $0x2  }
0x88: {  	v0 =	vadd.f32 v1, v0;
	_ =	sdelay $0x1  }
0x89: {  	[tilespmem:s29+$0x60] =	vst v0  }
0x8a: {  	v0 =	vld [tilespmem:s0+$0x70];
	s0 =	smov.u32 s13  }
0x8b: {  	v1 =	vld [tilespmem:s15+$0x70];
	s15 =	smov.u32 s30;
	_ =	sdelay $0x4  }
0x8c: {  	v0 =	vadd.f32 v1, v0;
	_ =	sdelay $0x1  }
0x8d: {  	[tilespmem:s29+$0x70] =	vst v0;
	s29 =	smov.u32 s14  }
0x8e: {  	v0 =	vld [tilespmem:s13+$0xFFFFFF80]  }
0x8f: {  	v1 =	vld [tilespmem:s30+$0xFFFFFF80];
	_ =	sdelay $0x4  }
0x90: {  	v0 =	vadd.f32 v1, v0;
	_ =	sdelay $0x1  }
0x91: {  	[tilespmem:s14+$0xFFFFFF80] =	vst v0  }
0x92: {  	v0 =	vld [tilespmem:s30+$0xFFFFFF90]  }
0x93: {  	v1 =	vld [tilespmem:s13+$0xFFFFFF90];
	_ =	sdelay $0x4  }
0x94: {  	v0 =	vadd.f32 v0, v1;
	_ =	sdelay $0x1  }
0x95: {  	[tilespmem:s14+$0xFFFFFF90] =	vst v0  }
0x96: {  	v0 =	vld [tilespmem:s13+$0xFFFFFFA0]  }
0x97: {  	v1 =	vld [tilespmem:s30+$0xFFFFFFA0];
	_ =	sdelay $0x4  }
0x98: {  	v0 =	vadd.f32 v1, v0;
	_ =	sdelay $0x1  }
0x99: {  	[tilespmem:s14+$0xFFFFFFA0] =	vst v0  }
0x9a: {  	v0 =	vld [tilespmem:s13+$0xFFFFFFB0]  }
0x9b: {  	v1 =	vld [tilespmem:s30+$0xFFFFFFB0];
	_ =	sdelay $0x4  }
0x9c: {  	v0 =	vadd.f32 v1, v0;
	_ =	sdelay $0x1  }
0x9d: {  	[tilespmem:s14+$0xFFFFFFB0] =	vst v0  }
0x9e: {  	v0 =	vld [tilespmem:s13+$0xFFFFFFC0]  }
0x9f: {  	v1 =	vld [tilespmem:s30+$0xFFFFFFC0];
	_ =	sdelay $0x4  }
0xa0: {  	v0 =	vadd.f32 v1, v0;
	_ =	sdelay $0x1  }
0xa1: {  	[tilespmem:s14+$0xFFFFFFC0] =	vst v0  }
0xa2: {  	v0 =	vld [tilespmem:s13+$0xFFFFFFD0]  }
0xa3: {  	v1 =	vld [tilespmem:s30+$0xFFFFFFD0];
	_ =	sdelay $0x4  }
0xa4: {  	v0 =	vadd.f32 v1, v0;
	_ =	sdelay $0x1  }
0xa5: {  	[tilespmem:s14+$0xFFFFFFD0] =	vst v0  }
0xa6: {  	v0 =	vld [tilespmem:s13+$0xFFFFFFE0]  }
0xa7: {  	v1 =	vld [tilespmem:s30+$0xFFFFFFE0];
	_ =	sdelay $0x4  }
0xa8: {  	v0 =	vadd.f32 v1, v0;
	_ =	sdelay $0x1  }
0xa9: {  	[tilespmem:s14+$0xFFFFFFE0] =	vst v0  }
0xaa: {  	v0 =	vld [tilespmem:s13+$0xFFFFFFF0]  }
0xab: {  	v1 =	vld [tilespmem:s30+$0xFFFFFFF0];
	_ =	sdelay $0x4  }
0xac: {  	v0 =	vadd.f32 v1, v0;
	_ =	sdelay $0x1  }
0xad: {  	[tilespmem:s14+$0xFFFFFFF0] =	vst v0  }
0xae: {  	v0 =	vld [tilespmem:s13+$0x0]  }
0xaf: {  	v1 =	vld [tilespmem:s30+$0x0];
	_ =	sdelay $0x4  }
0xb0: {  	v0 =	vadd.f32 v1, v0;
	_ =	sdelay $0x1  }
0xb1: {  	[tilespmem:s14+$0x0] =	vst v0  }
0xb2: {  	v0 =	vld [tilespmem:s13+$0x10]  }
0xb3: {  	v1 =	vld [tilespmem:s30+$0x10];
	_ =	sdelay $0x4  }
0xb4: {  	v0 =	vadd.f32 v1, v0;
	_ =	sdelay $0x1  }
0xb5: {  	[tilespmem:s14+$0x10] =	vst v0  }
0xb6: {  	v0 =	vld [tilespmem:s13+$0x20]  }
0xb7: {  	v1 =	vld [tilespmem:s30+$0x20];
	_ =	sdelay $0x4  }
0xb8: {  	v0 =	vadd.f32 v1, v0;
	_ =	sdelay $0x1  }
0xb9: {  	[tilespmem:s14+$0x20] =	vst v0  }
0xba: {  	v0 =	vld [tilespmem:s13+$0x30]  }
0xbb: {  	v1 =	vld [tilespmem:s30+$0x30];
	_ =	sdelay $0x4  }
0xbc: {  	v0 =	vadd.f32 v1, v0;
	_ =	sdelay $0x1  }
0xbd: {  	[tilespmem:s14+$0x30] =	vst v0  }
0xbe: {  	v0 =	vld [tilespmem:s13+$0x40]  }
0xbf: {  	v1 =	vld [tilespmem:s30+$0x40];
	_ =	sdelay $0x4  }
0xc0: {  	v0 =	vadd.f32 v1, v0;
	_ =	sdelay $0x1  }
0xc1: {  	[tilespmem:s14+$0x40] =	vst v0  }
0xc2: {  	v0 =	vld [tilespmem:s13+$0x50]  }
0xc3: {  	v1 =	vld [tilespmem:s30+$0x50];
	_ =	sdelay $0x4  }
.Ltmp2:
0xc4: {  	v0 =	vadd.f32 v1, v0;
	(pc) =	sbr.rel @p1 .LBB2_3-.Ltmp2, $4  }
0xc5: {  	_ = 	snop  }
0xc6: {  	[tilespmem:s14+$0x50] =	vst v0  }
0xc7: {  	v0 =	vld [tilespmem:s13+$0x60]  }
0xc8: {  	s14 =	sadd.s32 $0x100, s14;
	v1 =	vld [tilespmem:s30+$0x60]  }
0xc9: {  	_ =	sdelay $0x3  }
0xca: {  	v0 =	vadd.f32 v1, v0;
	_ =	sdelay $0x1  }
0xcb: {  	[tilespmem:s29+$0x60] =	vst v0  }
0xcc: {  	v0 =	vld [tilespmem:s0+$0x70]  }
0xcd: {  	v1 =	vld [tilespmem:s15+$0x70];
	_ =	sdelay $0x2  }
0xce: {  	s13 =	smul.u32 $0x190, s8;
	_ =	sdelay $0x1  }
0xcf: {  	s15 =	sadd.s32 s4, s13;
	v0 =	vadd.f32 v1, v0  }
0xd0: {  	s0 =	sshll.u32 s15, $0x3  }
0xd1: {  	p1 =	seq.s32 s8, $0x18;
	s0 =	sadd.s32 s2, s0;
	[tilespmem:s29+$0x70] =	vst v0  }
0xd2: {  	[hbm4b:s0+s3] =	stream.linear.scatter [tilespmem:s19], [sflag:$0x6], $0x1400, $0x38;
	[tilespmem:$0x17A20] =	vst v63  }
0xd3: {  	s7 =	simm.s32 @!p1 $0x50;
	s14 =	simm.s32 @!p1 $0x4E20;
	s0 =	sadd.s32 @!p1 $0x190, s13  }
0xd4: {  	[tilespmem:s14], [sflag:$0x1] =	stream.indirect.gather @!p1 [hbm4b:s5+s7], $0x40, s0, s7, $0xb8;
	[tilespmem:$0x17A20] =	vst v63  }
0xd5: {  	s0 =	sadd.s32 @!p1 $0x28A0, s13;
	s14 =	simm.s32 @!p1 $0xB220  }
0xd6: {  	[tilespmem:s14], [sflag:$0x1] =	stream.indirect.gather @!p1 [hbm4b:s6+s7], $0x40, s0, s7, $0xb8;
	[tilespmem:$0x17A20] =	vst v63  }
0xd7: {  	_ =	swait.ge [sflag:s20], $0x1400  }
0xd8: {  	[sflag:s20] =	ssyncset.done $0x0  }
0xd9: {  	[sflag:s20] =	ssyncadd.s32 $0xFFFFEC00  }
0xda: {  	_ =	swait.ge [sflag:s20], $0x1400  }
0xdb: {  	[sflag:s20] =	ssyncset.done $0x0  }
0xdc: {  	s0 =	simm.s32 @!p0 $0x7;
	[sflag:s20] =	ssyncadd.s32 $0xFFFFEC00  }
0xdd: {  	_ =	swait.ge @!p0 [sflag:s0], $0x1400  }
0xde: {  	[sflag:s0] =	ssyncset.done @!p0 $0x0  }
0xdf: {  	s30 =	simm.s32 $0x6310;
	[sflag:s0] =	ssyncadd.s32 @!p0 $0xFFFFEC00  }
0xe0: {  	s31 =	simm.s32 $0xC710;
	v0 =	vld [tilespmem:s30+$0xFFFFFF10]  }
0xe1: {  	v1 =	vld [tilespmem:s31+$0xFFFFFF10];
	_ =	sdelay $0x4  }
0xe2: {  	v0 =	vadd.f32 v1, v0  }
0xe3: {  	s29 =	simm.s32 $0x12B10  }
0xe4: {  	[tilespmem:s29+$0xFFFFFF10] =	vst v0  }
0xe5: {  	v0 =	vld [tilespmem:s31+$0xFFFFFF20]  }
0xe6: {  	v1 =	vld [tilespmem:s30+$0xFFFFFF20];
	_ =	sdelay $0x4  }
0xe7: {  	v0 =	vadd.f32 v0, v1;
	_ =	sdelay $0x1  }
0xe8: {  	[tilespmem:s29+$0xFFFFFF20] =	vst v0  }
0xe9: {  	v0 =	vld [tilespmem:s30+$0xFFFFFF30]  }
0xea: {  	v1 =	vld [tilespmem:s31+$0xFFFFFF30];
	_ =	sdelay $0x4  }
0xeb: {  	v0 =	vadd.f32 v1, v0;
	_ =	sdelay $0x1  }
0xec: {  	[tilespmem:s29+$0xFFFFFF30] =	vst v0  }
0xed: {  	v0 =	vld [tilespmem:s30+$0xFFFFFF40]  }
0xee: {  	v1 =	vld [tilespmem:s31+$0xFFFFFF40];
	_ =	sdelay $0x4  }
0xef: {  	v0 =	vadd.f32 v1, v0;
	_ =	sdelay $0x1  }
0xf0: {  	[tilespmem:s29+$0xFFFFFF40] =	vst v0  }
0xf1: {  	v0 =	vld [tilespmem:s30+$0xFFFFFF50]  }
0xf2: {  	v1 =	vld [tilespmem:s31+$0xFFFFFF50];
	_ =	sdelay $0x4  }
0xf3: {  	v0 =	vadd.f32 v1, v0;
	_ =	sdelay $0x1  }
0xf4: {  	[tilespmem:s29+$0xFFFFFF50] =	vst v0  }
0xf5: {  	v0 =	vld [tilespmem:s30+$0xFFFFFF60]  }
0xf6: {  	v1 =	vld [tilespmem:s31+$0xFFFFFF60];
	_ =	sdelay $0x4  }
0xf7: {  	v0 =	vadd.f32 v1, v0;
	_ =	sdelay $0x1  }
0xf8: {  	[tilespmem:s29+$0xFFFFFF60] =	vst v0  }
0xf9: {  	v0 =	vld [tilespmem:s30+$0xFFFFFF70]  }
0xfa: {  	v1 =	vld [tilespmem:s31+$0xFFFFFF70];
	_ =	sdelay $0x4  }
0xfb: {  	v0 =	vadd.f32 v1, v0;
	_ =	sdelay $0x1  }
0xfc: {  	[tilespmem:s29+$0xFFFFFF70] =	vst v0  }
0xfd: {  	v0 =	vld [tilespmem:s30+$0xFFFFFF80]  }
0xfe: {  	v1 =	vld [tilespmem:s31+$0xFFFFFF80];
	_ =	sdelay $0x4  }
0xff: {  	v0 =	vadd.f32 v1, v0;
	_ =	sdelay $0x1  }
0x100: {  	[tilespmem:s29+$0xFFFFFF80] =	vst v0  }
0x101: {  	v0 =	vld [tilespmem:s30+$0xFFFFFF90]  }
0x102: {  	v1 =	vld [tilespmem:s31+$0xFFFFFF90];
	_ =	sdelay $0x4  }
0x103: {  	v0 =	vadd.f32 v1, v0;
	_ =	sdelay $0x1  }
0x104: {  	[tilespmem:s29+$0xFFFFFF90] =	vst v0  }
0x105: {  	v0 =	vld [tilespmem:s30+$0xFFFFFFA0]  }
0x106: {  	v1 =	vld [tilespmem:s31+$0xFFFFFFA0];
	_ =	sdelay $0x4  }
0x107: {  	v0 =	vadd.f32 v1, v0;
	_ =	sdelay $0x1  }
0x108: {  	[tilespmem:s29+$0xFFFFFFA0] =	vst v0  }
0x109: {  	v0 =	vld [tilespmem:s30+$0xFFFFFFB0]  }
0x10a: {  	v1 =	vld [tilespmem:s31+$0xFFFFFFB0];
	_ =	sdelay $0x4  }
0x10b: {  	v0 =	vadd.f32 v1, v0;
	_ =	sdelay $0x1  }
0x10c: {  	[tilespmem:s29+$0xFFFFFFB0] =	vst v0  }
0x10d: {  	v0 =	vld [tilespmem:s30+$0xFFFFFFC0]  }
0x10e: {  	v1 =	vld [tilespmem:s31+$0xFFFFFFC0];
	_ =	sdelay $0x4  }
0x10f: {  	v0 =	vadd.f32 v1, v0;
	_ =	sdelay $0x1  }
0x110: {  	[tilespmem:s29+$0xFFFFFFC0] =	vst v0  }
0x111: {  	v0 =	vld [tilespmem:s30+$0xFFFFFFD0]  }
0x112: {  	v1 =	vld [tilespmem:s31+$0xFFFFFFD0];
	_ =	sdelay $0x4  }
0x113: {  	v0 =	vadd.f32 v1, v0;
	_ =	sdelay $0x1  }
0x114: {  	[tilespmem:s29+$0xFFFFFFD0] =	vst v0  }
0x115: {  	v0 =	vld [tilespmem:s30+$0xFFFFFFE0]  }
0x116: {  	v1 =	vld [tilespmem:s31+$0xFFFFFFE0];
	_ =	sdelay $0x4  }
0x117: {  	v0 =	vadd.f32 v1, v0;
	_ =	sdelay $0x1  }
0x118: {  	[tilespmem:s29+$0xFFFFFFE0] =	vst v0  }
0x119: {  	s15 =	simm.s32 $0x6310;
	v0 =	vld [tilespmem:s30+$0xFFFFFFF0]  }
0x11a: {  	s7 =	simm.s32 $0x12C10;
	s14 =	simm.s32 $0xC710;
	s0 =	simm.s32 $0x0;
	v1 =	vld [tilespmem:s31+$0xFFFFFFF0]  }
.LBB2_5:
0x11b: {  	s0 =	sadd.s32 $0x4, s0;
	s30 =	sadd.s32 $0x100, s30;
	s31 =	sadd.s32 $0x100, s31  }
0x11c: {  	p2 =	slt.u32 s0, $0x4C;
	_ =	sdelay $0x2  }
0x11d: {  	v0 =	vadd.f32 v1, v0;
	_ =	sdelay $0x1  }
0x11e: {  	[tilespmem:s29+$0xFFFFFFF0] =	vst v0  }
0x11f: {  	v0 =	vld [tilespmem:s15+$0x0];
	s15 =	smov.u32 s30  }
0x120: {  	v1 =	vld [tilespmem:s14+$0x0];
	s14 =	smov.u32 s31;
	_ =	sdelay $0x4  }
0x121: {  	v0 =	vadd.f32 v1, v0;
	_ =	sdelay $0x1  }
0x122: {  	[tilespmem:s29+$0x0] =	vst v0;
	s29 =	smov.u32 s7  }
0x123: {  	v0 =	vld [tilespmem:s30+$0xFFFFFF10]  }
0x124: {  	v1 =	vld [tilespmem:s31+$0xFFFFFF10];
	_ =	sdelay $0x4  }
0x125: {  	v0 =	vadd.f32 v1, v0;
	_ =	sdelay $0x1  }
0x126: {  	[tilespmem:s7+$0xFFFFFF10] =	vst v0  }
0x127: {  	v0 =	vld [tilespmem:s31+$0xFFFFFF20]  }
0x128: {  	v1 =	vld [tilespmem:s30+$0xFFFFFF20];
	_ =	sdelay $0x4  }
0x129: {  	v0 =	vadd.f32 v0, v1;
	_ =	sdelay $0x1  }
0x12a: {  	[tilespmem:s7+$0xFFFFFF20] =	vst v0  }
0x12b: {  	v0 =	vld [tilespmem:s30+$0xFFFFFF30]  }
0x12c: {  	v1 =	vld [tilespmem:s31+$0xFFFFFF30];
	_ =	sdelay $0x4  }
0x12d: {  	v0 =	vadd.f32 v1, v0;
	_ =	sdelay $0x1  }
0x12e: {  	[tilespmem:s7+$0xFFFFFF30] =	vst v0  }
0x12f: {  	v0 =	vld [tilespmem:s30+$0xFFFFFF40]  }
0x130: {  	v1 =	vld [tilespmem:s31+$0xFFFFFF40];
	_ =	sdelay $0x4  }
0x131: {  	v0 =	vadd.f32 v1, v0;
	_ =	sdelay $0x1  }
0x132: {  	[tilespmem:s7+$0xFFFFFF40] =	vst v0  }
0x133: {  	v0 =	vld [tilespmem:s30+$0xFFFFFF50]  }
0x134: {  	v1 =	vld [tilespmem:s31+$0xFFFFFF50];
	_ =	sdelay $0x4  }
0x135: {  	v0 =	vadd.f32 v1, v0;
	_ =	sdelay $0x1  }
0x136: {  	[tilespmem:s7+$0xFFFFFF50] =	vst v0  }
0x137: {  	v0 =	vld [tilespmem:s30+$0xFFFFFF60]  }
0x138: {  	v1 =	vld [tilespmem:s31+$0xFFFFFF60];
	_ =	sdelay $0x4  }
0x139: {  	v0 =	vadd.f32 v1, v0;
	_ =	sdelay $0x1  }
0x13a: {  	[tilespmem:s7+$0xFFFFFF60] =	vst v0  }
0x13b: {  	v0 =	vld [tilespmem:s30+$0xFFFFFF70]  }
0x13c: {  	v1 =	vld [tilespmem:s31+$0xFFFFFF70];
	_ =	sdelay $0x4  }
0x13d: {  	v0 =	vadd.f32 v1, v0;
	_ =	sdelay $0x1  }
0x13e: {  	[tilespmem:s7+$0xFFFFFF70] =	vst v0  }
0x13f: {  	v0 =	vld [tilespmem:s30+$0xFFFFFF80]  }
0x140: {  	v1 =	vld [tilespmem:s31+$0xFFFFFF80];
	_ =	sdelay $0x4  }
0x141: {  	v0 =	vadd.f32 v1, v0;
	_ =	sdelay $0x1  }
0x142: {  	[tilespmem:s7+$0xFFFFFF80] =	vst v0  }
0x143: {  	v0 =	vld [tilespmem:s30+$0xFFFFFF90]  }
0x144: {  	v1 =	vld [tilespmem:s31+$0xFFFFFF90];
	_ =	sdelay $0x4  }
0x145: {  	v0 =	vadd.f32 v1, v0;
	_ =	sdelay $0x1  }
0x146: {  	[tilespmem:s7+$0xFFFFFF90] =	vst v0  }
0x147: {  	v0 =	vld [tilespmem:s30+$0xFFFFFFA0]  }
0x148: {  	v1 =	vld [tilespmem:s31+$0xFFFFFFA0];
	_ =	sdelay $0x4  }
0x149: {  	v0 =	vadd.f32 v1, v0;
	_ =	sdelay $0x1  }
0x14a: {  	[tilespmem:s7+$0xFFFFFFA0] =	vst v0  }
0x14b: {  	v0 =	vld [tilespmem:s30+$0xFFFFFFB0]  }
0x14c: {  	v1 =	vld [tilespmem:s31+$0xFFFFFFB0];
	_ =	sdelay $0x4  }
0x14d: {  	v0 =	vadd.f32 v1, v0;
	_ =	sdelay $0x1  }
0x14e: {  	[tilespmem:s7+$0xFFFFFFB0] =	vst v0  }
0x14f: {  	v0 =	vld [tilespmem:s30+$0xFFFFFFC0]  }
0x150: {  	v1 =	vld [tilespmem:s31+$0xFFFFFFC0];
	_ =	sdelay $0x4  }
0x151: {  	v0 =	vadd.f32 v1, v0;
	_ =	sdelay $0x1  }
0x152: {  	[tilespmem:s7+$0xFFFFFFC0] =	vst v0  }
0x153: {  	v0 =	vld [tilespmem:s30+$0xFFFFFFD0]  }
0x154: {  	v1 =	vld [tilespmem:s31+$0xFFFFFFD0];
	_ =	sdelay $0x4  }
0x155: {  	v0 =	vadd.f32 v1, v0;
	_ =	sdelay $0x1  }
0x156: {  	[tilespmem:s7+$0xFFFFFFD0] =	vst v0  }
0x157: {  	v0 =	vld [tilespmem:s30+$0xFFFFFFE0]  }
0x158: {  	v1 =	vld [tilespmem:s31+$0xFFFFFFE0];
	_ =	sdelay $0x4  }
.Ltmp3:
0x159: {  	v0 =	vadd.f32 v1, v0;
	(pc) =	sbr.rel @p2 .LBB2_5-.Ltmp3, $4  }
0x15a: {  	_ = 	snop  }
0x15b: {  	[tilespmem:s7+$0xFFFFFFE0] =	vst v0  }
0x15c: {  	v0 =	vld [tilespmem:s30+$0xFFFFFFF0]  }
0x15d: {  	s7 =	sadd.s32 $0x100, s7;
	v1 =	vld [tilespmem:s31+$0xFFFFFFF0]  }
0x15e: {  	_ =	sdelay $0x3  }
0x15f: {  	v0 =	vadd.f32 v1, v0;
	_ =	sdelay $0x1  }
0x160: {  	[tilespmem:s29+$0xFFFFFFF0] =	vst v0  }
0x161: {  	v0 =	vld [tilespmem:s15+$0x0]  }
0x162: {  	v1 =	vld [tilespmem:s14+$0x0];
	_ =	sdelay $0x3  }
0x163: {  	s0 =	sadd.s32 s13, s9  }
0x164: {  	s0 =	sshll.u32 s0, $0x3;
	v0 =	vadd.f32 v1, v0  }
0x165: {  	s0 =	sand.u32 $0x1FFFFF80, s0  }
0x166: {  	s0 =	sadd.s32 s2, s0;
	[tilespmem:s29+$0x0] =	vst v0  }
0x167: {  	[hbm4b:s0+s3] =	stream.linear.scatter [tilespmem:s21], [sflag:$0x7], $0x1400, $0x38;
	[tilespmem:$0x17A20] =	vst v63  }
0x168: {  	s7 =	simm.s32 @!p1 $0x50;
	s14 =	simm.s32 @!p1 $0x6220;
	s0 =	sadd.s32 @!p1 $0x1E0, s13  }
0x169: {  	[tilespmem:s14], [sflag:$0x2] =	stream.indirect.gather @!p1 [hbm4b:s5+s7], $0x40, s0, s7, $0xb8;
	[tilespmem:$0x17A20] =	vst v63  }
0x16a: {  	s0 =	sadd.s32 @!p1 $0x28F0, s13;
	s14 =	simm.s32 @!p1 $0xC620  }
0x16b: {  	[tilespmem:s14], [sflag:$0x2] =	stream.indirect.gather @!p1 [hbm4b:s6+s7], $0x40, s0, s7, $0xb8;
	[tilespmem:$0x17A20] =	vst v63  }
0x16c: {  	_ =	swait.ge [sflag:s22], $0x1400  }
0x16d: {  	[sflag:s22] =	ssyncset.done $0x0  }
0x16e: {  	[sflag:s22] =	ssyncadd.s32 $0xFFFFEC00  }
0x16f: {  	_ =	swait.ge [sflag:s22], $0x1400  }
0x170: {  	[sflag:s22] =	ssyncset.done $0x0  }
0x171: {  	s0 =	simm.s32 @!p0 $0x8;
	[sflag:s22] =	ssyncadd.s32 $0xFFFFEC00  }
0x172: {  	_ =	swait.ge @!p0 [sflag:s0], $0x1400  }
0x173: {  	[sflag:s0] =	ssyncset.done @!p0 $0x0  }
0x174: {  	s30 =	simm.s32 $0x7710;
	[sflag:s0] =	ssyncadd.s32 @!p0 $0xFFFFEC00  }
0x175: {  	s31 =	simm.s32 $0xDB10;
	v0 =	vld [tilespmem:s30+$0xFFFFFF10]  }
0x176: {  	v1 =	vld [tilespmem:s31+$0xFFFFFF10];
	_ =	sdelay $0x4  }
0x177: {  	v0 =	vadd.f32 v1, v0  }
0x178: {  	s29 =	simm.s32 $0x13F10  }
0x179: {  	[tilespmem:s29+$0xFFFFFF10] =	vst v0  }
0x17a: {  	v0 =	vld [tilespmem:s31+$0xFFFFFF20]  }
0x17b: {  	v1 =	vld [tilespmem:s30+$0xFFFFFF20];
	_ =	sdelay $0x4  }
0x17c: {  	v0 =	vadd.f32 v0, v1;
	_ =	sdelay $0x1  }
0x17d: {  	[tilespmem:s29+$0xFFFFFF20] =	vst v0  }
0x17e: {  	v0 =	vld [tilespmem:s30+$0xFFFFFF30]  }
0x17f: {  	v1 =	vld [tilespmem:s31+$0xFFFFFF30];
	_ =	sdelay $0x4  }
0x180: {  	v0 =	vadd.f32 v1, v0;
	_ =	sdelay $0x1  }
0x181: {  	[tilespmem:s29+$0xFFFFFF30] =	vst v0  }
0x182: {  	v0 =	vld [tilespmem:s30+$0xFFFFFF40]  }
0x183: {  	v1 =	vld [tilespmem:s31+$0xFFFFFF40];
	_ =	sdelay $0x4  }
0x184: {  	v0 =	vadd.f32 v1, v0;
	_ =	sdelay $0x1  }
0x185: {  	[tilespmem:s29+$0xFFFFFF40] =	vst v0  }
0x186: {  	v0 =	vld [tilespmem:s30+$0xFFFFFF50]  }
0x187: {  	v1 =	vld [tilespmem:s31+$0xFFFFFF50];
	_ =	sdelay $0x4  }
0x188: {  	v0 =	vadd.f32 v1, v0;
	_ =	sdelay $0x1  }
0x189: {  	[tilespmem:s29+$0xFFFFFF50] =	vst v0  }
0x18a: {  	v0 =	vld [tilespmem:s30+$0xFFFFFF60]  }
0x18b: {  	v1 =	vld [tilespmem:s31+$0xFFFFFF60];
	_ =	sdelay $0x4  }
0x18c: {  	v0 =	vadd.f32 v1, v0;
	_ =	sdelay $0x1  }
0x18d: {  	[tilespmem:s29+$0xFFFFFF60] =	vst v0  }
0x18e: {  	v0 =	vld [tilespmem:s30+$0xFFFFFF70]  }
0x18f: {  	v1 =	vld [tilespmem:s31+$0xFFFFFF70];
	_ =	sdelay $0x4  }
0x190: {  	v0 =	vadd.f32 v1, v0;
	_ =	sdelay $0x1  }
0x191: {  	[tilespmem:s29+$0xFFFFFF70] =	vst v0  }
0x192: {  	v0 =	vld [tilespmem:s30+$0xFFFFFF80]  }
0x193: {  	v1 =	vld [tilespmem:s31+$0xFFFFFF80];
	_ =	sdelay $0x4  }
0x194: {  	v0 =	vadd.f32 v1, v0;
	_ =	sdelay $0x1  }
0x195: {  	[tilespmem:s29+$0xFFFFFF80] =	vst v0  }
0x196: {  	v0 =	vld [tilespmem:s30+$0xFFFFFF90]  }
0x197: {  	v1 =	vld [tilespmem:s31+$0xFFFFFF90];
	_ =	sdelay $0x4  }
0x198: {  	v0 =	vadd.f32 v1, v0;
	_ =	sdelay $0x1  }
0x199: {  	[tilespmem:s29+$0xFFFFFF90] =	vst v0  }
0x19a: {  	v0 =	vld [tilespmem:s30+$0xFFFFFFA0]  }
0x19b: {  	v1 =	vld [tilespmem:s31+$0xFFFFFFA0];
	_ =	sdelay $0x4  }
0x19c: {  	v0 =	vadd.f32 v1, v0;
	_ =	sdelay $0x1  }
0x19d: {  	[tilespmem:s29+$0xFFFFFFA0] =	vst v0  }
0x19e: {  	v0 =	vld [tilespmem:s30+$0xFFFFFFB0]  }
0x19f: {  	v1 =	vld [tilespmem:s31+$0xFFFFFFB0];
	_ =	sdelay $0x4  }
0x1a0: {  	v0 =	vadd.f32 v1, v0;
	_ =	sdelay $0x1  }
0x1a1: {  	[tilespmem:s29+$0xFFFFFFB0] =	vst v0  }
0x1a2: {  	v0 =	vld [tilespmem:s30+$0xFFFFFFC0]  }
0x1a3: {  	v1 =	vld [tilespmem:s31+$0xFFFFFFC0];
	_ =	sdelay $0x4  }
0x1a4: {  	v0 =	vadd.f32 v1, v0;
	_ =	sdelay $0x1  }
0x1a5: {  	[tilespmem:s29+$0xFFFFFFC0] =	vst v0  }
0x1a6: {  	v0 =	vld [tilespmem:s30+$0xFFFFFFD0]  }
0x1a7: {  	v1 =	vld [tilespmem:s31+$0xFFFFFFD0];
	_ =	sdelay $0x4  }
0x1a8: {  	v0 =	vadd.f32 v1, v0;
	_ =	sdelay $0x1  }
0x1a9: {  	[tilespmem:s29+$0xFFFFFFD0] =	vst v0  }
0x1aa: {  	v0 =	vld [tilespmem:s30+$0xFFFFFFE0]  }
0x1ab: {  	v1 =	vld [tilespmem:s31+$0xFFFFFFE0];
	_ =	sdelay $0x4  }
0x1ac: {  	v0 =	vadd.f32 v1, v0;
	_ =	sdelay $0x1  }
0x1ad: {  	[tilespmem:s29+$0xFFFFFFE0] =	vst v0  }
0x1ae: {  	s15 =	simm.s32 $0xDB10;
	v0 =	vld [tilespmem:s30+$0xFFFFFFF0]  }
0x1af: {  	s7 =	simm.s32 $0x14010;
	s14 =	simm.s32 $0x7710;
	s0 =	simm.s32 $0x0;
	v1 =	vld [tilespmem:s31+$0xFFFFFFF0]  }
.LBB2_7:
0x1b0: {  	s0 =	sadd.s32 $0x4, s0;
	s30 =	sadd.s32 $0x100, s30;
	s31 =	sadd.s32 $0x100, s31  }
0x1b1: {  	p2 =	slt.u32 s0, $0x4C;
	_ =	sdelay $0x2  }
0x1b2: {  	v0 =	vadd.f32 v1, v0;
	_ =	sdelay $0x1  }
0x1b3: {  	[tilespmem:s29+$0xFFFFFFF0] =	vst v0  }
0x1b4: {  	v0 =	vld [tilespmem:s14+$0x0];
	s14 =	smov.u32 s30  }
0x1b5: {  	v1 =	vld [tilespmem:s15+$0x0];
	s15 =	smov.u32 s31;
	_ =	sdelay $0x4  }
0x1b6: {  	v0 =	vadd.f32 v1, v0;
	_ =	sdelay $0x1  }
0x1b7: {  	[tilespmem:s29+$0x0] =	vst v0;
	s29 =	smov.u32 s7  }
0x1b8: {  	v0 =	vld [tilespmem:s30+$0xFFFFFF10]  }
0x1b9: {  	v1 =	vld [tilespmem:s31+$0xFFFFFF10];
	_ =	sdelay $0x4  }
0x1ba: {  	v0 =	vadd.f32 v1, v0;
	_ =	sdelay $0x1  }
0x1bb: {  	[tilespmem:s7+$0xFFFFFF10] =	vst v0  }
0x1bc: {  	v0 =	vld [tilespmem:s31+$0xFFFFFF20]  }
0x1bd: {  	v1 =	vld [tilespmem:s30+$0xFFFFFF20];
	_ =	sdelay $0x4  }
0x1be: {  	v0 =	vadd.f32 v0, v1;
	_ =	sdelay $0x1  }
0x1bf: {  	[tilespmem:s7+$0xFFFFFF20] =	vst v0  }
0x1c0: {  	v0 =	vld [tilespmem:s30+$0xFFFFFF30]  }
0x1c1: {  	v1 =	vld [tilespmem:s31+$0xFFFFFF30];
	_ =	sdelay $0x4  }
0x1c2: {  	v0 =	vadd.f32 v1, v0;
	_ =	sdelay $0x1  }
0x1c3: {  	[tilespmem:s7+$0xFFFFFF30] =	vst v0  }
0x1c4: {  	v0 =	vld [tilespmem:s30+$0xFFFFFF40]  }
0x1c5: {  	v1 =	vld [tilespmem:s31+$0xFFFFFF40];
	_ =	sdelay $0x4  }
0x1c6: {  	v0 =	vadd.f32 v1, v0;
	_ =	sdelay $0x1  }
0x1c7: {  	[tilespmem:s7+$0xFFFFFF40] =	vst v0  }
0x1c8: {  	v0 =	vld [tilespmem:s30+$0xFFFFFF50]  }
0x1c9: {  	v1 =	vld [tilespmem:s31+$0xFFFFFF50];
	_ =	sdelay $0x4  }
0x1ca: {  	v0 =	vadd.f32 v1, v0;
	_ =	sdelay $0x1  }
0x1cb: {  	[tilespmem:s7+$0xFFFFFF50] =	vst v0  }
0x1cc: {  	v0 =	vld [tilespmem:s30+$0xFFFFFF60]  }
0x1cd: {  	v1 =	vld [tilespmem:s31+$0xFFFFFF60];
	_ =	sdelay $0x4  }
0x1ce: {  	v0 =	vadd.f32 v1, v0;
	_ =	sdelay $0x1  }
0x1cf: {  	[tilespmem:s7+$0xFFFFFF60] =	vst v0  }
0x1d0: {  	v0 =	vld [tilespmem:s30+$0xFFFFFF70]  }
0x1d1: {  	v1 =	vld [tilespmem:s31+$0xFFFFFF70];
	_ =	sdelay $0x4  }
0x1d2: {  	v0 =	vadd.f32 v1, v0;
	_ =	sdelay $0x1  }
0x1d3: {  	[tilespmem:s7+$0xFFFFFF70] =	vst v0  }
0x1d4: {  	v0 =	vld [tilespmem:s30+$0xFFFFFF80]  }
0x1d5: {  	v1 =	vld [tilespmem:s31+$0xFFFFFF80];
	_ =	sdelay $0x4  }
0x1d6: {  	v0 =	vadd.f32 v1, v0;
	_ =	sdelay $0x1  }
0x1d7: {  	[tilespmem:s7+$0xFFFFFF80] =	vst v0  }
0x1d8: {  	v0 =	vld [tilespmem:s30+$0xFFFFFF90]  }
0x1d9: {  	v1 =	vld [tilespmem:s31+$0xFFFFFF90];
	_ =	sdelay $0x4  }
0x1da: {  	v0 =	vadd.f32 v1, v0;
	_ =	sdelay $0x1  }
0x1db: {  	[tilespmem:s7+$0xFFFFFF90] =	vst v0  }
0x1dc: {  	v0 =	vld [tilespmem:s30+$0xFFFFFFA0]  }
0x1dd: {  	v1 =	vld [tilespmem:s31+$0xFFFFFFA0];
	_ =	sdelay $0x4  }
0x1de: {  	v0 =	vadd.f32 v1, v0;
	_ =	sdelay $0x1  }
0x1df: {  	[tilespmem:s7+$0xFFFFFFA0] =	vst v0  }
0x1e0: {  	v0 =	vld [tilespmem:s30+$0xFFFFFFB0]  }
0x1e1: {  	v1 =	vld [tilespmem:s31+$0xFFFFFFB0];
	_ =	sdelay $0x4  }
0x1e2: {  	v0 =	vadd.f32 v1, v0;
	_ =	sdelay $0x1  }
0x1e3: {  	[tilespmem:s7+$0xFFFFFFB0] =	vst v0  }
0x1e4: {  	v0 =	vld [tilespmem:s30+$0xFFFFFFC0]  }
0x1e5: {  	v1 =	vld [tilespmem:s31+$0xFFFFFFC0];
	_ =	sdelay $0x4  }
0x1e6: {  	v0 =	vadd.f32 v1, v0;
	_ =	sdelay $0x1  }
0x1e7: {  	[tilespmem:s7+$0xFFFFFFC0] =	vst v0  }
0x1e8: {  	v0 =	vld [tilespmem:s30+$0xFFFFFFD0]  }
0x1e9: {  	v1 =	vld [tilespmem:s31+$0xFFFFFFD0];
	_ =	sdelay $0x4  }
0x1ea: {  	v0 =	vadd.f32 v1, v0;
	_ =	sdelay $0x1  }
0x1eb: {  	[tilespmem:s7+$0xFFFFFFD0] =	vst v0  }
0x1ec: {  	v0 =	vld [tilespmem:s30+$0xFFFFFFE0]  }
0x1ed: {  	v1 =	vld [tilespmem:s31+$0xFFFFFFE0];
	_ =	sdelay $0x4  }
.Ltmp4:
0x1ee: {  	v0 =	vadd.f32 v1, v0;
	(pc) =	sbr.rel @p2 .LBB2_7-.Ltmp4, $4  }
0x1ef: {  	_ = 	snop  }
0x1f0: {  	[tilespmem:s7+$0xFFFFFFE0] =	vst v0  }
0x1f1: {  	v0 =	vld [tilespmem:s30+$0xFFFFFFF0]  }
0x1f2: {  	s7 =	sadd.s32 $0x100, s7;
	v1 =	vld [tilespmem:s31+$0xFFFFFFF0]  }
0x1f3: {  	_ =	sdelay $0x3  }
0x1f4: {  	v0 =	vadd.f32 v1, v0;
	_ =	sdelay $0x1  }
0x1f5: {  	[tilespmem:s29+$0xFFFFFFF0] =	vst v0  }
0x1f6: {  	v0 =	vld [tilespmem:s14+$0x0]  }
0x1f7: {  	v1 =	vld [tilespmem:s15+$0x0];
	_ =	sdelay $0x3  }
0x1f8: {  	s0 =	sadd.s32 s13, s10  }
0x1f9: {  	s0 =	sshll.u32 s0, $0x3;
	v0 =	vadd.f32 v1, v0  }
0x1fa: {  	s0 =	sand.u32 $0x1FFFFF80, s0  }
0x1fb: {  	s0 =	sadd.s32 s2, s0;
	[tilespmem:s29+$0x0] =	vst v0  }
0x1fc: {  	[hbm4b:s0+s3] =	stream.linear.scatter [tilespmem:s23], [sflag:$0x8], $0x1400, $0x38;
	[tilespmem:$0x17A20] =	vst v63  }
0x1fd: {  	s7 =	simm.s32 @!p1 $0x50;
	s14 =	simm.s32 @!p1 $0x7620;
	s0 =	sadd.s32 @!p1 $0x230, s13  }
0x1fe: {  	[tilespmem:s14], [sflag:$0x3] =	stream.indirect.gather @!p1 [hbm4b:s5+s7], $0x40, s0, s7, $0xb8;
	[tilespmem:$0x17A20] =	vst v63  }
0x1ff: {  	s0 =	sadd.s32 @!p1 $0x2940, s13;
	s14 =	simm.s32 @!p1 $0xDA20  }
0x200: {  	[tilespmem:s14], [sflag:$0x3] =	stream.indirect.gather @!p1 [hbm4b:s6+s7], $0x40, s0, s7, $0xb8;
	[tilespmem:$0x17A20] =	vst v63  }
0x201: {  	_ =	swait.ge [sflag:s24], $0x1400  }
0x202: {  	[sflag:s24] =	ssyncset.done $0x0  }
0x203: {  	[sflag:s24] =	ssyncadd.s32 $0xFFFFEC00  }
0x204: {  	_ =	swait.ge [sflag:s24], $0x1400  }
0x205: {  	[sflag:s24] =	ssyncset.done $0x0  }
0x206: {  	s0 =	simm.s32 @!p0 $0x9;
	[sflag:s24] =	ssyncadd.s32 $0xFFFFEC00  }
0x207: {  	_ =	swait.ge @!p0 [sflag:s0], $0x1400  }
0x208: {  	[sflag:s0] =	ssyncset.done @!p0 $0x0  }
0x209: {  	s30 =	simm.s32 $0x8B10;
	[sflag:s0] =	ssyncadd.s32 @!p0 $0xFFFFEC00  }
0x20a: {  	s31 =	simm.s32 $0xEF10;
	v0 =	vld [tilespmem:s30+$0xFFFFFF10]  }
0x20b: {  	v1 =	vld [tilespmem:s31+$0xFFFFFF10];
	_ =	sdelay $0x4  }
0x20c: {  	v0 =	vadd.f32 v1, v0  }
0x20d: {  	s29 =	simm.s32 $0x15310  }
0x20e: {  	[tilespmem:s29+$0xFFFFFF10] =	vst v0  }
0x20f: {  	v0 =	vld [tilespmem:s31+$0xFFFFFF20]  }
0x210: {  	v1 =	vld [tilespmem:s30+$0xFFFFFF20];
	_ =	sdelay $0x4  }
0x211: {  	v0 =	vadd.f32 v0, v1;
	_ =	sdelay $0x1  }
0x212: {  	[tilespmem:s29+$0xFFFFFF20] =	vst v0  }
0x213: {  	v0 =	vld [tilespmem:s30+$0xFFFFFF30]  }
0x214: {  	v1 =	vld [tilespmem:s31+$0xFFFFFF30];
	_ =	sdelay $0x4  }
0x215: {  	v0 =	vadd.f32 v1, v0;
	_ =	sdelay $0x1  }
0x216: {  	[tilespmem:s29+$0xFFFFFF30] =	vst v0  }
0x217: {  	v0 =	vld [tilespmem:s30+$0xFFFFFF40]  }
0x218: {  	v1 =	vld [tilespmem:s31+$0xFFFFFF40];
	_ =	sdelay $0x4  }
0x219: {  	v0 =	vadd.f32 v1, v0;
	_ =	sdelay $0x1  }
0x21a: {  	[tilespmem:s29+$0xFFFFFF40] =	vst v0  }
0x21b: {  	v0 =	vld [tilespmem:s30+$0xFFFFFF50]  }
0x21c: {  	v1 =	vld [tilespmem:s31+$0xFFFFFF50];
	_ =	sdelay $0x4  }
0x21d: {  	v0 =	vadd.f32 v1, v0;
	_ =	sdelay $0x1  }
0x21e: {  	[tilespmem:s29+$0xFFFFFF50] =	vst v0  }
0x21f: {  	v0 =	vld [tilespmem:s30+$0xFFFFFF60]  }
0x220: {  	v1 =	vld [tilespmem:s31+$0xFFFFFF60];
	_ =	sdelay $0x4  }
0x221: {  	v0 =	vadd.f32 v1, v0;
	_ =	sdelay $0x1  }
0x222: {  	[tilespmem:s29+$0xFFFFFF60] =	vst v0  }
0x223: {  	v0 =	vld [tilespmem:s30+$0xFFFFFF70]  }
0x224: {  	v1 =	vld [tilespmem:s31+$0xFFFFFF70];
	_ =	sdelay $0x4  }
0x225: {  	v0 =	vadd.f32 v1, v0;
	_ =	sdelay $0x1  }
0x226: {  	[tilespmem:s29+$0xFFFFFF70] =	vst v0  }
0x227: {  	v0 =	vld [tilespmem:s30+$0xFFFFFF80]  }
0x228: {  	v1 =	vld [tilespmem:s31+$0xFFFFFF80];
	_ =	sdelay $0x4  }
0x229: {  	v0 =	vadd.f32 v1, v0;
	_ =	sdelay $0x1  }
0x22a: {  	[tilespmem:s29+$0xFFFFFF80] =	vst v0  }
0x22b: {  	v0 =	vld [tilespmem:s30+$0xFFFFFF90]  }
0x22c: {  	v1 =	vld [tilespmem:s31+$0xFFFFFF90];
	_ =	sdelay $0x4  }
0x22d: {  	v0 =	vadd.f32 v1, v0;
	_ =	sdelay $0x1  }
0x22e: {  	[tilespmem:s29+$0xFFFFFF90] =	vst v0  }
0x22f: {  	v0 =	vld [tilespmem:s30+$0xFFFFFFA0]  }
0x230: {  	v1 =	vld [tilespmem:s31+$0xFFFFFFA0];
	_ =	sdelay $0x4  }
0x231: {  	v0 =	vadd.f32 v1, v0;
	_ =	sdelay $0x1  }
0x232: {  	[tilespmem:s29+$0xFFFFFFA0] =	vst v0  }
0x233: {  	v0 =	vld [tilespmem:s30+$0xFFFFFFB0]  }
0x234: {  	v1 =	vld [tilespmem:s31+$0xFFFFFFB0];
	_ =	sdelay $0x4  }
0x235: {  	v0 =	vadd.f32 v1, v0;
	_ =	sdelay $0x1  }
0x236: {  	[tilespmem:s29+$0xFFFFFFB0] =	vst v0  }
0x237: {  	v0 =	vld [tilespmem:s30+$0xFFFFFFC0]  }
0x238: {  	v1 =	vld [tilespmem:s31+$0xFFFFFFC0];
	_ =	sdelay $0x4  }
0x239: {  	v0 =	vadd.f32 v1, v0;
	_ =	sdelay $0x1  }
0x23a: {  	[tilespmem:s29+$0xFFFFFFC0] =	vst v0  }
0x23b: {  	v0 =	vld [tilespmem:s30+$0xFFFFFFD0]  }
0x23c: {  	v1 =	vld [tilespmem:s31+$0xFFFFFFD0];
	_ =	sdelay $0x4  }
0x23d: {  	v0 =	vadd.f32 v1, v0;
	_ =	sdelay $0x1  }
0x23e: {  	[tilespmem:s29+$0xFFFFFFD0] =	vst v0  }
0x23f: {  	v0 =	vld [tilespmem:s30+$0xFFFFFFE0]  }
0x240: {  	v1 =	vld [tilespmem:s31+$0xFFFFFFE0];
	_ =	sdelay $0x4  }
0x241: {  	v0 =	vadd.f32 v1, v0;
	_ =	sdelay $0x1  }
0x242: {  	[tilespmem:s29+$0xFFFFFFE0] =	vst v0  }
0x243: {  	s15 =	simm.s32 $0xEF10;
	v0 =	vld [tilespmem:s30+$0xFFFFFFF0]  }
0x244: {  	s7 =	simm.s32 $0x15410;
	s14 =	simm.s32 $0x8B10;
	s0 =	simm.s32 $0x0;
	v1 =	vld [tilespmem:s31+$0xFFFFFFF0]  }
.LBB2_9:
0x245: {  	s0 =	sadd.s32 $0x4, s0;
	s30 =	sadd.s32 $0x100, s30;
	s31 =	sadd.s32 $0x100, s31  }
0x246: {  	p2 =	slt.u32 s0, $0x4C;
	_ =	sdelay $0x2  }
0x247: {  	v0 =	vadd.f32 v1, v0;
	_ =	sdelay $0x1  }
0x248: {  	[tilespmem:s29+$0xFFFFFFF0] =	vst v0  }
0x249: {  	v0 =	vld [tilespmem:s14+$0x0];
	s14 =	smov.u32 s30  }
0x24a: {  	v1 =	vld [tilespmem:s15+$0x0];
	s15 =	smov.u32 s31;
	_ =	sdelay $0x4  }
0x24b: {  	v0 =	vadd.f32 v1, v0;
	_ =	sdelay $0x1  }
0x24c: {  	[tilespmem:s29+$0x0] =	vst v0;
	s29 =	smov.u32 s7  }
0x24d: {  	v0 =	vld [tilespmem:s30+$0xFFFFFF10]  }
0x24e: {  	v1 =	vld [tilespmem:s31+$0xFFFFFF10];
	_ =	sdelay $0x4  }
0x24f: {  	v0 =	vadd.f32 v1, v0;
	_ =	sdelay $0x1  }
0x250: {  	[tilespmem:s7+$0xFFFFFF10] =	vst v0  }
0x251: {  	v0 =	vld [tilespmem:s31+$0xFFFFFF20]  }
0x252: {  	v1 =	vld [tilespmem:s30+$0xFFFFFF20];
	_ =	sdelay $0x4  }
0x253: {  	v0 =	vadd.f32 v0, v1;
	_ =	sdelay $0x1  }
0x254: {  	[tilespmem:s7+$0xFFFFFF20] =	vst v0  }
0x255: {  	v0 =	vld [tilespmem:s30+$0xFFFFFF30]  }
0x256: {  	v1 =	vld [tilespmem:s31+$0xFFFFFF30];
	_ =	sdelay $0x4  }
0x257: {  	v0 =	vadd.f32 v1, v0;
	_ =	sdelay $0x1  }
0x258: {  	[tilespmem:s7+$0xFFFFFF30] =	vst v0  }
0x259: {  	v0 =	vld [tilespmem:s30+$0xFFFFFF40]  }
0x25a: {  	v1 =	vld [tilespmem:s31+$0xFFFFFF40];
	_ =	sdelay $0x4  }
0x25b: {  	v0 =	vadd.f32 v1, v0;
	_ =	sdelay $0x1  }
0x25c: {  	[tilespmem:s7+$0xFFFFFF40] =	vst v0  }
0x25d: {  	v0 =	vld [tilespmem:s30+$0xFFFFFF50]  }
0x25e: {  	v1 =	vld [tilespmem:s31+$0xFFFFFF50];
	_ =	sdelay $0x4  }
0x25f: {  	v0 =	vadd.f32 v1, v0;
	_ =	sdelay $0x1  }
0x260: {  	[tilespmem:s7+$0xFFFFFF50] =	vst v0  }
0x261: {  	v0 =	vld [tilespmem:s30+$0xFFFFFF60]  }
0x262: {  	v1 =	vld [tilespmem:s31+$0xFFFFFF60];
	_ =	sdelay $0x4  }
0x263: {  	v0 =	vadd.f32 v1, v0;
	_ =	sdelay $0x1  }
0x264: {  	[tilespmem:s7+$0xFFFFFF60] =	vst v0  }
0x265: {  	v0 =	vld [tilespmem:s30+$0xFFFFFF70]  }
0x266: {  	v1 =	vld [tilespmem:s31+$0xFFFFFF70];
	_ =	sdelay $0x4  }
0x267: {  	v0 =	vadd.f32 v1, v0;
	_ =	sdelay $0x1  }
0x268: {  	[tilespmem:s7+$0xFFFFFF70] =	vst v0  }
0x269: {  	v0 =	vld [tilespmem:s30+$0xFFFFFF80]  }
0x26a: {  	v1 =	vld [tilespmem:s31+$0xFFFFFF80];
	_ =	sdelay $0x4  }
0x26b: {  	v0 =	vadd.f32 v1, v0;
	_ =	sdelay $0x1  }
0x26c: {  	[tilespmem:s7+$0xFFFFFF80] =	vst v0  }
0x26d: {  	v0 =	vld [tilespmem:s30+$0xFFFFFF90]  }
0x26e: {  	v1 =	vld [tilespmem:s31+$0xFFFFFF90];
	_ =	sdelay $0x4  }
0x26f: {  	v0 =	vadd.f32 v1, v0;
	_ =	sdelay $0x1  }
0x270: {  	[tilespmem:s7+$0xFFFFFF90] =	vst v0  }
0x271: {  	v0 =	vld [tilespmem:s30+$0xFFFFFFA0]  }
0x272: {  	v1 =	vld [tilespmem:s31+$0xFFFFFFA0];
	_ =	sdelay $0x4  }
0x273: {  	v0 =	vadd.f32 v1, v0;
	_ =	sdelay $0x1  }
0x274: {  	[tilespmem:s7+$0xFFFFFFA0] =	vst v0  }
0x275: {  	v0 =	vld [tilespmem:s30+$0xFFFFFFB0]  }
0x276: {  	v1 =	vld [tilespmem:s31+$0xFFFFFFB0];
	_ =	sdelay $0x4  }
0x277: {  	v0 =	vadd.f32 v1, v0;
	_ =	sdelay $0x1  }
0x278: {  	[tilespmem:s7+$0xFFFFFFB0] =	vst v0  }
0x279: {  	v0 =	vld [tilespmem:s30+$0xFFFFFFC0]  }
0x27a: {  	v1 =	vld [tilespmem:s31+$0xFFFFFFC0];
	_ =	sdelay $0x4  }
0x27b: {  	v0 =	vadd.f32 v1, v0;
	_ =	sdelay $0x1  }
0x27c: {  	[tilespmem:s7+$0xFFFFFFC0] =	vst v0  }
0x27d: {  	v0 =	vld [tilespmem:s30+$0xFFFFFFD0]  }
0x27e: {  	v1 =	vld [tilespmem:s31+$0xFFFFFFD0];
	_ =	sdelay $0x4  }
0x27f: {  	v0 =	vadd.f32 v1, v0;
	_ =	sdelay $0x1  }
0x280: {  	[tilespmem:s7+$0xFFFFFFD0] =	vst v0  }
0x281: {  	v0 =	vld [tilespmem:s30+$0xFFFFFFE0]  }
0x282: {  	v1 =	vld [tilespmem:s31+$0xFFFFFFE0];
	_ =	sdelay $0x4  }
.Ltmp5:
0x283: {  	v0 =	vadd.f32 v1, v0;
	(pc) =	sbr.rel @p2 .LBB2_9-.Ltmp5, $4  }
0x284: {  	_ = 	snop  }
0x285: {  	[tilespmem:s7+$0xFFFFFFE0] =	vst v0  }
0x286: {  	v0 =	vld [tilespmem:s30+$0xFFFFFFF0]  }
0x287: {  	s7 =	sadd.s32 $0x100, s7;
	v1 =	vld [tilespmem:s31+$0xFFFFFFF0]  }
0x288: {  	_ =	sdelay $0x3  }
0x289: {  	v0 =	vadd.f32 v1, v0;
	_ =	sdelay $0x1  }
0x28a: {  	[tilespmem:s29+$0xFFFFFFF0] =	vst v0  }
0x28b: {  	v0 =	vld [tilespmem:s14+$0x0]  }
0x28c: {  	v1 =	vld [tilespmem:s15+$0x0];
	_ =	sdelay $0x3  }
0x28d: {  	s0 =	sadd.s32 s13, s11  }
0x28e: {  	s0 =	sshll.u32 s0, $0x3;
	v0 =	vadd.f32 v1, v0  }
0x28f: {  	s0 =	sand.u32 $0x1FFFFF80, s0  }
0x290: {  	s0 =	sadd.s32 s2, s0;
	[tilespmem:s29+$0x0] =	vst v0  }
0x291: {  	[hbm4b:s0+s3] =	stream.linear.scatter [tilespmem:s25], [sflag:$0x9], $0x1400, $0x38;
	[tilespmem:$0x17A20] =	vst v63  }
0x292: {  	s7 =	simm.s32 @!p1 $0x50;
	s14 =	simm.s32 @!p1 $0x8A20;
	s0 =	sadd.s32 @!p1 $0x280, s13  }
0x293: {  	[tilespmem:s14], [sflag:$0x4] =	stream.indirect.gather @!p1 [hbm4b:s5+s7], $0x40, s0, s7, $0xb8;
	[tilespmem:$0x17A20] =	vst v63  }
0x294: {  	s0 =	sadd.s32 @!p1 $0x2990, s13;
	s14 =	simm.s32 @!p1 $0xEE20  }
0x295: {  	[tilespmem:s14], [sflag:$0x4] =	stream.indirect.gather @!p1 [hbm4b:s6+s7], $0x40, s0, s7, $0xb8;
	[tilespmem:$0x17A20] =	vst v63  }
0x296: {  	_ =	swait.ge [sflag:s26], $0x1400  }
0x297: {  	[sflag:s26] =	ssyncset.done $0x0  }
0x298: {  	[sflag:s26] =	ssyncadd.s32 $0xFFFFEC00  }
0x299: {  	_ =	swait.ge [sflag:s26], $0x1400  }
0x29a: {  	[sflag:s26] =	ssyncset.done $0x0  }
0x29b: {  	s0 =	simm.s32 @!p0 $0xA;
	[sflag:s26] =	ssyncadd.s32 $0xFFFFEC00  }
0x29c: {  	_ =	swait.ge @!p0 [sflag:s0], $0x1400  }
0x29d: {  	[sflag:s0] =	ssyncset.done @!p0 $0x0  }
0x29e: {  	[sflag:s0] =	ssyncadd.s32 @!p0 $0xFFFFEC00;
	s0 =	simm.s32 $0x0  }
0x29f: {  	v0 =	vld [tilespmem:s0+$0x9F10]  }
0x2a0: {  	v1 =	vld [tilespmem:s0+$0x10310]  }
0x2a1: {  	v2 =	vld [tilespmem:s0+$0x9E20]  }
0x2a2: {  	v3 =	vld [tilespmem:s0+$0x10220]  }
0x2a3: {  	v4 =	vld [tilespmem:s0+$0x9E30]  }
0x2a4: {  	v5 =	vld [tilespmem:s0+$0x10230]  }
0x2a5: {  	v6 =	vld [tilespmem:s0+$0x9E40]  }
0x2a6: {  	v7 =	vld [tilespmem:s0+$0x9E50];
	v0 =	vadd.f32 v1, v0  }
0x2a7: {  	v1 =	vld [tilespmem:s0+$0x10240]  }
0x2a8: {  	v2 =	vadd.f32 v3, v2;
	[tilespmem:s0+$0x16710] =	vst v0;
	v0 =	vld [tilespmem:s0+$0x10250]  }
0x2a9: {  	v3 =	vld [tilespmem:s0+$0x9E60]  }
0x2aa: {  	[tilespmem:s0+$0x16620] =	vst v2;
	v2 =	vadd.f32 v5, v4;
	v4 =	vld [tilespmem:s0+$0x10260]  }
0x2ab: {  	v5 =	vld [tilespmem:s0+$0x10270]  }
0x2ac: {  	[tilespmem:s0+$0x16630] =	vst v2;
	v2 =	vld [tilespmem:s0+$0x9E70];
	v1 =	vadd.f32 v1, v6  }
0x2ad: {  	v6 =	vld [tilespmem:s0+$0x10280];
	v0 =	vadd.f32 v0, v7  }
0x2ae: {  	[tilespmem:s0+$0x16640] =	vst v1;
	v1 =	vld [tilespmem:s0+$0x9E80]  }
0x2af: {  	[tilespmem:s0+$0x16650] =	vst v0;
	v0 =	vadd.f32 v4, v3;
	v3 =	vld [tilespmem:s0+$0x9E90]  }
0x2b0: {  	v4 =	vld [tilespmem:s0+$0x10290]  }
0x2b1: {  	[tilespmem:s0+$0x16660] =	vst v0;
	v0 =	vadd.f32 v5, v2;
	v2 =	vld [tilespmem:s0+$0x9EA0]  }
0x2b2: {  	v5 =	vld [tilespmem:s0+$0x102A0]  }
0x2b3: {  	[tilespmem:s0+$0x16670] =	vst v0;
	v0 =	vadd.f32 v6, v1;
	v1 =	vld [tilespmem:s0+$0x9EB0]  }
0x2b4: {  	v6 =	vld [tilespmem:s0+$0x102B0]  }
0x2b5: {  	[tilespmem:s0+$0x16680] =	vst v0;
	v0 =	vadd.f32 v4, v3;
	v3 =	vld [tilespmem:s0+$0x9EC0]  }
0x2b6: {  	v4 =	vld [tilespmem:s0+$0x102C0]  }
0x2b7: {  	v7 =	vld [tilespmem:s0+$0x102D0]  }
0x2b8: {  	[tilespmem:s0+$0x16690] =	vst v0;
	v0 =	vadd.f32 v5, v2;
	v5 =	vld [tilespmem:s0+$0x9ED0]  }
0x2b9: {  	v2 =	vld [tilespmem:s0+$0x102E0];
	v1 =	vadd.f32 v6, v1  }
0x2ba: {  	[tilespmem:s0+$0x166A0] =	vst v0;
	v0 =	vld [tilespmem:s0+$0x9EE0]  }
0x2bb: {  	[tilespmem:s0+$0x166B0] =	vst v1;
	v3 =	vadd.f32 v4, v3;
	v1 =	vld [tilespmem:s0+$0x9EF0]  }
0x2bc: {  	v4 =	vld [tilespmem:s0+$0x102F0]  }
0x2bd: {  	s7 =	simm.s32 $0x0;
	s14 =	simm.s32 $0x400;
	[tilespmem:s0+$0x166C0] =	vst v3;
	v5 =	vadd.f32 v7, v5;
	v3 =	vld [tilespmem:s0+$0x9F00]  }
.LBB2_11:
0x2be: {  	s15 =	sshra.s32 s14, $0x2;
	v6 =	vld [tilespmem:s0+$0x10300]  }
0x2bf: {  	s7 =	sadd.s32 $0x4, s7;
	v7 =	vld [tilespmem:s15+$0x9F10];
	[tilespmem:s0+$0x166D0] =	vst v5;
	v0 =	vadd.f32 v2, v0  }
0x2c0: {  	p0 =	slt.u32 s7, $0x4C;
	v2 =	vld [tilespmem:s15+$0x10310]  }
0x2c1: {  	v5 =	vld [tilespmem:s15+$0x9E20];
	[tilespmem:s0+$0x166E0] =	vst v0;
	v0 =	vadd.f32 v4, v1  }
0x2c2: {  	v1 =	vld [tilespmem:s15+$0x10220]  }
0x2c3: {  	v4 =	vld [tilespmem:s15+$0x9E30];
	[tilespmem:s0+$0x166F0] =	vst v0;
	v0 =	vadd.f32 v6, v3  }
0x2c4: {  	v3 =	vld [tilespmem:s15+$0x10230]  }
0x2c5: {  	v6 =	vld [tilespmem:s15+$0x9E40];
	v2 =	vadd.f32 v2, v7;
	[tilespmem:s0+$0x16700] =	vst v0;
	s0 =	smov.u32 s15  }
0x2c6: {  	v0 =	vld [tilespmem:s0+$0x10240]  }
0x2c7: {  	v1 =	vadd.f32 v1, v5;
	v5 =	vld [tilespmem:s0+$0x9E50];
	[tilespmem:s0+$0x16710] =	vst v2  }
0x2c8: {  	v2 =	vld [tilespmem:s0+$0x10250]  }
0x2c9: {  	[tilespmem:s0+$0x16620] =	vst v1;
	v1 =	vadd.f32 v3, v4;
	v3 =	vld [tilespmem:s0+$0x9E60]  }
0x2ca: {  	v4 =	vld [tilespmem:s0+$0x10260]  }
0x2cb: {  	[tilespmem:s0+$0x16630] =	vst v1;
	v0 =	vadd.f32 v0, v6;
	v1 =	vld [tilespmem:s0+$0x9E70]  }
0x2cc: {  	v6 =	vld [tilespmem:s0+$0x10270]  }
0x2cd: {  	[tilespmem:s0+$0x16640] =	vst v0;
	v0 =	vadd.f32 v2, v5;
	v2 =	vld [tilespmem:s0+$0x9E80]  }
0x2ce: {  	v5 =	vld [tilespmem:s0+$0x10280]  }
0x2cf: {  	[tilespmem:s0+$0x16650] =	vst v0;
	v0 =	vadd.f32 v4, v3;
	v3 =	vld [tilespmem:s0+$0x9E90]  }
0x2d0: {  	v4 =	vld [tilespmem:s0+$0x10290]  }
0x2d1: {  	[tilespmem:s0+$0x16660] =	vst v0;
	v0 =	vadd.f32 v6, v1;
	v1 =	vld [tilespmem:s0+$0x9EA0]  }
0x2d2: {  	v6 =	vld [tilespmem:s0+$0x102A0]  }
0x2d3: {  	[tilespmem:s0+$0x16670] =	vst v0;
	v0 =	vadd.f32 v5, v2;
	v2 =	vld [tilespmem:s0+$0x9EB0]  }
0x2d4: {  	v5 =	vld [tilespmem:s0+$0x102B0]  }
0x2d5: {  	[tilespmem:s0+$0x16680] =	vst v0;
	v0 =	vadd.f32 v4, v3;
	v3 =	vld [tilespmem:s0+$0x9EC0]  }
0x2d6: {  	v4 =	vld [tilespmem:s0+$0x102C0]  }
0x2d7: {  	[tilespmem:s0+$0x16690] =	vst v0;
	v0 =	vadd.f32 v6, v1;
	v6 =	vld [tilespmem:s0+$0x9ED0]  }
0x2d8: {  	v7 =	vld [tilespmem:s0+$0x102D0]  }
.Ltmp6:
0x2d9: {  	[tilespmem:s0+$0x166A0] =	vst v0;
	v1 =	vadd.f32 v5, v2;
	v0 =	vld [tilespmem:s0+$0x9EE0];
	(pc) =	sbr.rel @p0 .LBB2_11-.Ltmp6, $4  }
0x2da: {  	v2 =	vld [tilespmem:s0+$0x102E0]  }
0x2db: {  	[tilespmem:s0+$0x166B0] =	vst v1;
	v3 =	vadd.f32 v4, v3;
	v1 =	vld [tilespmem:s0+$0x9EF0]  }
0x2dc: {  	v4 =	vld [tilespmem:s0+$0x102F0]  }
0x2dd: {  	s14 =	sadd.s32 $0x400, s14;
	[tilespmem:s0+$0x166C0] =	vst v3;
	v5 =	vadd.f32 v7, v6;
	v3 =	vld [tilespmem:s0+$0x9F00]  }
0x2de: {  	v6 =	vld [tilespmem:s0+$0x10300];
	_ =	sdelay $0x2  }
0x2df: {  	v0 =	vadd.f32 v2, v0  }
.Ltmp7:
0x2e0: {  	s7 =	sadd.s32 s13, s12;
	[tilespmem:s0+$0x166D0] =	vst v5;
	v1 =	vadd.f32 v4, v1;
	(pc) =	sbr.rel @p1 .LBB2_14-.Ltmp7, $4  }
0x2e1: {  	s7 =	sshll.u32 s7, $0x3;
	[tilespmem:s0+$0x166E0] =	vst v0;
	v63 =	vadd.f32 v6, v3  }
0x2e2: {  	s7 =	sand.u32 $0x1FFFFF80, s7;
	[tilespmem:s0+$0x166F0] =	vst v1  }
0x2e3: {  	s31 =	sadd.s32 s2, s7;
	[tilespmem:s0+$0x16700] =	vst v63  }
0x2e4: {  	[hbm4b:s31+s3] =	stream.linear.scatter [tilespmem:s28], [sflag:$0xA], $0x1400, $0x38;
	[tilespmem:$0x17A20] =	vst v63  }
.Ltmp8:
0x2e5: {  	(pc) =	sbr.rel .LBB2_2-.Ltmp8, $4  }
0x2e6: {  	s0 =	sadd.s32 $0x2D0, s13  }
0x2e7: {  	[tilespmem:s1], [sflag:$0x5] =	stream.indirect.gather [hbm4b:s5+s16], $0x40, s0, s16, $0xb8;
	[tilespmem:$0x17A20] =	vst v63  }
0x2e8: {  	s31 =	sadd.s32 $0x29E0, s13;
	s8 =	sadd.s32 $0x1, s8  }
0x2e9: {  	[tilespmem:s17], [sflag:$0x5] =	stream.indirect.gather [hbm4b:s6+s16], $0x40, s31, s16, $0xb8;
	[tilespmem:$0x17A20] =	vst v63  }
.LBB2_15:
0x2ea: {  	_ =	sfence.sel $0x180000  }
0x2eb: {  	[bflag:$0x0] =	sbarrier.arrive $0xFFFF  }
0x2ec: {  	_ =	strace $0x90000047  }
0x2ed: {  	s0 =	stileid.u32;
	[bflag:$0x2] =	sbarrier.arrive $0xFFFF  }
0x2ee: {  	p0 =	sne.s32 s0, $0x0;
	s0 =	rddreg [dreg:$0x2]  }
0x2ef: {  	s0 =	sadd.s32 @!p0 $0x100000, s0  }
0x2f0: {  	[sflag:s0] =	ssyncadd.tile.s32 @!p0 $0x1;
	_ =	shalt  }
.Lfunc_end2:
_tile_overlayer_lowered:
.L_overlay_start_2:
0x2f1: {  	(tag) =	ssettag $0x2  }
0x2f2: {  	s0 =	rddreg [dreg:$0x0];
	s2 =	stileid.u32  }
0x2f3: {  	s1 =	rddreg [dreg:$0x1];
	p0 =	sne.s32 s2, $0x0  }
0x2f4: {  	s3 =	rddreg [dreg:$0x2];
	[bflag:$0x3] =	sbarrier.arrive $0xFFFF;
	s2 =	simm.s32 @!p0 $0x1C0B  }
0x2f5: {  	[timem:s3], [sflag:s2] =	dma.local @!p0 [hbm:s0], s1  }
0x2f6: {  	s0 =	simm.s32 @!p0 $0xB  }
0x2f7: {  	_ =	swait.ge @!p0 [sflag:s0], s1  }
0x2f8: {  	s1 =	ssub.s32 @!p0 $0x0, s1;
	[sflag:s0] =	ssyncset.done @!p0 $0x0  }
0x2f9: {  	[sflag:s0] =	ssyncadd.s32 @!p0 s1  }
0x2fa: {  	[bflag:$0x3] =	sbarrier.arrive $0xFFFF  }
0x2fb: {  	_ =	shalt  }

</sc_bundles>
